<compile_context>
chip_gen: v7x
topology: tpu7x:2x2x1
jax: 0.10.2.dev20260603
libtpu: 0.0.44.dev20260713+nightly
codegen_flags: <defaults>
</compile_context>

<pallas_src>
import jax
import jax.numpy as jnp
from jax import lax
from jax.experimental import pallas as pl
from jax.experimental.pallas import tpu as pltpu
from jax.experimental.pallas import tpu_sc as plsc

_H = 3
_C = 128
_F = _H * _C
_Q = 96
_NB = _Q // 16
_N = 10000
_NP = 10016
_E = 320000
_ET = _E + _N
_EP = 331776
_EW = _EP // 16
_BE = 128
_STEPS = _EW // _BE
_ROW = 112
_RPT = _NP // 16

_HEADS_Q = (
    (0, 0, 0, 0, 0, 0),
    (0, 0, 1, 1, 1, 1),
    (1, 1, 1, 1, 2, 2),
    (2, 2, 2, 2, 2, 2),
)

_f32 = jnp.float32
_i32 = jnp.int32



def _node_tail(h, pa_ref, pd_ref, ms_ref, hq_ref, s_ref):
    for q in range(4):
        hq_ref[q] = h[:, _Q * q:_Q * (q + 1)]
    asrc = jnp.dot(h, pa_ref[...], preferred_element_type=_f32)
    adst = jnp.dot(h, pd_ref[...], preferred_element_type=_f32)
    t = asrc + adst + ms_ref[...]
    m = jnp.maximum(t, 0.2 * t)
    z = jnp.zeros((h.shape[0], 7), _f32)
    s_ref[...] = jnp.concatenate([asrc, adst, m, z], axis=1)


def _tc1_body(x_ref, w_ref, pa_ref, pd_ref, ms_ref, hq_ref, s_ref):
    xb = jnp.nan_to_num(x_ref[...], nan=0.0)
    h = jnp.dot(xb, w_ref[...], preferred_element_type=_f32)
    _node_tail(h, pa_ref, pd_ref, ms_ref, hq_ref, s_ref)


def _tc_layer1(xp, W1, PA1, PD1, MS1):
    bn = 2504
    grid = _NP // bn
    return pl.pallas_call(
        _tc1_body,
        grid=(grid,),
        in_specs=[
            pl.BlockSpec((bn, 128), lambda i: (i, 0)),
            pl.BlockSpec((128, _F), lambda i: (0, 0)),
            pl.BlockSpec((_F, _H), lambda i: (0, 0)),
            pl.BlockSpec((_F, _H), lambda i: (0, 0)),
            pl.BlockSpec((1, _H), lambda i: (0, 0)),
        ],
        out_specs=[
            pl.BlockSpec((4, bn, _Q), lambda i: (0, i, 0)),
            pl.BlockSpec((bn, 16), lambda i: (i, 0)),
        ],
        out_shape=[
            jax.ShapeDtypeStruct((4, _NP, _Q), _f32),
            jax.ShapeDtypeStruct((_NP, 16), _f32),
        ],
    )(xp, W1, PA1, PD1, MS1)


def _normalized(a_ref, b_ref):
    bn = a_ref.shape[1]
    den = a_ref[0, :, _Q:_Q + _H] + 1e-16
    hf = jnp.concatenate([a_ref[q, :, :_Q] for q in range(4)], axis=1)
    dexp = jnp.concatenate(
        [jnp.broadcast_to(den[:, h:h + 1], (bn, _C)) for h in range(_H)], axis=1)
    return hf / dexp + b_ref[...]


def _tc2_body(a_ref, b_ref, w_ref, pa_ref, pd_ref, ms_ref, hq_ref, s_ref):
    out1 = _normalized(a_ref, b_ref)
    x2 = jnp.where(out1 > 0, out1, jnp.exp(jnp.minimum(out1, 0.0)) - 1.0)
    h = jnp.dot(x2, w_ref[...], preferred_element_type=_f32)
    _node_tail(h, pa_ref, pd_ref, ms_ref, hq_ref, s_ref)


def _tc_layer2(acc, b1, W2, PA2, PD2, MS2):
    bn = 2504
    grid = _NP // bn
    return pl.pallas_call(
        _tc2_body,
        grid=(grid,),
        in_specs=[
            pl.BlockSpec((4, bn, _ROW), lambda i: (0, i, 0)),
            pl.BlockSpec((1, _F), lambda i: (0, 0)),
            pl.BlockSpec((_F, _F), lambda i: (0, 0)),
            pl.BlockSpec((_F, _H), lambda i: (0, 0)),
            pl.BlockSpec((_F, _H), lambda i: (0, 0)),
            pl.BlockSpec((1, _H), lambda i: (0, 0)),
        ],
        out_specs=[
            pl.BlockSpec((4, bn, _Q), lambda i: (0, i, 0)),
            pl.BlockSpec((bn, 16), lambda i: (i, 0)),
        ],
        out_shape=[
            jax.ShapeDtypeStruct((4, _NP, _Q), _f32),
            jax.ShapeDtypeStruct((_NP, 16), _f32),
        ],
    )(acc, b1, W2, PA2, PD2, MS2)


def _tc3_body(a_ref, b_ref, o_ref):
    o_ref[...] = _normalized(a_ref, b_ref)


def _tc_final(acc, b2):
    bn = 2504
    grid = _NP // bn
    return pl.pallas_call(
        _tc3_body,
        grid=(grid,),
        in_specs=[
            pl.BlockSpec((4, bn, _ROW), lambda i: (0, i, 0)),
            pl.BlockSpec((1, _F), lambda i: (0, 0)),
        ],
        out_specs=pl.BlockSpec((bn, _F), lambda i: (i, 0)),
        out_shape=jax.ShapeDtypeStruct((_NP, _F), _f32),
    )(acc, b2)


def _tce_body(ea_ref, m_ref, a1_ref, a2_ref):
    p = jnp.dot(ea_ref[...], m_ref[...], preferred_element_type=_f32)
    a1_ref[...] = p[:, :_H]
    a2_ref[...] = p[:, _H:]


def _tc_edge_alpha(ea_full, Mcat):
    be = 5184
    grid = _EP // be
    return pl.pallas_call(
        _tce_body,
        grid=(grid,),
        in_specs=[
            pl.BlockSpec((be, 4), lambda i: (i, 0)),
            pl.BlockSpec((4, 2 * _H), lambda i: (0, 0)),
        ],
        out_specs=[
            pl.BlockSpec((be, _H), lambda i: (i, 0)),
            pl.BlockSpec((be, _H), lambda i: (i, 0)),
        ],
        out_shape=[
            jax.ShapeDtypeStruct((_EP, _H), _f32),
            jax.ShapeDtypeStruct((_EP, _H), _f32),
        ],
    )(ea_full, Mcat)



def _sc_body(htab, stab, src, dst, ae, out,
             srcv, dstv, srcadj, ssrc, sdst, aev, ghbuf, stage, p0, p1, p2,
             acc, gsem, ssem):
    c = lax.axis_index("c")
    s = lax.axis_index("s")
    lanes = lax.iota(_i32, 16)
    zero16 = jnp.zeros((16,), _f32)
    base_rows = s * _RPT

    for qpass in range(2):
        def _zrow(r, _):
            for k in range(_ROW // 16):
                stage[r, pl.ds(16 * k, 16)] = zero16
            return 0
        lax.fori_loop(0, _BE, _zrow, 0)
        for off in range(0, _RPT, _BE):
            nrow = min(_BE, _RPT - off)
            pltpu.sync_copy(stage.at[pl.ds(0, nrow)],
                            acc.at[pl.ds(base_rows + off, nrow)])
        plsc.subcore_barrier()

        qoff = (2 * c + qpass) * _NP

        def _chunk(i, _):
            base = s * _EW + i * _BE
            pltpu.sync_copy(src.at[pl.ds(base, _BE)], srcv)
            pltpu.sync_copy(dst.at[pl.ds(base, _BE)], dstv)

            def _adj(j, _):
                srcadj[pl.ds(j * 16, 16)] = srcv[pl.ds(j * 16, 16)] + qoff
                return 0
            lax.fori_loop(0, _BE // 16, _adj, 0)

            gcp = pltpu.async_copy(htab.at[srcadj], ghbuf, gsem)

            cp1 = pltpu.async_copy(stab.at[srcv], ssrc, ssem)
            cp2 = pltpu.async_copy(stab.at[dstv], sdst, ssem)
            pltpu.sync_copy(ae.at[pl.ds(base, _BE)], aev)
            cp1.wait()
            cp2.wait()

            @plsc.parallel_loop(0, _BE // 16, 1, unroll=2)
            def _pgrp(j):
                rows = lanes + j * 16
                for h in range(_H):
                    col = jnp.full((16,), h, _i32)
                    asr = plsc.load_gather(ssrc, [rows, col])
                    adt = plsc.load_gather(sdst, [rows, col + 3])
                    mv = plsc.load_gather(sdst, [rows, col + 6])
                    aeh = plsc.load_gather(aev, [rows, col])
                    a = asr + adt + aeh
                    a = jnp.maximum(a, 0.2 * a)
                    ph = jnp.exp(a - mv)
                    if h == 0:
                        p0[pl.ds(j * 16, 16)] = ph
                    elif h == 1:
                        p1[pl.ds(j * 16, 16)] = ph
                    else:
                        p2[pl.ds(j * 16, 16)] = ph

            gcp.wait()

            ha = _HEADS_Q[qpass]
            hb = _HEADS_Q[2 + qpass]

            @plsc.parallel_loop(0, _BE, 1, unroll=4)
            def _edge(e):
                sp = jnp.full((16,), e, _i32)
                p0v = plsc.load_gather(p0, [sp])
                p1v = plsc.load_gather(p1, [sp])
                p2v = plsc.load_gather(p2, [sp])
                pv = (p0v, p1v, p2v)
                dvec = jnp.where(lanes == 0, p0v,
                                 jnp.where(lanes == 1, p1v,
                                           jnp.where(lanes == 2, p2v, 0.0)))
                stage[e, pl.ds(_Q, 16)] = dvec
                for k in range(_NB):
                    mk = jnp.where(c == 0, pv[ha[k]], pv[hb[k]])
                    stage[e, pl.ds(16 * k, 16)] = ghbuf[e, pl.ds(16 * k, 16)] * mk

            pltpu.sync_copy(stage, acc.at[dstv], add=True)
            return 0

        lax.fori_loop(0, _STEPS, _chunk, 0)

        plsc.subcore_barrier()
        pltpu.sync_copy(acc.at[pl.ds(base_rows, _RPT)],
                        out.at[2 * c + qpass, pl.ds(base_rows, _RPT)])
        plsc.subcore_barrier()


def _sc_edge(htab, stab, src, dst, ae):
    mesh = plsc.VectorSubcoreMesh(core_axis_name="c", subcore_axis_name="s")
    fn = pl.kernel(
        _sc_body, mesh=mesh,
        compiler_params=pltpu.CompilerParams(
            use_tc_tiling_on_sc=False, needs_layout_passes=False),
        out_type=jax.ShapeDtypeStruct((4, _NP, _ROW), _f32),
        scratch_types=[
            pltpu.VMEM((_BE,), _i32),
            pltpu.VMEM((_BE,), _i32),
            pltpu.VMEM((_BE,), _i32),
            pltpu.VMEM((_BE, 16), _f32),
            pltpu.VMEM((_BE, 16), _f32),
            pltpu.VMEM((_BE, _H), _f32),
            pltpu.VMEM((_BE, _Q), _f32),
            pltpu.VMEM((_BE, _ROW), _f32),
            pltpu.VMEM((_BE,), _f32),
            pltpu.VMEM((_BE,), _f32),
            pltpu.VMEM((_BE,), _f32),
            pltpu.VMEM_SHARED((_NP, _ROW), _f32),
            pltpu.SemaphoreType.DMA,
            pltpu.SemaphoreType.DMA,
        ],
    )
    return fn(htab, stab, src, dst, ae)



def _proj_mats(a_src, a_dst, hid):
    eye = jnp.eye(_H, dtype=_f32)
    PA = (a_src[:, :, None] * eye[:, None, :]).reshape(_H * hid, _H)
    PD = (a_dst[:, :, None] * eye[:, None, :]).reshape(_H * hid, _H)
    return PA, PD


def kernel(x, edge_index, edge_attr, W1, a_src1, a_dst1, We1, ae1, b1,
           W2, a_src2, a_dst2, We2, ae2, b2):
    npad = _EP - _ET
    src = jnp.concatenate([
        edge_index[0].astype(_i32),
        jnp.arange(_N, dtype=_i32),
        jnp.full((npad,), _N, _i32),
    ])
    dst = jnp.concatenate([
        edge_index[1].astype(_i32),
        jnp.arange(_N, dtype=_i32),
        jnp.full((npad,), _N, _i32),
    ])
    ea_full = jnp.concatenate([
        edge_attr,
        jnp.ones((_N, 4), _f32),
        jnp.zeros((npad, 4), _f32),
    ])
    xp = jnp.pad(x, ((0, _NP - _N), (0, 0)))

    M1 = (We1.reshape(4, _H, _C) * ae1[None]).sum(-1)
    M2 = (We2.reshape(4, _H, _C) * ae2[None]).sum(-1)
    MS1 = M1.sum(0)[None, :]
    MS2 = M2.sum(0)[None, :]
    Mcat = jnp.concatenate([M1, M2], axis=1)
    PA1, PD1 = _proj_mats(a_src1, a_dst1, _C)
    PA2, PD2 = _proj_mats(a_src2, a_dst2, _C)

    ae1e, ae2e = _tc_edge_alpha(ea_full, Mcat)

    h1q, S1 = _tc_layer1(xp, W1, PA1, PD1, MS1)
    acc1 = _sc_edge(h1q.reshape(4 * _NP, _Q), S1, src, dst, ae1e)
    h2q, S2 = _tc_layer2(acc1, b1[None, :], W2, PA2, PD2, MS2)
    acc2 = _sc_edge(h2q.reshape(4 * _NP, _Q), S2, src, dst, ae2e)
    outp = _tc_final(acc2, b2[None, :])
    return outp[:_N]

# --- scband reference (transcript-rebuilt; emitter-appended) ---
"""Pipeline reference for scband-gatencoder-9603546874324 (READ-ONLY COPY).

The authoritative reference and input builder live on the scoring server;
editing this copy changes nothing except your own understanding.
"""

import jax, jax.numpy as jnp
import numpy as np

HEADS = 3
HID = 128
OUT = 128
N = 10000
E = 320000
D_IN = 128
D_EDGE = 4


def setup_inputs(seed: int = 0) -> dict:
    key = jax.random.key(seed)
    ks = jax.random.split(key, 16)
    x = jax.random.normal(ks[0], (N, D_IN), dtype=jnp.float32)
    edge_index = jax.random.randint(ks[1], (2, E), 0, N, dtype=jnp.int64)
    edge_attr = jax.random.normal(ks[2], (E, D_EDGE), dtype=jnp.float32)
    s = 0.05
    # layer 1 params (in=128 -> heads*hid=384)
    W1 = jax.random.normal(ks[3], (D_IN, HEADS * HID), dtype=jnp.float32) * s
    a_src1 = jax.random.normal(ks[4], (HEADS, HID), dtype=jnp.float32) * s
    a_dst1 = jax.random.normal(ks[5], (HEADS, HID), dtype=jnp.float32) * s
    We1 = jax.random.normal(ks[6], (D_EDGE, HEADS * HID), dtype=jnp.float32) * s
    ae1 = jax.random.normal(ks[7], (HEADS, HID), dtype=jnp.float32) * s
    b1 = jnp.zeros((HEADS * HID,), dtype=jnp.float32)
    # layer 2 params (in=384 -> heads*out=384)
    W2 = jax.random.normal(ks[8], (HEADS * HID, HEADS * OUT), dtype=jnp.float32) * s
    a_src2 = jax.random.normal(ks[9], (HEADS, OUT), dtype=jnp.float32) * s
    a_dst2 = jax.random.normal(ks[10], (HEADS, OUT), dtype=jnp.float32) * s
    We2 = jax.random.normal(ks[11], (D_EDGE, HEADS * OUT), dtype=jnp.float32) * s
    ae2 = jax.random.normal(ks[12], (HEADS, OUT), dtype=jnp.float32) * s
    b2 = jnp.zeros((HEADS * OUT,), dtype=jnp.float32)
    return {"x": x, "edge_index": edge_index, "edge_attr": edge_attr,
            "W1": W1, "a_src1": a_src1, "a_dst1": a_dst1, "We1": We1, "ae1": ae1, "b1": b1,
            "W2": W2, "a_src2": a_src2, "a_dst2": a_dst2, "We2": We2, "ae2": ae2, "b2": b2}


def gat_layer(x, src, dst, edge_attr, W, a_src, a_dst, We, ae, b, heads, out_ch, n_nodes):
    h = (x @ W).reshape(n_nodes, heads, out_ch)
    alpha_src = (h * a_src[None]).sum(-1)   # [N, H]
    alpha_dst = (h * a_dst[None]).sum(-1)   # [N, H]
    ef = (edge_attr @ We).reshape(-1, heads, out_ch)
    alpha_e = (ef * ae[None]).sum(-1)       # [Etot, H]
    alpha = alpha_src[src] + alpha_dst[dst] + alpha_e
    alpha = jax.nn.leaky_relu(alpha, negative_slope=0.2)
    amax = jax.ops.segment_max(alpha, dst, num_segments=n_nodes)
    amax = jax.lax.stop_gradient(jnp.where(jnp.isfinite(amax), amax, 0.0))
    ealpha = jnp.exp(alpha - amax[dst])
    denom = jax.ops.segment_sum(ealpha, dst, num_segments=n_nodes)
    attn = ealpha / (denom[dst] + 1e-16)
    msg = h[src] * attn[..., None]
    out = jax.ops.segment_sum(msg, dst, num_segments=n_nodes)
    return out.reshape(n_nodes, heads * out_ch) + b


def reference(x, edge_index, edge_attr, W1, a_src1, a_dst1, We1, ae1, b1,
              W2, a_src2, a_dst2, We2, ae2, b2):
    n = x.shape[0]
    # add self-loops with fill_value=1 edge attributes (PyG fill_value=1)
    loop = jnp.arange(n, dtype=edge_index.dtype)
    src = jnp.concatenate([edge_index[0], loop])
    dst = jnp.concatenate([edge_index[1], loop])
    ea = jnp.concatenate([edge_attr, jnp.ones((n, edge_attr.shape[1]), dtype=edge_attr.dtype)], axis=0)
    xin = jnp.nan_to_num(x, nan=0.0)
    h1 = gat_layer(xin, src, dst, ea, W1, a_src1, a_dst1, We1, ae1, b1, HEADS, HID, n)
    h1 = jax.nn.elu(h1)
    out = gat_layer(h1, src, dst, ea, W2, a_src2, a_dst2, We2, ae2, b2, HEADS, OUT, n)
    return out

if __name__ == "__main__":
    import jax
    _d = setup_inputs()
    print(jax.jit(kernel)(*tuple(_d.values())))

</pallas_src>

<mosaic_0001>
#map = affine_map<(d0, d1) -> (0, 0)>
#map1 = affine_map<(d0, d1) -> (0)>
#map2 = affine_map<(d0, d1) -> (0, 0, 0)>
module attributes {stable_mosaic.version = 14 : i64} {
  func.func @_sc_body(%arg0: i32, %arg1: i32, %arg2: memref<40064x96xf32, #tpu.memory_space<hbm>>, %arg3: memref<10016x16xf32, #tpu.memory_space<hbm>>, %arg4: memref<331776xi32, #tpu.memory_space<hbm>>, %arg5: memref<331776xi32, #tpu.memory_space<hbm>>, %arg6: memref<331776x3xf32, #tpu.memory_space<hbm>>, %arg7: memref<4x10016x112xf32, #tpu.memory_space<hbm>>, %arg8: memref<128xi32, #tpu.memory_space<vmem>>, %arg9: memref<128xi32, #tpu.memory_space<vmem>>, %arg10: memref<128xi32, #tpu.memory_space<vmem>>, %arg11: memref<128x16xf32, #tpu.memory_space<vmem>>, %arg12: memref<128x16xf32, #tpu.memory_space<vmem>>, %arg13: memref<128x3xf32, #tpu.memory_space<vmem>>, %arg14: memref<128x96xf32, #tpu.memory_space<vmem>>, %arg15: memref<128x112xf32, #tpu.memory_space<vmem>>, %arg16: memref<128xf32, #tpu.memory_space<vmem>>, %arg17: memref<128xf32, #tpu.memory_space<vmem>>, %arg18: memref<128xf32, #tpu.memory_space<vmem>>, %arg19: memref<10016x112xf32, #tpu.memory_space<vmem_shared>>, %arg20: memref<!tpu.dma_semaphore, #tpu.memory_space<semaphore_mem>>, %arg21: memref<!tpu.dma_semaphore, #tpu.memory_space<semaphore_mem>>) attributes {dimension_semantics = [#tpu.dimension_semantics<core_parallel>, #tpu.dimension_semantics<subcore_parallel>], iteration_bounds = array<i64: 2, 16>, scalar_prefetch = 0 : i64, scratch_operands = 14 : i64, tpu.core_type = #tpu.core_type<sc_vector_subcore>, window_params = [{transform_indices = #map}, {transform_indices = #map}, {transform_indices = #map1}, {transform_indices = #map1}, {transform_indices = #map}, {transform_indices = #map2}]} {
    %iota3A = tpu.iota {dimensions = array<i32: 0>} : vector<16xi32>
    %broadcast_in_dim3A = arith.constant 0.000000e+00 : f32
    %broadcast_in_dim3A_0 = vector.broadcast %broadcast_in_dim3A : f32 to vector<16xf32>
    %mul3A = arith.constant 626 : i32
    %mul3A_1 = arith.muli %arg1, %mul3A : i32
    %scan3A = arith.constant 0 : i32
    %scan3A_2 = arith.constant 0 : i32
    %scan3A_3 = arith.constant 128 : i32
    %scan3A_4 = arith.addi %scan3A_2, %scan3A_3 : i32
    %scan3A_5 = arith.constant 1 : i32
    %scan3A_6 = scf.for %scan3A_73 = %scan3A_2 to %scan3A_4 step %scan3A_5 iter_args(%scan3A_74 = %scan3A) -> (i32)  : i32 {
      %swap3A = arith.index_cast %scan3A_73 : i32 to index
      %swap3A_75 = arith.constant 0 : index
      %swap3A_76 = tpu.vector_load %arg15[%swap3A, %swap3A_75] {strides = array<i32>} : memref<128x112xf32, #tpu.memory_space<vmem>>, vector<16xf32>,
      tpu.vector_store %arg15[%swap3A, %swap3A_75], %broadcast_in_dim3A_0 {strides = array<i32>} : memref<128x112xf32, #tpu.memory_space<vmem>>, vector<16xf32>,
      %swap3A_77 = arith.index_cast %scan3A_73 : i32 to index
      %swap3A_78 = arith.constant 16 : index
      %swap3A_79 = tpu.vector_load %arg15[%swap3A_77, %swap3A_78] {strides = array<i32>} : memref<128x112xf32, #tpu.memory_space<vmem>>, vector<16xf32>,
      tpu.vector_store %arg15[%swap3A_77, %swap3A_78], %broadcast_in_dim3A_0 {strides = array<i32>} : memref<128x112xf32, #tpu.memory_space<vmem>>, vector<16xf32>,
      %swap3A_80 = arith.index_cast %scan3A_73 : i32 to index
      %swap3A_81 = arith.constant 32 : index
      %swap3A_82 = tpu.vector_load %arg15[%swap3A_80, %swap3A_81] {strides = array<i32>} : memref<128x112xf32, #tpu.memory_space<vmem>>, vector<16xf32>,
      tpu.vector_store %arg15[%swap3A_80, %swap3A_81], %broadcast_in_dim3A_0 {strides = array<i32>} : memref<128x112xf32, #tpu.memory_space<vmem>>, vector<16xf32>,
      %swap3A_83 = arith.index_cast %scan3A_73 : i32 to index
      %swap3A_84 = arith.constant 48 : index
      %swap3A_85 = tpu.vector_load %arg15[%swap3A_83, %swap3A_84] {strides = array<i32>} : memref<128x112xf32, #tpu.memory_space<vmem>>, vector<16xf32>,
      tpu.vector_store %arg15[%swap3A_83, %swap3A_84], %broadcast_in_dim3A_0 {strides = array<i32>} : memref<128x112xf32, #tpu.memory_space<vmem>>, vector<16xf32>,
      %swap3A_86 = arith.index_cast %scan3A_73 : i32 to index
      %swap3A_87 = arith.constant 64 : index
      %swap3A_88 = tpu.vector_load %arg15[%swap3A_86, %swap3A_87] {strides = array<i32>} : memref<128x112xf32, #tpu.memory_space<vmem>>, vector<16xf32>,
      tpu.vector_store %arg15[%swap3A_86, %swap3A_87], %broadcast_in_dim3A_0 {strides = array<i32>} : memref<128x112xf32, #tpu.memory_space<vmem>>, vector<16xf32>,
      %swap3A_89 = arith.index_cast %scan3A_73 : i32 to index
      %swap3A_90 = arith.constant 80 : index
      %swap3A_91 = tpu.vector_load %arg15[%swap3A_89, %swap3A_90] {strides = array<i32>} : memref<128x112xf32, #tpu.memory_space<vmem>>, vector<16xf32>,
      tpu.vector_store %arg15[%swap3A_89, %swap3A_90], %broadcast_in_dim3A_0 {strides = array<i32>} : memref<128x112xf32, #tpu.memory_space<vmem>>, vector<16xf32>,
      %swap3A_92 = arith.index_cast %scan3A_73 : i32 to index
      %swap3A_93 = arith.constant 96 : index
      %swap3A_94 = tpu.vector_load %arg15[%swap3A_92, %swap3A_93] {strides = array<i32>} : memref<128x112xf32, #tpu.memory_space<vmem>>, vector<16xf32>,
      tpu.vector_store %arg15[%swap3A_92, %swap3A_93], %broadcast_in_dim3A_0 {strides = array<i32>} : memref<128x112xf32, #tpu.memory_space<vmem>>, vector<16xf32>,
      %scan3A_95 = arith.constant 0 : i32
      scf.yield %scan3A_95 : i32
    }
    %scan3A_7 = arith.constant 128 : i32
    %add3A = arith.constant 0 : i32
    %add3A_8 = arith.addi %mul3A_1, %add3A : i32
    "tpu.region"() ({
      %run_scoped3A = tpu.sem_alloc : memref<!tpu.dma_semaphore, #tpu.memory_space<semaphore_mem>>
      %dma_start3A = arith.constant 0 : i32
      %dma_start3A_73 = arith.constant 0 : i32
      %dma_start3A_74 = tpu.memref_slice %arg15[%dma_start3A, %dma_start3A_73] : memref<128x112xf32, #tpu.memory_space<vmem>> -> memref<128x112xf32, #tpu.memory_space<vmem>>
      %dma_start3A_75 = arith.constant 0 : i32
      %dma_start3A_76 = tpu.memref_slice %arg19[%add3A_8, %dma_start3A_75] : memref<10016x112xf32, #tpu.memory_space<vmem_shared>> -> memref<128x112xf32, #tpu.memory_space<vmem_shared>>
      %dma_start3A_77 = arith.constant 0 : i32
      %dma_start3A_78 = tpu.memref_slice %arg19[%add3A_8, %dma_start3A_77] : memref<10016x112xf32, #tpu.memory_space<vmem_shared>> -> memref<128x112xf32, #tpu.memory_space<vmem_shared>>
      %dma_start3A_79 = arith.constant 0 : i32
      %dma_start3A_80 = arith.constant 0 : i32
      %dma_start3A_81 = tpu.memref_slice %arg15[%dma_start3A_79, %dma_start3A_80] : memref<128x112xf32, #tpu.memory_space<vmem>> -> memref<128x112xf32, #tpu.memory_space<vmem>>
      tpu.enqueue_dma source(%dma_start3A_81 : memref<128x112xf32, #tpu.memory_space<vmem>>) target(%dma_start3A_78 : memref<128x112xf32, #tpu.memory_space<vmem_shared>>) target_semaphore(%run_scoped3A : memref<!tpu.dma_semaphore, #tpu.memory_space<semaphore_mem>>)
      %dma_wait3A = arith.constant 0 : i32
      %dma_wait3A_82 = arith.constant 0 : i32
      %dma_wait3A_83 = tpu.memref_slice %arg15[%dma_wait3A, %dma_wait3A_82] : memref<128x112xf32, #tpu.memory_space<vmem>> -> memref<128x112xf32, #tpu.memory_space<vmem>>
      %dma_wait3A_84 = arith.constant 0 : i32
      %dma_wait3A_85 = tpu.memref_slice %arg19[%add3A_8, %dma_wait3A_84] : memref<10016x112xf32, #tpu.memory_space<vmem_shared>> -> memref<128x112xf32, #tpu.memory_space<vmem_shared>>
      %dma_wait3A_86 = arith.constant 0 : i32
      %dma_wait3A_87 = tpu.memref_slice %arg19[%add3A_8, %dma_wait3A_86] : memref<10016x112xf32, #tpu.memory_space<vmem_shared>> -> memref<128x112xf32, #tpu.memory_space<vmem_shared>>
      %dma_wait3A_88 = arith.constant 0 : i32
      %dma_wait3A_89 = arith.constant 0 : i32
      %dma_wait3A_90 = tpu.memref_slice %arg15[%dma_wait3A_88, %dma_wait3A_89] : memref<128x112xf32, #tpu.memory_space<vmem>> -> memref<128x112xf32, #tpu.memory_space<vmem>>
      tpu.wait_dma2 semaphore(%run_scoped3A : memref<!tpu.dma_semaphore, #tpu.memory_space<semaphore_mem>>) src(%dma_wait3A_90 : memref<128x112xf32, #tpu.memory_space<vmem>>) dst(%dma_wait3A_87 : memref<128x112xf32, #tpu.memory_space<vmem_shared>>)
      tpu.yield
    }) : () -> ()
    %add3A_9 = arith.constant 128 : i32
    %add3A_10 = arith.addi %mul3A_1, %add3A_9 : i32
    "tpu.region"() ({
      %run_scoped3A = tpu.sem_alloc : memref<!tpu.dma_semaphore, #tpu.memory_space<semaphore_mem>>
      %dma_start3A = arith.constant 0 : i32
      %dma_start3A_73 = arith.constant 0 : i32
      %dma_start3A_74 = tpu.memref_slice %arg15[%dma_start3A, %dma_start3A_73] : memref<128x112xf32, #tpu.memory_space<vmem>> -> memref<128x112xf32, #tpu.memory_space<vmem>>
      %dma_start3A_75 = arith.constant 0 : i32
      %dma_start3A_76 = tpu.memref_slice %arg19[%add3A_10, %dma_start3A_75] : memref<10016x112xf32, #tpu.memory_space<vmem_shared>> -> memref<128x112xf32, #tpu.memory_space<vmem_shared>>
      %dma_start3A_77 = arith.constant 0 : i32
      %dma_start3A_78 = tpu.memref_slice %arg19[%add3A_10, %dma_start3A_77] : memref<10016x112xf32, #tpu.memory_space<vmem_shared>> -> memref<128x112xf32, #tpu.memory_space<vmem_shared>>
      %dma_start3A_79 = arith.constant 0 : i32
      %dma_start3A_80 = arith.constant 0 : i32
      %dma_start3A_81 = tpu.memref_slice %arg15[%dma_start3A_79, %dma_start3A_80] : memref<128x112xf32, #tpu.memory_space<vmem>> -> memref<128x112xf32, #tpu.memory_space<vmem>>
      tpu.enqueue_dma source(%dma_start3A_81 : memref<128x112xf32, #tpu.memory_space<vmem>>) target(%dma_start3A_78 : memref<128x112xf32, #tpu.memory_space<vmem_shared>>) target_semaphore(%run_scoped3A : memref<!tpu.dma_semaphore, #tpu.memory_space<semaphore_mem>>)
      %dma_wait3A = arith.constant 0 : i32
      %dma_wait3A_82 = arith.constant 0 : i32
      %dma_wait3A_83 = tpu.memref_slice %arg15[%dma_wait3A, %dma_wait3A_82] : memref<128x112xf32, #tpu.memory_space<vmem>> -> memref<128x112xf32, #tpu.memory_space<vmem>>
      %dma_wait3A_84 = arith.constant 0 : i32
      %dma_wait3A_85 = tpu.memref_slice %arg19[%add3A_10, %dma_wait3A_84] : memref<10016x112xf32, #tpu.memory_space<vmem_shared>> -> memref<128x112xf32, #tpu.memory_space<vmem_shared>>
      %dma_wait3A_86 = arith.constant 0 : i32
      %dma_wait3A_87 = tpu.memref_slice %arg19[%add3A_10, %dma_wait3A_86] : memref<10016x112xf32, #tpu.memory_space<vmem_shared>> -> memref<128x112xf32, #tpu.memory_space<vmem_shared>>
      %dma_wait3A_88 = arith.constant 0 : i32
      %dma_wait3A_89 = arith.constant 0 : i32
      %dma_wait3A_90 = tpu.memref_slice %arg15[%dma_wait3A_88, %dma_wait3A_89] : memref<128x112xf32, #tpu.memory_space<vmem>> -> memref<128x112xf32, #tpu.memory_space<vmem>>
      tpu.wait_dma2 semaphore(%run_scoped3A : memref<!tpu.dma_semaphore, #tpu.memory_space<semaphore_mem>>) src(%dma_wait3A_90 : memref<128x112xf32, #tpu.memory_space<vmem>>) dst(%dma_wait3A_87 : memref<128x112xf32, #tpu.memory_space<vmem_shared>>)
      tpu.yield
    }) : () -> ()
    %add3A_11 = arith.constant 256 : i32
    %add3A_12 = arith.addi %mul3A_1, %add3A_11 : i32
    "tpu.region"() ({
      %run_scoped3A = tpu.sem_alloc : memref<!tpu.dma_semaphore, #tpu.memory_space<semaphore_mem>>
      %dma_start3A = arith.constant 0 : i32
      %dma_start3A_73 = arith.constant 0 : i32
      %dma_start3A_74 = tpu.memref_slice %arg15[%dma_start3A, %dma_start3A_73] : memref<128x112xf32, #tpu.memory_space<vmem>> -> memref<128x112xf32, #tpu.memory_space<vmem>>
      %dma_start3A_75 = arith.constant 0 : i32
      %dma_start3A_76 = tpu.memref_slice %arg19[%add3A_12, %dma_start3A_75] : memref<10016x112xf32, #tpu.memory_space<vmem_shared>> -> memref<128x112xf32, #tpu.memory_space<vmem_shared>>
      %dma_start3A_77 = arith.constant 0 : i32
      %dma_start3A_78 = tpu.memref_slice %arg19[%add3A_12, %dma_start3A_77] : memref<10016x112xf32, #tpu.memory_space<vmem_shared>> -> memref<128x112xf32, #tpu.memory_space<vmem_shared>>
      %dma_start3A_79 = arith.constant 0 : i32
      %dma_start3A_80 = arith.constant 0 : i32
      %dma_start3A_81 = tpu.memref_slice %arg15[%dma_start3A_79, %dma_start3A_80] : memref<128x112xf32, #tpu.memory_space<vmem>> -> memref<128x112xf32, #tpu.memory_space<vmem>>
      tpu.enqueue_dma source(%dma_start3A_81 : memref<128x112xf32, #tpu.memory_space<vmem>>) target(%dma_start3A_78 : memref<128x112xf32, #tpu.memory_space<vmem_shared>>) target_semaphore(%run_scoped3A : memref<!tpu.dma_semaphore, #tpu.memory_space<semaphore_mem>>)
      %dma_wait3A = arith.constant 0 : i32
      %dma_wait3A_82 = arith.constant 0 : i32
      %dma_wait3A_83 = tpu.memref_slice %arg15[%dma_wait3A, %dma_wait3A_82] : memref<128x112xf32, #tpu.memory_space<vmem>> -> memref<128x112xf32, #tpu.memory_space<vmem>>
      %dma_wait3A_84 = arith.constant 0 : i32
      %dma_wait3A_85 = tpu.memref_slice %arg19[%add3A_12, %dma_wait3A_84] : memref<10016x112xf32, #tpu.memory_space<vmem_shared>> -> memref<128x112xf32, #tpu.memory_space<vmem_shared>>
      %dma_wait3A_86 = arith.constant 0 : i32
      %dma_wait3A_87 = tpu.memref_slice %arg19[%add3A_12, %dma_wait3A_86] : memref<10016x112xf32, #tpu.memory_space<vmem_shared>> -> memref<128x112xf32, #tpu.memory_space<vmem_shared>>
      %dma_wait3A_88 = arith.constant 0 : i32
      %dma_wait3A_89 = arith.constant 0 : i32
      %dma_wait3A_90 = tpu.memref_slice %arg15[%dma_wait3A_88, %dma_wait3A_89] : memref<128x112xf32, #tpu.memory_space<vmem>> -> memref<128x112xf32, #tpu.memory_space<vmem>>
      tpu.wait_dma2 semaphore(%run_scoped3A : memref<!tpu.dma_semaphore, #tpu.memory_space<semaphore_mem>>) src(%dma_wait3A_90 : memref<128x112xf32, #tpu.memory_space<vmem>>) dst(%dma_wait3A_87 : memref<128x112xf32, #tpu.memory_space<vmem_shared>>)
      tpu.yield
    }) : () -> ()
    %add3A_13 = arith.constant 384 : i32
    %add3A_14 = arith.addi %mul3A_1, %add3A_13 : i32
    "tpu.region"() ({
      %run_scoped3A = tpu.sem_alloc : memref<!tpu.dma_semaphore, #tpu.memory_space<semaphore_mem>>
      %dma_start3A = arith.constant 0 : i32
      %dma_start3A_73 = arith.constant 0 : i32
      %dma_start3A_74 = tpu.memref_slice %arg15[%dma_start3A, %dma_start3A_73] : memref<128x112xf32, #tpu.memory_space<vmem>> -> memref<128x112xf32, #tpu.memory_space<vmem>>
      %dma_start3A_75 = arith.constant 0 : i32
      %dma_start3A_76 = tpu.memref_slice %arg19[%add3A_14, %dma_start3A_75] : memref<10016x112xf32, #tpu.memory_space<vmem_shared>> -> memref<128x112xf32, #tpu.memory_space<vmem_shared>>
      %dma_start3A_77 = arith.constant 0 : i32
      %dma_start3A_78 = tpu.memref_slice %arg19[%add3A_14, %dma_start3A_77] : memref<10016x112xf32, #tpu.memory_space<vmem_shared>> -> memref<128x112xf32, #tpu.memory_space<vmem_shared>>
      %dma_start3A_79 = arith.constant 0 : i32
      %dma_start3A_80 = arith.constant 0 : i32
      %dma_start3A_81 = tpu.memref_slice %arg15[%dma_start3A_79, %dma_start3A_80] : memref<128x112xf32, #tpu.memory_space<vmem>> -> memref<128x112xf32, #tpu.memory_space<vmem>>
      tpu.enqueue_dma source(%dma_start3A_81 : memref<128x112xf32, #tpu.memory_space<vmem>>) target(%dma_start3A_78 : memref<128x112xf32, #tpu.memory_space<vmem_shared>>) target_semaphore(%run_scoped3A : memref<!tpu.dma_semaphore, #tpu.memory_space<semaphore_mem>>)
      %dma_wait3A = arith.constant 0 : i32
      %dma_wait3A_82 = arith.constant 0 : i32
      %dma_wait3A_83 = tpu.memref_slice %arg15[%dma_wait3A, %dma_wait3A_82] : memref<128x112xf32, #tpu.memory_space<vmem>> -> memref<128x112xf32, #tpu.memory_space<vmem>>
      %dma_wait3A_84 = arith.constant 0 : i32
      %dma_wait3A_85 = tpu.memref_slice %arg19[%add3A_14, %dma_wait3A_84] : memref<10016x112xf32, #tpu.memory_space<vmem_shared>> -> memref<128x112xf32, #tpu.memory_space<vmem_shared>>
      %dma_wait3A_86 = arith.constant 0 : i32
      %dma_wait3A_87 = tpu.memref_slice %arg19[%add3A_14, %dma_wait3A_86] : memref<10016x112xf32, #tpu.memory_space<vmem_shared>> -> memref<128x112xf32, #tpu.memory_space<vmem_shared>>
      %dma_wait3A_88 = arith.constant 0 : i32
      %dma_wait3A_89 = arith.constant 0 : i32
      %dma_wait3A_90 = tpu.memref_slice %arg15[%dma_wait3A_88, %dma_wait3A_89] : memref<128x112xf32, #tpu.memory_space<vmem>> -> memref<128x112xf32, #tpu.memory_space<vmem>>
      tpu.wait_dma2 semaphore(%run_scoped3A : memref<!tpu.dma_semaphore, #tpu.memory_space<semaphore_mem>>) src(%dma_wait3A_90 : memref<128x112xf32, #tpu.memory_space<vmem>>) dst(%dma_wait3A_87 : memref<128x112xf32, #tpu.memory_space<vmem_shared>>)
      tpu.yield
    }) : () -> ()
    %add3A_15 = arith.constant 512 : i32
    %add3A_16 = arith.addi %mul3A_1, %add3A_15 : i32
    "tpu.region"() ({
      %run_scoped3A = tpu.sem_alloc : memref<!tpu.dma_semaphore, #tpu.memory_space<semaphore_mem>>
      %dma_start3A = arith.constant 0 : i32
      %dma_start3A_73 = arith.constant 0 : i32
      %dma_start3A_74 = tpu.memref_slice %arg15[%dma_start3A, %dma_start3A_73] : memref<128x112xf32, #tpu.memory_space<vmem>> -> memref<114x112xf32, #tpu.memory_space<vmem>>
      %dma_start3A_75 = arith.constant 0 : i32
      %dma_start3A_76 = tpu.memref_slice %arg19[%add3A_16, %dma_start3A_75] : memref<10016x112xf32, #tpu.memory_space<vmem_shared>> -> memref<114x112xf32, #tpu.memory_space<vmem_shared>>
      %dma_start3A_77 = arith.constant 0 : i32
      %dma_start3A_78 = tpu.memref_slice %arg19[%add3A_16, %dma_start3A_77] : memref<10016x112xf32, #tpu.memory_space<vmem_shared>> -> memref<114x112xf32, #tpu.memory_space<vmem_shared>>
      %dma_start3A_79 = arith.constant 0 : i32
      %dma_start3A_80 = arith.constant 0 : i32
      %dma_start3A_81 = tpu.memref_slice %arg15[%dma_start3A_79, %dma_start3A_80] : memref<128x112xf32, #tpu.memory_space<vmem>> -> memref<114x112xf32, #tpu.memory_space<vmem>>
      tpu.enqueue_dma source(%dma_start3A_81 : memref<114x112xf32, #tpu.memory_space<vmem>>) target(%dma_start3A_78 : memref<114x112xf32, #tpu.memory_space<vmem_shared>>) target_semaphore(%run_scoped3A : memref<!tpu.dma_semaphore, #tpu.memory_space<semaphore_mem>>)
      %dma_wait3A = arith.constant 0 : i32
      %dma_wait3A_82 = arith.constant 0 : i32
      %dma_wait3A_83 = tpu.memref_slice %arg15[%dma_wait3A, %dma_wait3A_82] : memref<128x112xf32, #tpu.memory_space<vmem>> -> memref<114x112xf32, #tpu.memory_space<vmem>>
      %dma_wait3A_84 = arith.constant 0 : i32
      %dma_wait3A_85 = tpu.memref_slice %arg19[%add3A_16, %dma_wait3A_84] : memref<10016x112xf32, #tpu.memory_space<vmem_shared>> -> memref<114x112xf32, #tpu.memory_space<vmem_shared>>
      %dma_wait3A_86 = arith.constant 0 : i32
      %dma_wait3A_87 = tpu.memref_slice %arg19[%add3A_16, %dma_wait3A_86] : memref<10016x112xf32, #tpu.memory_space<vmem_shared>> -> memref<114x112xf32, #tpu.memory_space<vmem_shared>>
      %dma_wait3A_88 = arith.constant 0 : i32
      %dma_wait3A_89 = arith.constant 0 : i32
      %dma_wait3A_90 = tpu.memref_slice %arg15[%dma_wait3A_88, %dma_wait3A_89] : memref<128x112xf32, #tpu.memory_space<vmem>> -> memref<114x112xf32, #tpu.memory_space<vmem>>
      tpu.wait_dma2 semaphore(%run_scoped3A : memref<!tpu.dma_semaphore, #tpu.memory_space<semaphore_mem>>) src(%dma_wait3A_90 : memref<114x112xf32, #tpu.memory_space<vmem>>) dst(%dma_wait3A_87 : memref<114x112xf32, #tpu.memory_space<vmem_shared>>)
      tpu.yield
    }) : () -> ()
    %barrier3A = arith.constant 0 : index
    tpu.barrier barrier_id(%barrier3A)
    %mul3A_17 = arith.constant 2 : i32
    %mul3A_18 = arith.muli %mul3A_17, %arg0 : i32
    %add3A_19 = arith.constant 0 : i32
    %add3A_20 = arith.addi %mul3A_18, %add3A_19 : i32
    %mul3A_21 = arith.constant 10016 : i32
    %mul3A_22 = arith.muli %add3A_20, %mul3A_21 : i32
    %scan3A_23 = arith.constant 0 : i32
    %scan3A_24 = arith.constant 0 : i32
    %scan3A_25 = arith.constant 162 : i32
    %scan3A_26 = arith.addi %scan3A_24, %scan3A_25 : i32
    %scan3A_27 = arith.constant 1 : i32
    %scan3A_28 = scf.for %scan3A_73 = %scan3A_24 to %scan3A_26 step %scan3A_27 iter_args(%scan3A_74 = %scan3A_23) -> (i32)  : i32 {
      %mul3A_75 = arith.constant 20736 : i32
      %mul3A_76 = arith.muli %arg1, %mul3A_75 : i32
      %mul3A_77 = arith.constant 128 : i32
      %mul3A_78 = arith.muli %scan3A_73, %mul3A_77 : i32
      %add3A_79 = arith.addi %mul3A_76, %mul3A_78 : i32
      "tpu.region"() ({
        %run_scoped3A = tpu.sem_alloc : memref<!tpu.dma_semaphore, #tpu.memory_space<semaphore_mem>>
        %dma_start3A_109 = tpu.memref_slice %arg4[%add3A_79] : memref<331776xi32, #tpu.memory_space<hbm>> -> memref<128xi32, #tpu.memory_space<hbm>>
        %dma_start3A_110 = tpu.memref_slice %arg4[%add3A_79] : memref<331776xi32, #tpu.memory_space<hbm>> -> memref<128xi32, #tpu.memory_space<hbm>>
        tpu.enqueue_dma source(%dma_start3A_110 : memref<128xi32, #tpu.memory_space<hbm>>) target(%arg8 : memref<128xi32, #tpu.memory_space<vmem>>) target_semaphore(%run_scoped3A : memref<!tpu.dma_semaphore, #tpu.memory_space<semaphore_mem>>)
        %dma_wait3A_111 = tpu.memref_slice %arg4[%add3A_79] : memref<331776xi32, #tpu.memory_space<hbm>> -> memref<128xi32, #tpu.memory_space<hbm>>
        %dma_wait3A_112 = tpu.memref_slice %arg4[%add3A_79] : memref<331776xi32, #tpu.memory_space<hbm>> -> memref<128xi32, #tpu.memory_space<hbm>>
        tpu.wait_dma2 semaphore(%run_scoped3A : memref<!tpu.dma_semaphore, #tpu.memory_space<semaphore_mem>>) src(%dma_wait3A_112 : memref<128xi32, #tpu.memory_space<hbm>>) dst(%arg8 : memref<128xi32, #tpu.memory_space<vmem>>)
        tpu.yield
      }) : () -> ()
      "tpu.region"() ({
        %run_scoped3A = tpu.sem_alloc : memref<!tpu.dma_semaphore, #tpu.memory_space<semaphore_mem>>
        %dma_start3A_109 = tpu.memref_slice %arg5[%add3A_79] : memref<331776xi32, #tpu.memory_space<hbm>> -> memref<128xi32, #tpu.memory_space<hbm>>
        %dma_start3A_110 = tpu.memref_slice %arg5[%add3A_79] : memref<331776xi32, #tpu.memory_space<hbm>> -> memref<128xi32, #tpu.memory_space<hbm>>
        tpu.enqueue_dma source(%dma_start3A_110 : memref<128xi32, #tpu.memory_space<hbm>>) target(%arg9 : memref<128xi32, #tpu.memory_space<vmem>>) target_semaphore(%run_scoped3A : memref<!tpu.dma_semaphore, #tpu.memory_space<semaphore_mem>>)
        %dma_wait3A_111 = tpu.memref_slice %arg5[%add3A_79] : memref<331776xi32, #tpu.memory_space<hbm>> -> memref<128xi32, #tpu.memory_space<hbm>>
        %dma_wait3A_112 = tpu.memref_slice %arg5[%add3A_79] : memref<331776xi32, #tpu.memory_space<hbm>> -> memref<128xi32, #tpu.memory_space<hbm>>
        tpu.wait_dma2 semaphore(%run_scoped3A : memref<!tpu.dma_semaphore, #tpu.memory_space<semaphore_mem>>) src(%dma_wait3A_112 : memref<128xi32, #tpu.memory_space<hbm>>) dst(%arg9 : memref<128xi32, #tpu.memory_space<vmem>>)
        tpu.yield
      }) : () -> ()
      %scan3A_80 = arith.constant 0 : i32
      %scan3A_81 = arith.constant 0 : i32
      %scan3A_82 = arith.constant 8 : i32
      %scan3A_83 = arith.addi %scan3A_81, %scan3A_82 : i32
      %scan3A_84 = arith.constant 1 : i32
      %scan3A_85 = scf.for %scan3A_109 = %scan3A_81 to %scan3A_83 step %scan3A_84 iter_args(%scan3A_110 = %scan3A_80) -> (i32)  : i32 {
        %mul3A_111 = arith.constant 16 : i32
        %mul3A_112 = arith.muli %scan3A_109, %mul3A_111 : i32
        %get3A = arith.index_cast %mul3A_112 : i32 to index
        %get3A_113 = tpu.vector_load %arg8[%get3A] {strides = array<i32>} : memref<128xi32, #tpu.memory_space<vmem>>, vector<16xi32>,
        %add3A_114 = vector.broadcast %mul3A_22 : i32 to vector<16xi32>
        %add3A_115 = arith.addi %get3A_113, %add3A_114 : vector<16xi32>
        %mul3A_116 = arith.constant 16 : i32
        %mul3A_117 = arith.muli %scan3A_109, %mul3A_116 : i32
        %swap3A = arith.index_cast %mul3A_117 : i32 to index
        %swap3A_118 = tpu.vector_load %arg10[%swap3A] {strides = array<i32>} : memref<128xi32, #tpu.memory_space<vmem>>, vector<16xi32>,
        tpu.vector_store %arg10[%swap3A], %add3A_115 {strides = array<i32>} : memref<128xi32, #tpu.memory_space<vmem>>, vector<16xi32>,
        %scan3A_119 = arith.constant 0 : i32
        scf.yield %scan3A_119 : i32
      }
      %scan3A_86 = arith.constant 8 : i32
      %dma_start3A = arith.constant 0 : i32
      %dma_start3A_87 = arith.constant 0 : i32
      %dma_start3A_88 = tpu.memref_slice %arg2[%dma_start3A, %dma_start3A_87] : memref<40064x96xf32, #tpu.memory_space<hbm>> -> memref<40064x96xf32, #tpu.memory_space<hbm>>
      tpu.enqueue_indirect_dma source(%dma_start3A_88 : memref<40064x96xf32, #tpu.memory_space<hbm>>) target(%arg14 : memref<128x96xf32, #tpu.memory_space<vmem>>) offsets(%arg10 : memref<128xi32, #tpu.memory_space<vmem>>) semaphore(%arg20 : memref<!tpu.dma_semaphore, #tpu.memory_space<semaphore_mem>>)
      %dma_start3A_89 = arith.constant 0 : i32
      %dma_start3A_90 = arith.constant 0 : i32
      %dma_start3A_91 = tpu.memref_slice %arg3[%dma_start3A_89, %dma_start3A_90] : memref<10016x16xf32, #tpu.memory_space<hbm>> -> memref<10016x16xf32, #tpu.memory_space<hbm>>
      tpu.enqueue_indirect_dma source(%dma_start3A_91 : memref<10016x16xf32, #tpu.memory_space<hbm>>) target(%arg11 : memref<128x16xf32, #tpu.memory_space<vmem>>) offsets(%arg8 : memref<128xi32, #tpu.memory_space<vmem>>) semaphore(%arg21 : memref<!tpu.dma_semaphore, #tpu.memory_space<semaphore_mem>>)
      %dma_start3A_92 = arith.constant 0 : i32
      %dma_start3A_93 = arith.constant 0 : i32
      %dma_start3A_94 = tpu.memref_slice %arg3[%dma_start3A_92, %dma_start3A_93] : memref<10016x16xf32, #tpu.memory_space<hbm>> -> memref<10016x16xf32, #tpu.memory_space<hbm>>
      tpu.enqueue_indirect_dma source(%dma_start3A_94 : memref<10016x16xf32, #tpu.memory_space<hbm>>) target(%arg12 : memref<128x16xf32, #tpu.memory_space<vmem>>) offsets(%arg9 : memref<128xi32, #tpu.memory_space<vmem>>) semaphore(%arg21 : memref<!tpu.dma_semaphore, #tpu.memory_space<semaphore_mem>>)
      "tpu.region"() ({
        %run_scoped3A = tpu.sem_alloc : memref<!tpu.dma_semaphore, #tpu.memory_space<semaphore_mem>>
        %dma_start3A_109 = arith.constant 0 : i32
        %dma_start3A_110 = tpu.memref_slice %arg6[%add3A_79, %dma_start3A_109] : memref<331776x3xf32, #tpu.memory_space<hbm>> -> memref<128x3xf32, #tpu.memory_space<hbm>>
        %dma_start3A_111 = arith.constant 0 : i32
        %dma_start3A_112 = tpu.memref_slice %arg6[%add3A_79, %dma_start3A_111] : memref<331776x3xf32, #tpu.memory_space<hbm>> -> memref<128x3xf32, #tpu.memory_space<hbm>>
        tpu.enqueue_dma source(%dma_start3A_112 : memref<128x3xf32, #tpu.memory_space<hbm>>) target(%arg13 : memref<128x3xf32, #tpu.memory_space<vmem>>) target_semaphore(%run_scoped3A : memref<!tpu.dma_semaphore, #tpu.memory_space<semaphore_mem>>)
        %dma_wait3A_113 = arith.constant 0 : i32
        %dma_wait3A_114 = tpu.memref_slice %arg6[%add3A_79, %dma_wait3A_113] : memref<331776x3xf32, #tpu.memory_space<hbm>> -> memref<128x3xf32, #tpu.memory_space<hbm>>
        %dma_wait3A_115 = arith.constant 0 : i32
        %dma_wait3A_116 = tpu.memref_slice %arg6[%add3A_79, %dma_wait3A_115] : memref<331776x3xf32, #tpu.memory_space<hbm>> -> memref<128x3xf32, #tpu.memory_space<hbm>>
        tpu.wait_dma2 semaphore(%run_scoped3A : memref<!tpu.dma_semaphore, #tpu.memory_space<semaphore_mem>>) src(%dma_wait3A_116 : memref<128x3xf32, #tpu.memory_space<hbm>>) dst(%arg13 : memref<128x3xf32, #tpu.memory_space<vmem>>)
        tpu.yield
      }) : () -> ()
      %dma_wait3A = arith.constant 0 : i32
      %dma_wait3A_95 = arith.constant 0 : i32
      %dma_wait3A_96 = tpu.memref_slice %arg3[%dma_wait3A, %dma_wait3A_95] : memref<10016x16xf32, #tpu.memory_space<hbm>> -> memref<10016x16xf32, #tpu.memory_space<hbm>>
      tpu.wait_indirect_dma semaphore(%arg21 : memref<!tpu.dma_semaphore, #tpu.memory_space<semaphore_mem>>) src(%dma_wait3A_96 : memref<10016x16xf32, #tpu.memory_space<hbm>>) dst(%arg11 : memref<128x16xf32, #tpu.memory_space<vmem>>)
      %dma_wait3A_97 = arith.constant 0 : i32
      %dma_wait3A_98 = arith.constant 0 : i32
      %dma_wait3A_99 = tpu.memref_slice %arg3[%dma_wait3A_97, %dma_wait3A_98] : memref<10016x16xf32, #tpu.memory_space<hbm>> -> memref<10016x16xf32, #tpu.memory_space<hbm>>
      tpu.wait_indirect_dma semaphore(%arg21 : memref<!tpu.dma_semaphore, #tpu.memory_space<semaphore_mem>>) src(%dma_wait3A_99 : memref<10016x16xf32, #tpu.memory_space<hbm>>) dst(%arg12 : memref<128x16xf32, #tpu.memory_space<vmem>>)
      %parallel_loop3A = arith.constant 0 : i32
      %parallel_loop3A_100 = arith.constant 8 : i32
      %parallel_loop3A_101 = arith.constant 1 : i32
      scf.for %parallel_loop3A_109 = %parallel_loop3A to %parallel_loop3A_100 step %parallel_loop3A_101  : i32 {
        %parallel_loop3A_110 = arith.constant 16 : i32
        %parallel_loop3A_111 = arith.muli %parallel_loop3A_109, %parallel_loop3A_110 : i32
        %parallel_loop3A_112 = vector.broadcast %parallel_loop3A_111 : i32 to vector<16xi32>
        %parallel_loop3A_113 = arith.addi %iota3A, %parallel_loop3A_112 : vector<16xi32>
        %parallel_loop3A_114 = arith.constant 0 : i32
        %parallel_loop3A_115 = vector.broadcast %parallel_loop3A_114 : i32 to vector<16xi32>
        %parallel_loop3A_116 = tpu.vector_load_idx %arg11[%parallel_loop3A_113, %parallel_loop3A_115] : memref<128x16xf32, #tpu.memory_space<vmem>>[vector<16xi32>, vector<16xi32>], vector<16xf32>,
        %parallel_loop3A_117 = arith.constant 3 : i32
        %parallel_loop3A_118 = vector.broadcast %parallel_loop3A_117 : i32 to vector<16xi32>
        %parallel_loop3A_119 = arith.addi %parallel_loop3A_115, %parallel_loop3A_118 : vector<16xi32>
        %parallel_loop3A_120 = tpu.vector_load_idx %arg12[%parallel_loop3A_113, %parallel_loop3A_119] : memref<128x16xf32, #tpu.memory_space<vmem>>[vector<16xi32>, vector<16xi32>], vector<16xf32>,
        %parallel_loop3A_121 = arith.constant 6 : i32
        %parallel_loop3A_122 = vector.broadcast %parallel_loop3A_121 : i32 to vector<16xi32>
        %parallel_loop3A_123 = arith.addi %parallel_loop3A_115, %parallel_loop3A_122 : vector<16xi32>
        %parallel_loop3A_124 = tpu.vector_load_idx %arg12[%parallel_loop3A_113, %parallel_loop3A_123] : memref<128x16xf32, #tpu.memory_space<vmem>>[vector<16xi32>, vector<16xi32>], vector<16xf32>,
        %parallel_loop3A_125 = tpu.vector_load_idx %arg13[%parallel_loop3A_113, %parallel_loop3A_115] : memref<128x3xf32, #tpu.memory_space<vmem>>[vector<16xi32>, vector<16xi32>], vector<16xf32>,
        %parallel_loop3A_126 = arith.addf %parallel_loop3A_116, %parallel_loop3A_120 : vector<16xf32>
        %parallel_loop3A_127 = arith.addf %parallel_loop3A_126, %parallel_loop3A_125 : vector<16xf32>
        %parallel_loop3A_128 = arith.constant 2.000000e-01 : f32
        %parallel_loop3A_129 = vector.broadcast %parallel_loop3A_128 : f32 to vector<16xf32>
        %parallel_loop3A_130 = arith.mulf %parallel_loop3A_129, %parallel_loop3A_127 : vector<16xf32>
        %parallel_loop3A_131 = arith.maximumf %parallel_loop3A_127, %parallel_loop3A_130 : vector<16xf32>
        %parallel_loop3A_132 = arith.subf %parallel_loop3A_131, %parallel_loop3A_124 : vector<16xf32>
        %parallel_loop3A_133 = math.exp %parallel_loop3A_132 : vector<16xf32>
        %parallel_loop3A_134 = arith.constant 16 : i32
        %parallel_loop3A_135 = arith.muli %parallel_loop3A_109, %parallel_loop3A_134 : i32
        %parallel_loop3A_136 = arith.index_cast %parallel_loop3A_135 : i32 to index
        %parallel_loop3A_137 = tpu.vector_load %arg16[%parallel_loop3A_136] {strides = array<i32>} : memref<128xf32, #tpu.memory_space<vmem>>, vector<16xf32>,
        tpu.vector_store %arg16[%parallel_loop3A_136], %parallel_loop3A_133 {strides = array<i32>} : memref<128xf32, #tpu.memory_space<vmem>>, vector<16xf32>,
        %parallel_loop3A_138 = arith.constant 1 : i32
        %parallel_loop3A_139 = vector.broadcast %parallel_loop3A_138 : i32 to vector<16xi32>
        %parallel_loop3A_140 = tpu.vector_load_idx %arg11[%parallel_loop3A_113, %parallel_loop3A_139] : memref<128x16xf32, #tpu.memory_space<vmem>>[vector<16xi32>, vector<16xi32>], vector<16xf32>,
        %parallel_loop3A_141 = arith.constant 3 : i32
        %parallel_loop3A_142 = vector.broadcast %parallel_loop3A_141 : i32 to vector<16xi32>
        %parallel_loop3A_143 = arith.addi %parallel_loop3A_139, %parallel_loop3A_142 : vector<16xi32>
        %parallel_loop3A_144 = tpu.vector_load_idx %arg12[%parallel_loop3A_113, %parallel_loop3A_143] : memref<128x16xf32, #tpu.memory_space<vmem>>[vector<16xi32>, vector<16xi32>], vector<16xf32>,
        %parallel_loop3A_145 = arith.constant 6 : i32
        %parallel_loop3A_146 = vector.broadcast %parallel_loop3A_145 : i32 to vector<16xi32>
        %parallel_loop3A_147 = arith.addi %parallel_loop3A_139, %parallel_loop3A_146 : vector<16xi32>
        %parallel_loop3A_148 = tpu.vector_load_idx %arg12[%parallel_loop3A_113, %parallel_loop3A_147] : memref<128x16xf32, #tpu.memory_space<vmem>>[vector<16xi32>, vector<16xi32>], vector<16xf32>,
        %parallel_loop3A_149 = tpu.vector_load_idx %arg13[%parallel_loop3A_113, %parallel_loop3A_139] : memref<128x3xf32, #tpu.memory_space<vmem>>[vector<16xi32>, vector<16xi32>], vector<16xf32>,
        %parallel_loop3A_150 = arith.addf %parallel_loop3A_140, %parallel_loop3A_144 : vector<16xf32>
        %parallel_loop3A_151 = arith.addf %parallel_loop3A_150, %parallel_loop3A_149 : vector<16xf32>
        %parallel_loop3A_152 = arith.constant 2.000000e-01 : f32
        %parallel_loop3A_153 = vector.broadcast %parallel_loop3A_152 : f32 to vector<16xf32>
        %parallel_loop3A_154 = arith.mulf %parallel_loop3A_153, %parallel_loop3A_151 : vector<16xf32>
        %parallel_loop3A_155 = arith.maximumf %parallel_loop3A_151, %parallel_loop3A_154 : vector<16xf32>
        %parallel_loop3A_156 = arith.subf %parallel_loop3A_155, %parallel_loop3A_148 : vector<16xf32>
        %parallel_loop3A_157 = math.exp %parallel_loop3A_156 : vector<16xf32>
        %parallel_loop3A_158 = arith.constant 16 : i32
        %parallel_loop3A_159 = arith.muli %parallel_loop3A_109, %parallel_loop3A_158 : i32
        %parallel_loop3A_160 = arith.index_cast %parallel_loop3A_159 : i32 to index
        %parallel_loop3A_161 = tpu.vector_load %arg17[%parallel_loop3A_160] {strides = array<i32>} : memref<128xf32, #tpu.memory_space<vmem>>, vector<16xf32>,
        tpu.vector_store %arg17[%parallel_loop3A_160], %parallel_loop3A_157 {strides = array<i32>} : memref<128xf32, #tpu.memory_space<vmem>>, vector<16xf32>,
        %parallel_loop3A_162 = arith.constant 2 : i32
        %parallel_loop3A_163 = vector.broadcast %parallel_loop3A_162 : i32 to vector<16xi32>
        %parallel_loop3A_164 = tpu.vector_load_idx %arg11[%parallel_loop3A_113, %parallel_loop3A_163] : memref<128x16xf32, #tpu.memory_space<vmem>>[vector<16xi32>, vector<16xi32>], vector<16xf32>,
        %parallel_loop3A_165 = arith.constant 3 : i32
        %parallel_loop3A_166 = vector.broadcast %parallel_loop3A_165 : i32 to vector<16xi32>
        %parallel_loop3A_167 = arith.addi %parallel_loop3A_163, %parallel_loop3A_166 : vector<16xi32>
        %parallel_loop3A_168 = tpu.vector_load_idx %arg12[%parallel_loop3A_113, %parallel_loop3A_167] : memref<128x16xf32, #tpu.memory_space<vmem>>[vector<16xi32>, vector<16xi32>], vector<16xf32>,
        %parallel_loop3A_169 = arith.constant 6 : i32
        %parallel_loop3A_170 = vector.broadcast %parallel_loop3A_169 : i32 to vector<16xi32>
        %parallel_loop3A_171 = arith.addi %parallel_loop3A_163, %parallel_loop3A_170 : vector<16xi32>
        %parallel_loop3A_172 = tpu.vector_load_idx %arg12[%parallel_loop3A_113, %parallel_loop3A_171] : memref<128x16xf32, #tpu.memory_space<vmem>>[vector<16xi32>, vector<16xi32>], vector<16xf32>,
        %parallel_loop3A_173 = tpu.vector_load_idx %arg13[%parallel_loop3A_113, %parallel_loop3A_163] : memref<128x3xf32, #tpu.memory_space<vmem>>[vector<16xi32>, vector<16xi32>], vector<16xf32>,
        %parallel_loop3A_174 = arith.addf %parallel_loop3A_164, %parallel_loop3A_168 : vector<16xf32>
        %parallel_loop3A_175 = arith.addf %parallel_loop3A_174, %parallel_loop3A_173 : vector<16xf32>
        %parallel_loop3A_176 = arith.constant 2.000000e-01 : f32
        %parallel_loop3A_177 = vector.broadcast %parallel_loop3A_176 : f32 to vector<16xf32>
        %parallel_loop3A_178 = arith.mulf %parallel_loop3A_177, %parallel_loop3A_175 : vector<16xf32>
        %parallel_loop3A_179 = arith.maximumf %parallel_loop3A_175, %parallel_loop3A_178 : vector<16xf32>
        %parallel_loop3A_180 = arith.subf %parallel_loop3A_179, %parallel_loop3A_172 : vector<16xf32>
        %parallel_loop3A_181 = math.exp %parallel_loop3A_180 : vector<16xf32>
        %parallel_loop3A_182 = arith.constant 16 : i32
        %parallel_loop3A_183 = arith.muli %parallel_loop3A_109, %parallel_loop3A_182 : i32
        %parallel_loop3A_184 = arith.index_cast %parallel_loop3A_183 : i32 to index
        %parallel_loop3A_185 = tpu.vector_load %arg18[%parallel_loop3A_184] {strides = array<i32>} : memref<128xf32, #tpu.memory_space<vmem>>, vector<16xf32>,
        tpu.vector_store %arg18[%parallel_loop3A_184], %parallel_loop3A_181 {strides = array<i32>} : memref<128xf32, #tpu.memory_space<vmem>>, vector<16xf32>,
      } {sc.loop_unroll_factor = 2 : i64, sc.parallel_access}
      %dma_wait3A_102 = arith.constant 0 : i32
      %dma_wait3A_103 = arith.constant 0 : i32
      %dma_wait3A_104 = tpu.memref_slice %arg2[%dma_wait3A_102, %dma_wait3A_103] : memref<40064x96xf32, #tpu.memory_space<hbm>> -> memref<40064x96xf32, #tpu.memory_space<hbm>>
      tpu.wait_indirect_dma semaphore(%arg20 : memref<!tpu.dma_semaphore, #tpu.memory_space<semaphore_mem>>) src(%dma_wait3A_104 : memref<40064x96xf32, #tpu.memory_space<hbm>>) dst(%arg14 : memref<128x96xf32, #tpu.memory_space<vmem>>)
      %parallel_loop3A_105 = arith.constant 0 : i32
      %parallel_loop3A_106 = arith.constant 128 : i32
      %parallel_loop3A_107 = arith.constant 1 : i32
      scf.for %parallel_loop3A_109 = %parallel_loop3A_105 to %parallel_loop3A_106 step %parallel_loop3A_107  : i32 {
        %parallel_loop3A_110 = vector.broadcast %parallel_loop3A_109 : i32 to vector<16xi32>
        %parallel_loop3A_111 = tpu.vector_load_idx %arg16[%parallel_loop3A_110] : memref<128xf32, #tpu.memory_space<vmem>>[vector<16xi32>], vector<16xf32>,
        %parallel_loop3A_112 = tpu.vector_load_idx %arg17[%parallel_loop3A_110] : memref<128xf32, #tpu.memory_space<vmem>>[vector<16xi32>], vector<16xf32>,
        %parallel_loop3A_113 = tpu.vector_load_idx %arg18[%parallel_loop3A_110] : memref<128xf32, #tpu.memory_space<vmem>>[vector<16xi32>], vector<16xf32>,
        %parallel_loop3A_114 = arith.constant 0 : i32
        %parallel_loop3A_115 = vector.broadcast %parallel_loop3A_114 : i32 to vector<16xi32>
        %parallel_loop3A_116 = arith.cmpi eq, %iota3A, %parallel_loop3A_115 : vector<16xi32>
        %parallel_loop3A_117 = arith.constant 1 : i32
        %parallel_loop3A_118 = vector.broadcast %parallel_loop3A_117 : i32 to vector<16xi32>
        %parallel_loop3A_119 = arith.cmpi eq, %iota3A, %parallel_loop3A_118 : vector<16xi32>
        %parallel_loop3A_120 = arith.constant 2 : i32
        %parallel_loop3A_121 = vector.broadcast %parallel_loop3A_120 : i32 to vector<16xi32>
        %parallel_loop3A_122 = arith.cmpi eq, %iota3A, %parallel_loop3A_121 : vector<16xi32>
        %parallel_loop3A_123 = arith.constant 0.000000e+00 : f32
        %parallel_loop3A_124 = vector.broadcast %parallel_loop3A_123 : f32 to vector<16xf32>
        %parallel_loop3A_125 = arith.select %parallel_loop3A_122, %parallel_loop3A_113, %parallel_loop3A_124 : vector<16xi1>, vector<16xf32>
        %parallel_loop3A_126 = arith.select %parallel_loop3A_119, %parallel_loop3A_112, %parallel_loop3A_125 : vector<16xi1>, vector<16xf32>
        %parallel_loop3A_127 = arith.select %parallel_loop3A_116, %parallel_loop3A_111, %parallel_loop3A_126 : vector<16xi1>, vector<16xf32>
        %parallel_loop3A_128 = arith.index_cast %parallel_loop3A_109 : i32 to index
        %parallel_loop3A_129 = arith.constant 96 : index
        %parallel_loop3A_130 = tpu.vector_load %arg15[%parallel_loop3A_128, %parallel_loop3A_129] {strides = array<i32>} : memref<128x112xf32, #tpu.memory_space<vmem>>, vector<16xf32>,
        tpu.vector_store %arg15[%parallel_loop3A_128, %parallel_loop3A_129], %parallel_loop3A_127 {strides = array<i32>} : memref<128x112xf32, #tpu.memory_space<vmem>>, vector<16xf32>,
        %parallel_loop3A_131 = arith.constant 0 : i32
        %parallel_loop3A_132 = arith.cmpi eq, %arg0, %parallel_loop3A_131 : i32
        %parallel_loop3A_133 = arith.select %parallel_loop3A_132, %parallel_loop3A_111, %parallel_loop3A_112 : vector<16xf32>
        %parallel_loop3A_134 = arith.index_cast %parallel_loop3A_109 : i32 to index
        %parallel_loop3A_135 = arith.constant 0 : index
        %parallel_loop3A_136 = tpu.vector_load %arg14[%parallel_loop3A_134, %parallel_loop3A_135] {strides = array<i32>} : memref<128x96xf32, #tpu.memory_space<vmem>>, vector<16xf32>,
        %parallel_loop3A_137 = arith.mulf %parallel_loop3A_136, %parallel_loop3A_133 : vector<16xf32>
        %parallel_loop3A_138 = arith.index_cast %parallel_loop3A_109 : i32 to index
        %parallel_loop3A_139 = arith.constant 0 : index
        %parallel_loop3A_140 = tpu.vector_load %arg15[%parallel_loop3A_138, %parallel_loop3A_139] {strides = array<i32>} : memref<128x112xf32, #tpu.memory_space<vmem>>, vector<16xf32>,
        tpu.vector_store %arg15[%parallel_loop3A_138, %parallel_loop3A_139], %parallel_loop3A_137 {strides = array<i32>} : memref<128x112xf32, #tpu.memory_space<vmem>>, vector<16xf32>,
        %parallel_loop3A_141 = arith.constant 0 : i32
        %parallel_loop3A_142 = arith.cmpi eq, %arg0, %parallel_loop3A_141 : i32
        %parallel_loop3A_143 = arith.select %parallel_loop3A_142, %parallel_loop3A_111, %parallel_loop3A_112 : vector<16xf32>
        %parallel_loop3A_144 = arith.index_cast %parallel_loop3A_109 : i32 to index
        %parallel_loop3A_145 = arith.constant 16 : index
        %parallel_loop3A_146 = tpu.vector_load %arg14[%parallel_loop3A_144, %parallel_loop3A_145] {strides = array<i32>} : memref<128x96xf32, #tpu.memory_space<vmem>>, vector<16xf32>,
        %parallel_loop3A_147 = arith.mulf %parallel_loop3A_146, %parallel_loop3A_143 : vector<16xf32>
        %parallel_loop3A_148 = arith.index_cast %parallel_loop3A_109 : i32 to index
        %parallel_loop3A_149 = arith.constant 16 : index
        %parallel_loop3A_150 = tpu.vector_load %arg15[%parallel_loop3A_148, %parallel_loop3A_149] {strides = array<i32>} : memref<128x112xf32, #tpu.memory_space<vmem>>, vector<16xf32>,
        tpu.vector_store %arg15[%parallel_loop3A_148, %parallel_loop3A_149], %parallel_loop3A_147 {strides = array<i32>} : memref<128x112xf32, #tpu.memory_space<vmem>>, vector<16xf32>,
        %parallel_loop3A_151 = arith.constant 0 : i32
        %parallel_loop3A_152 = arith.cmpi eq, %arg0, %parallel_loop3A_151 : i32
        %parallel_loop3A_153 = arith.select %parallel_loop3A_152, %parallel_loop3A_111, %parallel_loop3A_112 : vector<16xf32>
        %parallel_loop3A_154 = arith.index_cast %parallel_loop3A_109 : i32 to index
        %parallel_loop3A_155 = arith.constant 32 : index
        %parallel_loop3A_156 = tpu.vector_load %arg14[%parallel_loop3A_154, %parallel_loop3A_155] {strides = array<i32>} : memref<128x96xf32, #tpu.memory_space<vmem>>, vector<16xf32>,
        %parallel_loop3A_157 = arith.mulf %parallel_loop3A_156, %parallel_loop3A_153 : vector<16xf32>
        %parallel_loop3A_158 = arith.index_cast %parallel_loop3A_109 : i32 to index
        %parallel_loop3A_159 = arith.constant 32 : index
        %parallel_loop3A_160 = tpu.vector_load %arg15[%parallel_loop3A_158, %parallel_loop3A_159] {strides = array<i32>} : memref<128x112xf32, #tpu.memory_space<vmem>>, vector<16xf32>,
        tpu.vector_store %arg15[%parallel_loop3A_158, %parallel_loop3A_159], %parallel_loop3A_157 {strides = array<i32>} : memref<128x112xf32, #tpu.memory_space<vmem>>, vector<16xf32>,
        %parallel_loop3A_161 = arith.constant 0 : i32
        %parallel_loop3A_162 = arith.cmpi eq, %arg0, %parallel_loop3A_161 : i32
        %parallel_loop3A_163 = arith.select %parallel_loop3A_162, %parallel_loop3A_111, %parallel_loop3A_112 : vector<16xf32>
        %parallel_loop3A_164 = arith.index_cast %parallel_loop3A_109 : i32 to index
        %parallel_loop3A_165 = arith.constant 48 : index
        %parallel_loop3A_166 = tpu.vector_load %arg14[%parallel_loop3A_164, %parallel_loop3A_165] {strides = array<i32>} : memref<128x96xf32, #tpu.memory_space<vmem>>, vector<16xf32>,
        %parallel_loop3A_167 = arith.mulf %parallel_loop3A_166, %parallel_loop3A_163 : vector<16xf32>
        %parallel_loop3A_168 = arith.index_cast %parallel_loop3A_109 : i32 to index
        %parallel_loop3A_169 = arith.constant 48 : index
        %parallel_loop3A_170 = tpu.vector_load %arg15[%parallel_loop3A_168, %parallel_loop3A_169] {strides = array<i32>} : memref<128x112xf32, #tpu.memory_space<vmem>>, vector<16xf32>,
        tpu.vector_store %arg15[%parallel_loop3A_168, %parallel_loop3A_169], %parallel_loop3A_167 {strides = array<i32>} : memref<128x112xf32, #tpu.memory_space<vmem>>, vector<16xf32>,
        %parallel_loop3A_171 = arith.constant 0 : i32
        %parallel_loop3A_172 = arith.cmpi eq, %arg0, %parallel_loop3A_171 : i32
        %parallel_loop3A_173 = arith.select %parallel_loop3A_172, %parallel_loop3A_111, %parallel_loop3A_113 : vector<16xf32>
        %parallel_loop3A_174 = arith.index_cast %parallel_loop3A_109 : i32 to index
        %parallel_loop3A_175 = arith.constant 64 : index
        %parallel_loop3A_176 = tpu.vector_load %arg14[%parallel_loop3A_174, %parallel_loop3A_175] {strides = array<i32>} : memref<128x96xf32, #tpu.memory_space<vmem>>, vector<16xf32>,
        %parallel_loop3A_177 = arith.mulf %parallel_loop3A_176, %parallel_loop3A_173 : vector<16xf32>
        %parallel_loop3A_178 = arith.index_cast %parallel_loop3A_109 : i32 to index
        %parallel_loop3A_179 = arith.constant 64 : index
        %parallel_loop3A_180 = tpu.vector_load %arg15[%parallel_loop3A_178, %parallel_loop3A_179] {strides = array<i32>} : memref<128x112xf32, #tpu.memory_space<vmem>>, vector<16xf32>,
        tpu.vector_store %arg15[%parallel_loop3A_178, %parallel_loop3A_179], %parallel_loop3A_177 {strides = array<i32>} : memref<128x112xf32, #tpu.memory_space<vmem>>, vector<16xf32>,
        %parallel_loop3A_181 = arith.constant 0 : i32
        %parallel_loop3A_182 = arith.cmpi eq, %arg0, %parallel_loop3A_181 : i32
        %parallel_loop3A_183 = arith.select %parallel_loop3A_182, %parallel_loop3A_111, %parallel_loop3A_113 : vector<16xf32>
        %parallel_loop3A_184 = arith.index_cast %parallel_loop3A_109 : i32 to index
        %parallel_loop3A_185 = arith.constant 80 : index
        %parallel_loop3A_186 = tpu.vector_load %arg14[%parallel_loop3A_184, %parallel_loop3A_185] {strides = array<i32>} : memref<128x96xf32, #tpu.memory_space<vmem>>, vector<16xf32>,
        %parallel_loop3A_187 = arith.mulf %parallel_loop3A_186, %parallel_loop3A_183 : vector<16xf32>
        %parallel_loop3A_188 = arith.index_cast %parallel_loop3A_109 : i32 to index
        %parallel_loop3A_189 = arith.constant 80 : index
        %parallel_loop3A_190 = tpu.vector_load %arg15[%parallel_loop3A_188, %parallel_loop3A_189] {strides = array<i32>} : memref<128x112xf32, #tpu.memory_space<vmem>>, vector<16xf32>,
        tpu.vector_store %arg15[%parallel_loop3A_188, %parallel_loop3A_189], %parallel_loop3A_187 {strides = array<i32>} : memref<128x112xf32, #tpu.memory_space<vmem>>, vector<16xf32>,
      } {sc.loop_unroll_factor = 4 : i64, sc.parallel_access}
      "tpu.region"() ({
        %run_scoped3A = tpu.sem_alloc : memref<!tpu.dma_semaphore, #tpu.memory_space<semaphore_mem>>
        %dma_start3A_109 = arith.constant 0 : i32
        %dma_start3A_110 = arith.constant 0 : i32
        %dma_start3A_111 = tpu.memref_slice %arg19[%dma_start3A_109, %dma_start3A_110] : memref<10016x112xf32, #tpu.memory_space<vmem_shared>> -> memref<10016x112xf32, #tpu.memory_space<vmem_shared>>
        tpu.enqueue_indirect_dma source(%arg15 : memref<128x112xf32, #tpu.memory_space<vmem>>) target(%dma_start3A_111 : memref<10016x112xf32, #tpu.memory_space<vmem_shared>>) offsets(%arg9 : memref<128xi32, #tpu.memory_space<vmem>>) semaphore(%run_scoped3A : memref<!tpu.dma_semaphore, #tpu.memory_space<semaphore_mem>>) {add = true}
        %dma_wait3A_112 = arith.constant 0 : i32
        %dma_wait3A_113 = arith.constant 0 : i32
        %dma_wait3A_114 = tpu.memref_slice %arg19[%dma_wait3A_112, %dma_wait3A_113] : memref<10016x112xf32, #tpu.memory_space<vmem_shared>> -> memref<10016x112xf32, #tpu.memory_space<vmem_shared>>
        tpu.wait_indirect_dma semaphore(%run_scoped3A : memref<!tpu.dma_semaphore, #tpu.memory_space<semaphore_mem>>) src(%arg15 : memref<128x112xf32, #tpu.memory_space<vmem>>) dst(%dma_wait3A_114 : memref<10016x112xf32, #tpu.memory_space<vmem_shared>>)
        tpu.yield
      }) : () -> ()
      %scan3A_108 = arith.constant 0 : i32
      scf.yield %scan3A_108 : i32
    }
    %scan3A_29 = arith.constant 162 : i32
    %barrier3A_30 = arith.constant 0 : index
    tpu.barrier barrier_id(%barrier3A_30)
    %mul3A_31 = arith.constant 2 : i32
    %mul3A_32 = arith.muli %mul3A_31, %arg0 : i32
    %add3A_33 = arith.constant 0 : i32
    %add3A_34 = arith.addi %mul3A_32, %add3A_33 : i32
    "tpu.region"() ({
      %run_scoped3A = tpu.sem_alloc : memref<!tpu.dma_semaphore, #tpu.memory_space<semaphore_mem>>
      %dma_start3A = arith.constant 0 : i32
      %dma_start3A_73 = tpu.memref_slice %arg7[%add3A_34, %mul3A_1, %dma_start3A] : memref<4x10016x112xf32, #tpu.memory_space<hbm>> -> memref<1x626x112xf32, #tpu.memory_space<hbm>>
      %dma_start3A_74 = tpu.memref_squeeze %dma_start3A_73 : memref<1x626x112xf32, #tpu.memory_space<hbm>> -> memref<626x112xf32, #tpu.memory_space<hbm>>
      %dma_start3A_75 = arith.constant 0 : i32
      %dma_start3A_76 = tpu.memref_slice %arg19[%mul3A_1, %dma_start3A_75] : memref<10016x112xf32, #tpu.memory_space<vmem_shared>> -> memref<626x112xf32, #tpu.memory_space<vmem_shared>>
      tpu.enqueue_dma source(%dma_start3A_76 : memref<626x112xf32, #tpu.memory_space<vmem_shared>>) target(%dma_start3A_74 : memref<626x112xf32, #tpu.memory_space<hbm>>) target_semaphore(%run_scoped3A : memref<!tpu.dma_semaphore, #tpu.memory_space<semaphore_mem>>)
      %dma_wait3A = arith.constant 0 : i32
      %dma_wait3A_77 = tpu.memref_slice %arg7[%add3A_34, %mul3A_1, %dma_wait3A] : memref<4x10016x112xf32, #tpu.memory_space<hbm>> -> memref<1x626x112xf32, #tpu.memory_space<hbm>>
      %dma_wait3A_78 = tpu.memref_squeeze %dma_wait3A_77 : memref<1x626x112xf32, #tpu.memory_space<hbm>> -> memref<626x112xf32, #tpu.memory_space<hbm>>
      %dma_wait3A_79 = arith.constant 0 : i32
      %dma_wait3A_80 = tpu.memref_slice %arg19[%mul3A_1, %dma_wait3A_79] : memref<10016x112xf32, #tpu.memory_space<vmem_shared>> -> memref<626x112xf32, #tpu.memory_space<vmem_shared>>
      tpu.wait_dma2 semaphore(%run_scoped3A : memref<!tpu.dma_semaphore, #tpu.memory_space<semaphore_mem>>) src(%dma_wait3A_80 : memref<626x112xf32, #tpu.memory_space<vmem_shared>>) dst(%dma_wait3A_78 : memref<626x112xf32, #tpu.memory_space<hbm>>)
      tpu.yield
    }) : () -> ()
    %barrier3A_35 = arith.constant 0 : index
    tpu.barrier barrier_id(%barrier3A_35)
    %scan3A_36 = arith.constant 0 : i32
    %scan3A_37 = arith.constant 0 : i32
    %scan3A_38 = arith.constant 128 : i32
    %scan3A_39 = arith.addi %scan3A_37, %scan3A_38 : i32
    %scan3A_40 = arith.constant 1 : i32
    %scan3A_41 = scf.for %scan3A_73 = %scan3A_37 to %scan3A_39 step %scan3A_40 iter_args(%scan3A_74 = %scan3A_36) -> (i32)  : i32 {
      %swap3A = arith.index_cast %scan3A_73 : i32 to index
      %swap3A_75 = arith.constant 0 : index
      %swap3A_76 = tpu.vector_load %arg15[%swap3A, %swap3A_75] {strides = array<i32>} : memref<128x112xf32, #tpu.memory_space<vmem>>, vector<16xf32>,
      tpu.vector_store %arg15[%swap3A, %swap3A_75], %broadcast_in_dim3A_0 {strides = array<i32>} : memref<128x112xf32, #tpu.memory_space<vmem>>, vector<16xf32>,
      %swap3A_77 = arith.index_cast %scan3A_73 : i32 to index
      %swap3A_78 = arith.constant 16 : index
      %swap3A_79 = tpu.vector_load %arg15[%swap3A_77, %swap3A_78] {strides = array<i32>} : memref<128x112xf32, #tpu.memory_space<vmem>>, vector<16xf32>,
      tpu.vector_store %arg15[%swap3A_77, %swap3A_78], %broadcast_in_dim3A_0 {strides = array<i32>} : memref<128x112xf32, #tpu.memory_space<vmem>>, vector<16xf32>,
      %swap3A_80 = arith.index_cast %scan3A_73 : i32 to index
      %swap3A_81 = arith.constant 32 : index
      %swap3A_82 = tpu.vector_load %arg15[%swap3A_80, %swap3A_81] {strides = array<i32>} : memref<128x112xf32, #tpu.memory_space<vmem>>, vector<16xf32>,
      tpu.vector_store %arg15[%swap3A_80, %swap3A_81], %broadcast_in_dim3A_0 {strides = array<i32>} : memref<128x112xf32, #tpu.memory_space<vmem>>, vector<16xf32>,
      %swap3A_83 = arith.index_cast %scan3A_73 : i32 to index
      %swap3A_84 = arith.constant 48 : index
      %swap3A_85 = tpu.vector_load %arg15[%swap3A_83, %swap3A_84] {strides = array<i32>} : memref<128x112xf32, #tpu.memory_space<vmem>>, vector<16xf32>,
      tpu.vector_store %arg15[%swap3A_83, %swap3A_84], %broadcast_in_dim3A_0 {strides = array<i32>} : memref<128x112xf32, #tpu.memory_space<vmem>>, vector<16xf32>,
      %swap3A_86 = arith.index_cast %scan3A_73 : i32 to index
      %swap3A_87 = arith.constant 64 : index
      %swap3A_88 = tpu.vector_load %arg15[%swap3A_86, %swap3A_87] {strides = array<i32>} : memref<128x112xf32, #tpu.memory_space<vmem>>, vector<16xf32>,
      tpu.vector_store %arg15[%swap3A_86, %swap3A_87], %broadcast_in_dim3A_0 {strides = array<i32>} : memref<128x112xf32, #tpu.memory_space<vmem>>, vector<16xf32>,
      %swap3A_89 = arith.index_cast %scan3A_73 : i32 to index
      %swap3A_90 = arith.constant 80 : index
      %swap3A_91 = tpu.vector_load %arg15[%swap3A_89, %swap3A_90] {strides = array<i32>} : memref<128x112xf32, #tpu.memory_space<vmem>>, vector<16xf32>,
      tpu.vector_store %arg15[%swap3A_89, %swap3A_90], %broadcast_in_dim3A_0 {strides = array<i32>} : memref<128x112xf32, #tpu.memory_space<vmem>>, vector<16xf32>,
      %swap3A_92 = arith.index_cast %scan3A_73 : i32 to index
      %swap3A_93 = arith.constant 96 : index
      %swap3A_94 = tpu.vector_load %arg15[%swap3A_92, %swap3A_93] {strides = array<i32>} : memref<128x112xf32, #tpu.memory_space<vmem>>, vector<16xf32>,
      tpu.vector_store %arg15[%swap3A_92, %swap3A_93], %broadcast_in_dim3A_0 {strides = array<i32>} : memref<128x112xf32, #tpu.memory_space<vmem>>, vector<16xf32>,
      %scan3A_95 = arith.constant 0 : i32
      scf.yield %scan3A_95 : i32
    }
    %scan3A_42 = arith.constant 128 : i32
    %add3A_43 = arith.constant 0 : i32
    %add3A_44 = arith.addi %mul3A_1, %add3A_43 : i32
    "tpu.region"() ({
      %run_scoped3A = tpu.sem_alloc : memref<!tpu.dma_semaphore, #tpu.memory_space<semaphore_mem>>
      %dma_start3A = arith.constant 0 : i32
      %dma_start3A_73 = arith.constant 0 : i32
      %dma_start3A_74 = tpu.memref_slice %arg15[%dma_start3A, %dma_start3A_73] : memref<128x112xf32, #tpu.memory_space<vmem>> -> memref<128x112xf32, #tpu.memory_space<vmem>>
      %dma_start3A_75 = arith.constant 0 : i32
      %dma_start3A_76 = tpu.memref_slice %arg19[%add3A_44, %dma_start3A_75] : memref<10016x112xf32, #tpu.memory_space<vmem_shared>> -> memref<128x112xf32, #tpu.memory_space<vmem_shared>>
      %dma_start3A_77 = arith.constant 0 : i32
      %dma_start3A_78 = tpu.memref_slice %arg19[%add3A_44, %dma_start3A_77] : memref<10016x112xf32, #tpu.memory_space<vmem_shared>> -> memref<128x112xf32, #tpu.memory_space<vmem_shared>>
      %dma_start3A_79 = arith.constant 0 : i32
      %dma_start3A_80 = arith.constant 0 : i32
      %dma_start3A_81 = tpu.memref_slice %arg15[%dma_start3A_79, %dma_start3A_80] : memref<128x112xf32, #tpu.memory_space<vmem>> -> memref<128x112xf32, #tpu.memory_space<vmem>>
      tpu.enqueue_dma source(%dma_start3A_81 : memref<128x112xf32, #tpu.memory_space<vmem>>) target(%dma_start3A_78 : memref<128x112xf32, #tpu.memory_space<vmem_shared>>) target_semaphore(%run_scoped3A : memref<!tpu.dma_semaphore, #tpu.memory_space<semaphore_mem>>)
      %dma_wait3A = arith.constant 0 : i32
      %dma_wait3A_82 = arith.constant 0 : i32
      %dma_wait3A_83 = tpu.memref_slice %arg15[%dma_wait3A, %dma_wait3A_82] : memref<128x112xf32, #tpu.memory_space<vmem>> -> memref<128x112xf32, #tpu.memory_space<vmem>>
      %dma_wait3A_84 = arith.constant 0 : i32
      %dma_wait3A_85 = tpu.memref_slice %arg19[%add3A_44, %dma_wait3A_84] : memref<10016x112xf32, #tpu.memory_space<vmem_shared>> -> memref<128x112xf32, #tpu.memory_space<vmem_shared>>
      %dma_wait3A_86 = arith.constant 0 : i32
      %dma_wait3A_87 = tpu.memref_slice %arg19[%add3A_44, %dma_wait3A_86] : memref<10016x112xf32, #tpu.memory_space<vmem_shared>> -> memref<128x112xf32, #tpu.memory_space<vmem_shared>>
      %dma_wait3A_88 = arith.constant 0 : i32
      %dma_wait3A_89 = arith.constant 0 : i32
      %dma_wait3A_90 = tpu.memref_slice %arg15[%dma_wait3A_88, %dma_wait3A_89] : memref<128x112xf32, #tpu.memory_space<vmem>> -> memref<128x112xf32, #tpu.memory_space<vmem>>
      tpu.wait_dma2 semaphore(%run_scoped3A : memref<!tpu.dma_semaphore, #tpu.memory_space<semaphore_mem>>) src(%dma_wait3A_90 : memref<128x112xf32, #tpu.memory_space<vmem>>) dst(%dma_wait3A_87 : memref<128x112xf32, #tpu.memory_space<vmem_shared>>)
      tpu.yield
    }) : () -> ()
    %add3A_45 = arith.constant 128 : i32
    %add3A_46 = arith.addi %mul3A_1, %add3A_45 : i32
    "tpu.region"() ({
      %run_scoped3A = tpu.sem_alloc : memref<!tpu.dma_semaphore, #tpu.memory_space<semaphore_mem>>
      %dma_start3A = arith.constant 0 : i32
      %dma_start3A_73 = arith.constant 0 : i32
      %dma_start3A_74 = tpu.memref_slice %arg15[%dma_start3A, %dma_start3A_73] : memref<128x112xf32, #tpu.memory_space<vmem>> -> memref<128x112xf32, #tpu.memory_space<vmem>>
      %dma_start3A_75 = arith.constant 0 : i32
      %dma_start3A_76 = tpu.memref_slice %arg19[%add3A_46, %dma_start3A_75] : memref<10016x112xf32, #tpu.memory_space<vmem_shared>> -> memref<128x112xf32, #tpu.memory_space<vmem_shared>>
      %dma_start3A_77 = arith.constant 0 : i32
      %dma_start3A_78 = tpu.memref_slice %arg19[%add3A_46, %dma_start3A_77] : memref<10016x112xf32, #tpu.memory_space<vmem_shared>> -> memref<128x112xf32, #tpu.memory_space<vmem_shared>>
      %dma_start3A_79 = arith.constant 0 : i32
      %dma_start3A_80 = arith.constant 0 : i32
      %dma_start3A_81 = tpu.memref_slice %arg15[%dma_start3A_79, %dma_start3A_80] : memref<128x112xf32, #tpu.memory_space<vmem>> -> memref<128x112xf32, #tpu.memory_space<vmem>>
      tpu.enqueue_dma source(%dma_start3A_81 : memref<128x112xf32, #tpu.memory_space<vmem>>) target(%dma_start3A_78 : memref<128x112xf32, #tpu.memory_space<vmem_shared>>) target_semaphore(%run_scoped3A : memref<!tpu.dma_semaphore, #tpu.memory_space<semaphore_mem>>)
      %dma_wait3A = arith.constant 0 : i32
      %dma_wait3A_82 = arith.constant 0 : i32
      %dma_wait3A_83 = tpu.memref_slice %arg15[%dma_wait3A, %dma_wait3A_82] : memref<128x112xf32, #tpu.memory_space<vmem>> -> memref<128x112xf32, #tpu.memory_space<vmem>>
      %dma_wait3A_84 = arith.constant 0 : i32
      %dma_wait3A_85 = tpu.memref_slice %arg19[%add3A_46, %dma_wait3A_84] : memref<10016x112xf32, #tpu.memory_space<vmem_shared>> -> memref<128x112xf32, #tpu.memory_space<vmem_shared>>
      %dma_wait3A_86 = arith.constant 0 : i32
      %dma_wait3A_87 = tpu.memref_slice %arg19[%add3A_46, %dma_wait3A_86] : memref<10016x112xf32, #tpu.memory_space<vmem_shared>> -> memref<128x112xf32, #tpu.memory_space<vmem_shared>>
      %dma_wait3A_88 = arith.constant 0 : i32
      %dma_wait3A_89 = arith.constant 0 : i32
      %dma_wait3A_90 = tpu.memref_slice %arg15[%dma_wait3A_88, %dma_wait3A_89] : memref<128x112xf32, #tpu.memory_space<vmem>> -> memref<128x112xf32, #tpu.memory_space<vmem>>
      tpu.wait_dma2 semaphore(%run_scoped3A : memref<!tpu.dma_semaphore, #tpu.memory_space<semaphore_mem>>) src(%dma_wait3A_90 : memref<128x112xf32, #tpu.memory_space<vmem>>) dst(%dma_wait3A_87 : memref<128x112xf32, #tpu.memory_space<vmem_shared>>)
      tpu.yield
    }) : () -> ()
    %add3A_47 = arith.constant 256 : i32
    %add3A_48 = arith.addi %mul3A_1, %add3A_47 : i32
    "tpu.region"() ({
      %run_scoped3A = tpu.sem_alloc : memref<!tpu.dma_semaphore, #tpu.memory_space<semaphore_mem>>
      %dma_start3A = arith.constant 0 : i32
      %dma_start3A_73 = arith.constant 0 : i32
      %dma_start3A_74 = tpu.memref_slice %arg15[%dma_start3A, %dma_start3A_73] : memref<128x112xf32, #tpu.memory_space<vmem>> -> memref<128x112xf32, #tpu.memory_space<vmem>>
      %dma_start3A_75 = arith.constant 0 : i32
      %dma_start3A_76 = tpu.memref_slice %arg19[%add3A_48, %dma_start3A_75] : memref<10016x112xf32, #tpu.memory_space<vmem_shared>> -> memref<128x112xf32, #tpu.memory_space<vmem_shared>>
      %dma_start3A_77 = arith.constant 0 : i32
      %dma_start3A_78 = tpu.memref_slice %arg19[%add3A_48, %dma_start3A_77] : memref<10016x112xf32, #tpu.memory_space<vmem_shared>> -> memref<128x112xf32, #tpu.memory_space<vmem_shared>>
      %dma_start3A_79 = arith.constant 0 : i32
      %dma_start3A_80 = arith.constant 0 : i32
      %dma_start3A_81 = tpu.memref_slice %arg15[%dma_start3A_79, %dma_start3A_80] : memref<128x112xf32, #tpu.memory_space<vmem>> -> memref<128x112xf32, #tpu.memory_space<vmem>>
      tpu.enqueue_dma source(%dma_start3A_81 : memref<128x112xf32, #tpu.memory_space<vmem>>) target(%dma_start3A_78 : memref<128x112xf32, #tpu.memory_space<vmem_shared>>) target_semaphore(%run_scoped3A : memref<!tpu.dma_semaphore, #tpu.memory_space<semaphore_mem>>)
      %dma_wait3A = arith.constant 0 : i32
      %dma_wait3A_82 = arith.constant 0 : i32
      %dma_wait3A_83 = tpu.memref_slice %arg15[%dma_wait3A, %dma_wait3A_82] : memref<128x112xf32, #tpu.memory_space<vmem>> -> memref<128x112xf32, #tpu.memory_space<vmem>>
      %dma_wait3A_84 = arith.constant 0 : i32
      %dma_wait3A_85 = tpu.memref_slice %arg19[%add3A_48, %dma_wait3A_84] : memref<10016x112xf32, #tpu.memory_space<vmem_shared>> -> memref<128x112xf32, #tpu.memory_space<vmem_shared>>
      %dma_wait3A_86 = arith.constant 0 : i32
      %dma_wait3A_87 = tpu.memref_slice %arg19[%add3A_48, %dma_wait3A_86] : memref<10016x112xf32, #tpu.memory_space<vmem_shared>> -> memref<128x112xf32, #tpu.memory_space<vmem_shared>>
      %dma_wait3A_88 = arith.constant 0 : i32
      %dma_wait3A_89 = arith.constant 0 : i32
      %dma_wait3A_90 = tpu.memref_slice %arg15[%dma_wait3A_88, %dma_wait3A_89] : memref<128x112xf32, #tpu.memory_space<vmem>> -> memref<128x112xf32, #tpu.memory_space<vmem>>
      tpu.wait_dma2 semaphore(%run_scoped3A : memref<!tpu.dma_semaphore, #tpu.memory_space<semaphore_mem>>) src(%dma_wait3A_90 : memref<128x112xf32, #tpu.memory_space<vmem>>) dst(%dma_wait3A_87 : memref<128x112xf32, #tpu.memory_space<vmem_shared>>)
      tpu.yield
    }) : () -> ()
    %add3A_49 = arith.constant 384 : i32
    %add3A_50 = arith.addi %mul3A_1, %add3A_49 : i32
    "tpu.region"() ({
      %run_scoped3A = tpu.sem_alloc : memref<!tpu.dma_semaphore, #tpu.memory_space<semaphore_mem>>
      %dma_start3A = arith.constant 0 : i32
      %dma_start3A_73 = arith.constant 0 : i32
      %dma_start3A_74 = tpu.memref_slice %arg15[%dma_start3A, %dma_start3A_73] : memref<128x112xf32, #tpu.memory_space<vmem>> -> memref<128x112xf32, #tpu.memory_space<vmem>>
      %dma_start3A_75 = arith.constant 0 : i32
      %dma_start3A_76 = tpu.memref_slice %arg19[%add3A_50, %dma_start3A_75] : memref<10016x112xf32, #tpu.memory_space<vmem_shared>> -> memref<128x112xf32, #tpu.memory_space<vmem_shared>>
      %dma_start3A_77 = arith.constant 0 : i32
      %dma_start3A_78 = tpu.memref_slice %arg19[%add3A_50, %dma_start3A_77] : memref<10016x112xf32, #tpu.memory_space<vmem_shared>> -> memref<128x112xf32, #tpu.memory_space<vmem_shared>>
      %dma_start3A_79 = arith.constant 0 : i32
      %dma_start3A_80 = arith.constant 0 : i32
      %dma_start3A_81 = tpu.memref_slice %arg15[%dma_start3A_79, %dma_start3A_80] : memref<128x112xf32, #tpu.memory_space<vmem>> -> memref<128x112xf32, #tpu.memory_space<vmem>>
      tpu.enqueue_dma source(%dma_start3A_81 : memref<128x112xf32, #tpu.memory_space<vmem>>) target(%dma_start3A_78 : memref<128x112xf32, #tpu.memory_space<vmem_shared>>) target_semaphore(%run_scoped3A : memref<!tpu.dma_semaphore, #tpu.memory_space<semaphore_mem>>)
      %dma_wait3A = arith.constant 0 : i32
      %dma_wait3A_82 = arith.constant 0 : i32
      %dma_wait3A_83 = tpu.memref_slice %arg15[%dma_wait3A, %dma_wait3A_82] : memref<128x112xf32, #tpu.memory_space<vmem>> -> memref<128x112xf32, #tpu.memory_space<vmem>>
      %dma_wait3A_84 = arith.constant 0 : i32
      %dma_wait3A_85 = tpu.memref_slice %arg19[%add3A_50, %dma_wait3A_84] : memref<10016x112xf32, #tpu.memory_space<vmem_shared>> -> memref<128x112xf32, #tpu.memory_space<vmem_shared>>
      %dma_wait3A_86 = arith.constant 0 : i32
      %dma_wait3A_87 = tpu.memref_slice %arg19[%add3A_50, %dma_wait3A_86] : memref<10016x112xf32, #tpu.memory_space<vmem_shared>> -> memref<128x112xf32, #tpu.memory_space<vmem_shared>>
      %dma_wait3A_88 = arith.constant 0 : i32
      %dma_wait3A_89 = arith.constant 0 : i32
      %dma_wait3A_90 = tpu.memref_slice %arg15[%dma_wait3A_88, %dma_wait3A_89] : memref<128x112xf32, #tpu.memory_space<vmem>> -> memref<128x112xf32, #tpu.memory_space<vmem>>
      tpu.wait_dma2 semaphore(%run_scoped3A : memref<!tpu.dma_semaphore, #tpu.memory_space<semaphore_mem>>) src(%dma_wait3A_90 : memref<128x112xf32, #tpu.memory_space<vmem>>) dst(%dma_wait3A_87 : memref<128x112xf32, #tpu.memory_space<vmem_shared>>)
      tpu.yield
    }) : () -> ()
    %add3A_51 = arith.constant 512 : i32
    %add3A_52 = arith.addi %mul3A_1, %add3A_51 : i32
    "tpu.region"() ({
      %run_scoped3A = tpu.sem_alloc : memref<!tpu.dma_semaphore, #tpu.memory_space<semaphore_mem>>
      %dma_start3A = arith.constant 0 : i32
      %dma_start3A_73 = arith.constant 0 : i32
      %dma_start3A_74 = tpu.memref_slice %arg15[%dma_start3A, %dma_start3A_73] : memref<128x112xf32, #tpu.memory_space<vmem>> -> memref<114x112xf32, #tpu.memory_space<vmem>>
      %dma_start3A_75 = arith.constant 0 : i32
      %dma_start3A_76 = tpu.memref_slice %arg19[%add3A_52, %dma_start3A_75] : memref<10016x112xf32, #tpu.memory_space<vmem_shared>> -> memref<114x112xf32, #tpu.memory_space<vmem_shared>>
      %dma_start3A_77 = arith.constant 0 : i32
      %dma_start3A_78 = tpu.memref_slice %arg19[%add3A_52, %dma_start3A_77] : memref<10016x112xf32, #tpu.memory_space<vmem_shared>> -> memref<114x112xf32, #tpu.memory_space<vmem_shared>>
      %dma_start3A_79 = arith.constant 0 : i32
      %dma_start3A_80 = arith.constant 0 : i32
      %dma_start3A_81 = tpu.memref_slice %arg15[%dma_start3A_79, %dma_start3A_80] : memref<128x112xf32, #tpu.memory_space<vmem>> -> memref<114x112xf32, #tpu.memory_space<vmem>>
      tpu.enqueue_dma source(%dma_start3A_81 : memref<114x112xf32, #tpu.memory_space<vmem>>) target(%dma_start3A_78 : memref<114x112xf32, #tpu.memory_space<vmem_shared>>) target_semaphore(%run_scoped3A : memref<!tpu.dma_semaphore, #tpu.memory_space<semaphore_mem>>)
      %dma_wait3A = arith.constant 0 : i32
      %dma_wait3A_82 = arith.constant 0 : i32
      %dma_wait3A_83 = tpu.memref_slice %arg15[%dma_wait3A, %dma_wait3A_82] : memref<128x112xf32, #tpu.memory_space<vmem>> -> memref<114x112xf32, #tpu.memory_space<vmem>>
      %dma_wait3A_84 = arith.constant 0 : i32
      %dma_wait3A_85 = tpu.memref_slice %arg19[%add3A_52, %dma_wait3A_84] : memref<10016x112xf32, #tpu.memory_space<vmem_shared>> -> memref<114x112xf32, #tpu.memory_space<vmem_shared>>
      %dma_wait3A_86 = arith.constant 0 : i32
      %dma_wait3A_87 = tpu.memref_slice %arg19[%add3A_52, %dma_wait3A_86] : memref<10016x112xf32, #tpu.memory_space<vmem_shared>> -> memref<114x112xf32, #tpu.memory_space<vmem_shared>>
      %dma_wait3A_88 = arith.constant 0 : i32
      %dma_wait3A_89 = arith.constant 0 : i32
      %dma_wait3A_90 = tpu.memref_slice %arg15[%dma_wait3A_88, %dma_wait3A_89] : memref<128x112xf32, #tpu.memory_space<vmem>> -> memref<114x112xf32, #tpu.memory_space<vmem>>
      tpu.wait_dma2 semaphore(%run_scoped3A : memref<!tpu.dma_semaphore, #tpu.memory_space<semaphore_mem>>) src(%dma_wait3A_90 : memref<114x112xf32, #tpu.memory_space<vmem>>) dst(%dma_wait3A_87 : memref<114x112xf32, #tpu.memory_space<vmem_shared>>)
      tpu.yield
    }) : () -> ()
    %barrier3A_53 = arith.constant 0 : index
    tpu.barrier barrier_id(%barrier3A_53)
    %mul3A_54 = arith.constant 2 : i32
    %mul3A_55 = arith.muli %mul3A_54, %arg0 : i32
    %add3A_56 = arith.constant 1 : i32
    %add3A_57 = arith.addi %mul3A_55, %add3A_56 : i32
    %mul3A_58 = arith.constant 10016 : i32
    %mul3A_59 = arith.muli %add3A_57, %mul3A_58 : i32
    %scan3A_60 = arith.constant 0 : i32
    %scan3A_61 = arith.constant 0 : i32
    %scan3A_62 = arith.constant 162 : i32
    %scan3A_63 = arith.addi %scan3A_61, %scan3A_62 : i32
    %scan3A_64 = arith.constant 1 : i32
    %scan3A_65 = scf.for %scan3A_73 = %scan3A_61 to %scan3A_63 step %scan3A_64 iter_args(%scan3A_74 = %scan3A_60) -> (i32)  : i32 {
      %mul3A_75 = arith.constant 20736 : i32
      %mul3A_76 = arith.muli %arg1, %mul3A_75 : i32
      %mul3A_77 = arith.constant 128 : i32
      %mul3A_78 = arith.muli %scan3A_73, %mul3A_77 : i32
      %add3A_79 = arith.addi %mul3A_76, %mul3A_78 : i32
      "tpu.region"() ({
        %run_scoped3A = tpu.sem_alloc : memref<!tpu.dma_semaphore, #tpu.memory_space<semaphore_mem>>
        %dma_start3A_109 = tpu.memref_slice %arg4[%add3A_79] : memref<331776xi32, #tpu.memory_space<hbm>> -> memref<128xi32, #tpu.memory_space<hbm>>
        %dma_start3A_110 = tpu.memref_slice %arg4[%add3A_79] : memref<331776xi32, #tpu.memory_space<hbm>> -> memref<128xi32, #tpu.memory_space<hbm>>
        tpu.enqueue_dma source(%dma_start3A_110 : memref<128xi32, #tpu.memory_space<hbm>>) target(%arg8 : memref<128xi32, #tpu.memory_space<vmem>>) target_semaphore(%run_scoped3A : memref<!tpu.dma_semaphore, #tpu.memory_space<semaphore_mem>>)
        %dma_wait3A_111 = tpu.memref_slice %arg4[%add3A_79] : memref<331776xi32, #tpu.memory_space<hbm>> -> memref<128xi32, #tpu.memory_space<hbm>>
        %dma_wait3A_112 = tpu.memref_slice %arg4[%add3A_79] : memref<331776xi32, #tpu.memory_space<hbm>> -> memref<128xi32, #tpu.memory_space<hbm>>
        tpu.wait_dma2 semaphore(%run_scoped3A : memref<!tpu.dma_semaphore, #tpu.memory_space<semaphore_mem>>) src(%dma_wait3A_112 : memref<128xi32, #tpu.memory_space<hbm>>) dst(%arg8 : memref<128xi32, #tpu.memory_space<vmem>>)
        tpu.yield
      }) : () -> ()
      "tpu.region"() ({
        %run_scoped3A = tpu.sem_alloc : memref<!tpu.dma_semaphore, #tpu.memory_space<semaphore_mem>>
        %dma_start3A_109 = tpu.memref_slice %arg5[%add3A_79] : memref<331776xi32, #tpu.memory_space<hbm>> -> memref<128xi32, #tpu.memory_space<hbm>>
        %dma_start3A_110 = tpu.memref_slice %arg5[%add3A_79] : memref<331776xi32, #tpu.memory_space<hbm>> -> memref<128xi32, #tpu.memory_space<hbm>>
        tpu.enqueue_dma source(%dma_start3A_110 : memref<128xi32, #tpu.memory_space<hbm>>) target(%arg9 : memref<128xi32, #tpu.memory_space<vmem>>) target_semaphore(%run_scoped3A : memref<!tpu.dma_semaphore, #tpu.memory_space<semaphore_mem>>)
        %dma_wait3A_111 = tpu.memref_slice %arg5[%add3A_79] : memref<331776xi32, #tpu.memory_space<hbm>> -> memref<128xi32, #tpu.memory_space<hbm>>
        %dma_wait3A_112 = tpu.memref_slice %arg5[%add3A_79] : memref<331776xi32, #tpu.memory_space<hbm>> -> memref<128xi32, #tpu.memory_space<hbm>>
        tpu.wait_dma2 semaphore(%run_scoped3A : memref<!tpu.dma_semaphore, #tpu.memory_space<semaphore_mem>>) src(%dma_wait3A_112 : memref<128xi32, #tpu.memory_space<hbm>>) dst(%arg9 : memref<128xi32, #tpu.memory_space<vmem>>)
        tpu.yield
      }) : () -> ()
      %scan3A_80 = arith.constant 0 : i32
      %scan3A_81 = arith.constant 0 : i32
      %scan3A_82 = arith.constant 8 : i32
      %scan3A_83 = arith.addi %scan3A_81, %scan3A_82 : i32
      %scan3A_84 = arith.constant 1 : i32
      %scan3A_85 = scf.for %scan3A_109 = %scan3A_81 to %scan3A_83 step %scan3A_84 iter_args(%scan3A_110 = %scan3A_80) -> (i32)  : i32 {
        %mul3A_111 = arith.constant 16 : i32
        %mul3A_112 = arith.muli %scan3A_109, %mul3A_111 : i32
        %get3A = arith.index_cast %mul3A_112 : i32 to index
        %get3A_113 = tpu.vector_load %arg8[%get3A] {strides = array<i32>} : memref<128xi32, #tpu.memory_space<vmem>>, vector<16xi32>,
        %add3A_114 = vector.broadcast %mul3A_59 : i32 to vector<16xi32>
        %add3A_115 = arith.addi %get3A_113, %add3A_114 : vector<16xi32>
        %mul3A_116 = arith.constant 16 : i32
        %mul3A_117 = arith.muli %scan3A_109, %mul3A_116 : i32
        %swap3A = arith.index_cast %mul3A_117 : i32 to index
        %swap3A_118 = tpu.vector_load %arg10[%swap3A] {strides = array<i32>} : memref<128xi32, #tpu.memory_space<vmem>>, vector<16xi32>,
        tpu.vector_store %arg10[%swap3A], %add3A_115 {strides = array<i32>} : memref<128xi32, #tpu.memory_space<vmem>>, vector<16xi32>,
        %scan3A_119 = arith.constant 0 : i32
        scf.yield %scan3A_119 : i32
      }
      %scan3A_86 = arith.constant 8 : i32
      %dma_start3A = arith.constant 0 : i32
      %dma_start3A_87 = arith.constant 0 : i32
      %dma_start3A_88 = tpu.memref_slice %arg2[%dma_start3A, %dma_start3A_87] : memref<40064x96xf32, #tpu.memory_space<hbm>> -> memref<40064x96xf32, #tpu.memory_space<hbm>>
      tpu.enqueue_indirect_dma source(%dma_start3A_88 : memref<40064x96xf32, #tpu.memory_space<hbm>>) target(%arg14 : memref<128x96xf32, #tpu.memory_space<vmem>>) offsets(%arg10 : memref<128xi32, #tpu.memory_space<vmem>>) semaphore(%arg20 : memref<!tpu.dma_semaphore, #tpu.memory_space<semaphore_mem>>)
      %dma_start3A_89 = arith.constant 0 : i32
      %dma_start3A_90 = arith.constant 0 : i32
      %dma_start3A_91 = tpu.memref_slice %arg3[%dma_start3A_89, %dma_start3A_90] : memref<10016x16xf32, #tpu.memory_space<hbm>> -> memref<10016x16xf32, #tpu.memory_space<hbm>>
      tpu.enqueue_indirect_dma source(%dma_start3A_91 : memref<10016x16xf32, #tpu.memory_space<hbm>>) target(%arg11 : memref<128x16xf32, #tpu.memory_space<vmem>>) offsets(%arg8 : memref<128xi32, #tpu.memory_space<vmem>>) semaphore(%arg21 : memref<!tpu.dma_semaphore, #tpu.memory_space<semaphore_mem>>)
      %dma_start3A_92 = arith.constant 0 : i32
      %dma_start3A_93 = arith.constant 0 : i32
      %dma_start3A_94 = tpu.memref_slice %arg3[%dma_start3A_92, %dma_start3A_93] : memref<10016x16xf32, #tpu.memory_space<hbm>> -> memref<10016x16xf32, #tpu.memory_space<hbm>>
      tpu.enqueue_indirect_dma source(%dma_start3A_94 : memref<10016x16xf32, #tpu.memory_space<hbm>>) target(%arg12 : memref<128x16xf32, #tpu.memory_space<vmem>>) offsets(%arg9 : memref<128xi32, #tpu.memory_space<vmem>>) semaphore(%arg21 : memref<!tpu.dma_semaphore, #tpu.memory_space<semaphore_mem>>)
      "tpu.region"() ({
        %run_scoped3A = tpu.sem_alloc : memref<!tpu.dma_semaphore, #tpu.memory_space<semaphore_mem>>
        %dma_start3A_109 = arith.constant 0 : i32
        %dma_start3A_110 = tpu.memref_slice %arg6[%add3A_79, %dma_start3A_109] : memref<331776x3xf32, #tpu.memory_space<hbm>> -> memref<128x3xf32, #tpu.memory_space<hbm>>
        %dma_start3A_111 = arith.constant 0 : i32
        %dma_start3A_112 = tpu.memref_slice %arg6[%add3A_79, %dma_start3A_111] : memref<331776x3xf32, #tpu.memory_space<hbm>> -> memref<128x3xf32, #tpu.memory_space<hbm>>
        tpu.enqueue_dma source(%dma_start3A_112 : memref<128x3xf32, #tpu.memory_space<hbm>>) target(%arg13 : memref<128x3xf32, #tpu.memory_space<vmem>>) target_semaphore(%run_scoped3A : memref<!tpu.dma_semaphore, #tpu.memory_space<semaphore_mem>>)
        %dma_wait3A_113 = arith.constant 0 : i32
        %dma_wait3A_114 = tpu.memref_slice %arg6[%add3A_79, %dma_wait3A_113] : memref<331776x3xf32, #tpu.memory_space<hbm>> -> memref<128x3xf32, #tpu.memory_space<hbm>>
        %dma_wait3A_115 = arith.constant 0 : i32
        %dma_wait3A_116 = tpu.memref_slice %arg6[%add3A_79, %dma_wait3A_115] : memref<331776x3xf32, #tpu.memory_space<hbm>> -> memref<128x3xf32, #tpu.memory_space<hbm>>
        tpu.wait_dma2 semaphore(%run_scoped3A : memref<!tpu.dma_semaphore, #tpu.memory_space<semaphore_mem>>) src(%dma_wait3A_116 : memref<128x3xf32, #tpu.memory_space<hbm>>) dst(%arg13 : memref<128x3xf32, #tpu.memory_space<vmem>>)
        tpu.yield
      }) : () -> ()
      %dma_wait3A = arith.constant 0 : i32
      %dma_wait3A_95 = arith.constant 0 : i32
      %dma_wait3A_96 = tpu.memref_slice %arg3[%dma_wait3A, %dma_wait3A_95] : memref<10016x16xf32, #tpu.memory_space<hbm>> -> memref<10016x16xf32, #tpu.memory_space<hbm>>
      tpu.wait_indirect_dma semaphore(%arg21 : memref<!tpu.dma_semaphore, #tpu.memory_space<semaphore_mem>>) src(%dma_wait3A_96 : memref<10016x16xf32, #tpu.memory_space<hbm>>) dst(%arg11 : memref<128x16xf32, #tpu.memory_space<vmem>>)
      %dma_wait3A_97 = arith.constant 0 : i32
      %dma_wait3A_98 = arith.constant 0 : i32
      %dma_wait3A_99 = tpu.memref_slice %arg3[%dma_wait3A_97, %dma_wait3A_98] : memref<10016x16xf32, #tpu.memory_space<hbm>> -> memref<10016x16xf32, #tpu.memory_space<hbm>>
      tpu.wait_indirect_dma semaphore(%arg21 : memref<!tpu.dma_semaphore, #tpu.memory_space<semaphore_mem>>) src(%dma_wait3A_99 : memref<10016x16xf32, #tpu.memory_space<hbm>>) dst(%arg12 : memref<128x16xf32, #tpu.memory_space<vmem>>)
      %parallel_loop3A = arith.constant 0 : i32
      %parallel_loop3A_100 = arith.constant 8 : i32
      %parallel_loop3A_101 = arith.constant 1 : i32
      scf.for %parallel_loop3A_109 = %parallel_loop3A to %parallel_loop3A_100 step %parallel_loop3A_101  : i32 {
        %parallel_loop3A_110 = arith.constant 16 : i32
        %parallel_loop3A_111 = arith.muli %parallel_loop3A_109, %parallel_loop3A_110 : i32
        %parallel_loop3A_112 = vector.broadcast %parallel_loop3A_111 : i32 to vector<16xi32>
        %parallel_loop3A_113 = arith.addi %iota3A, %parallel_loop3A_112 : vector<16xi32>
        %parallel_loop3A_114 = arith.constant 0 : i32
        %parallel_loop3A_115 = vector.broadcast %parallel_loop3A_114 : i32 to vector<16xi32>
        %parallel_loop3A_116 = tpu.vector_load_idx %arg11[%parallel_loop3A_113, %parallel_loop3A_115] : memref<128x16xf32, #tpu.memory_space<vmem>>[vector<16xi32>, vector<16xi32>], vector<16xf32>,
        %parallel_loop3A_117 = arith.constant 3 : i32
        %parallel_loop3A_118 = vector.broadcast %parallel_loop3A_117 : i32 to vector<16xi32>
        %parallel_loop3A_119 = arith.addi %parallel_loop3A_115, %parallel_loop3A_118 : vector<16xi32>
        %parallel_loop3A_120 = tpu.vector_load_idx %arg12[%parallel_loop3A_113, %parallel_loop3A_119] : memref<128x16xf32, #tpu.memory_space<vmem>>[vector<16xi32>, vector<16xi32>], vector<16xf32>,
        %parallel_loop3A_121 = arith.constant 6 : i32
        %parallel_loop3A_122 = vector.broadcast %parallel_loop3A_121 : i32 to vector<16xi32>
        %parallel_loop3A_123 = arith.addi %parallel_loop3A_115, %parallel_loop3A_122 : vector<16xi32>
        %parallel_loop3A_124 = tpu.vector_load_idx %arg12[%parallel_loop3A_113, %parallel_loop3A_123] : memref<128x16xf32, #tpu.memory_space<vmem>>[vector<16xi32>, vector<16xi32>], vector<16xf32>,
        %parallel_loop3A_125 = tpu.vector_load_idx %arg13[%parallel_loop3A_113, %parallel_loop3A_115] : memref<128x3xf32, #tpu.memory_space<vmem>>[vector<16xi32>, vector<16xi32>], vector<16xf32>,
        %parallel_loop3A_126 = arith.addf %parallel_loop3A_116, %parallel_loop3A_120 : vector<16xf32>
        %parallel_loop3A_127 = arith.addf %parallel_loop3A_126, %parallel_loop3A_125 : vector<16xf32>
        %parallel_loop3A_128 = arith.constant 2.000000e-01 : f32
        %parallel_loop3A_129 = vector.broadcast %parallel_loop3A_128 : f32 to vector<16xf32>
        %parallel_loop3A_130 = arith.mulf %parallel_loop3A_129, %parallel_loop3A_127 : vector<16xf32>
        %parallel_loop3A_131 = arith.maximumf %parallel_loop3A_127, %parallel_loop3A_130 : vector<16xf32>
        %parallel_loop3A_132 = arith.subf %parallel_loop3A_131, %parallel_loop3A_124 : vector<16xf32>
        %parallel_loop3A_133 = math.exp %parallel_loop3A_132 : vector<16xf32>
        %parallel_loop3A_134 = arith.constant 16 : i32
        %parallel_loop3A_135 = arith.muli %parallel_loop3A_109, %parallel_loop3A_134 : i32
        %parallel_loop3A_136 = arith.index_cast %parallel_loop3A_135 : i32 to index
        %parallel_loop3A_137 = tpu.vector_load %arg16[%parallel_loop3A_136] {strides = array<i32>} : memref<128xf32, #tpu.memory_space<vmem>>, vector<16xf32>,
        tpu.vector_store %arg16[%parallel_loop3A_136], %parallel_loop3A_133 {strides = array<i32>} : memref<128xf32, #tpu.memory_space<vmem>>, vector<16xf32>,
        %parallel_loop3A_138 = arith.constant 1 : i32
        %parallel_loop3A_139 = vector.broadcast %parallel_loop3A_138 : i32 to vector<16xi32>
        %parallel_loop3A_140 = tpu.vector_load_idx %arg11[%parallel_loop3A_113, %parallel_loop3A_139] : memref<128x16xf32, #tpu.memory_space<vmem>>[vector<16xi32>, vector<16xi32>], vector<16xf32>,
        %parallel_loop3A_141 = arith.constant 3 : i32
        %parallel_loop3A_142 = vector.broadcast %parallel_loop3A_141 : i32 to vector<16xi32>
        %parallel_loop3A_143 = arith.addi %parallel_loop3A_139, %parallel_loop3A_142 : vector<16xi32>
        %parallel_loop3A_144 = tpu.vector_load_idx %arg12[%parallel_loop3A_113, %parallel_loop3A_143] : memref<128x16xf32, #tpu.memory_space<vmem>>[vector<16xi32>, vector<16xi32>], vector<16xf32>,
        %parallel_loop3A_145 = arith.constant 6 : i32
        %parallel_loop3A_146 = vector.broadcast %parallel_loop3A_145 : i32 to vector<16xi32>
        %parallel_loop3A_147 = arith.addi %parallel_loop3A_139, %parallel_loop3A_146 : vector<16xi32>
        %parallel_loop3A_148 = tpu.vector_load_idx %arg12[%parallel_loop3A_113, %parallel_loop3A_147] : memref<128x16xf32, #tpu.memory_space<vmem>>[vector<16xi32>, vector<16xi32>], vector<16xf32>,
        %parallel_loop3A_149 = tpu.vector_load_idx %arg13[%parallel_loop3A_113, %parallel_loop3A_139] : memref<128x3xf32, #tpu.memory_space<vmem>>[vector<16xi32>, vector<16xi32>], vector<16xf32>,
        %parallel_loop3A_150 = arith.addf %parallel_loop3A_140, %parallel_loop3A_144 : vector<16xf32>
        %parallel_loop3A_151 = arith.addf %parallel_loop3A_150, %parallel_loop3A_149 : vector<16xf32>
        %parallel_loop3A_152 = arith.constant 2.000000e-01 : f32
        %parallel_loop3A_153 = vector.broadcast %parallel_loop3A_152 : f32 to vector<16xf32>
        %parallel_loop3A_154 = arith.mulf %parallel_loop3A_153, %parallel_loop3A_151 : vector<16xf32>
        %parallel_loop3A_155 = arith.maximumf %parallel_loop3A_151, %parallel_loop3A_154 : vector<16xf32>
        %parallel_loop3A_156 = arith.subf %parallel_loop3A_155, %parallel_loop3A_148 : vector<16xf32>
        %parallel_loop3A_157 = math.exp %parallel_loop3A_156 : vector<16xf32>
        %parallel_loop3A_158 = arith.constant 16 : i32
        %parallel_loop3A_159 = arith.muli %parallel_loop3A_109, %parallel_loop3A_158 : i32
        %parallel_loop3A_160 = arith.index_cast %parallel_loop3A_159 : i32 to index
        %parallel_loop3A_161 = tpu.vector_load %arg17[%parallel_loop3A_160] {strides = array<i32>} : memref<128xf32, #tpu.memory_space<vmem>>, vector<16xf32>,
        tpu.vector_store %arg17[%parallel_loop3A_160], %parallel_loop3A_157 {strides = array<i32>} : memref<128xf32, #tpu.memory_space<vmem>>, vector<16xf32>,
        %parallel_loop3A_162 = arith.constant 2 : i32
        %parallel_loop3A_163 = vector.broadcast %parallel_loop3A_162 : i32 to vector<16xi32>
        %parallel_loop3A_164 = tpu.vector_load_idx %arg11[%parallel_loop3A_113, %parallel_loop3A_163] : memref<128x16xf32, #tpu.memory_space<vmem>>[vector<16xi32>, vector<16xi32>], vector<16xf32>,
        %parallel_loop3A_165 = arith.constant 3 : i32
        %parallel_loop3A_166 = vector.broadcast %parallel_loop3A_165 : i32 to vector<16xi32>
        %parallel_loop3A_167 = arith.addi %parallel_loop3A_163, %parallel_loop3A_166 : vector<16xi32>
        %parallel_loop3A_168 = tpu.vector_load_idx %arg12[%parallel_loop3A_113, %parallel_loop3A_167] : memref<128x16xf32, #tpu.memory_space<vmem>>[vector<16xi32>, vector<16xi32>], vector<16xf32>,
        %parallel_loop3A_169 = arith.constant 6 : i32
        %parallel_loop3A_170 = vector.broadcast %parallel_loop3A_169 : i32 to vector<16xi32>
        %parallel_loop3A_171 = arith.addi %parallel_loop3A_163, %parallel_loop3A_170 : vector<16xi32>
        %parallel_loop3A_172 = tpu.vector_load_idx %arg12[%parallel_loop3A_113, %parallel_loop3A_171] : memref<128x16xf32, #tpu.memory_space<vmem>>[vector<16xi32>, vector<16xi32>], vector<16xf32>,
        %parallel_loop3A_173 = tpu.vector_load_idx %arg13[%parallel_loop3A_113, %parallel_loop3A_163] : memref<128x3xf32, #tpu.memory_space<vmem>>[vector<16xi32>, vector<16xi32>], vector<16xf32>,
        %parallel_loop3A_174 = arith.addf %parallel_loop3A_164, %parallel_loop3A_168 : vector<16xf32>
        %parallel_loop3A_175 = arith.addf %parallel_loop3A_174, %parallel_loop3A_173 : vector<16xf32>
        %parallel_loop3A_176 = arith.constant 2.000000e-01 : f32
        %parallel_loop3A_177 = vector.broadcast %parallel_loop3A_176 : f32 to vector<16xf32>
        %parallel_loop3A_178 = arith.mulf %parallel_loop3A_177, %parallel_loop3A_175 : vector<16xf32>
        %parallel_loop3A_179 = arith.maximumf %parallel_loop3A_175, %parallel_loop3A_178 : vector<16xf32>
        %parallel_loop3A_180 = arith.subf %parallel_loop3A_179, %parallel_loop3A_172 : vector<16xf32>
        %parallel_loop3A_181 = math.exp %parallel_loop3A_180 : vector<16xf32>
        %parallel_loop3A_182 = arith.constant 16 : i32
        %parallel_loop3A_183 = arith.muli %parallel_loop3A_109, %parallel_loop3A_182 : i32
        %parallel_loop3A_184 = arith.index_cast %parallel_loop3A_183 : i32 to index
        %parallel_loop3A_185 = tpu.vector_load %arg18[%parallel_loop3A_184] {strides = array<i32>} : memref<128xf32, #tpu.memory_space<vmem>>, vector<16xf32>,
        tpu.vector_store %arg18[%parallel_loop3A_184], %parallel_loop3A_181 {strides = array<i32>} : memref<128xf32, #tpu.memory_space<vmem>>, vector<16xf32>,
      } {sc.loop_unroll_factor = 2 : i64, sc.parallel_access}
      %dma_wait3A_102 = arith.constant 0 : i32
      %dma_wait3A_103 = arith.constant 0 : i32
      %dma_wait3A_104 = tpu.memref_slice %arg2[%dma_wait3A_102, %dma_wait3A_103] : memref<40064x96xf32, #tpu.memory_space<hbm>> -> memref<40064x96xf32, #tpu.memory_space<hbm>>
      tpu.wait_indirect_dma semaphore(%arg20 : memref<!tpu.dma_semaphore, #tpu.memory_space<semaphore_mem>>) src(%dma_wait3A_104 : memref<40064x96xf32, #tpu.memory_space<hbm>>) dst(%arg14 : memref<128x96xf32, #tpu.memory_space<vmem>>)
      %parallel_loop3A_105 = arith.constant 0 : i32
      %parallel_loop3A_106 = arith.constant 128 : i32
      %parallel_loop3A_107 = arith.constant 1 : i32
      scf.for %parallel_loop3A_109 = %parallel_loop3A_105 to %parallel_loop3A_106 step %parallel_loop3A_107  : i32 {
        %parallel_loop3A_110 = vector.broadcast %parallel_loop3A_109 : i32 to vector<16xi32>
        %parallel_loop3A_111 = tpu.vector_load_idx %arg16[%parallel_loop3A_110] : memref<128xf32, #tpu.memory_space<vmem>>[vector<16xi32>], vector<16xf32>,
        %parallel_loop3A_112 = tpu.vector_load_idx %arg17[%parallel_loop3A_110] : memref<128xf32, #tpu.memory_space<vmem>>[vector<16xi32>], vector<16xf32>,
        %parallel_loop3A_113 = tpu.vector_load_idx %arg18[%parallel_loop3A_110] : memref<128xf32, #tpu.memory_space<vmem>>[vector<16xi32>], vector<16xf32>,
        %parallel_loop3A_114 = arith.constant 0 : i32
        %parallel_loop3A_115 = vector.broadcast %parallel_loop3A_114 : i32 to vector<16xi32>
        %parallel_loop3A_116 = arith.cmpi eq, %iota3A, %parallel_loop3A_115 : vector<16xi32>
        %parallel_loop3A_117 = arith.constant 1 : i32
        %parallel_loop3A_118 = vector.broadcast %parallel_loop3A_117 : i32 to vector<16xi32>
        %parallel_loop3A_119 = arith.cmpi eq, %iota3A, %parallel_loop3A_118 : vector<16xi32>
        %parallel_loop3A_120 = arith.constant 2 : i32
        %parallel_loop3A_121 = vector.broadcast %parallel_loop3A_120 : i32 to vector<16xi32>
        %parallel_loop3A_122 = arith.cmpi eq, %iota3A, %parallel_loop3A_121 : vector<16xi32>
        %parallel_loop3A_123 = arith.constant 0.000000e+00 : f32
        %parallel_loop3A_124 = vector.broadcast %parallel_loop3A_123 : f32 to vector<16xf32>
        %parallel_loop3A_125 = arith.select %parallel_loop3A_122, %parallel_loop3A_113, %parallel_loop3A_124 : vector<16xi1>, vector<16xf32>
        %parallel_loop3A_126 = arith.select %parallel_loop3A_119, %parallel_loop3A_112, %parallel_loop3A_125 : vector<16xi1>, vector<16xf32>
        %parallel_loop3A_127 = arith.select %parallel_loop3A_116, %parallel_loop3A_111, %parallel_loop3A_126 : vector<16xi1>, vector<16xf32>
        %parallel_loop3A_128 = arith.index_cast %parallel_loop3A_109 : i32 to index
        %parallel_loop3A_129 = arith.constant 96 : index
        %parallel_loop3A_130 = tpu.vector_load %arg15[%parallel_loop3A_128, %parallel_loop3A_129] {strides = array<i32>} : memref<128x112xf32, #tpu.memory_space<vmem>>, vector<16xf32>,
        tpu.vector_store %arg15[%parallel_loop3A_128, %parallel_loop3A_129], %parallel_loop3A_127 {strides = array<i32>} : memref<128x112xf32, #tpu.memory_space<vmem>>, vector<16xf32>,
        %parallel_loop3A_131 = arith.constant 0 : i32
        %parallel_loop3A_132 = arith.cmpi eq, %arg0, %parallel_loop3A_131 : i32
        %parallel_loop3A_133 = arith.select %parallel_loop3A_132, %parallel_loop3A_111, %parallel_loop3A_113 : vector<16xf32>
        %parallel_loop3A_134 = arith.index_cast %parallel_loop3A_109 : i32 to index
        %parallel_loop3A_135 = arith.constant 0 : index
        %parallel_loop3A_136 = tpu.vector_load %arg14[%parallel_loop3A_134, %parallel_loop3A_135] {strides = array<i32>} : memref<128x96xf32, #tpu.memory_space<vmem>>, vector<16xf32>,
        %parallel_loop3A_137 = arith.mulf %parallel_loop3A_136, %parallel_loop3A_133 : vector<16xf32>
        %parallel_loop3A_138 = arith.index_cast %parallel_loop3A_109 : i32 to index
        %parallel_loop3A_139 = arith.constant 0 : index
        %parallel_loop3A_140 = tpu.vector_load %arg15[%parallel_loop3A_138, %parallel_loop3A_139] {strides = array<i32>} : memref<128x112xf32, #tpu.memory_space<vmem>>, vector<16xf32>,
        tpu.vector_store %arg15[%parallel_loop3A_138, %parallel_loop3A_139], %parallel_loop3A_137 {strides = array<i32>} : memref<128x112xf32, #tpu.memory_space<vmem>>, vector<16xf32>,
        %parallel_loop3A_141 = arith.constant 0 : i32
        %parallel_loop3A_142 = arith.cmpi eq, %arg0, %parallel_loop3A_141 : i32
        %parallel_loop3A_143 = arith.select %parallel_loop3A_142, %parallel_loop3A_111, %parallel_loop3A_113 : vector<16xf32>
        %parallel_loop3A_144 = arith.index_cast %parallel_loop3A_109 : i32 to index
        %parallel_loop3A_145 = arith.constant 16 : index
        %parallel_loop3A_146 = tpu.vector_load %arg14[%parallel_loop3A_144, %parallel_loop3A_145] {strides = array<i32>} : memref<128x96xf32, #tpu.memory_space<vmem>>, vector<16xf32>,
        %parallel_loop3A_147 = arith.mulf %parallel_loop3A_146, %parallel_loop3A_143 : vector<16xf32>
        %parallel_loop3A_148 = arith.index_cast %parallel_loop3A_109 : i32 to index
        %parallel_loop3A_149 = arith.constant 16 : index
        %parallel_loop3A_150 = tpu.vector_load %arg15[%parallel_loop3A_148, %parallel_loop3A_149] {strides = array<i32>} : memref<128x112xf32, #tpu.memory_space<vmem>>, vector<16xf32>,
        tpu.vector_store %arg15[%parallel_loop3A_148, %parallel_loop3A_149], %parallel_loop3A_147 {strides = array<i32>} : memref<128x112xf32, #tpu.memory_space<vmem>>, vector<16xf32>,
        %parallel_loop3A_151 = arith.constant 0 : i32
        %parallel_loop3A_152 = arith.cmpi eq, %arg0, %parallel_loop3A_151 : i32
        %parallel_loop3A_153 = arith.select %parallel_loop3A_152, %parallel_loop3A_112, %parallel_loop3A_113 : vector<16xf32>
        %parallel_loop3A_154 = arith.index_cast %parallel_loop3A_109 : i32 to index
        %parallel_loop3A_155 = arith.constant 32 : index
        %parallel_loop3A_156 = tpu.vector_load %arg14[%parallel_loop3A_154, %parallel_loop3A_155] {strides = array<i32>} : memref<128x96xf32, #tpu.memory_space<vmem>>, vector<16xf32>,
        %parallel_loop3A_157 = arith.mulf %parallel_loop3A_156, %parallel_loop3A_153 : vector<16xf32>
        %parallel_loop3A_158 = arith.index_cast %parallel_loop3A_109 : i32 to index
        %parallel_loop3A_159 = arith.constant 32 : index
        %parallel_loop3A_160 = tpu.vector_load %arg15[%parallel_loop3A_158, %parallel_loop3A_159] {strides = array<i32>} : memref<128x112xf32, #tpu.memory_space<vmem>>, vector<16xf32>,
        tpu.vector_store %arg15[%parallel_loop3A_158, %parallel_loop3A_159], %parallel_loop3A_157 {strides = array<i32>} : memref<128x112xf32, #tpu.memory_space<vmem>>, vector<16xf32>,
        %parallel_loop3A_161 = arith.constant 0 : i32
        %parallel_loop3A_162 = arith.cmpi eq, %arg0, %parallel_loop3A_161 : i32
        %parallel_loop3A_163 = arith.select %parallel_loop3A_162, %parallel_loop3A_112, %parallel_loop3A_113 : vector<16xf32>
        %parallel_loop3A_164 = arith.index_cast %parallel_loop3A_109 : i32 to index
        %parallel_loop3A_165 = arith.constant 48 : index
        %parallel_loop3A_166 = tpu.vector_load %arg14[%parallel_loop3A_164, %parallel_loop3A_165] {strides = array<i32>} : memref<128x96xf32, #tpu.memory_space<vmem>>, vector<16xf32>,
        %parallel_loop3A_167 = arith.mulf %parallel_loop3A_166, %parallel_loop3A_163 : vector<16xf32>
        %parallel_loop3A_168 = arith.index_cast %parallel_loop3A_109 : i32 to index
        %parallel_loop3A_169 = arith.constant 48 : index
        %parallel_loop3A_170 = tpu.vector_load %arg15[%parallel_loop3A_168, %parallel_loop3A_169] {strides = array<i32>} : memref<128x112xf32, #tpu.memory_space<vmem>>, vector<16xf32>,
        tpu.vector_store %arg15[%parallel_loop3A_168, %parallel_loop3A_169], %parallel_loop3A_167 {strides = array<i32>} : memref<128x112xf32, #tpu.memory_space<vmem>>, vector<16xf32>,
        %parallel_loop3A_171 = arith.constant 0 : i32
        %parallel_loop3A_172 = arith.cmpi eq, %arg0, %parallel_loop3A_171 : i32
        %parallel_loop3A_173 = arith.select %parallel_loop3A_172, %parallel_loop3A_112, %parallel_loop3A_113 : vector<16xf32>
        %parallel_loop3A_174 = arith.index_cast %parallel_loop3A_109 : i32 to index
        %parallel_loop3A_175 = arith.constant 64 : index
        %parallel_loop3A_176 = tpu.vector_load %arg14[%parallel_loop3A_174, %parallel_loop3A_175] {strides = array<i32>} : memref<128x96xf32, #tpu.memory_space<vmem>>, vector<16xf32>,
        %parallel_loop3A_177 = arith.mulf %parallel_loop3A_176, %parallel_loop3A_173 : vector<16xf32>
        %parallel_loop3A_178 = arith.index_cast %parallel_loop3A_109 : i32 to index
        %parallel_loop3A_179 = arith.constant 64 : index
        %parallel_loop3A_180 = tpu.vector_load %arg15[%parallel_loop3A_178, %parallel_loop3A_179] {strides = array<i32>} : memref<128x112xf32, #tpu.memory_space<vmem>>, vector<16xf32>,
        tpu.vector_store %arg15[%parallel_loop3A_178, %parallel_loop3A_179], %parallel_loop3A_177 {strides = array<i32>} : memref<128x112xf32, #tpu.memory_space<vmem>>, vector<16xf32>,
        %parallel_loop3A_181 = arith.constant 0 : i32
        %parallel_loop3A_182 = arith.cmpi eq, %arg0, %parallel_loop3A_181 : i32
        %parallel_loop3A_183 = arith.select %parallel_loop3A_182, %parallel_loop3A_112, %parallel_loop3A_113 : vector<16xf32>
        %parallel_loop3A_184 = arith.index_cast %parallel_loop3A_109 : i32 to index
        %parallel_loop3A_185 = arith.constant 80 : index
        %parallel_loop3A_186 = tpu.vector_load %arg14[%parallel_loop3A_184, %parallel_loop3A_185] {strides = array<i32>} : memref<128x96xf32, #tpu.memory_space<vmem>>, vector<16xf32>,
        %parallel_loop3A_187 = arith.mulf %parallel_loop3A_186, %parallel_loop3A_183 : vector<16xf32>
        %parallel_loop3A_188 = arith.index_cast %parallel_loop3A_109 : i32 to index
        %parallel_loop3A_189 = arith.constant 80 : index
        %parallel_loop3A_190 = tpu.vector_load %arg15[%parallel_loop3A_188, %parallel_loop3A_189] {strides = array<i32>} : memref<128x112xf32, #tpu.memory_space<vmem>>, vector<16xf32>,
        tpu.vector_store %arg15[%parallel_loop3A_188, %parallel_loop3A_189], %parallel_loop3A_187 {strides = array<i32>} : memref<128x112xf32, #tpu.memory_space<vmem>>, vector<16xf32>,
      } {sc.loop_unroll_factor = 4 : i64, sc.parallel_access}
      "tpu.region"() ({
        %run_scoped3A = tpu.sem_alloc : memref<!tpu.dma_semaphore, #tpu.memory_space<semaphore_mem>>
        %dma_start3A_109 = arith.constant 0 : i32
        %dma_start3A_110 = arith.constant 0 : i32
        %dma_start3A_111 = tpu.memref_slice %arg19[%dma_start3A_109, %dma_start3A_110] : memref<10016x112xf32, #tpu.memory_space<vmem_shared>> -> memref<10016x112xf32, #tpu.memory_space<vmem_shared>>
        tpu.enqueue_indirect_dma source(%arg15 : memref<128x112xf32, #tpu.memory_space<vmem>>) target(%dma_start3A_111 : memref<10016x112xf32, #tpu.memory_space<vmem_shared>>) offsets(%arg9 : memref<128xi32, #tpu.memory_space<vmem>>) semaphore(%run_scoped3A : memref<!tpu.dma_semaphore, #tpu.memory_space<semaphore_mem>>) {add = true}
        %dma_wait3A_112 = arith.constant 0 : i32
        %dma_wait3A_113 = arith.constant 0 : i32
        %dma_wait3A_114 = tpu.memref_slice %arg19[%dma_wait3A_112, %dma_wait3A_113] : memref<10016x112xf32, #tpu.memory_space<vmem_shared>> -> memref<10016x112xf32, #tpu.memory_space<vmem_shared>>
        tpu.wait_indirect_dma semaphore(%run_scoped3A : memref<!tpu.dma_semaphore, #tpu.memory_space<semaphore_mem>>) src(%arg15 : memref<128x112xf32, #tpu.memory_space<vmem>>) dst(%dma_wait3A_114 : memref<10016x112xf32, #tpu.memory_space<vmem_shared>>)
        tpu.yield
      }) : () -> ()
      %scan3A_108 = arith.constant 0 : i32
      scf.yield %scan3A_108 : i32
    }
    %scan3A_66 = arith.constant 162 : i32
    %barrier3A_67 = arith.constant 0 : index
    tpu.barrier barrier_id(%barrier3A_67)
    %mul3A_68 = arith.constant 2 : i32
    %mul3A_69 = arith.muli %mul3A_68, %arg0 : i32
    %add3A_70 = arith.constant 1 : i32
    %add3A_71 = arith.addi %mul3A_69, %add3A_70 : i32
    "tpu.region"() ({
      %run_scoped3A = tpu.sem_alloc : memref<!tpu.dma_semaphore, #tpu.memory_space<semaphore_mem>>
      %dma_start3A = arith.constant 0 : i32
      %dma_start3A_73 = tpu.memref_slice %arg7[%add3A_71, %mul3A_1, %dma_start3A] : memref<4x10016x112xf32, #tpu.memory_space<hbm>> -> memref<1x626x112xf32, #tpu.memory_space<hbm>>
      %dma_start3A_74 = tpu.memref_squeeze %dma_start3A_73 : memref<1x626x112xf32, #tpu.memory_space<hbm>> -> memref<626x112xf32, #tpu.memory_space<hbm>>
      %dma_start3A_75 = arith.constant 0 : i32
      %dma_start3A_76 = tpu.memref_slice %arg19[%mul3A_1, %dma_start3A_75] : memref<10016x112xf32, #tpu.memory_space<vmem_shared>> -> memref<626x112xf32, #tpu.memory_space<vmem_shared>>
      tpu.enqueue_dma source(%dma_start3A_76 : memref<626x112xf32, #tpu.memory_space<vmem_shared>>) target(%dma_start3A_74 : memref<626x112xf32, #tpu.memory_space<hbm>>) target_semaphore(%run_scoped3A : memref<!tpu.dma_semaphore, #tpu.memory_space<semaphore_mem>>)
      %dma_wait3A = arith.constant 0 : i32
      %dma_wait3A_77 = tpu.memref_slice %arg7[%add3A_71, %mul3A_1, %dma_wait3A] : memref<4x10016x112xf32, #tpu.memory_space<hbm>> -> memref<1x626x112xf32, #tpu.memory_space<hbm>>
      %dma_wait3A_78 = tpu.memref_squeeze %dma_wait3A_77 : memref<1x626x112xf32, #tpu.memory_space<hbm>> -> memref<626x112xf32, #tpu.memory_space<hbm>>
      %dma_wait3A_79 = arith.constant 0 : i32
      %dma_wait3A_80 = tpu.memref_slice %arg19[%mul3A_1, %dma_wait3A_79] : memref<10016x112xf32, #tpu.memory_space<vmem_shared>> -> memref<626x112xf32, #tpu.memory_space<vmem_shared>>
      tpu.wait_dma2 semaphore(%run_scoped3A : memref<!tpu.dma_semaphore, #tpu.memory_space<semaphore_mem>>) src(%dma_wait3A_80 : memref<626x112xf32, #tpu.memory_space<vmem_shared>>) dst(%dma_wait3A_78 : memref<626x112xf32, #tpu.memory_space<hbm>>)
      tpu.yield
    }) : () -> ()
    %barrier3A_72 = arith.constant 0 : index
    tpu.barrier barrier_id(%barrier3A_72)
    return
  }
}

#map = affine_map<(d0, d1) -> (0, 0)>
#map1 = affine_map<(d0, d1) -> (0)>
#map2 = affine_map<(d0, d1) -> (0, 0, 0)>
module attributes {stable_mosaic.version = 14 : i64} {
  func.func @_sc_body(%arg0: i32, %arg1: i32, %arg2: memref<40064x96xf32, #tpu.memory_space<hbm>>, %arg3: memref<10016x16xf32, #tpu.memory_space<hbm>>, %arg4: memref<331776xi32, #tpu.memory_space<hbm>>, %arg5: memref<331776xi32, #tpu.memory_space<hbm>>, %arg6: memref<331776x3xf32, #tpu.memory_space<hbm>>, %arg7: memref<4x10016x112xf32, #tpu.memory_space<hbm>>, %arg8: memref<128xi32, #tpu.memory_space<vmem>>, %arg9: memref<128xi32, #tpu.memory_space<vmem>>, %arg10: memref<128xi32, #tpu.memory_space<vmem>>, %arg11: memref<128x16xf32, #tpu.memory_space<vmem>>, %arg12: memref<128x16xf32, #tpu.memory_space<vmem>>, %arg13: memref<128x3xf32, #tpu.memory_space<vmem>>, %arg14: memref<128x96xf32, #tpu.memory_space<vmem>>, %arg15: memref<128x112xf32, #tpu.memory_space<vmem>>, %arg16: memref<128xf32, #tpu.memory_space<vmem>>, %arg17: memref<128xf32, #tpu.memory_space<vmem>>, %arg18: memref<128xf32, #tpu.memory_space<vmem>>, %arg19: memref<10016x112xf32, #tpu.memory_space<vmem_shared>>, %arg20: memref<!tpu.dma_semaphore, #tpu.memory_space<semaphore_mem>>, %arg21: memref<!tpu.dma_semaphore, #tpu.memory_space<semaphore_mem>>) attributes {dimension_semantics = [#tpu.dimension_semantics<core_parallel>, #tpu.dimension_semantics<subcore_parallel>], iteration_bounds = array<i64: 2, 16>, scalar_prefetch = 0 : i64, scratch_operands = 14 : i64, tpu.core_type = #tpu.core_type<sc_vector_subcore>, window_params = [{transform_indices = #map}, {transform_indices = #map}, {transform_indices = #map1}, {transform_indices = #map1}, {transform_indices = #map}, {transform_indices = #map2}]} {
    %iota3A = tpu.iota {dimensions = array<i32: 0>} : vector<16xi32>
    %broadcast_in_dim3A = arith.constant 0.000000e+00 : f32
    %broadcast_in_dim3A_0 = vector.broadcast %broadcast_in_dim3A : f32 to vector<16xf32>
    %mul3A = arith.constant 626 : i32
    %mul3A_1 = arith.muli %arg1, %mul3A : i32
    %scan3A = arith.constant 0 : i32
    %scan3A_2 = arith.constant 0 : i32
    %scan3A_3 = arith.constant 128 : i32
    %scan3A_4 = arith.addi %scan3A_2, %scan3A_3 : i32
    %scan3A_5 = arith.constant 1 : i32
    %scan3A_6 = scf.for %scan3A_73 = %scan3A_2 to %scan3A_4 step %scan3A_5 iter_args(%scan3A_74 = %scan3A) -> (i32)  : i32 {
      %swap3A = arith.index_cast %scan3A_73 : i32 to index
      %swap3A_75 = arith.constant 0 : index
      %swap3A_76 = tpu.vector_load %arg15[%swap3A, %swap3A_75] {strides = array<i32>} : memref<128x112xf32, #tpu.memory_space<vmem>>, vector<16xf32>,
      tpu.vector_store %arg15[%swap3A, %swap3A_75], %broadcast_in_dim3A_0 {strides = array<i32>} : memref<128x112xf32, #tpu.memory_space<vmem>>, vector<16xf32>,
      %swap3A_77 = arith.index_cast %scan3A_73 : i32 to index
      %swap3A_78 = arith.constant 16 : index
      %swap3A_79 = tpu.vector_load %arg15[%swap3A_77, %swap3A_78] {strides = array<i32>} : memref<128x112xf32, #tpu.memory_space<vmem>>, vector<16xf32>,
      tpu.vector_store %arg15[%swap3A_77, %swap3A_78], %broadcast_in_dim3A_0 {strides = array<i32>} : memref<128x112xf32, #tpu.memory_space<vmem>>, vector<16xf32>,
      %swap3A_80 = arith.index_cast %scan3A_73 : i32 to index
      %swap3A_81 = arith.constant 32 : index
      %swap3A_82 = tpu.vector_load %arg15[%swap3A_80, %swap3A_81] {strides = array<i32>} : memref<128x112xf32, #tpu.memory_space<vmem>>, vector<16xf32>,
      tpu.vector_store %arg15[%swap3A_80, %swap3A_81], %broadcast_in_dim3A_0 {strides = array<i32>} : memref<128x112xf32, #tpu.memory_space<vmem>>, vector<16xf32>,
      %swap3A_83 = arith.index_cast %scan3A_73 : i32 to index
      %swap3A_84 = arith.constant 48 : index
      %swap3A_85 = tpu.vector_load %arg15[%swap3A_83, %swap3A_84] {strides = array<i32>} : memref<128x112xf32, #tpu.memory_space<vmem>>, vector<16xf32>,
      tpu.vector_store %arg15[%swap3A_83, %swap3A_84], %broadcast_in_dim3A_0 {strides = array<i32>} : memref<128x112xf32, #tpu.memory_space<vmem>>, vector<16xf32>,
      %swap3A_86 = arith.index_cast %scan3A_73 : i32 to index
      %swap3A_87 = arith.constant 64 : index
      %swap3A_88 = tpu.vector_load %arg15[%swap3A_86, %swap3A_87] {strides = array<i32>} : memref<128x112xf32, #tpu.memory_space<vmem>>, vector<16xf32>,
      tpu.vector_store %arg15[%swap3A_86, %swap3A_87], %broadcast_in_dim3A_0 {strides = array<i32>} : memref<128x112xf32, #tpu.memory_space<vmem>>, vector<16xf32>,
      %swap3A_89 = arith.index_cast %scan3A_73 : i32 to index
      %swap3A_90 = arith.constant 80 : index
      %swap3A_91 = tpu.vector_load %arg15[%swap3A_89, %swap3A_90] {strides = array<i32>} : memref<128x112xf32, #tpu.memory_space<vmem>>, vector<16xf32>,
      tpu.vector_store %arg15[%swap3A_89, %swap3A_90], %broadcast_in_dim3A_0 {strides = array<i32>} : memref<128x112xf32, #tpu.memory_space<vmem>>, vector<16xf32>,
      %swap3A_92 = arith.index_cast %scan3A_73 : i32 to index
      %swap3A_93 = arith.constant 96 : index
      %swap3A_94 = tpu.vector_load %arg15[%swap3A_92, %swap3A_93] {strides = array<i32>} : memref<128x112xf32, #tpu.memory_space<vmem>>, vector<16xf32>,
      tpu.vector_store %arg15[%swap3A_92, %swap3A_93], %broadcast_in_dim3A_0 {strides = array<i32>} : memref<128x112xf32, #tpu.memory_space<vmem>>, vector<16xf32>,
      %scan3A_95 = arith.constant 0 : i32
      scf.yield %scan3A_95 : i32
    }
    %scan3A_7 = arith.constant 128 : i32
    %add3A = arith.constant 0 : i32
    %add3A_8 = arith.addi %mul3A_1, %add3A : i32
    "tpu.region"() ({
      %run_scoped3A = tpu.sem_alloc : memref<!tpu.dma_semaphore, #tpu.memory_space<semaphore_mem>>
      %dma_start3A = arith.constant 0 : i32
      %dma_start3A_73 = arith.constant 0 : i32
      %dma_start3A_74 = tpu.memref_slice %arg15[%dma_start3A, %dma_start3A_73] : memref<128x112xf32, #tpu.memory_space<vmem>> -> memref<128x112xf32, #tpu.memory_space<vmem>>
      %dma_start3A_75 = arith.constant 0 : i32
      %dma_start3A_76 = tpu.memref_slice %arg19[%add3A_8, %dma_start3A_75] : memref<10016x112xf32, #tpu.memory_space<vmem_shared>> -> memref<128x112xf32, #tpu.memory_space<vmem_shared>>
      %dma_start3A_77 = arith.constant 0 : i32
      %dma_start3A_78 = tpu.memref_slice %arg19[%add3A_8, %dma_start3A_77] : memref<10016x112xf32, #tpu.memory_space<vmem_shared>> -> memref<128x112xf32, #tpu.memory_space<vmem_shared>>
      %dma_start3A_79 = arith.constant 0 : i32
      %dma_start3A_80 = arith.constant 0 : i32
      %dma_start3A_81 = tpu.memref_slice %arg15[%dma_start3A_79, %dma_start3A_80] : memref<128x112xf32, #tpu.memory_space<vmem>> -> memref<128x112xf32, #tpu.memory_space<vmem>>
      tpu.enqueue_dma source(%dma_start3A_81 : memref<128x112xf32, #tpu.memory_space<vmem>>) target(%dma_start3A_78 : memref<128x112xf32, #tpu.memory_space<vmem_shared>>) target_semaphore(%run_scoped3A : memref<!tpu.dma_semaphore, #tpu.memory_space<semaphore_mem>>)
      %dma_wait3A = arith.constant 0 : i32
      %dma_wait3A_82 = arith.constant 0 : i32
      %dma_wait3A_83 = tpu.memref_slice %arg15[%dma_wait3A, %dma_wait3A_82] : memref<128x112xf32, #tpu.memory_space<vmem>> -> memref<128x112xf32, #tpu.memory_space<vmem>>
      %dma_wait3A_84 = arith.constant 0 : i32
      %dma_wait3A_85 = tpu.memref_slice %arg19[%add3A_8, %dma_wait3A_84] : memref<10016x112xf32, #tpu.memory_space<vmem_shared>> -> memref<128x112xf32, #tpu.memory_space<vmem_shared>>
      %dma_wait3A_86 = arith.constant 0 : i32
      %dma_wait3A_87 = tpu.memref_slice %arg19[%add3A_8, %dma_wait3A_86] : memref<10016x112xf32, #tpu.memory_space<vmem_shared>> -> memref<128x112xf32, #tpu.memory_space<vmem_shared>>
      %dma_wait3A_88 = arith.constant 0 : i32
      %dma_wait3A_89 = arith.constant 0 : i32
      %dma_wait3A_90 = tpu.memref_slice %arg15[%dma_wait3A_88, %dma_wait3A_89] : memref<128x112xf32, #tpu.memory_space<vmem>> -> memref<128x112xf32, #tpu.memory_space<vmem>>
      tpu.wait_dma2 semaphore(%run_scoped3A : memref<!tpu.dma_semaphore, #tpu.memory_space<semaphore_mem>>) src(%dma_wait3A_90 : memref<128x112xf32, #tpu.memory_space<vmem>>) dst(%dma_wait3A_87 : memref<128x112xf32, #tpu.memory_space<vmem_shared>>)
      tpu.yield
    }) : () -> ()
    %add3A_9 = arith.constant 128 : i32
    %add3A_10 = arith.addi %mul3A_1, %add3A_9 : i32
    "tpu.region"() ({
      %run_scoped3A = tpu.sem_alloc : memref<!tpu.dma_semaphore, #tpu.memory_space<semaphore_mem>>
      %dma_start3A = arith.constant 0 : i32
      %dma_start3A_73 = arith.constant 0 : i32
      %dma_start3A_74 = tpu.memref_slice %arg15[%dma_start3A, %dma_start3A_73] : memref<128x112xf32, #tpu.memory_space<vmem>> -> memref<128x112xf32, #tpu.memory_space<vmem>>
      %dma_start3A_75 = arith.constant 0 : i32
      %dma_start3A_76 = tpu.memref_slice %arg19[%add3A_10, %dma_start3A_75] : memref<10016x112xf32, #tpu.memory_space<vmem_shared>> -> memref<128x112xf32, #tpu.memory_space<vmem_shared>>
      %dma_start3A_77 = arith.constant 0 : i32
      %dma_start3A_78 = tpu.memref_slice %arg19[%add3A_10, %dma_start3A_77] : memref<10016x112xf32, #tpu.memory_space<vmem_shared>> -> memref<128x112xf32, #tpu.memory_space<vmem_shared>>
      %dma_start3A_79 = arith.constant 0 : i32
      %dma_start3A_80 = arith.constant 0 : i32
      %dma_start3A_81 = tpu.memref_slice %arg15[%dma_start3A_79, %dma_start3A_80] : memref<128x112xf32, #tpu.memory_space<vmem>> -> memref<128x112xf32, #tpu.memory_space<vmem>>
      tpu.enqueue_dma source(%dma_start3A_81 : memref<128x112xf32, #tpu.memory_space<vmem>>) target(%dma_start3A_78 : memref<128x112xf32, #tpu.memory_space<vmem_shared>>) target_semaphore(%run_scoped3A : memref<!tpu.dma_semaphore, #tpu.memory_space<semaphore_mem>>)
      %dma_wait3A = arith.constant 0 : i32
      %dma_wait3A_82 = arith.constant 0 : i32
      %dma_wait3A_83 = tpu.memref_slice %arg15[%dma_wait3A, %dma_wait3A_82] : memref<128x112xf32, #tpu.memory_space<vmem>> -> memref<128x112xf32, #tpu.memory_space<vmem>>
      %dma_wait3A_84 = arith.constant 0 : i32
      %dma_wait3A_85 = tpu.memref_slice %arg19[%add3A_10, %dma_wait3A_84] : memref<10016x112xf32, #tpu.memory_space<vmem_shared>> -> memref<128x112xf32, #tpu.memory_space<vmem_shared>>
      %dma_wait3A_86 = arith.constant 0 : i32
      %dma_wait3A_87 = tpu.memref_slice %arg19[%add3A_10, %dma_wait3A_86] : memref<10016x112xf32, #tpu.memory_space<vmem_shared>> -> memref<128x112xf32, #tpu.memory_space<vmem_shared>>
      %dma_wait3A_88 = arith.constant 0 : i32
      %dma_wait3A_89 = arith.constant 0 : i32
      %dma_wait3A_90 = tpu.memref_slice %arg15[%dma_wait3A_88, %dma_wait3A_89] : memref<128x112xf32, #tpu.memory_space<vmem>> -> memref<128x112xf32, #tpu.memory_space<vmem>>
      tpu.wait_dma2 semaphore(%run_scoped3A : memref<!tpu.dma_semaphore, #tpu.memory_space<semaphore_mem>>) src(%dma_wait3A_90 : memref<128x112xf32, #tpu.memory_space<vmem>>) dst(%dma_wait3A_87 : memref<128x112xf32, #tpu.memory_space<vmem_shared>>)
      tpu.yield
    }) : () -> ()
    %add3A_11 = arith.constant 256 : i32
    %add3A_12 = arith.addi %mul3A_1, %add3A_11 : i32
    "tpu.region"() ({
      %run_scoped3A = tpu.sem_alloc : memref<!tpu.dma_semaphore, #tpu.memory_space<semaphore_mem>>
      %dma_start3A = arith.constant 0 : i32
      %dma_start3A_73 = arith.constant 0 : i32
      %dma_start3A_74 = tpu.memref_slice %arg15[%dma_start3A, %dma_start3A_73] : memref<128x112xf32, #tpu.memory_space<vmem>> -> memref<128x112xf32, #tpu.memory_space<vmem>>
      %dma_start3A_75 = arith.constant 0 : i32
      %dma_start3A_76 = tpu.memref_slice %arg19[%add3A_12, %dma_start3A_75] : memref<10016x112xf32, #tpu.memory_space<vmem_shared>> -> memref<128x112xf32, #tpu.memory_space<vmem_shared>>
      %dma_start3A_77 = arith.constant 0 : i32
      %dma_start3A_78 = tpu.memref_slice %arg19[%add3A_12, %dma_start3A_77] : memref<10016x112xf32, #tpu.memory_space<vmem_shared>> -> memref<128x112xf32, #tpu.memory_space<vmem_shared>>
      %dma_start3A_79 = arith.constant 0 : i32
      %dma_start3A_80 = arith.constant 0 : i32
      %dma_start3A_81 = tpu.memref_slice %arg15[%dma_start3A_79, %dma_start3A_80] : memref<128x112xf32, #tpu.memory_space<vmem>> -> memref<128x112xf32, #tpu.memory_space<vmem>>
      tpu.enqueue_dma source(%dma_start3A_81 : memref<128x112xf32, #tpu.memory_space<vmem>>) target(%dma_start3A_78 : memref<128x112xf32, #tpu.memory_space<vmem_shared>>) target_semaphore(%run_scoped3A : memref<!tpu.dma_semaphore, #tpu.memory_space<semaphore_mem>>)
      %dma_wait3A = arith.constant 0 : i32
      %dma_wait3A_82 = arith.constant 0 : i32
      %dma_wait3A_83 = tpu.memref_slice %arg15[%dma_wait3A, %dma_wait3A_82] : memref<128x112xf32, #tpu.memory_space<vmem>> -> memref<128x112xf32, #tpu.memory_space<vmem>>
      %dma_wait3A_84 = arith.constant 0 : i32
      %dma_wait3A_85 = tpu.memref_slice %arg19[%add3A_12, %dma_wait3A_84] : memref<10016x112xf32, #tpu.memory_space<vmem_shared>> -> memref<128x112xf32, #tpu.memory_space<vmem_shared>>
      %dma_wait3A_86 = arith.constant 0 : i32
      %dma_wait3A_87 = tpu.memref_slice %arg19[%add3A_12, %dma_wait3A_86] : memref<10016x112xf32, #tpu.memory_space<vmem_shared>> -> memref<128x112xf32, #tpu.memory_space<vmem_shared>>
      %dma_wait3A_88 = arith.constant 0 : i32
      %dma_wait3A_89 = arith.constant 0 : i32
      %dma_wait3A_90 = tpu.memref_slice %arg15[%dma_wait3A_88, %dma_wait3A_89] : memref<128x112xf32, #tpu.memory_space<vmem>> -> memref<128x112xf32, #tpu.memory_space<vmem>>
      tpu.wait_dma2 semaphore(%run_scoped3A : memref<!tpu.dma_semaphore, #tpu.memory_space<semaphore_mem>>) src(%dma_wait3A_90 : memref<128x112xf32, #tpu.memory_space<vmem>>) dst(%dma_wait3A_87 : memref<128x112xf32, #tpu.memory_space<vmem_shared>>)
      tpu.yield
    }) : () -> ()
    %add3A_13 = arith.constant 384 : i32
    %add3A_14 = arith.addi %mul3A_1, %add3A_13 : i32
    "tpu.region"() ({
      %run_scoped3A = tpu.sem_alloc : memref<!tpu.dma_semaphore, #tpu.memory_space<semaphore_mem>>
      %dma_start3A = arith.constant 0 : i32
      %dma_start3A_73 = arith.constant 0 : i32
      %dma_start3A_74 = tpu.memref_slice %arg15[%dma_start3A, %dma_start3A_73] : memref<128x112xf32, #tpu.memory_space<vmem>> -> memref<128x112xf32, #tpu.memory_space<vmem>>
      %dma_start3A_75 = arith.constant 0 : i32
      %dma_start3A_76 = tpu.memref_slice %arg19[%add3A_14, %dma_start3A_75] : memref<10016x112xf32, #tpu.memory_space<vmem_shared>> -> memref<128x112xf32, #tpu.memory_space<vmem_shared>>
      %dma_start3A_77 = arith.constant 0 : i32
      %dma_start3A_78 = tpu.memref_slice %arg19[%add3A_14, %dma_start3A_77] : memref<10016x112xf32, #tpu.memory_space<vmem_shared>> -> memref<128x112xf32, #tpu.memory_space<vmem_shared>>
      %dma_start3A_79 = arith.constant 0 : i32
      %dma_start3A_80 = arith.constant 0 : i32
      %dma_start3A_81 = tpu.memref_slice %arg15[%dma_start3A_79, %dma_start3A_80] : memref<128x112xf32, #tpu.memory_space<vmem>> -> memref<128x112xf32, #tpu.memory_space<vmem>>
      tpu.enqueue_dma source(%dma_start3A_81 : memref<128x112xf32, #tpu.memory_space<vmem>>) target(%dma_start3A_78 : memref<128x112xf32, #tpu.memory_space<vmem_shared>>) target_semaphore(%run_scoped3A : memref<!tpu.dma_semaphore, #tpu.memory_space<semaphore_mem>>)
      %dma_wait3A = arith.constant 0 : i32
      %dma_wait3A_82 = arith.constant 0 : i32
      %dma_wait3A_83 = tpu.memref_slice %arg15[%dma_wait3A, %dma_wait3A_82] : memref<128x112xf32, #tpu.memory_space<vmem>> -> memref<128x112xf32, #tpu.memory_space<vmem>>
      %dma_wait3A_84 = arith.constant 0 : i32
      %dma_wait3A_85 = tpu.memref_slice %arg19[%add3A_14, %dma_wait3A_84] : memref<10016x112xf32, #tpu.memory_space<vmem_shared>> -> memref<128x112xf32, #tpu.memory_space<vmem_shared>>
      %dma_wait3A_86 = arith.constant 0 : i32
      %dma_wait3A_87 = tpu.memref_slice %arg19[%add3A_14, %dma_wait3A_86] : memref<10016x112xf32, #tpu.memory_space<vmem_shared>> -> memref<128x112xf32, #tpu.memory_space<vmem_shared>>
      %dma_wait3A_88 = arith.constant 0 : i32
      %dma_wait3A_89 = arith.constant 0 : i32
      %dma_wait3A_90 = tpu.memref_slice %arg15[%dma_wait3A_88, %dma_wait3A_89] : memref<128x112xf32, #tpu.memory_space<vmem>> -> memref<128x112xf32, #tpu.memory_space<vmem>>
      tpu.wait_dma2 semaphore(%run_scoped3A : memref<!tpu.dma_semaphore, #tpu.memory_space<semaphore_mem>>) src(%dma_wait3A_90 : memref<128x112xf32, #tpu.memory_space<vmem>>) dst(%dma_wait3A_87 : memref<128x112xf32, #tpu.memory_space<vmem_shared>>)
      tpu.yield
    }) : () -> ()
    %add3A_15 = arith.constant 512 : i32
    %add3A_16 = arith.addi %mul3A_1, %add3A_15 : i32
    "tpu.region"() ({
      %run_scoped3A = tpu.sem_alloc : memref<!tpu.dma_semaphore, #tpu.memory_space<semaphore_mem>>
      %dma_start3A = arith.constant 0 : i32
      %dma_start3A_73 = arith.constant 0 : i32
      %dma_start3A_74 = tpu.memref_slice %arg15[%dma_start3A, %dma_start3A_73] : memref<128x112xf32, #tpu.memory_space<vmem>> -> memref<114x112xf32, #tpu.memory_space<vmem>>
      %dma_start3A_75 = arith.constant 0 : i32
      %dma_start3A_76 = tpu.memref_slice %arg19[%add3A_16, %dma_start3A_75] : memref<10016x112xf32, #tpu.memory_space<vmem_shared>> -> memref<114x112xf32, #tpu.memory_space<vmem_shared>>
      %dma_start3A_77 = arith.constant 0 : i32
      %dma_start3A_78 = tpu.memref_slice %arg19[%add3A_16, %dma_start3A_77] : memref<10016x112xf32, #tpu.memory_space<vmem_shared>> -> memref<114x112xf32, #tpu.memory_space<vmem_shared>>
      %dma_start3A_79 = arith.constant 0 : i32
      %dma_start3A_80 = arith.constant 0 : i32
      %dma_start3A_81 = tpu.memref_slice %arg15[%dma_start3A_79, %dma_start3A_80] : memref<128x112xf32, #tpu.memory_space<vmem>> -> memref<114x112xf32, #tpu.memory_space<vmem>>
      tpu.enqueue_dma source(%dma_start3A_81 : memref<114x112xf32, #tpu.memory_space<vmem>>) target(%dma_start3A_78 : memref<114x112xf32, #tpu.memory_space<vmem_shared>>) target_semaphore(%run_scoped3A : memref<!tpu.dma_semaphore, #tpu.memory_space<semaphore_mem>>)
      %dma_wait3A = arith.constant 0 : i32
      %dma_wait3A_82 = arith.constant 0 : i32
      %dma_wait3A_83 = tpu.memref_slice %arg15[%dma_wait3A, %dma_wait3A_82] : memref<128x112xf32, #tpu.memory_space<vmem>> -> memref<114x112xf32, #tpu.memory_space<vmem>>
      %dma_wait3A_84 = arith.constant 0 : i32
      %dma_wait3A_85 = tpu.memref_slice %arg19[%add3A_16, %dma_wait3A_84] : memref<10016x112xf32, #tpu.memory_space<vmem_shared>> -> memref<114x112xf32, #tpu.memory_space<vmem_shared>>
      %dma_wait3A_86 = arith.constant 0 : i32
      %dma_wait3A_87 = tpu.memref_slice %arg19[%add3A_16, %dma_wait3A_86] : memref<10016x112xf32, #tpu.memory_space<vmem_shared>> -> memref<114x112xf32, #tpu.memory_space<vmem_shared>>
      %dma_wait3A_88 = arith.constant 0 : i32
      %dma_wait3A_89 = arith.constant 0 : i32
      %dma_wait3A_90 = tpu.memref_slice %arg15[%dma_wait3A_88, %dma_wait3A_89] : memref<128x112xf32, #tpu.memory_space<vmem>> -> memref<114x112xf32, #tpu.memory_space<vmem>>
      tpu.wait_dma2 semaphore(%run_scoped3A : memref<!tpu.dma_semaphore, #tpu.memory_space<semaphore_mem>>) src(%dma_wait3A_90 : memref<114x112xf32, #tpu.memory_space<vmem>>) dst(%dma_wait3A_87 : memref<114x112xf32, #tpu.memory_space<vmem_shared>>)
      tpu.yield
    }) : () -> ()
    %barrier3A = arith.constant 0 : index
    tpu.barrier barrier_id(%barrier3A)
    %mul3A_17 = arith.constant 2 : i32
    %mul3A_18 = arith.muli %mul3A_17, %arg0 : i32
    %add3A_19 = arith.constant 0 : i32
    %add3A_20 = arith.addi %mul3A_18, %add3A_19 : i32
    %mul3A_21 = arith.constant 10016 : i32
    %mul3A_22 = arith.muli %add3A_20, %mul3A_21 : i32
    %scan3A_23 = arith.constant 0 : i32
    %scan3A_24 = arith.constant 0 : i32
    %scan3A_25 = arith.constant 162 : i32
    %scan3A_26 = arith.addi %scan3A_24, %scan3A_25 : i32
    %scan3A_27 = arith.constant 1 : i32
    %scan3A_28 = scf.for %scan3A_73 = %scan3A_24 to %scan3A_26 step %scan3A_27 iter_args(%scan3A_74 = %scan3A_23) -> (i32)  : i32 {
      %mul3A_75 = arith.constant 20736 : i32
      %mul3A_76 = arith.muli %arg1, %mul3A_75 : i32
      %mul3A_77 = arith.constant 128 : i32
      %mul3A_78 = arith.muli %scan3A_73, %mul3A_77 : i32
      %add3A_79 = arith.addi %mul3A_76, %mul3A_78 : i32
      "tpu.region"() ({
        %run_scoped3A = tpu.sem_alloc : memref<!tpu.dma_semaphore, #tpu.memory_space<semaphore_mem>>
        %dma_start3A_109 = tpu.memref_slice %arg4[%add3A_79] : memref<331776xi32, #tpu.memory_space<hbm>> -> memref<128xi32, #tpu.memory_space<hbm>>
        %dma_start3A_110 = tpu.memref_slice %arg4[%add3A_79] : memref<331776xi32, #tpu.memory_space<hbm>> -> memref<128xi32, #tpu.memory_space<hbm>>
        tpu.enqueue_dma source(%dma_start3A_110 : memref<128xi32, #tpu.memory_space<hbm>>) target(%arg8 : memref<128xi32, #tpu.memory_space<vmem>>) target_semaphore(%run_scoped3A : memref<!tpu.dma_semaphore, #tpu.memory_space<semaphore_mem>>)
        %dma_wait3A_111 = tpu.memref_slice %arg4[%add3A_79] : memref<331776xi32, #tpu.memory_space<hbm>> -> memref<128xi32, #tpu.memory_space<hbm>>
        %dma_wait3A_112 = tpu.memref_slice %arg4[%add3A_79] : memref<331776xi32, #tpu.memory_space<hbm>> -> memref<128xi32, #tpu.memory_space<hbm>>
        tpu.wait_dma2 semaphore(%run_scoped3A : memref<!tpu.dma_semaphore, #tpu.memory_space<semaphore_mem>>) src(%dma_wait3A_112 : memref<128xi32, #tpu.memory_space<hbm>>) dst(%arg8 : memref<128xi32, #tpu.memory_space<vmem>>)
        tpu.yield
      }) : () -> ()
      "tpu.region"() ({
        %run_scoped3A = tpu.sem_alloc : memref<!tpu.dma_semaphore, #tpu.memory_space<semaphore_mem>>
        %dma_start3A_109 = tpu.memref_slice %arg5[%add3A_79] : memref<331776xi32, #tpu.memory_space<hbm>> -> memref<128xi32, #tpu.memory_space<hbm>>
        %dma_start3A_110 = tpu.memref_slice %arg5[%add3A_79] : memref<331776xi32, #tpu.memory_space<hbm>> -> memref<128xi32, #tpu.memory_space<hbm>>
        tpu.enqueue_dma source(%dma_start3A_110 : memref<128xi32, #tpu.memory_space<hbm>>) target(%arg9 : memref<128xi32, #tpu.memory_space<vmem>>) target_semaphore(%run_scoped3A : memref<!tpu.dma_semaphore, #tpu.memory_space<semaphore_mem>>)
        %dma_wait3A_111 = tpu.memref_slice %arg5[%add3A_79] : memref<331776xi32, #tpu.memory_space<hbm>> -> memref<128xi32, #tpu.memory_space<hbm>>
        %dma_wait3A_112 = tpu.memref_slice %arg5[%add3A_79] : memref<331776xi32, #tpu.memory_space<hbm>> -> memref<128xi32, #tpu.memory_space<hbm>>
        tpu.wait_dma2 semaphore(%run_scoped3A : memref<!tpu.dma_semaphore, #tpu.memory_space<semaphore_mem>>) src(%dma_wait3A_112 : memref<128xi32, #tpu.memory_space<hbm>>) dst(%arg9 : memref<128xi32, #tpu.memory_space<vmem>>)
        tpu.yield
      }) : () -> ()
      %scan3A_80 = arith.constant 0 : i32
      %scan3A_81 = arith.constant 0 : i32
      %scan3A_82 = arith.constant 8 : i32
      %scan3A_83 = arith.addi %scan3A_81, %scan3A_82 : i32
      %scan3A_84 = arith.constant 1 : i32
      %scan3A_85 = scf.for %scan3A_109 = %scan3A_81 to %scan3A_83 step %scan3A_84 iter_args(%scan3A_110 = %scan3A_80) -> (i32)  : i32 {
        %mul3A_111 = arith.constant 16 : i32
        %mul3A_112 = arith.muli %scan3A_109, %mul3A_111 : i32
        %get3A = arith.index_cast %mul3A_112 : i32 to index
        %get3A_113 = tpu.vector_load %arg8[%get3A] {strides = array<i32>} : memref<128xi32, #tpu.memory_space<vmem>>, vector<16xi32>,
        %add3A_114 = vector.broadcast %mul3A_22 : i32 to vector<16xi32>
        %add3A_115 = arith.addi %get3A_113, %add3A_114 : vector<16xi32>
        %mul3A_116 = arith.constant 16 : i32
        %mul3A_117 = arith.muli %scan3A_109, %mul3A_116 : i32
        %swap3A = arith.index_cast %mul3A_117 : i32 to index
        %swap3A_118 = tpu.vector_load %arg10[%swap3A] {strides = array<i32>} : memref<128xi32, #tpu.memory_space<vmem>>, vector<16xi32>,
        tpu.vector_store %arg10[%swap3A], %add3A_115 {strides = array<i32>} : memref<128xi32, #tpu.memory_space<vmem>>, vector<16xi32>,
        %scan3A_119 = arith.constant 0 : i32
        scf.yield %scan3A_119 : i32
      }
      %scan3A_86 = arith.constant 8 : i32
      %dma_start3A = arith.constant 0 : i32
      %dma_start3A_87 = arith.constant 0 : i32
      %dma_start3A_88 = tpu.memref_slice %arg2[%dma_start3A, %dma_start3A_87] : memref<40064x96xf32, #tpu.memory_space<hbm>> -> memref<40064x96xf32, #tpu.memory_space<hbm>>
      tpu.enqueue_indirect_dma source(%dma_start3A_88 : memref<40064x96xf32, #tpu.memory_space<hbm>>) target(%arg14 : memref<128x96xf32, #tpu.memory_space<vmem>>) offsets(%arg10 : memref<128xi32, #tpu.memory_space<vmem>>) semaphore(%arg20 : memref<!tpu.dma_semaphore, #tpu.memory_space<semaphore_mem>>)
      %dma_start3A_89 = arith.constant 0 : i32
      %dma_start3A_90 = arith.constant 0 : i32
      %dma_start3A_91 = tpu.memref_slice %arg3[%dma_start3A_89, %dma_start3A_90] : memref<10016x16xf32, #tpu.memory_space<hbm>> -> memref<10016x16xf32, #tpu.memory_space<hbm>>
      tpu.enqueue_indirect_dma source(%dma_start3A_91 : memref<10016x16xf32, #tpu.memory_space<hbm>>) target(%arg11 : memref<128x16xf32, #tpu.memory_space<vmem>>) offsets(%arg8 : memref<128xi32, #tpu.memory_space<vmem>>) semaphore(%arg21 : memref<!tpu.dma_semaphore, #tpu.memory_space<semaphore_mem>>)
      %dma_start3A_92 = arith.constant 0 : i32
      %dma_start3A_93 = arith.constant 0 : i32
      %dma_start3A_94 = tpu.memref_slice %arg3[%dma_start3A_92, %dma_start3A_93] : memref<10016x16xf32, #tpu.memory_space<hbm>> -> memref<10016x16xf32, #tpu.memory_space<hbm>>
      tpu.enqueue_indirect_dma source(%dma_start3A_94 : memref<10016x16xf32, #tpu.memory_space<hbm>>) target(%arg12 : memref<128x16xf32, #tpu.memory_space<vmem>>) offsets(%arg9 : memref<128xi32, #tpu.memory_space<vmem>>) semaphore(%arg21 : memref<!tpu.dma_semaphore, #tpu.memory_space<semaphore_mem>>)
      "tpu.region"() ({
        %run_scoped3A = tpu.sem_alloc : memref<!tpu.dma_semaphore, #tpu.memory_space<semaphore_mem>>
        %dma_start3A_109 = arith.constant 0 : i32
        %dma_start3A_110 = tpu.memref_slice %arg6[%add3A_79, %dma_start3A_109] : memref<331776x3xf32, #tpu.memory_space<hbm>> -> memref<128x3xf32, #tpu.memory_space<hbm>>
        %dma_start3A_111 = arith.constant 0 : i32
        %dma_start3A_112 = tpu.memref_slice %arg6[%add3A_79, %dma_start3A_111] : memref<331776x3xf32, #tpu.memory_space<hbm>> -> memref<128x3xf32, #tpu.memory_space<hbm>>
        tpu.enqueue_dma source(%dma_start3A_112 : memref<128x3xf32, #tpu.memory_space<hbm>>) target(%arg13 : memref<128x3xf32, #tpu.memory_space<vmem>>) target_semaphore(%run_scoped3A : memref<!tpu.dma_semaphore, #tpu.memory_space<semaphore_mem>>)
        %dma_wait3A_113 = arith.constant 0 : i32
        %dma_wait3A_114 = tpu.memref_slice %arg6[%add3A_79, %dma_wait3A_113] : memref<331776x3xf32, #tpu.memory_space<hbm>> -> memref<128x3xf32, #tpu.memory_space<hbm>>
        %dma_wait3A_115 = arith.constant 0 : i32
        %dma_wait3A_116 = tpu.memref_slice %arg6[%add3A_79, %dma_wait3A_115] : memref<331776x3xf32, #tpu.memory_space<hbm>> -> memref<128x3xf32, #tpu.memory_space<hbm>>
        tpu.wait_dma2 semaphore(%run_scoped3A : memref<!tpu.dma_semaphore, #tpu.memory_space<semaphore_mem>>) src(%dma_wait3A_116 : memref<128x3xf32, #tpu.memory_space<hbm>>) dst(%arg13 : memref<128x3xf32, #tpu.memory_space<vmem>>)
        tpu.yield
      }) : () -> ()
      %dma_wait3A = arith.constant 0 : i32
      %dma_wait3A_95 = arith.constant 0 : i32
      %dma_wait3A_96 = tpu.memref_slice %arg3[%dma_wait3A, %dma_wait3A_95] : memref<10016x16xf32, #tpu.memory_space<hbm>> -> memref<10016x16xf32, #tpu.memory_space<hbm>>
      tpu.wait_indirect_dma semaphore(%arg21 : memref<!tpu.dma_semaphore, #tpu.memory_space<semaphore_mem>>) src(%dma_wait3A_96 : memref<10016x16xf32, #tpu.memory_space<hbm>>) dst(%arg11 : memref<128x16xf32, #tpu.memory_space<vmem>>)
      %dma_wait3A_97 = arith.constant 0 : i32
      %dma_wait3A_98 = arith.constant 0 : i32
      %dma_wait3A_99 = tpu.memref_slice %arg3[%dma_wait3A_97, %dma_wait3A_98] : memref<10016x16xf32, #tpu.memory_space<hbm>> -> memref<10016x16xf32, #tpu.memory_space<hbm>>
      tpu.wait_indirect_dma semaphore(%arg21 : memref<!tpu.dma_semaphore, #tpu.memory_space<semaphore_mem>>) src(%dma_wait3A_99 : memref<10016x16xf32, #tpu.memory_space<hbm>>) dst(%arg12 : memref<128x16xf32, #tpu.memory_space<vmem>>)
      %parallel_loop3A = arith.constant 0 : i32
      %parallel_loop3A_100 = arith.constant 8 : i32
      %parallel_loop3A_101 = arith.constant 1 : i32
      scf.for %parallel_loop3A_109 = %parallel_loop3A to %parallel_loop3A_100 step %parallel_loop3A_101  : i32 {
        %parallel_loop3A_110 = arith.constant 16 : i32
        %parallel_loop3A_111 = arith.muli %parallel_loop3A_109, %parallel_loop3A_110 : i32
        %parallel_loop3A_112 = vector.broadcast %parallel_loop3A_111 : i32 to vector<16xi32>
        %parallel_loop3A_113 = arith.addi %iota3A, %parallel_loop3A_112 : vector<16xi32>
        %parallel_loop3A_114 = arith.constant 0 : i32
        %parallel_loop3A_115 = vector.broadcast %parallel_loop3A_114 : i32 to vector<16xi32>
        %parallel_loop3A_116 = tpu.vector_load_idx %arg11[%parallel_loop3A_113, %parallel_loop3A_115] : memref<128x16xf32, #tpu.memory_space<vmem>>[vector<16xi32>, vector<16xi32>], vector<16xf32>,
        %parallel_loop3A_117 = arith.constant 3 : i32
        %parallel_loop3A_118 = vector.broadcast %parallel_loop3A_117 : i32 to vector<16xi32>
        %parallel_loop3A_119 = arith.addi %parallel_loop3A_115, %parallel_loop3A_118 : vector<16xi32>
        %parallel_loop3A_120 = tpu.vector_load_idx %arg12[%parallel_loop3A_113, %parallel_loop3A_119] : memref<128x16xf32, #tpu.memory_space<vmem>>[vector<16xi32>, vector<16xi32>], vector<16xf32>,
        %parallel_loop3A_121 = arith.constant 6 : i32
        %parallel_loop3A_122 = vector.broadcast %parallel_loop3A_121 : i32 to vector<16xi32>
        %parallel_loop3A_123 = arith.addi %parallel_loop3A_115, %parallel_loop3A_122 : vector<16xi32>
        %parallel_loop3A_124 = tpu.vector_load_idx %arg12[%parallel_loop3A_113, %parallel_loop3A_123] : memref<128x16xf32, #tpu.memory_space<vmem>>[vector<16xi32>, vector<16xi32>], vector<16xf32>,
        %parallel_loop3A_125 = tpu.vector_load_idx %arg13[%parallel_loop3A_113, %parallel_loop3A_115] : memref<128x3xf32, #tpu.memory_space<vmem>>[vector<16xi32>, vector<16xi32>], vector<16xf32>,
        %parallel_loop3A_126 = arith.addf %parallel_loop3A_116, %parallel_loop3A_120 : vector<16xf32>
        %parallel_loop3A_127 = arith.addf %parallel_loop3A_126, %parallel_loop3A_125 : vector<16xf32>
        %parallel_loop3A_128 = arith.constant 2.000000e-01 : f32
        %parallel_loop3A_129 = vector.broadcast %parallel_loop3A_128 : f32 to vector<16xf32>
        %parallel_loop3A_130 = arith.mulf %parallel_loop3A_129, %parallel_loop3A_127 : vector<16xf32>
        %parallel_loop3A_131 = arith.maximumf %parallel_loop3A_127, %parallel_loop3A_130 : vector<16xf32>
        %parallel_loop3A_132 = arith.subf %parallel_loop3A_131, %parallel_loop3A_124 : vector<16xf32>
        %parallel_loop3A_133 = math.exp %parallel_loop3A_132 : vector<16xf32>
        %parallel_loop3A_134 = arith.constant 16 : i32
        %parallel_loop3A_135 = arith.muli %parallel_loop3A_109, %parallel_loop3A_134 : i32
        %parallel_loop3A_136 = arith.index_cast %parallel_loop3A_135 : i32 to index
        %parallel_loop3A_137 = tpu.vector_load %arg16[%parallel_loop3A_136] {strides = array<i32>} : memref<128xf32, #tpu.memory_space<vmem>>, vector<16xf32>,
        tpu.vector_store %arg16[%parallel_loop3A_136], %parallel_loop3A_133 {strides = array<i32>} : memref<128xf32, #tpu.memory_space<vmem>>, vector<16xf32>,
        %parallel_loop3A_138 = arith.constant 1 : i32
        %parallel_loop3A_139 = vector.broadcast %parallel_loop3A_138 : i32 to vector<16xi32>
        %parallel_loop3A_140 = tpu.vector_load_idx %arg11[%parallel_loop3A_113, %parallel_loop3A_139] : memref<128x16xf32, #tpu.memory_space<vmem>>[vector<16xi32>, vector<16xi32>], vector<16xf32>,
        %parallel_loop3A_141 = arith.constant 3 : i32
        %parallel_loop3A_142 = vector.broadcast %parallel_loop3A_141 : i32 to vector<16xi32>
        %parallel_loop3A_143 = arith.addi %parallel_loop3A_139, %parallel_loop3A_142 : vector<16xi32>
        %parallel_loop3A_144 = tpu.vector_load_idx %arg12[%parallel_loop3A_113, %parallel_loop3A_143] : memref<128x16xf32, #tpu.memory_space<vmem>>[vector<16xi32>, vector<16xi32>], vector<16xf32>,
        %parallel_loop3A_145 = arith.constant 6 : i32
        %parallel_loop3A_146 = vector.broadcast %parallel_loop3A_145 : i32 to vector<16xi32>
        %parallel_loop3A_147 = arith.addi %parallel_loop3A_139, %parallel_loop3A_146 : vector<16xi32>
        %parallel_loop3A_148 = tpu.vector_load_idx %arg12[%parallel_loop3A_113, %parallel_loop3A_147] : memref<128x16xf32, #tpu.memory_space<vmem>>[vector<16xi32>, vector<16xi32>], vector<16xf32>,
        %parallel_loop3A_149 = tpu.vector_load_idx %arg13[%parallel_loop3A_113, %parallel_loop3A_139] : memref<128x3xf32, #tpu.memory_space<vmem>>[vector<16xi32>, vector<16xi32>], vector<16xf32>,
        %parallel_loop3A_150 = arith.addf %parallel_loop3A_140, %parallel_loop3A_144 : vector<16xf32>
        %parallel_loop3A_151 = arith.addf %parallel_loop3A_150, %parallel_loop3A_149 : vector<16xf32>
        %parallel_loop3A_152 = arith.constant 2.000000e-01 : f32
        %parallel_loop3A_153 = vector.broadcast %parallel_loop3A_152 : f32 to vector<16xf32>
        %parallel_loop3A_154 = arith.mulf %parallel_loop3A_153, %parallel_loop3A_151 : vector<16xf32>
        %parallel_loop3A_155 = arith.maximumf %parallel_loop3A_151, %parallel_loop3A_154 : vector<16xf32>
        %parallel_loop3A_156 = arith.subf %parallel_loop3A_155, %parallel_loop3A_148 : vector<16xf32>
        %parallel_loop3A_157 = math.exp %parallel_loop3A_156 : vector<16xf32>
        %parallel_loop3A_158 = arith.constant 16 : i32
        %parallel_loop3A_159 = arith.muli %parallel_loop3A_109, %parallel_loop3A_158 : i32
        %parallel_loop3A_160 = arith.index_cast %parallel_loop3A_159 : i32 to index
        %parallel_loop3A_161 = tpu.vector_load %arg17[%parallel_loop3A_160] {strides = array<i32>} : memref<128xf32, #tpu.memory_space<vmem>>, vector<16xf32>,
        tpu.vector_store %arg17[%parallel_loop3A_160], %parallel_loop3A_157 {strides = array<i32>} : memref<128xf32, #tpu.memory_space<vmem>>, vector<16xf32>,
        %parallel_loop3A_162 = arith.constant 2 : i32
        %parallel_loop3A_163 = vector.broadcast %parallel_loop3A_162 : i32 to vector<16xi32>
        %parallel_loop3A_164 = tpu.vector_load_idx %arg11[%parallel_loop3A_113, %parallel_loop3A_163] : memref<128x16xf32, #tpu.memory_space<vmem>>[vector<16xi32>, vector<16xi32>], vector<16xf32>,
        %parallel_loop3A_165 = arith.constant 3 : i32
        %parallel_loop3A_166 = vector.broadcast %parallel_loop3A_165 : i32 to vector<16xi32>
        %parallel_loop3A_167 = arith.addi %parallel_loop3A_163, %parallel_loop3A_166 : vector<16xi32>
        %parallel_loop3A_168 = tpu.vector_load_idx %arg12[%parallel_loop3A_113, %parallel_loop3A_167] : memref<128x16xf32, #tpu.memory_space<vmem>>[vector<16xi32>, vector<16xi32>], vector<16xf32>,
        %parallel_loop3A_169 = arith.constant 6 : i32
        %parallel_loop3A_170 = vector.broadcast %parallel_loop3A_169 : i32 to vector<16xi32>
        %parallel_loop3A_171 = arith.addi %parallel_loop3A_163, %parallel_loop3A_170 : vector<16xi32>
        %parallel_loop3A_172 = tpu.vector_load_idx %arg12[%parallel_loop3A_113, %parallel_loop3A_171] : memref<128x16xf32, #tpu.memory_space<vmem>>[vector<16xi32>, vector<16xi32>], vector<16xf32>,
        %parallel_loop3A_173 = tpu.vector_load_idx %arg13[%parallel_loop3A_113, %parallel_loop3A_163] : memref<128x3xf32, #tpu.memory_space<vmem>>[vector<16xi32>, vector<16xi32>], vector<16xf32>,
        %parallel_loop3A_174 = arith.addf %parallel_loop3A_164, %parallel_loop3A_168 : vector<16xf32>
        %parallel_loop3A_175 = arith.addf %parallel_loop3A_174, %parallel_loop3A_173 : vector<16xf32>
        %parallel_loop3A_176 = arith.constant 2.000000e-01 : f32
        %parallel_loop3A_177 = vector.broadcast %parallel_loop3A_176 : f32 to vector<16xf32>
        %parallel_loop3A_178 = arith.mulf %parallel_loop3A_177, %parallel_loop3A_175 : vector<16xf32>
        %parallel_loop3A_179 = arith.maximumf %parallel_loop3A_175, %parallel_loop3A_178 : vector<16xf32>
        %parallel_loop3A_180 = arith.subf %parallel_loop3A_179, %parallel_loop3A_172 : vector<16xf32>
        %parallel_loop3A_181 = math.exp %parallel_loop3A_180 : vector<16xf32>
        %parallel_loop3A_182 = arith.constant 16 : i32
        %parallel_loop3A_183 = arith.muli %parallel_loop3A_109, %parallel_loop3A_182 : i32
        %parallel_loop3A_184 = arith.index_cast %parallel_loop3A_183 : i32 to index
        %parallel_loop3A_185 = tpu.vector_load %arg18[%parallel_loop3A_184] {strides = array<i32>} : memref<128xf32, #tpu.memory_space<vmem>>, vector<16xf32>,
        tpu.vector_store %arg18[%parallel_loop3A_184], %parallel_loop3A_181 {strides = array<i32>} : memref<128xf32, #tpu.memory_space<vmem>>, vector<16xf32>,
      } {sc.loop_unroll_factor = 2 : i64, sc.parallel_access}
      %dma_wait3A_102 = arith.constant 0 : i32
      %dma_wait3A_103 = arith.constant 0 : i32
      %dma_wait3A_104 = tpu.memref_slice %arg2[%dma_wait3A_102, %dma_wait3A_103] : memref<40064x96xf32, #tpu.memory_space<hbm>> -> memref<40064x96xf32, #tpu.memory_space<hbm>>
      tpu.wait_indirect_dma semaphore(%arg20 : memref<!tpu.dma_semaphore, #tpu.memory_space<semaphore_mem>>) src(%dma_wait3A_104 : memref<40064x96xf32, #tpu.memory_space<hbm>>) dst(%arg14 : memref<128x96xf32, #tpu.memory_space<vmem>>)
      %parallel_loop3A_105 = arith.constant 0 : i32
      %parallel_loop3A_106 = arith.constant 128 : i32
      %parallel_loop3A_107 = arith.constant 1 : i32
      scf.for %parallel_loop3A_109 = %parallel_loop3A_105 to %parallel_loop3A_106 step %parallel_loop3A_107  : i32 {
        %parallel_loop3A_110 = vector.broadcast %parallel_loop3A_109 : i32 to vector<16xi32>
        %parallel_loop3A_111 = tpu.vector_load_idx %arg16[%parallel_loop3A_110] : memref<128xf32, #tpu.memory_space<vmem>>[vector<16xi32>], vector<16xf32>,
        %parallel_loop3A_112 = tpu.vector_load_idx %arg17[%parallel_loop3A_110] : memref<128xf32, #tpu.memory_space<vmem>>[vector<16xi32>], vector<16xf32>,
        %parallel_loop3A_113 = tpu.vector_load_idx %arg18[%parallel_loop3A_110] : memref<128xf32, #tpu.memory_space<vmem>>[vector<16xi32>], vector<16xf32>,
        %parallel_loop3A_114 = arith.constant 0 : i32
        %parallel_loop3A_115 = vector.broadcast %parallel_loop3A_114 : i32 to vector<16xi32>
        %parallel_loop3A_116 = arith.cmpi eq, %iota3A, %parallel_loop3A_115 : vector<16xi32>
        %parallel_loop3A_117 = arith.constant 1 : i32
        %parallel_loop3A_118 = vector.broadcast %parallel_loop3A_117 : i32 to vector<16xi32>
        %parallel_loop3A_119 = arith.cmpi eq, %iota3A, %parallel_loop3A_118 : vector<16xi32>
        %parallel_loop3A_120 = arith.constant 2 : i32
        %parallel_loop3A_121 = vector.broadcast %parallel_loop3A_120 : i32 to vector<16xi32>
        %parallel_loop3A_122 = arith.cmpi eq, %iota3A, %parallel_loop3A_121 : vector<16xi32>
        %parallel_loop3A_123 = arith.constant 0.000000e+00 : f32
        %parallel_loop3A_124 = vector.broadcast %parallel_loop3A_123 : f32 to vector<16xf32>
        %parallel_loop3A_125 = arith.select %parallel_loop3A_122, %parallel_loop3A_113, %parallel_loop3A_124 : vector<16xi1>, vector<16xf32>
        %parallel_loop3A_126 = arith.select %parallel_loop3A_119, %parallel_loop3A_112, %parallel_loop3A_125 : vector<16xi1>, vector<16xf32>
        %parallel_loop3A_127 = arith.select %parallel_loop3A_116, %parallel_loop3A_111, %parallel_loop3A_126 : vector<16xi1>, vector<16xf32>
        %parallel_loop3A_128 = arith.index_cast %parallel_loop3A_109 : i32 to index
        %parallel_loop3A_129 = arith.constant 96 : index
        %parallel_loop3A_130 = tpu.vector_load %arg15[%parallel_loop3A_128, %parallel_loop3A_129] {strides = array<i32>} : memref<128x112xf32, #tpu.memory_space<vmem>>, vector<16xf32>,
        tpu.vector_store %arg15[%parallel_loop3A_128, %parallel_loop3A_129], %parallel_loop3A_127 {strides = array<i32>} : memref<128x112xf32, #tpu.memory_space<vmem>>, vector<16xf32>,
        %parallel_loop3A_131 = arith.constant 0 : i32
        %parallel_loop3A_132 = arith.cmpi eq, %arg0, %parallel_loop3A_131 : i32
        %parallel_loop3A_133 = arith.select %parallel_loop3A_132, %parallel_loop3A_111, %parallel_loop3A_112 : vector<16xf32>
        %parallel_loop3A_134 = arith.index_cast %parallel_loop3A_109 : i32 to index
        %parallel_loop3A_135 = arith.constant 0 : index
        %parallel_loop3A_136 = tpu.vector_load %arg14[%parallel_loop3A_134, %parallel_loop3A_135] {strides = array<i32>} : memref<128x96xf32, #tpu.memory_space<vmem>>, vector<16xf32>,
        %parallel_loop3A_137 = arith.mulf %parallel_loop3A_136, %parallel_loop3A_133 : vector<16xf32>
        %parallel_loop3A_138 = arith.index_cast %parallel_loop3A_109 : i32 to index
        %parallel_loop3A_139 = arith.constant 0 : index
        %parallel_loop3A_140 = tpu.vector_load %arg15[%parallel_loop3A_138, %parallel_loop3A_139] {strides = array<i32>} : memref<128x112xf32, #tpu.memory_space<vmem>>, vector<16xf32>,
        tpu.vector_store %arg15[%parallel_loop3A_138, %parallel_loop3A_139], %parallel_loop3A_137 {strides = array<i32>} : memref<128x112xf32, #tpu.memory_space<vmem>>, vector<16xf32>,
        %parallel_loop3A_141 = arith.constant 0 : i32
        %parallel_loop3A_142 = arith.cmpi eq, %arg0, %parallel_loop3A_141 : i32
        %parallel_loop3A_143 = arith.select %parallel_loop3A_142, %parallel_loop3A_111, %parallel_loop3A_112 : vector<16xf32>
        %parallel_loop3A_144 = arith.index_cast %parallel_loop3A_109 : i32 to index
        %parallel_loop3A_145 = arith.constant 16 : index
        %parallel_loop3A_146 = tpu.vector_load %arg14[%parallel_loop3A_144, %parallel_loop3A_145] {strides = array<i32>} : memref<128x96xf32, #tpu.memory_space<vmem>>, vector<16xf32>,
        %parallel_loop3A_147 = arith.mulf %parallel_loop3A_146, %parallel_loop3A_143 : vector<16xf32>
        %parallel_loop3A_148 = arith.index_cast %parallel_loop3A_109 : i32 to index
        %parallel_loop3A_149 = arith.constant 16 : index
        %parallel_loop3A_150 = tpu.vector_load %arg15[%parallel_loop3A_148, %parallel_loop3A_149] {strides = array<i32>} : memref<128x112xf32, #tpu.memory_space<vmem>>, vector<16xf32>,
        tpu.vector_store %arg15[%parallel_loop3A_148, %parallel_loop3A_149], %parallel_loop3A_147 {strides = array<i32>} : memref<128x112xf32, #tpu.memory_space<vmem>>, vector<16xf32>,
        %parallel_loop3A_151 = arith.constant 0 : i32
        %parallel_loop3A_152 = arith.cmpi eq, %arg0, %parallel_loop3A_151 : i32
        %parallel_loop3A_153 = arith.select %parallel_loop3A_152, %parallel_loop3A_111, %parallel_loop3A_112 : vector<16xf32>
        %parallel_loop3A_154 = arith.index_cast %parallel_loop3A_109 : i32 to index
        %parallel_loop3A_155 = arith.constant 32 : index
        %parallel_loop3A_156 = tpu.vector_load %arg14[%parallel_loop3A_154, %parallel_loop3A_155] {strides = array<i32>} : memref<128x96xf32, #tpu.memory_space<vmem>>, vector<16xf32>,
        %parallel_loop3A_157 = arith.mulf %parallel_loop3A_156, %parallel_loop3A_153 : vector<16xf32>
        %parallel_loop3A_158 = arith.index_cast %parallel_loop3A_109 : i32 to index
        %parallel_loop3A_159 = arith.constant 32 : index
        %parallel_loop3A_160 = tpu.vector_load %arg15[%parallel_loop3A_158, %parallel_loop3A_159] {strides = array<i32>} : memref<128x112xf32, #tpu.memory_space<vmem>>, vector<16xf32>,
        tpu.vector_store %arg15[%parallel_loop3A_158, %parallel_loop3A_159], %parallel_loop3A_157 {strides = array<i32>} : memref<128x112xf32, #tpu.memory_space<vmem>>, vector<16xf32>,
        %parallel_loop3A_161 = arith.constant 0 : i32
        %parallel_loop3A_162 = arith.cmpi eq, %arg0, %parallel_loop3A_161 : i32
        %parallel_loop3A_163 = arith.select %parallel_loop3A_162, %parallel_loop3A_111, %parallel_loop3A_112 : vector<16xf32>
        %parallel_loop3A_164 = arith.index_cast %parallel_loop3A_109 : i32 to index
        %parallel_loop3A_165 = arith.constant 48 : index
        %parallel_loop3A_166 = tpu.vector_load %arg14[%parallel_loop3A_164, %parallel_loop3A_165] {strides = array<i32>} : memref<128x96xf32, #tpu.memory_space<vmem>>, vector<16xf32>,
        %parallel_loop3A_167 = arith.mulf %parallel_loop3A_166, %parallel_loop3A_163 : vector<16xf32>
        %parallel_loop3A_168 = arith.index_cast %parallel_loop3A_109 : i32 to index
        %parallel_loop3A_169 = arith.constant 48 : index
        %parallel_loop3A_170 = tpu.vector_load %arg15[%parallel_loop3A_168, %parallel_loop3A_169] {strides = array<i32>} : memref<128x112xf32, #tpu.memory_space<vmem>>, vector<16xf32>,
        tpu.vector_store %arg15[%parallel_loop3A_168, %parallel_loop3A_169], %parallel_loop3A_167 {strides = array<i32>} : memref<128x112xf32, #tpu.memory_space<vmem>>, vector<16xf32>,
        %parallel_loop3A_171 = arith.constant 0 : i32
        %parallel_loop3A_172 = arith.cmpi eq, %arg0, %parallel_loop3A_171 : i32
        %parallel_loop3A_173 = arith.select %parallel_loop3A_172, %parallel_loop3A_111, %parallel_loop3A_113 : vector<16xf32>
        %parallel_loop3A_174 = arith.index_cast %parallel_loop3A_109 : i32 to index
        %parallel_loop3A_175 = arith.constant 64 : index
        %parallel_loop3A_176 = tpu.vector_load %arg14[%parallel_loop3A_174, %parallel_loop3A_175] {strides = array<i32>} : memref<128x96xf32, #tpu.memory_space<vmem>>, vector<16xf32>,
        %parallel_loop3A_177 = arith.mulf %parallel_loop3A_176, %parallel_loop3A_173 : vector<16xf32>
        %parallel_loop3A_178 = arith.index_cast %parallel_loop3A_109 : i32 to index
        %parallel_loop3A_179 = arith.constant 64 : index
        %parallel_loop3A_180 = tpu.vector_load %arg15[%parallel_loop3A_178, %parallel_loop3A_179] {strides = array<i32>} : memref<128x112xf32, #tpu.memory_space<vmem>>, vector<16xf32>,
        tpu.vector_store %arg15[%parallel_loop3A_178, %parallel_loop3A_179], %parallel_loop3A_177 {strides = array<i32>} : memref<128x112xf32, #tpu.memory_space<vmem>>, vector<16xf32>,
        %parallel_loop3A_181 = arith.constant 0 : i32
        %parallel_loop3A_182 = arith.cmpi eq, %arg0, %parallel_loop3A_181 : i32
        %parallel_loop3A_183 = arith.select %parallel_loop3A_182, %parallel_loop3A_111, %parallel_loop3A_113 : vector<16xf32>
        %parallel_loop3A_184 = arith.index_cast %parallel_loop3A_109 : i32 to index
        %parallel_loop3A_185 = arith.constant 80 : index
        %parallel_loop3A_186 = tpu.vector_load %arg14[%parallel_loop3A_184, %parallel_loop3A_185] {strides = array<i32>} : memref<128x96xf32, #tpu.memory_space<vmem>>, vector<16xf32>,
        %parallel_loop3A_187 = arith.mulf %parallel_loop3A_186, %parallel_loop3A_183 : vector<16xf32>
        %parallel_loop3A_188 = arith.index_cast %parallel_loop3A_109 : i32 to index
        %parallel_loop3A_189 = arith.constant 80 : index
        %parallel_loop3A_190 = tpu.vector_load %arg15[%parallel_loop3A_188, %parallel_loop3A_189] {strides = array<i32>} : memref<128x112xf32, #tpu.memory_space<vmem>>, vector<16xf32>,
        tpu.vector_store %arg15[%parallel_loop3A_188, %parallel_loop3A_189], %parallel_loop3A_187 {strides = array<i32>} : memref<128x112xf32, #tpu.memory_space<vmem>>, vector<16xf32>,
      } {sc.loop_unroll_factor = 4 : i64, sc.parallel_access}
      "tpu.region"() ({
        %run_scoped3A = tpu.sem_alloc : memref<!tpu.dma_semaphore, #tpu.memory_space<semaphore_mem>>
        %dma_start3A_109 = arith.constant 0 : i32
        %dma_start3A_110 = arith.constant 0 : i32
        %dma_start3A_111 = tpu.memref_slice %arg19[%dma_start3A_109, %dma_start3A_110] : memref<10016x112xf32, #tpu.memory_space<vmem_shared>> -> memref<10016x112xf32, #tpu.memory_space<vmem_shared>>
        tpu.enqueue_indirect_dma source(%arg15 : memref<128x112xf32, #tpu.memory_space<vmem>>) target(%dma_start3A_111 : memref<10016x112xf32, #tpu.memory_space<vmem_shared>>) offsets(%arg9 : memref<128xi32, #tpu.memory_space<vmem>>) semaphore(%run_scoped3A : memref<!tpu.dma_semaphore, #tpu.memory_space<semaphore_mem>>) {add = true}
        %dma_wait3A_112 = arith.constant 0 : i32
        %dma_wait3A_113 = arith.constant 0 : i32
        %dma_wait3A_114 = tpu.memref_slice %arg19[%dma_wait3A_112, %dma_wait3A_113] : memref<10016x112xf32, #tpu.memory_space<vmem_shared>> -> memref<10016x112xf32, #tpu.memory_space<vmem_shared>>
        tpu.wait_indirect_dma semaphore(%run_scoped3A : memref<!tpu.dma_semaphore, #tpu.memory_space<semaphore_mem>>) src(%arg15 : memref<128x112xf32, #tpu.memory_space<vmem>>) dst(%dma_wait3A_114 : memref<10016x112xf32, #tpu.memory_space<vmem_shared>>)
        tpu.yield
      }) : () -> ()
      %scan3A_108 = arith.constant 0 : i32
      scf.yield %scan3A_108 : i32
    }
    %scan3A_29 = arith.constant 162 : i32
    %barrier3A_30 = arith.constant 0 : index
    tpu.barrier barrier_id(%barrier3A_30)
    %mul3A_31 = arith.constant 2 : i32
    %mul3A_32 = arith.muli %mul3A_31, %arg0 : i32
    %add3A_33 = arith.constant 0 : i32
    %add3A_34 = arith.addi %mul3A_32, %add3A_33 : i32
    "tpu.region"() ({
      %run_scoped3A = tpu.sem_alloc : memref<!tpu.dma_semaphore, #tpu.memory_space<semaphore_mem>>
      %dma_start3A = arith.constant 0 : i32
      %dma_start3A_73 = tpu.memref_slice %arg7[%add3A_34, %mul3A_1, %dma_start3A] : memref<4x10016x112xf32, #tpu.memory_space<hbm>> -> memref<1x626x112xf32, #tpu.memory_space<hbm>>
      %dma_start3A_74 = tpu.memref_squeeze %dma_start3A_73 : memref<1x626x112xf32, #tpu.memory_space<hbm>> -> memref<626x112xf32, #tpu.memory_space<hbm>>
      %dma_start3A_75 = arith.constant 0 : i32
      %dma_start3A_76 = tpu.memref_slice %arg19[%mul3A_1, %dma_start3A_75] : memref<10016x112xf32, #tpu.memory_space<vmem_shared>> -> memref<626x112xf32, #tpu.memory_space<vmem_shared>>
      tpu.enqueue_dma source(%dma_start3A_76 : memref<626x112xf32, #tpu.memory_space<vmem_shared>>) target(%dma_start3A_74 : memref<626x112xf32, #tpu.memory_space<hbm>>) target_semaphore(%run_scoped3A : memref<!tpu.dma_semaphore, #tpu.memory_space<semaphore_mem>>)
      %dma_wait3A = arith.constant 0 : i32
      %dma_wait3A_77 = tpu.memref_slice %arg7[%add3A_34, %mul3A_1, %dma_wait3A] : memref<4x10016x112xf32, #tpu.memory_space<hbm>> -> memref<1x626x112xf32, #tpu.memory_space<hbm>>
      %dma_wait3A_78 = tpu.memref_squeeze %dma_wait3A_77 : memref<1x626x112xf32, #tpu.memory_space<hbm>> -> memref<626x112xf32, #tpu.memory_space<hbm>>
      %dma_wait3A_79 = arith.constant 0 : i32
      %dma_wait3A_80 = tpu.memref_slice %arg19[%mul3A_1, %dma_wait3A_79] : memref<10016x112xf32, #tpu.memory_space<vmem_shared>> -> memref<626x112xf32, #tpu.memory_space<vmem_shared>>
      tpu.wait_dma2 semaphore(%run_scoped3A : memref<!tpu.dma_semaphore, #tpu.memory_space<semaphore_mem>>) src(%dma_wait3A_80 : memref<626x112xf32, #tpu.memory_space<vmem_shared>>) dst(%dma_wait3A_78 : memref<626x112xf32, #tpu.memory_space<hbm>>)
      tpu.yield
    }) : () -> ()
    %barrier3A_35 = arith.constant 0 : index
    tpu.barrier barrier_id(%barrier3A_35)
    %scan3A_36 = arith.constant 0 : i32
    %scan3A_37 = arith.constant 0 : i32
    %scan3A_38 = arith.constant 128 : i32
    %scan3A_39 = arith.addi %scan3A_37, %scan3A_38 : i32
    %scan3A_40 = arith.constant 1 : i32
    %scan3A_41 = scf.for %scan3A_73 = %scan3A_37 to %scan3A_39 step %scan3A_40 iter_args(%scan3A_74 = %scan3A_36) -> (i32)  : i32 {
      %swap3A = arith.index_cast %scan3A_73 : i32 to index
      %swap3A_75 = arith.constant 0 : index
      %swap3A_76 = tpu.vector_load %arg15[%swap3A, %swap3A_75] {strides = array<i32>} : memref<128x112xf32, #tpu.memory_space<vmem>>, vector<16xf32>,
      tpu.vector_store %arg15[%swap3A, %swap3A_75], %broadcast_in_dim3A_0 {strides = array<i32>} : memref<128x112xf32, #tpu.memory_space<vmem>>, vector<16xf32>,
      %swap3A_77 = arith.index_cast %scan3A_73 : i32 to index
      %swap3A_78 = arith.constant 16 : index
      %swap3A_79 = tpu.vector_load %arg15[%swap3A_77, %swap3A_78] {strides = array<i32>} : memref<128x112xf32, #tpu.memory_space<vmem>>, vector<16xf32>,
      tpu.vector_store %arg15[%swap3A_77, %swap3A_78], %broadcast_in_dim3A_0 {strides = array<i32>} : memref<128x112xf32, #tpu.memory_space<vmem>>, vector<16xf32>,
      %swap3A_80 = arith.index_cast %scan3A_73 : i32 to index
      %swap3A_81 = arith.constant 32 : index
      %swap3A_82 = tpu.vector_load %arg15[%swap3A_80, %swap3A_81] {strides = array<i32>} : memref<128x112xf32, #tpu.memory_space<vmem>>, vector<16xf32>,
      tpu.vector_store %arg15[%swap3A_80, %swap3A_81], %broadcast_in_dim3A_0 {strides = array<i32>} : memref<128x112xf32, #tpu.memory_space<vmem>>, vector<16xf32>,
      %swap3A_83 = arith.index_cast %scan3A_73 : i32 to index
      %swap3A_84 = arith.constant 48 : index
      %swap3A_85 = tpu.vector_load %arg15[%swap3A_83, %swap3A_84] {strides = array<i32>} : memref<128x112xf32, #tpu.memory_space<vmem>>, vector<16xf32>,
      tpu.vector_store %arg15[%swap3A_83, %swap3A_84], %broadcast_in_dim3A_0 {strides = array<i32>} : memref<128x112xf32, #tpu.memory_space<vmem>>, vector<16xf32>,
      %swap3A_86 = arith.index_cast %scan3A_73 : i32 to index
      %swap3A_87 = arith.constant 64 : index
      %swap3A_88 = tpu.vector_load %arg15[%swap3A_86, %swap3A_87] {strides = array<i32>} : memref<128x112xf32, #tpu.memory_space<vmem>>, vector<16xf32>,
      tpu.vector_store %arg15[%swap3A_86, %swap3A_87], %broadcast_in_dim3A_0 {strides = array<i32>} : memref<128x112xf32, #tpu.memory_space<vmem>>, vector<16xf32>,
      %swap3A_89 = arith.index_cast %scan3A_73 : i32 to index
      %swap3A_90 = arith.constant 80 : index
      %swap3A_91 = tpu.vector_load %arg15[%swap3A_89, %swap3A_90] {strides = array<i32>} : memref<128x112xf32, #tpu.memory_space<vmem>>, vector<16xf32>,
      tpu.vector_store %arg15[%swap3A_89, %swap3A_90], %broadcast_in_dim3A_0 {strides = array<i32>} : memref<128x112xf32, #tpu.memory_space<vmem>>, vector<16xf32>,
      %swap3A_92 = arith.index_cast %scan3A_73 : i32 to index
      %swap3A_93 = arith.constant 96 : index
      %swap3A_94 = tpu.vector_load %arg15[%swap3A_92, %swap3A_93] {strides = array<i32>} : memref<128x112xf32, #tpu.memory_space<vmem>>, vector<16xf32>,
      tpu.vector_store %arg15[%swap3A_92, %swap3A_93], %broadcast_in_dim3A_0 {strides = array<i32>} : memref<128x112xf32, #tpu.memory_space<vmem>>, vector<16xf32>,
      %scan3A_95 = arith.constant 0 : i32
      scf.yield %scan3A_95 : i32
    }
    %scan3A_42 = arith.constant 128 : i32
    %add3A_43 = arith.constant 0 : i32
    %add3A_44 = arith.addi %mul3A_1, %add3A_43 : i32
    "tpu.region"() ({
      %run_scoped3A = tpu.sem_alloc : memref<!tpu.dma_semaphore, #tpu.memory_space<semaphore_mem>>
      %dma_start3A = arith.constant 0 : i32
      %dma_start3A_73 = arith.constant 0 : i32
      %dma_start3A_74 = tpu.memref_slice %arg15[%dma_start3A, %dma_start3A_73] : memref<128x112xf32, #tpu.memory_space<vmem>> -> memref<128x112xf32, #tpu.memory_space<vmem>>
      %dma_start3A_75 = arith.constant 0 : i32
      %dma_start3A_76 = tpu.memref_slice %arg19[%add3A_44, %dma_start3A_75] : memref<10016x112xf32, #tpu.memory_space<vmem_shared>> -> memref<128x112xf32, #tpu.memory_space<vmem_shared>>
      %dma_start3A_77 = arith.constant 0 : i32
      %dma_start3A_78 = tpu.memref_slice %arg19[%add3A_44, %dma_start3A_77] : memref<10016x112xf32, #tpu.memory_space<vmem_shared>> -> memref<128x112xf32, #tpu.memory_space<vmem_shared>>
      %dma_start3A_79 = arith.constant 0 : i32
      %dma_start3A_80 = arith.constant 0 : i32
      %dma_start3A_81 = tpu.memref_slice %arg15[%dma_start3A_79, %dma_start3A_80] : memref<128x112xf32, #tpu.memory_space<vmem>> -> memref<128x112xf32, #tpu.memory_space<vmem>>
      tpu.enqueue_dma source(%dma_start3A_81 : memref<128x112xf32, #tpu.memory_space<vmem>>) target(%dma_start3A_78 : memref<128x112xf32, #tpu.memory_space<vmem_shared>>) target_semaphore(%run_scoped3A : memref<!tpu.dma_semaphore, #tpu.memory_space<semaphore_mem>>)
      %dma_wait3A = arith.constant 0 : i32
      %dma_wait3A_82 = arith.constant 0 : i32
      %dma_wait3A_83 = tpu.memref_slice %arg15[%dma_wait3A, %dma_wait3A_82] : memref<128x112xf32, #tpu.memory_space<vmem>> -> memref<128x112xf32, #tpu.memory_space<vmem>>
      %dma_wait3A_84 = arith.constant 0 : i32
      %dma_wait3A_85 = tpu.memref_slice %arg19[%add3A_44, %dma_wait3A_84] : memref<10016x112xf32, #tpu.memory_space<vmem_shared>> -> memref<128x112xf32, #tpu.memory_space<vmem_shared>>
      %dma_wait3A_86 = arith.constant 0 : i32
      %dma_wait3A_87 = tpu.memref_slice %arg19[%add3A_44, %dma_wait3A_86] : memref<10016x112xf32, #tpu.memory_space<vmem_shared>> -> memref<128x112xf32, #tpu.memory_space<vmem_shared>>
      %dma_wait3A_88 = arith.constant 0 : i32
      %dma_wait3A_89 = arith.constant 0 : i32
      %dma_wait3A_90 = tpu.memref_slice %arg15[%dma_wait3A_88, %dma_wait3A_89] : memref<128x112xf32, #tpu.memory_space<vmem>> -> memref<128x112xf32, #tpu.memory_space<vmem>>
      tpu.wait_dma2 semaphore(%run_scoped3A : memref<!tpu.dma_semaphore, #tpu.memory_space<semaphore_mem>>) src(%dma_wait3A_90 : memref<128x112xf32, #tpu.memory_space<vmem>>) dst(%dma_wait3A_87 : memref<128x112xf32, #tpu.memory_space<vmem_shared>>)
      tpu.yield
    }) : () -> ()
    %add3A_45 = arith.constant 128 : i32
    %add3A_46 = arith.addi %mul3A_1, %add3A_45 : i32
    "tpu.region"() ({
      %run_scoped3A = tpu.sem_alloc : memref<!tpu.dma_semaphore, #tpu.memory_space<semaphore_mem>>
      %dma_start3A = arith.constant 0 : i32
      %dma_start3A_73 = arith.constant 0 : i32
      %dma_start3A_74 = tpu.memref_slice %arg15[%dma_start3A, %dma_start3A_73] : memref<128x112xf32, #tpu.memory_space<vmem>> -> memref<128x112xf32, #tpu.memory_space<vmem>>
      %dma_start3A_75 = arith.constant 0 : i32
      %dma_start3A_76 = tpu.memref_slice %arg19[%add3A_46, %dma_start3A_75] : memref<10016x112xf32, #tpu.memory_space<vmem_shared>> -> memref<128x112xf32, #tpu.memory_space<vmem_shared>>
      %dma_start3A_77 = arith.constant 0 : i32
      %dma_start3A_78 = tpu.memref_slice %arg19[%add3A_46, %dma_start3A_77] : memref<10016x112xf32, #tpu.memory_space<vmem_shared>> -> memref<128x112xf32, #tpu.memory_space<vmem_shared>>
      %dma_start3A_79 = arith.constant 0 : i32
      %dma_start3A_80 = arith.constant 0 : i32
      %dma_start3A_81 = tpu.memref_slice %arg15[%dma_start3A_79, %dma_start3A_80] : memref<128x112xf32, #tpu.memory_space<vmem>> -> memref<128x112xf32, #tpu.memory_space<vmem>>
      tpu.enqueue_dma source(%dma_start3A_81 : memref<128x112xf32, #tpu.memory_space<vmem>>) target(%dma_start3A_78 : memref<128x112xf32, #tpu.memory_space<vmem_shared>>) target_semaphore(%run_scoped3A : memref<!tpu.dma_semaphore, #tpu.memory_space<semaphore_mem>>)
      %dma_wait3A = arith.constant 0 : i32
      %dma_wait3A_82 = arith.constant 0 : i32
      %dma_wait3A_83 = tpu.memref_slice %arg15[%dma_wait3A, %dma_wait3A_82] : memref<128x112xf32, #tpu.memory_space<vmem>> -> memref<128x112xf32, #tpu.memory_space<vmem>>
      %dma_wait3A_84 = arith.constant 0 : i32
      %dma_wait3A_85 = tpu.memref_slice %arg19[%add3A_46, %dma_wait3A_84] : memref<10016x112xf32, #tpu.memory_space<vmem_shared>> -> memref<128x112xf32, #tpu.memory_space<vmem_shared>>
      %dma_wait3A_86 = arith.constant 0 : i32
      %dma_wait3A_87 = tpu.memref_slice %arg19[%add3A_46, %dma_wait3A_86] : memref<10016x112xf32, #tpu.memory_space<vmem_shared>> -> memref<128x112xf32, #tpu.memory_space<vmem_shared>>
      %dma_wait3A_88 = arith.constant 0 : i32
      %dma_wait3A_89 = arith.constant 0 : i32
      %dma_wait3A_90 = tpu.memref_slice %arg15[%dma_wait3A_88, %dma_wait3A_89] : memref<128x112xf32, #tpu.memory_space<vmem>> -> memref<128x112xf32, #tpu.memory_space<vmem>>
      tpu.wait_dma2 semaphore(%run_scoped3A : memref<!tpu.dma_semaphore, #tpu.memory_space<semaphore_mem>>) src(%dma_wait3A_90 : memref<128x112xf32, #tpu.memory_space<vmem>>) dst(%dma_wait3A_87 : memref<128x112xf32, #tpu.memory_space<vmem_shared>>)
      tpu.yield
    }) : () -> ()
    %add3A_47 = arith.constant 256 : i32
    %add3A_48 = arith.addi %mul3A_1, %add3A_47 : i32
    "tpu.region"() ({
      %run_scoped3A = tpu.sem_alloc : memref<!tpu.dma_semaphore, #tpu.memory_space<semaphore_mem>>
      %dma_start3A = arith.constant 0 : i32
      %dma_start3A_73 = arith.constant 0 : i32
      %dma_start3A_74 = tpu.memref_slice %arg15[%dma_start3A, %dma_start3A_73] : memref<128x112xf32, #tpu.memory_space<vmem>> -> memref<128x112xf32, #tpu.memory_space<vmem>>
      %dma_start3A_75 = arith.constant 0 : i32
      %dma_start3A_76 = tpu.memref_slice %arg19[%add3A_48, %dma_start3A_75] : memref<10016x112xf32, #tpu.memory_space<vmem_shared>> -> memref<128x112xf32, #tpu.memory_space<vmem_shared>>
      %dma_start3A_77 = arith.constant 0 : i32
      %dma_start3A_78 = tpu.memref_slice %arg19[%add3A_48, %dma_start3A_77] : memref<10016x112xf32, #tpu.memory_space<vmem_shared>> -> memref<128x112xf32, #tpu.memory_space<vmem_shared>>
      %dma_start3A_79 = arith.constant 0 : i32
      %dma_start3A_80 = arith.constant 0 : i32
      %dma_start3A_81 = tpu.memref_slice %arg15[%dma_start3A_79, %dma_start3A_80] : memref<128x112xf32, #tpu.memory_space<vmem>> -> memref<128x112xf32, #tpu.memory_space<vmem>>
      tpu.enqueue_dma source(%dma_start3A_81 : memref<128x112xf32, #tpu.memory_space<vmem>>) target(%dma_start3A_78 : memref<128x112xf32, #tpu.memory_space<vmem_shared>>) target_semaphore(%run_scoped3A : memref<!tpu.dma_semaphore, #tpu.memory_space<semaphore_mem>>)
      %dma_wait3A = arith.constant 0 : i32
      %dma_wait3A_82 = arith.constant 0 : i32
      %dma_wait3A_83 = tpu.memref_slice %arg15[%dma_wait3A, %dma_wait3A_82] : memref<128x112xf32, #tpu.memory_space<vmem>> -> memref<128x112xf32, #tpu.memory_space<vmem>>
      %dma_wait3A_84 = arith.constant 0 : i32
      %dma_wait3A_85 = tpu.memref_slice %arg19[%add3A_48, %dma_wait3A_84] : memref<10016x112xf32, #tpu.memory_space<vmem_shared>> -> memref<128x112xf32, #tpu.memory_space<vmem_shared>>
      %dma_wait3A_86 = arith.constant 0 : i32
      %dma_wait3A_87 = tpu.memref_slice %arg19[%add3A_48, %dma_wait3A_86] : memref<10016x112xf32, #tpu.memory_space<vmem_shared>> -> memref<128x112xf32, #tpu.memory_space<vmem_shared>>
      %dma_wait3A_88 = arith.constant 0 : i32
      %dma_wait3A_89 = arith.constant 0 : i32
      %dma_wait3A_90 = tpu.memref_slice %arg15[%dma_wait3A_88, %dma_wait3A_89] : memref<128x112xf32, #tpu.memory_space<vmem>> -> memref<128x112xf32, #tpu.memory_space<vmem>>
      tpu.wait_dma2 semaphore(%run_scoped3A : memref<!tpu.dma_semaphore, #tpu.memory_space<semaphore_mem>>) src(%dma_wait3A_90 : memref<128x112xf32, #tpu.memory_space<vmem>>) dst(%dma_wait3A_87 : memref<128x112xf32, #tpu.memory_space<vmem_shared>>)
      tpu.yield
    }) : () -> ()
    %add3A_49 = arith.constant 384 : i32
    %add3A_50 = arith.addi %mul3A_1, %add3A_49 : i32
    "tpu.region"() ({
      %run_scoped3A = tpu.sem_alloc : memref<!tpu.dma_semaphore, #tpu.memory_space<semaphore_mem>>
      %dma_start3A = arith.constant 0 : i32
      %dma_start3A_73 = arith.constant 0 : i32
      %dma_start3A_74 = tpu.memref_slice %arg15[%dma_start3A, %dma_start3A_73] : memref<128x112xf32, #tpu.memory_space<vmem>> -> memref<128x112xf32, #tpu.memory_space<vmem>>
      %dma_start3A_75 = arith.constant 0 : i32
      %dma_start3A_76 = tpu.memref_slice %arg19[%add3A_50, %dma_start3A_75] : memref<10016x112xf32, #tpu.memory_space<vmem_shared>> -> memref<128x112xf32, #tpu.memory_space<vmem_shared>>
      %dma_start3A_77 = arith.constant 0 : i32
      %dma_start3A_78 = tpu.memref_slice %arg19[%add3A_50, %dma_start3A_77] : memref<10016x112xf32, #tpu.memory_space<vmem_shared>> -> memref<128x112xf32, #tpu.memory_space<vmem_shared>>
      %dma_start3A_79 = arith.constant 0 : i32
      %dma_start3A_80 = arith.constant 0 : i32
      %dma_start3A_81 = tpu.memref_slice %arg15[%dma_start3A_79, %dma_start3A_80] : memref<128x112xf32, #tpu.memory_space<vmem>> -> memref<128x112xf32, #tpu.memory_space<vmem>>
      tpu.enqueue_dma source(%dma_start3A_81 : memref<128x112xf32, #tpu.memory_space<vmem>>) target(%dma_start3A_78 : memref<128x112xf32, #tpu.memory_space<vmem_shared>>) target_semaphore(%run_scoped3A : memref<!tpu.dma_semaphore, #tpu.memory_space<semaphore_mem>>)
      %dma_wait3A = arith.constant 0 : i32
      %dma_wait3A_82 = arith.constant 0 : i32
      %dma_wait3A_83 = tpu.memref_slice %arg15[%dma_wait3A, %dma_wait3A_82] : memref<128x112xf32, #tpu.memory_space<vmem>> -> memref<128x112xf32, #tpu.memory_space<vmem>>
      %dma_wait3A_84 = arith.constant 0 : i32
      %dma_wait3A_85 = tpu.memref_slice %arg19[%add3A_50, %dma_wait3A_84] : memref<10016x112xf32, #tpu.memory_space<vmem_shared>> -> memref<128x112xf32, #tpu.memory_space<vmem_shared>>
      %dma_wait3A_86 = arith.constant 0 : i32
      %dma_wait3A_87 = tpu.memref_slice %arg19[%add3A_50, %dma_wait3A_86] : memref<10016x112xf32, #tpu.memory_space<vmem_shared>> -> memref<128x112xf32, #tpu.memory_space<vmem_shared>>
      %dma_wait3A_88 = arith.constant 0 : i32
      %dma_wait3A_89 = arith.constant 0 : i32
      %dma_wait3A_90 = tpu.memref_slice %arg15[%dma_wait3A_88, %dma_wait3A_89] : memref<128x112xf32, #tpu.memory_space<vmem>> -> memref<128x112xf32, #tpu.memory_space<vmem>>
      tpu.wait_dma2 semaphore(%run_scoped3A : memref<!tpu.dma_semaphore, #tpu.memory_space<semaphore_mem>>) src(%dma_wait3A_90 : memref<128x112xf32, #tpu.memory_space<vmem>>) dst(%dma_wait3A_87 : memref<128x112xf32, #tpu.memory_space<vmem_shared>>)
      tpu.yield
    }) : () -> ()
    %add3A_51 = arith.constant 512 : i32
    %add3A_52 = arith.addi %mul3A_1, %add3A_51 : i32
    "tpu.region"() ({
      %run_scoped3A = tpu.sem_alloc : memref<!tpu.dma_semaphore, #tpu.memory_space<semaphore_mem>>
      %dma_start3A = arith.constant 0 : i32
      %dma_start3A_73 = arith.constant 0 : i32
      %dma_start3A_74 = tpu.memref_slice %arg15[%dma_start3A, %dma_start3A_73] : memref<128x112xf32, #tpu.memory_space<vmem>> -> memref<114x112xf32, #tpu.memory_space<vmem>>
      %dma_start3A_75 = arith.constant 0 : i32
      %dma_start3A_76 = tpu.memref_slice %arg19[%add3A_52, %dma_start3A_75] : memref<10016x112xf32, #tpu.memory_space<vmem_shared>> -> memref<114x112xf32, #tpu.memory_space<vmem_shared>>
      %dma_start3A_77 = arith.constant 0 : i32
      %dma_start3A_78 = tpu.memref_slice %arg19[%add3A_52, %dma_start3A_77] : memref<10016x112xf32, #tpu.memory_space<vmem_shared>> -> memref<114x112xf32, #tpu.memory_space<vmem_shared>>
      %dma_start3A_79 = arith.constant 0 : i32
      %dma_start3A_80 = arith.constant 0 : i32
      %dma_start3A_81 = tpu.memref_slice %arg15[%dma_start3A_79, %dma_start3A_80] : memref<128x112xf32, #tpu.memory_space<vmem>> -> memref<114x112xf32, #tpu.memory_space<vmem>>
      tpu.enqueue_dma source(%dma_start3A_81 : memref<114x112xf32, #tpu.memory_space<vmem>>) target(%dma_start3A_78 : memref<114x112xf32, #tpu.memory_space<vmem_shared>>) target_semaphore(%run_scoped3A : memref<!tpu.dma_semaphore, #tpu.memory_space<semaphore_mem>>)
      %dma_wait3A = arith.constant 0 : i32
      %dma_wait3A_82 = arith.constant 0 : i32
      %dma_wait3A_83 = tpu.memref_slice %arg15[%dma_wait3A, %dma_wait3A_82] : memref<128x112xf32, #tpu.memory_space<vmem>> -> memref<114x112xf32, #tpu.memory_space<vmem>>
      %dma_wait3A_84 = arith.constant 0 : i32
      %dma_wait3A_85 = tpu.memref_slice %arg19[%add3A_52, %dma_wait3A_84] : memref<10016x112xf32, #tpu.memory_space<vmem_shared>> -> memref<114x112xf32, #tpu.memory_space<vmem_shared>>
      %dma_wait3A_86 = arith.constant 0 : i32
      %dma_wait3A_87 = tpu.memref_slice %arg19[%add3A_52, %dma_wait3A_86] : memref<10016x112xf32, #tpu.memory_space<vmem_shared>> -> memref<114x112xf32, #tpu.memory_space<vmem_shared>>
      %dma_wait3A_88 = arith.constant 0 : i32
      %dma_wait3A_89 = arith.constant 0 : i32
      %dma_wait3A_90 = tpu.memref_slice %arg15[%dma_wait3A_88, %dma_wait3A_89] : memref<128x112xf32, #tpu.memory_space<vmem>> -> memref<114x112xf32, #tpu.memory_space<vmem>>
      tpu.wait_dma2 semaphore(%run_scoped3A : memref<!tpu.dma_semaphore, #tpu.memory_space<semaphore_mem>>) src(%dma_wait3A_90 : memref<114x112xf32, #tpu.memory_space<vmem>>) dst(%dma_wait3A_87 : memref<114x112xf32, #tpu.memory_space<vmem_shared>>)
      tpu.yield
    }) : () -> ()
    %barrier3A_53 = arith.constant 0 : index
    tpu.barrier barrier_id(%barrier3A_53)
    %mul3A_54 = arith.constant 2 : i32
    %mul3A_55 = arith.muli %mul3A_54, %arg0 : i32
    %add3A_56 = arith.constant 1 : i32
    %add3A_57 = arith.addi %mul3A_55, %add3A_56 : i32
    %mul3A_58 = arith.constant 10016 : i32
    %mul3A_59 = arith.muli %add3A_57, %mul3A_58 : i32
    %scan3A_60 = arith.constant 0 : i32
    %scan3A_61 = arith.constant 0 : i32
    %scan3A_62 = arith.constant 162 : i32
    %scan3A_63 = arith.addi %scan3A_61, %scan3A_62 : i32
    %scan3A_64 = arith.constant 1 : i32
    %scan3A_65 = scf.for %scan3A_73 = %scan3A_61 to %scan3A_63 step %scan3A_64 iter_args(%scan3A_74 = %scan3A_60) -> (i32)  : i32 {
      %mul3A_75 = arith.constant 20736 : i32
      %mul3A_76 = arith.muli %arg1, %mul3A_75 : i32
      %mul3A_77 = arith.constant 128 : i32
      %mul3A_78 = arith.muli %scan3A_73, %mul3A_77 : i32
      %add3A_79 = arith.addi %mul3A_76, %mul3A_78 : i32
      "tpu.region"() ({
        %run_scoped3A = tpu.sem_alloc : memref<!tpu.dma_semaphore, #tpu.memory_space<semaphore_mem>>
        %dma_start3A_109 = tpu.memref_slice %arg4[%add3A_79] : memref<331776xi32, #tpu.memory_space<hbm>> -> memref<128xi32, #tpu.memory_space<hbm>>
        %dma_start3A_110 = tpu.memref_slice %arg4[%add3A_79] : memref<331776xi32, #tpu.memory_space<hbm>> -> memref<128xi32, #tpu.memory_space<hbm>>
        tpu.enqueue_dma source(%dma_start3A_110 : memref<128xi32, #tpu.memory_space<hbm>>) target(%arg8 : memref<128xi32, #tpu.memory_space<vmem>>) target_semaphore(%run_scoped3A : memref<!tpu.dma_semaphore, #tpu.memory_space<semaphore_mem>>)
        %dma_wait3A_111 = tpu.memref_slice %arg4[%add3A_79] : memref<331776xi32, #tpu.memory_space<hbm>> -> memref<128xi32, #tpu.memory_space<hbm>>
        %dma_wait3A_112 = tpu.memref_slice %arg4[%add3A_79] : memref<331776xi32, #tpu.memory_space<hbm>> -> memref<128xi32, #tpu.memory_space<hbm>>
        tpu.wait_dma2 semaphore(%run_scoped3A : memref<!tpu.dma_semaphore, #tpu.memory_space<semaphore_mem>>) src(%dma_wait3A_112 : memref<128xi32, #tpu.memory_space<hbm>>) dst(%arg8 : memref<128xi32, #tpu.memory_space<vmem>>)
        tpu.yield
      }) : () -> ()
      "tpu.region"() ({
        %run_scoped3A = tpu.sem_alloc : memref<!tpu.dma_semaphore, #tpu.memory_space<semaphore_mem>>
        %dma_start3A_109 = tpu.memref_slice %arg5[%add3A_79] : memref<331776xi32, #tpu.memory_space<hbm>> -> memref<128xi32, #tpu.memory_space<hbm>>
        %dma_start3A_110 = tpu.memref_slice %arg5[%add3A_79] : memref<331776xi32, #tpu.memory_space<hbm>> -> memref<128xi32, #tpu.memory_space<hbm>>
        tpu.enqueue_dma source(%dma_start3A_110 : memref<128xi32, #tpu.memory_space<hbm>>) target(%arg9 : memref<128xi32, #tpu.memory_space<vmem>>) target_semaphore(%run_scoped3A : memref<!tpu.dma_semaphore, #tpu.memory_space<semaphore_mem>>)
        %dma_wait3A_111 = tpu.memref_slice %arg5[%add3A_79] : memref<331776xi32, #tpu.memory_space<hbm>> -> memref<128xi32, #tpu.memory_space<hbm>>
        %dma_wait3A_112 = tpu.memref_slice %arg5[%add3A_79] : memref<331776xi32, #tpu.memory_space<hbm>> -> memref<128xi32, #tpu.memory_space<hbm>>
        tpu.wait_dma2 semaphore(%run_scoped3A : memref<!tpu.dma_semaphore, #tpu.memory_space<semaphore_mem>>) src(%dma_wait3A_112 : memref<128xi32, #tpu.memory_space<hbm>>) dst(%arg9 : memref<128xi32, #tpu.memory_space<vmem>>)
        tpu.yield
      }) : () -> ()
      %scan3A_80 = arith.constant 0 : i32
      %scan3A_81 = arith.constant 0 : i32
      %scan3A_82 = arith.constant 8 : i32
      %scan3A_83 = arith.addi %scan3A_81, %scan3A_82 : i32
      %scan3A_84 = arith.constant 1 : i32
      %scan3A_85 = scf.for %scan3A_109 = %scan3A_81 to %scan3A_83 step %scan3A_84 iter_args(%scan3A_110 = %scan3A_80) -> (i32)  : i32 {
        %mul3A_111 = arith.constant 16 : i32
        %mul3A_112 = arith.muli %scan3A_109, %mul3A_111 : i32
        %get3A = arith.index_cast %mul3A_112 : i32 to index
        %get3A_113 = tpu.vector_load %arg8[%get3A] {strides = array<i32>} : memref<128xi32, #tpu.memory_space<vmem>>, vector<16xi32>,
        %add3A_114 = vector.broadcast %mul3A_59 : i32 to vector<16xi32>
        %add3A_115 = arith.addi %get3A_113, %add3A_114 : vector<16xi32>
        %mul3A_116 = arith.constant 16 : i32
        %mul3A_117 = arith.muli %scan3A_109, %mul3A_116 : i32
        %swap3A = arith.index_cast %mul3A_117 : i32 to index
        %swap3A_118 = tpu.vector_load %arg10[%swap3A] {strides = array<i32>} : memref<128xi32, #tpu.memory_space<vmem>>, vector<16xi32>,
        tpu.vector_store %arg10[%swap3A], %add3A_115 {strides = array<i32>} : memref<128xi32, #tpu.memory_space<vmem>>, vector<16xi32>,
        %scan3A_119 = arith.constant 0 : i32
        scf.yield %scan3A_119 : i32
      }
      %scan3A_86 = arith.constant 8 : i32
      %dma_start3A = arith.constant 0 : i32
      %dma_start3A_87 = arith.constant 0 : i32
      %dma_start3A_88 = tpu.memref_slice %arg2[%dma_start3A, %dma_start3A_87] : memref<40064x96xf32, #tpu.memory_space<hbm>> -> memref<40064x96xf32, #tpu.memory_space<hbm>>
      tpu.enqueue_indirect_dma source(%dma_start3A_88 : memref<40064x96xf32, #tpu.memory_space<hbm>>) target(%arg14 : memref<128x96xf32, #tpu.memory_space<vmem>>) offsets(%arg10 : memref<128xi32, #tpu.memory_space<vmem>>) semaphore(%arg20 : memref<!tpu.dma_semaphore, #tpu.memory_space<semaphore_mem>>)
      %dma_start3A_89 = arith.constant 0 : i32
      %dma_start3A_90 = arith.constant 0 : i32
      %dma_start3A_91 = tpu.memref_slice %arg3[%dma_start3A_89, %dma_start3A_90] : memref<10016x16xf32, #tpu.memory_space<hbm>> -> memref<10016x16xf32, #tpu.memory_space<hbm>>
      tpu.enqueue_indirect_dma source(%dma_start3A_91 : memref<10016x16xf32, #tpu.memory_space<hbm>>) target(%arg11 : memref<128x16xf32, #tpu.memory_space<vmem>>) offsets(%arg8 : memref<128xi32, #tpu.memory_space<vmem>>) semaphore(%arg21 : memref<!tpu.dma_semaphore, #tpu.memory_space<semaphore_mem>>)
      %dma_start3A_92 = arith.constant 0 : i32
      %dma_start3A_93 = arith.constant 0 : i32
      %dma_start3A_94 = tpu.memref_slice %arg3[%dma_start3A_92, %dma_start3A_93] : memref<10016x16xf32, #tpu.memory_space<hbm>> -> memref<10016x16xf32, #tpu.memory_space<hbm>>
      tpu.enqueue_indirect_dma source(%dma_start3A_94 : memref<10016x16xf32, #tpu.memory_space<hbm>>) target(%arg12 : memref<128x16xf32, #tpu.memory_space<vmem>>) offsets(%arg9 : memref<128xi32, #tpu.memory_space<vmem>>) semaphore(%arg21 : memref<!tpu.dma_semaphore, #tpu.memory_space<semaphore_mem>>)
      "tpu.region"() ({
        %run_scoped3A = tpu.sem_alloc : memref<!tpu.dma_semaphore, #tpu.memory_space<semaphore_mem>>
        %dma_start3A_109 = arith.constant 0 : i32
        %dma_start3A_110 = tpu.memref_slice %arg6[%add3A_79, %dma_start3A_109] : memref<331776x3xf32, #tpu.memory_space<hbm>> -> memref<128x3xf32, #tpu.memory_space<hbm>>
        %dma_start3A_111 = arith.constant 0 : i32
        %dma_start3A_112 = tpu.memref_slice %arg6[%add3A_79, %dma_start3A_111] : memref<331776x3xf32, #tpu.memory_space<hbm>> -> memref<128x3xf32, #tpu.memory_space<hbm>>
        tpu.enqueue_dma source(%dma_start3A_112 : memref<128x3xf32, #tpu.memory_space<hbm>>) target(%arg13 : memref<128x3xf32, #tpu.memory_space<vmem>>) target_semaphore(%run_scoped3A : memref<!tpu.dma_semaphore, #tpu.memory_space<semaphore_mem>>)
        %dma_wait3A_113 = arith.constant 0 : i32
        %dma_wait3A_114 = tpu.memref_slice %arg6[%add3A_79, %dma_wait3A_113] : memref<331776x3xf32, #tpu.memory_space<hbm>> -> memref<128x3xf32, #tpu.memory_space<hbm>>
        %dma_wait3A_115 = arith.constant 0 : i32
        %dma_wait3A_116 = tpu.memref_slice %arg6[%add3A_79, %dma_wait3A_115] : memref<331776x3xf32, #tpu.memory_space<hbm>> -> memref<128x3xf32, #tpu.memory_space<hbm>>
        tpu.wait_dma2 semaphore(%run_scoped3A : memref<!tpu.dma_semaphore, #tpu.memory_space<semaphore_mem>>) src(%dma_wait3A_116 : memref<128x3xf32, #tpu.memory_space<hbm>>) dst(%arg13 : memref<128x3xf32, #tpu.memory_space<vmem>>)
        tpu.yield
      }) : () -> ()
      %dma_wait3A = arith.constant 0 : i32
      %dma_wait3A_95 = arith.constant 0 : i32
      %dma_wait3A_96 = tpu.memref_slice %arg3[%dma_wait3A, %dma_wait3A_95] : memref<10016x16xf32, #tpu.memory_space<hbm>> -> memref<10016x16xf32, #tpu.memory_space<hbm>>
      tpu.wait_indirect_dma semaphore(%arg21 : memref<!tpu.dma_semaphore, #tpu.memory_space<semaphore_mem>>) src(%dma_wait3A_96 : memref<10016x16xf32, #tpu.memory_space<hbm>>) dst(%arg11 : memref<128x16xf32, #tpu.memory_space<vmem>>)
      %dma_wait3A_97 = arith.constant 0 : i32
      %dma_wait3A_98 = arith.constant 0 : i32
      %dma_wait3A_99 = tpu.memref_slice %arg3[%dma_wait3A_97, %dma_wait3A_98] : memref<10016x16xf32, #tpu.memory_space<hbm>> -> memref<10016x16xf32, #tpu.memory_space<hbm>>
      tpu.wait_indirect_dma semaphore(%arg21 : memref<!tpu.dma_semaphore, #tpu.memory_space<semaphore_mem>>) src(%dma_wait3A_99 : memref<10016x16xf32, #tpu.memory_space<hbm>>) dst(%arg12 : memref<128x16xf32, #tpu.memory_space<vmem>>)
      %parallel_loop3A = arith.constant 0 : i32
      %parallel_loop3A_100 = arith.constant 8 : i32
      %parallel_loop3A_101 = arith.constant 1 : i32
      scf.for %parallel_loop3A_109 = %parallel_loop3A to %parallel_loop3A_100 step %parallel_loop3A_101  : i32 {
        %parallel_loop3A_110 = arith.constant 16 : i32
        %parallel_loop3A_111 = arith.muli %parallel_loop3A_109, %parallel_loop3A_110 : i32
        %parallel_loop3A_112 = vector.broadcast %parallel_loop3A_111 : i32 to vector<16xi32>
        %parallel_loop3A_113 = arith.addi %iota3A, %parallel_loop3A_112 : vector<16xi32>
        %parallel_loop3A_114 = arith.constant 0 : i32
        %parallel_loop3A_115 = vector.broadcast %parallel_loop3A_114 : i32 to vector<16xi32>
        %parallel_loop3A_116 = tpu.vector_load_idx %arg11[%parallel_loop3A_113, %parallel_loop3A_115] : memref<128x16xf32, #tpu.memory_space<vmem>>[vector<16xi32>, vector<16xi32>], vector<16xf32>,
        %parallel_loop3A_117 = arith.constant 3 : i32
        %parallel_loop3A_118 = vector.broadcast %parallel_loop3A_117 : i32 to vector<16xi32>
        %parallel_loop3A_119 = arith.addi %parallel_loop3A_115, %parallel_loop3A_118 : vector<16xi32>
        %parallel_loop3A_120 = tpu.vector_load_idx %arg12[%parallel_loop3A_113, %parallel_loop3A_119] : memref<128x16xf32, #tpu.memory_space<vmem>>[vector<16xi32>, vector<16xi32>], vector<16xf32>,
        %parallel_loop3A_121 = arith.constant 6 : i32
        %parallel_loop3A_122 = vector.broadcast %parallel_loop3A_121 : i32 to vector<16xi32>
        %parallel_loop3A_123 = arith.addi %parallel_loop3A_115, %parallel_loop3A_122 : vector<16xi32>
        %parallel_loop3A_124 = tpu.vector_load_idx %arg12[%parallel_loop3A_113, %parallel_loop3A_123] : memref<128x16xf32, #tpu.memory_space<vmem>>[vector<16xi32>, vector<16xi32>], vector<16xf32>,
        %parallel_loop3A_125 = tpu.vector_load_idx %arg13[%parallel_loop3A_113, %parallel_loop3A_115] : memref<128x3xf32, #tpu.memory_space<vmem>>[vector<16xi32>, vector<16xi32>], vector<16xf32>,
        %parallel_loop3A_126 = arith.addf %parallel_loop3A_116, %parallel_loop3A_120 : vector<16xf32>
        %parallel_loop3A_127 = arith.addf %parallel_loop3A_126, %parallel_loop3A_125 : vector<16xf32>
        %parallel_loop3A_128 = arith.constant 2.000000e-01 : f32
        %parallel_loop3A_129 = vector.broadcast %parallel_loop3A_128 : f32 to vector<16xf32>
        %parallel_loop3A_130 = arith.mulf %parallel_loop3A_129, %parallel_loop3A_127 : vector<16xf32>
        %parallel_loop3A_131 = arith.maximumf %parallel_loop3A_127, %parallel_loop3A_130 : vector<16xf32>
        %parallel_loop3A_132 = arith.subf %parallel_loop3A_131, %parallel_loop3A_124 : vector<16xf32>
        %parallel_loop3A_133 = math.exp %parallel_loop3A_132 : vector<16xf32>
        %parallel_loop3A_134 = arith.constant 16 : i32
        %parallel_loop3A_135 = arith.muli %parallel_loop3A_109, %parallel_loop3A_134 : i32
        %parallel_loop3A_136 = arith.index_cast %parallel_loop3A_135 : i32 to index
        %parallel_loop3A_137 = tpu.vector_load %arg16[%parallel_loop3A_136] {strides = array<i32>} : memref<128xf32, #tpu.memory_space<vmem>>, vector<16xf32>,
        tpu.vector_store %arg16[%parallel_loop3A_136], %parallel_loop3A_133 {strides = array<i32>} : memref<128xf32, #tpu.memory_space<vmem>>, vector<16xf32>,
        %parallel_loop3A_138 = arith.constant 1 : i32
        %parallel_loop3A_139 = vector.broadcast %parallel_loop3A_138 : i32 to vector<16xi32>
        %parallel_loop3A_140 = tpu.vector_load_idx %arg11[%parallel_loop3A_113, %parallel_loop3A_139] : memref<128x16xf32, #tpu.memory_space<vmem>>[vector<16xi32>, vector<16xi32>], vector<16xf32>,
        %parallel_loop3A_141 = arith.constant 3 : i32
        %parallel_loop3A_142 = vector.broadcast %parallel_loop3A_141 : i32 to vector<16xi32>
        %parallel_loop3A_143 = arith.addi %parallel_loop3A_139, %parallel_loop3A_142 : vector<16xi32>
        %parallel_loop3A_144 = tpu.vector_load_idx %arg12[%parallel_loop3A_113, %parallel_loop3A_143] : memref<128x16xf32, #tpu.memory_space<vmem>>[vector<16xi32>, vector<16xi32>], vector<16xf32>,
        %parallel_loop3A_145 = arith.constant 6 : i32
        %parallel_loop3A_146 = vector.broadcast %parallel_loop3A_145 : i32 to vector<16xi32>
        %parallel_loop3A_147 = arith.addi %parallel_loop3A_139, %parallel_loop3A_146 : vector<16xi32>
        %parallel_loop3A_148 = tpu.vector_load_idx %arg12[%parallel_loop3A_113, %parallel_loop3A_147] : memref<128x16xf32, #tpu.memory_space<vmem>>[vector<16xi32>, vector<16xi32>], vector<16xf32>,
        %parallel_loop3A_149 = tpu.vector_load_idx %arg13[%parallel_loop3A_113, %parallel_loop3A_139] : memref<128x3xf32, #tpu.memory_space<vmem>>[vector<16xi32>, vector<16xi32>], vector<16xf32>,
        %parallel_loop3A_150 = arith.addf %parallel_loop3A_140, %parallel_loop3A_144 : vector<16xf32>
        %parallel_loop3A_151 = arith.addf %parallel_loop3A_150, %parallel_loop3A_149 : vector<16xf32>
        %parallel_loop3A_152 = arith.constant 2.000000e-01 : f32
        %parallel_loop3A_153 = vector.broadcast %parallel_loop3A_152 : f32 to vector<16xf32>
        %parallel_loop3A_154 = arith.mulf %parallel_loop3A_153, %parallel_loop3A_151 : vector<16xf32>
        %parallel_loop3A_155 = arith.maximumf %parallel_loop3A_151, %parallel_loop3A_154 : vector<16xf32>
        %parallel_loop3A_156 = arith.subf %parallel_loop3A_155, %parallel_loop3A_148 : vector<16xf32>
        %parallel_loop3A_157 = math.exp %parallel_loop3A_156 : vector<16xf32>
        %parallel_loop3A_158 = arith.constant 16 : i32
        %parallel_loop3A_159 = arith.muli %parallel_loop3A_109, %parallel_loop3A_158 : i32
        %parallel_loop3A_160 = arith.index_cast %parallel_loop3A_159 : i32 to index
        %parallel_loop3A_161 = tpu.vector_load %arg17[%parallel_loop3A_160] {strides = array<i32>} : memref<128xf32, #tpu.memory_space<vmem>>, vector<16xf32>,
        tpu.vector_store %arg17[%parallel_loop3A_160], %parallel_loop3A_157 {strides = array<i32>} : memref<128xf32, #tpu.memory_space<vmem>>, vector<16xf32>,
        %parallel_loop3A_162 = arith.constant 2 : i32
        %parallel_loop3A_163 = vector.broadcast %parallel_loop3A_162 : i32 to vector<16xi32>
        %parallel_loop3A_164 = tpu.vector_load_idx %arg11[%parallel_loop3A_113, %parallel_loop3A_163] : memref<128x16xf32, #tpu.memory_space<vmem>>[vector<16xi32>, vector<16xi32>], vector<16xf32>,
        %parallel_loop3A_165 = arith.constant 3 : i32
        %parallel_loop3A_166 = vector.broadcast %parallel_loop3A_165 : i32 to vector<16xi32>
        %parallel_loop3A_167 = arith.addi %parallel_loop3A_163, %parallel_loop3A_166 : vector<16xi32>
        %parallel_loop3A_168 = tpu.vector_load_idx %arg12[%parallel_loop3A_113, %parallel_loop3A_167] : memref<128x16xf32, #tpu.memory_space<vmem>>[vector<16xi32>, vector<16xi32>], vector<16xf32>,
        %parallel_loop3A_169 = arith.constant 6 : i32
        %parallel_loop3A_170 = vector.broadcast %parallel_loop3A_169 : i32 to vector<16xi32>
        %parallel_loop3A_171 = arith.addi %parallel_loop3A_163, %parallel_loop3A_170 : vector<16xi32>
        %parallel_loop3A_172 = tpu.vector_load_idx %arg12[%parallel_loop3A_113, %parallel_loop3A_171] : memref<128x16xf32, #tpu.memory_space<vmem>>[vector<16xi32>, vector<16xi32>], vector<16xf32>,
        %parallel_loop3A_173 = tpu.vector_load_idx %arg13[%parallel_loop3A_113, %parallel_loop3A_163] : memref<128x3xf32, #tpu.memory_space<vmem>>[vector<16xi32>, vector<16xi32>], vector<16xf32>,
        %parallel_loop3A_174 = arith.addf %parallel_loop3A_164, %parallel_loop3A_168 : vector<16xf32>
        %parallel_loop3A_175 = arith.addf %parallel_loop3A_174, %parallel_loop3A_173 : vector<16xf32>
        %parallel_loop3A_176 = arith.constant 2.000000e-01 : f32
        %parallel_loop3A_177 = vector.broadcast %parallel_loop3A_176 : f32 to vector<16xf32>
        %parallel_loop3A_178 = arith.mulf %parallel_loop3A_177, %parallel_loop3A_175 : vector<16xf32>
        %parallel_loop3A_179 = arith.maximumf %parallel_loop3A_175, %parallel_loop3A_178 : vector<16xf32>
        %parallel_loop3A_180 = arith.subf %parallel_loop3A_179, %parallel_loop3A_172 : vector<16xf32>
        %parallel_loop3A_181 = math.exp %parallel_loop3A_180 : vector<16xf32>
        %parallel_loop3A_182 = arith.constant 16 : i32
        %parallel_loop3A_183 = arith.muli %parallel_loop3A_109, %parallel_loop3A_182 : i32
        %parallel_loop3A_184 = arith.index_cast %parallel_loop3A_183 : i32 to index
        %parallel_loop3A_185 = tpu.vector_load %arg18[%parallel_loop3A_184] {strides = array<i32>} : memref<128xf32, #tpu.memory_space<vmem>>, vector<16xf32>,
        tpu.vector_store %arg18[%parallel_loop3A_184], %parallel_loop3A_181 {strides = array<i32>} : memref<128xf32, #tpu.memory_space<vmem>>, vector<16xf32>,
      } {sc.loop_unroll_factor = 2 : i64, sc.parallel_access}
      %dma_wait3A_102 = arith.constant 0 : i32
      %dma_wait3A_103 = arith.constant 0 : i32
      %dma_wait3A_104 = tpu.memref_slice %arg2[%dma_wait3A_102, %dma_wait3A_103] : memref<40064x96xf32, #tpu.memory_space<hbm>> -> memref<40064x96xf32, #tpu.memory_space<hbm>>
      tpu.wait_indirect_dma semaphore(%arg20 : memref<!tpu.dma_semaphore, #tpu.memory_space<semaphore_mem>>) src(%dma_wait3A_104 : memref<40064x96xf32, #tpu.memory_space<hbm>>) dst(%arg14 : memref<128x96xf32, #tpu.memory_space<vmem>>)
      %parallel_loop3A_105 = arith.constant 0 : i32
      %parallel_loop3A_106 = arith.constant 128 : i32
      %parallel_loop3A_107 = arith.constant 1 : i32
      scf.for %parallel_loop3A_109 = %parallel_loop3A_105 to %parallel_loop3A_106 step %parallel_loop3A_107  : i32 {
        %parallel_loop3A_110 = vector.broadcast %parallel_loop3A_109 : i32 to vector<16xi32>
        %parallel_loop3A_111 = tpu.vector_load_idx %arg16[%parallel_loop3A_110] : memref<128xf32, #tpu.memory_space<vmem>>[vector<16xi32>], vector<16xf32>,
        %parallel_loop3A_112 = tpu.vector_load_idx %arg17[%parallel_loop3A_110] : memref<128xf32, #tpu.memory_space<vmem>>[vector<16xi32>], vector<16xf32>,
        %parallel_loop3A_113 = tpu.vector_load_idx %arg18[%parallel_loop3A_110] : memref<128xf32, #tpu.memory_space<vmem>>[vector<16xi32>], vector<16xf32>,
        %parallel_loop3A_114 = arith.constant 0 : i32
        %parallel_loop3A_115 = vector.broadcast %parallel_loop3A_114 : i32 to vector<16xi32>
        %parallel_loop3A_116 = arith.cmpi eq, %iota3A, %parallel_loop3A_115 : vector<16xi32>
        %parallel_loop3A_117 = arith.constant 1 : i32
        %parallel_loop3A_118 = vector.broadcast %parallel_loop3A_117 : i32 to vector<16xi32>
        %parallel_loop3A_119 = arith.cmpi eq, %iota3A, %parallel_loop3A_118 : vector<16xi32>
        %parallel_loop3A_120 = arith.constant 2 : i32
        %parallel_loop3A_121 = vector.broadcast %parallel_loop3A_120 : i32 to vector<16xi32>
        %parallel_loop3A_122 = arith.cmpi eq, %iota3A, %parallel_loop3A_121 : vector<16xi32>
        %parallel_loop3A_123 = arith.constant 0.000000e+00 : f32
        %parallel_loop3A_124 = vector.broadcast %parallel_loop3A_123 : f32 to vector<16xf32>
        %parallel_loop3A_125 = arith.select %parallel_loop3A_122, %parallel_loop3A_113, %parallel_loop3A_124 : vector<16xi1>, vector<16xf32>
        %parallel_loop3A_126 = arith.select %parallel_loop3A_119, %parallel_loop3A_112, %parallel_loop3A_125 : vector<16xi1>, vector<16xf32>
        %parallel_loop3A_127 = arith.select %parallel_loop3A_116, %parallel_loop3A_111, %parallel_loop3A_126 : vector<16xi1>, vector<16xf32>
        %parallel_loop3A_128 = arith.index_cast %parallel_loop3A_109 : i32 to index
        %parallel_loop3A_129 = arith.constant 96 : index
        %parallel_loop3A_130 = tpu.vector_load %arg15[%parallel_loop3A_128, %parallel_loop3A_129] {strides = array<i32>} : memref<128x112xf32, #tpu.memory_space<vmem>>, vector<16xf32>,
        tpu.vector_store %arg15[%parallel_loop3A_128, %parallel_loop3A_129], %parallel_loop3A_127 {strides = array<i32>} : memref<128x112xf32, #tpu.memory_space<vmem>>, vector<16xf32>,
        %parallel_loop3A_131 = arith.constant 0 : i32
        %parallel_loop3A_132 = arith.cmpi eq, %arg0, %parallel_loop3A_131 : i32
        %parallel_loop3A_133 = arith.select %parallel_loop3A_132, %parallel_loop3A_111, %parallel_loop3A_113 : vector<16xf32>
        %parallel_loop3A_134 = arith.index_cast %parallel_loop3A_109 : i32 to index
        %parallel_loop3A_135 = arith.constant 0 : index
        %parallel_loop3A_136 = tpu.vector_load %arg14[%parallel_loop3A_134, %parallel_loop3A_135] {strides = array<i32>} : memref<128x96xf32, #tpu.memory_space<vmem>>, vector<16xf32>,
        %parallel_loop3A_137 = arith.mulf %parallel_loop3A_136, %parallel_loop3A_133 : vector<16xf32>
        %parallel_loop3A_138 = arith.index_cast %parallel_loop3A_109 : i32 to index
        %parallel_loop3A_139 = arith.constant 0 : index
        %parallel_loop3A_140 = tpu.vector_load %arg15[%parallel_loop3A_138, %parallel_loop3A_139] {strides = array<i32>} : memref<128x112xf32, #tpu.memory_space<vmem>>, vector<16xf32>,
        tpu.vector_store %arg15[%parallel_loop3A_138, %parallel_loop3A_139], %parallel_loop3A_137 {strides = array<i32>} : memref<128x112xf32, #tpu.memory_space<vmem>>, vector<16xf32>,
        %parallel_loop3A_141 = arith.constant 0 : i32
        %parallel_loop3A_142 = arith.cmpi eq, %arg0, %parallel_loop3A_141 : i32
        %parallel_loop3A_143 = arith.select %parallel_loop3A_142, %parallel_loop3A_111, %parallel_loop3A_113 : vector<16xf32>
        %parallel_loop3A_144 = arith.index_cast %parallel_loop3A_109 : i32 to index
        %parallel_loop3A_145 = arith.constant 16 : index
        %parallel_loop3A_146 = tpu.vector_load %arg14[%parallel_loop3A_144, %parallel_loop3A_145] {strides = array<i32>} : memref<128x96xf32, #tpu.memory_space<vmem>>, vector<16xf32>,
        %parallel_loop3A_147 = arith.mulf %parallel_loop3A_146, %parallel_loop3A_143 : vector<16xf32>
        %parallel_loop3A_148 = arith.index_cast %parallel_loop3A_109 : i32 to index
        %parallel_loop3A_149 = arith.constant 16 : index
        %parallel_loop3A_150 = tpu.vector_load %arg15[%parallel_loop3A_148, %parallel_loop3A_149] {strides = array<i32>} : memref<128x112xf32, #tpu.memory_space<vmem>>, vector<16xf32>,
        tpu.vector_store %arg15[%parallel_loop3A_148, %parallel_loop3A_149], %parallel_loop3A_147 {strides = array<i32>} : memref<128x112xf32, #tpu.memory_space<vmem>>, vector<16xf32>,
        %parallel_loop3A_151 = arith.constant 0 : i32
        %parallel_loop3A_152 = arith.cmpi eq, %arg0, %parallel_loop3A_151 : i32
        %parallel_loop3A_153 = arith.select %parallel_loop3A_152, %parallel_loop3A_112, %parallel_loop3A_113 : vector<16xf32>
        %parallel_loop3A_154 = arith.index_cast %parallel_loop3A_109 : i32 to index
        %parallel_loop3A_155 = arith.constant 32 : index
        %parallel_loop3A_156 = tpu.vector_load %arg14[%parallel_loop3A_154, %parallel_loop3A_155] {strides = array<i32>} : memref<128x96xf32, #tpu.memory_space<vmem>>, vector<16xf32>,
        %parallel_loop3A_157 = arith.mulf %parallel_loop3A_156, %parallel_loop3A_153 : vector<16xf32>
        %parallel_loop3A_158 = arith.index_cast %parallel_loop3A_109 : i32 to index
        %parallel_loop3A_159 = arith.constant 32 : index
        %parallel_loop3A_160 = tpu.vector_load %arg15[%parallel_loop3A_158, %parallel_loop3A_159] {strides = array<i32>} : memref<128x112xf32, #tpu.memory_space<vmem>>, vector<16xf32>,
        tpu.vector_store %arg15[%parallel_loop3A_158, %parallel_loop3A_159], %parallel_loop3A_157 {strides = array<i32>} : memref<128x112xf32, #tpu.memory_space<vmem>>, vector<16xf32>,
        %parallel_loop3A_161 = arith.constant 0 : i32
        %parallel_loop3A_162 = arith.cmpi eq, %arg0, %parallel_loop3A_161 : i32
        %parallel_loop3A_163 = arith.select %parallel_loop3A_162, %parallel_loop3A_112, %parallel_loop3A_113 : vector<16xf32>
        %parallel_loop3A_164 = arith.index_cast %parallel_loop3A_109 : i32 to index
        %parallel_loop3A_165 = arith.constant 48 : index
        %parallel_loop3A_166 = tpu.vector_load %arg14[%parallel_loop3A_164, %parallel_loop3A_165] {strides = array<i32>} : memref<128x96xf32, #tpu.memory_space<vmem>>, vector<16xf32>,
        %parallel_loop3A_167 = arith.mulf %parallel_loop3A_166, %parallel_loop3A_163 : vector<16xf32>
        %parallel_loop3A_168 = arith.index_cast %parallel_loop3A_109 : i32 to index
        %parallel_loop3A_169 = arith.constant 48 : index
        %parallel_loop3A_170 = tpu.vector_load %arg15[%parallel_loop3A_168, %parallel_loop3A_169] {strides = array<i32>} : memref<128x112xf32, #tpu.memory_space<vmem>>, vector<16xf32>,
        tpu.vector_store %arg15[%parallel_loop3A_168, %parallel_loop3A_169], %parallel_loop3A_167 {strides = array<i32>} : memref<128x112xf32, #tpu.memory_space<vmem>>, vector<16xf32>,
        %parallel_loop3A_171 = arith.constant 0 : i32
        %parallel_loop3A_172 = arith.cmpi eq, %arg0, %parallel_loop3A_171 : i32
        %parallel_loop3A_173 = arith.select %parallel_loop3A_172, %parallel_loop3A_112, %parallel_loop3A_113 : vector<16xf32>
        %parallel_loop3A_174 = arith.index_cast %parallel_loop3A_109 : i32 to index
        %parallel_loop3A_175 = arith.constant 64 : index
        %parallel_loop3A_176 = tpu.vector_load %arg14[%parallel_loop3A_174, %parallel_loop3A_175] {strides = array<i32>} : memref<128x96xf32, #tpu.memory_space<vmem>>, vector<16xf32>,
        %parallel_loop3A_177 = arith.mulf %parallel_loop3A_176, %parallel_loop3A_173 : vector<16xf32>
        %parallel_loop3A_178 = arith.index_cast %parallel_loop3A_109 : i32 to index
        %parallel_loop3A_179 = arith.constant 64 : index
        %parallel_loop3A_180 = tpu.vector_load %arg15[%parallel_loop3A_178, %parallel_loop3A_179] {strides = array<i32>} : memref<128x112xf32, #tpu.memory_space<vmem>>, vector<16xf32>,
        tpu.vector_store %arg15[%parallel_loop3A_178, %parallel_loop3A_179], %parallel_loop3A_177 {strides = array<i32>} : memref<128x112xf32, #tpu.memory_space<vmem>>, vector<16xf32>,
        %parallel_loop3A_181 = arith.constant 0 : i32
        %parallel_loop3A_182 = arith.cmpi eq, %arg0, %parallel_loop3A_181 : i32
        %parallel_loop3A_183 = arith.select %parallel_loop3A_182, %parallel_loop3A_112, %parallel_loop3A_113 : vector<16xf32>
        %parallel_loop3A_184 = arith.index_cast %parallel_loop3A_109 : i32 to index
        %parallel_loop3A_185 = arith.constant 80 : index
        %parallel_loop3A_186 = tpu.vector_load %arg14[%parallel_loop3A_184, %parallel_loop3A_185] {strides = array<i32>} : memref<128x96xf32, #tpu.memory_space<vmem>>, vector<16xf32>,
        %parallel_loop3A_187 = arith.mulf %parallel_loop3A_186, %parallel_loop3A_183 : vector<16xf32>
        %parallel_loop3A_188 = arith.index_cast %parallel_loop3A_109 : i32 to index
        %parallel_loop3A_189 = arith.constant 80 : index
        %parallel_loop3A_190 = tpu.vector_load %arg15[%parallel_loop3A_188, %parallel_loop3A_189] {strides = array<i32>} : memref<128x112xf32, #tpu.memory_space<vmem>>, vector<16xf32>,
        tpu.vector_store %arg15[%parallel_loop3A_188, %parallel_loop3A_189], %parallel_loop3A_187 {strides = array<i32>} : memref<128x112xf32, #tpu.memory_space<vmem>>, vector<16xf32>,
      } {sc.loop_unroll_factor = 4 : i64, sc.parallel_access}
      "tpu.region"() ({
        %run_scoped3A = tpu.sem_alloc : memref<!tpu.dma_semaphore, #tpu.memory_space<semaphore_mem>>
        %dma_start3A_109 = arith.constant 0 : i32
        %dma_start3A_110 = arith.constant 0 : i32
        %dma_start3A_111 = tpu.memref_slice %arg19[%dma_start3A_109, %dma_start3A_110] : memref<10016x112xf32, #tpu.memory_space<vmem_shared>> -> memref<10016x112xf32, #tpu.memory_space<vmem_shared>>
        tpu.enqueue_indirect_dma source(%arg15 : memref<128x112xf32, #tpu.memory_space<vmem>>) target(%dma_start3A_111 : memref<10016x112xf32, #tpu.memory_space<vmem_shared>>) offsets(%arg9 : memref<128xi32, #tpu.memory_space<vmem>>) semaphore(%run_scoped3A : memref<!tpu.dma_semaphore, #tpu.memory_space<semaphore_mem>>) {add = true}
        %dma_wait3A_112 = arith.constant 0 : i32
        %dma_wait3A_113 = arith.constant 0 : i32
        %dma_wait3A_114 = tpu.memref_slice %arg19[%dma_wait3A_112, %dma_wait3A_113] : memref<10016x112xf32, #tpu.memory_space<vmem_shared>> -> memref<10016x112xf32, #tpu.memory_space<vmem_shared>>
        tpu.wait_indirect_dma semaphore(%run_scoped3A : memref<!tpu.dma_semaphore, #tpu.memory_space<semaphore_mem>>) src(%arg15 : memref<128x112xf32, #tpu.memory_space<vmem>>) dst(%dma_wait3A_114 : memref<10016x112xf32, #tpu.memory_space<vmem_shared>>)
        tpu.yield
      }) : () -> ()
      %scan3A_108 = arith.constant 0 : i32
      scf.yield %scan3A_108 : i32
    }
    %scan3A_66 = arith.constant 162 : i32
    %barrier3A_67 = arith.constant 0 : index
    tpu.barrier barrier_id(%barrier3A_67)
    %mul3A_68 = arith.constant 2 : i32
    %mul3A_69 = arith.muli %mul3A_68, %arg0 : i32
    %add3A_70 = arith.constant 1 : i32
    %add3A_71 = arith.addi %mul3A_69, %add3A_70 : i32
    "tpu.region"() ({
      %run_scoped3A = tpu.sem_alloc : memref<!tpu.dma_semaphore, #tpu.memory_space<semaphore_mem>>
      %dma_start3A = arith.constant 0 : i32
      %dma_start3A_73 = tpu.memref_slice %arg7[%add3A_71, %mul3A_1, %dma_start3A] : memref<4x10016x112xf32, #tpu.memory_space<hbm>> -> memref<1x626x112xf32, #tpu.memory_space<hbm>>
      %dma_start3A_74 = tpu.memref_squeeze %dma_start3A_73 : memref<1x626x112xf32, #tpu.memory_space<hbm>> -> memref<626x112xf32, #tpu.memory_space<hbm>>
      %dma_start3A_75 = arith.constant 0 : i32
      %dma_start3A_76 = tpu.memref_slice %arg19[%mul3A_1, %dma_start3A_75] : memref<10016x112xf32, #tpu.memory_space<vmem_shared>> -> memref<626x112xf32, #tpu.memory_space<vmem_shared>>
      tpu.enqueue_dma source(%dma_start3A_76 : memref<626x112xf32, #tpu.memory_space<vmem_shared>>) target(%dma_start3A_74 : memref<626x112xf32, #tpu.memory_space<hbm>>) target_semaphore(%run_scoped3A : memref<!tpu.dma_semaphore, #tpu.memory_space<semaphore_mem>>)
      %dma_wait3A = arith.constant 0 : i32
      %dma_wait3A_77 = tpu.memref_slice %arg7[%add3A_71, %mul3A_1, %dma_wait3A] : memref<4x10016x112xf32, #tpu.memory_space<hbm>> -> memref<1x626x112xf32, #tpu.memory_space<hbm>>
      %dma_wait3A_78 = tpu.memref_squeeze %dma_wait3A_77 : memref<1x626x112xf32, #tpu.memory_space<hbm>> -> memref<626x112xf32, #tpu.memory_space<hbm>>
      %dma_wait3A_79 = arith.constant 0 : i32
      %dma_wait3A_80 = tpu.memref_slice %arg19[%mul3A_1, %dma_wait3A_79] : memref<10016x112xf32, #tpu.memory_space<vmem_shared>> -> memref<626x112xf32, #tpu.memory_space<vmem_shared>>
      tpu.wait_dma2 semaphore(%run_scoped3A : memref<!tpu.dma_semaphore, #tpu.memory_space<semaphore_mem>>) src(%dma_wait3A_80 : memref<626x112xf32, #tpu.memory_space<vmem_shared>>) dst(%dma_wait3A_78 : memref<626x112xf32, #tpu.memory_space<hbm>>)
      tpu.yield
    }) : () -> ()
    %barrier3A_72 = arith.constant 0 : index
    tpu.barrier barrier_id(%barrier3A_72)
    return
  }
}

module attributes {stable_mosaic.version = 14 : i64} {
  func.func @_tc1_body(%arg0: i32, %arg1: memref<2504x128xf32, #tpu.memory_space<vmem>>, %arg2: memref<128x384xf32, #tpu.memory_space<vmem>>, %arg3: memref<384x3xf32, #tpu.memory_space<vmem>>, %arg4: memref<384x3xf32, #tpu.memory_space<vmem>>, %arg5: memref<1x3xf32, #tpu.memory_space<vmem>>, %arg6: memref<4x2504x96xf32, #tpu.memory_space<vmem>>, %arg7: memref<2504x16xf32, #tpu.memory_space<vmem>>) attributes {dimension_semantics = [#tpu.dimension_semantics<arbitrary>], iteration_bounds = array<i64: 4>, scalar_prefetch = 0 : i64, scratch_operands = 0 : i64, tpu.core_type = #tpu.core_type<tc>, window_params = [{transform_indices = @transform_0, window_bounds = array<i64: 2504, 128>}, {pipeline_mode = #tpu.pipeline_mode<synchronous>, transform_indices = @transform_1, window_bounds = array<i64: 128, 384>}, {pipeline_mode = #tpu.pipeline_mode<synchronous>, transform_indices = @transform_2, window_bounds = array<i64: 384, 3>}, {pipeline_mode = #tpu.pipeline_mode<synchronous>, transform_indices = @transform_3, window_bounds = array<i64: 384, 3>}, {pipeline_mode = #tpu.pipeline_mode<synchronous>, transform_indices = @transform_4, window_bounds = array<i64: 1, 3>}, {transform_indices = @transform_5, window_bounds = array<i64: 4, 2504, 96>}, {transform_indices = @transform_6, window_bounds = array<i64: 2504, 16>}]} {
    %get3A = arith.constant 0 : index
    %get3A_0 = arith.constant 0 : index
    %get3A_1 = vector.load %arg1[%get3A, %get3A_0] : memref<2504x128xf32, #tpu.memory_space<vmem>>, vector<2504x128xf32>
    %jit3A = arith.constant 0.000000e+00 : f32
    %ne3A = arith.cmpf one, %get3A_1, %get3A_1 : vector<2504x128xf32>
    %broadcast_in_dim3A = vector.broadcast %jit3A : f32 to vector<2504x128xf32>
    %select_n3A = arith.select %ne3A, %broadcast_in_dim3A, %get3A_1 : vector<2504x128xi1>, vector<2504x128xf32>
    %eq3A = arith.constant 0x7F800000 : f32
    %eq3A_2 = vector.broadcast %eq3A : f32 to vector<2504x128xf32>
    %eq3A_3 = arith.cmpf oeq, %select_n3A, %eq3A_2 : vector<2504x128xf32>
    %jit3A_4 = arith.constant 3.40282347E+38 : f32
    %broadcast_in_dim3A_5 = vector.broadcast %jit3A_4 : f32 to vector<2504x128xf32>
    %select_n3A_6 = arith.select %eq3A_3, %broadcast_in_dim3A_5, %select_n3A : vector<2504x128xi1>, vector<2504x128xf32>
    %eq3A_7 = arith.constant 0xFF800000 : f32
    %eq3A_8 = vector.broadcast %eq3A_7 : f32 to vector<2504x128xf32>
    %eq3A_9 = arith.cmpf oeq, %select_n3A_6, %eq3A_8 : vector<2504x128xf32>
    %jit3A_10 = arith.constant -3.40282347E+38 : f32
    %broadcast_in_dim3A_11 = vector.broadcast %jit3A_10 : f32 to vector<2504x128xf32>
    %select_n3A_12 = arith.select %eq3A_9, %broadcast_in_dim3A_11, %select_n3A_6 : vector<2504x128xi1>, vector<2504x128xf32>
    %get3A_13 = arith.constant 0 : index
    %get3A_14 = arith.constant 0 : index
    %get3A_15 = vector.load %arg2[%get3A_13, %get3A_14] : memref<128x384xf32, #tpu.memory_space<vmem>>, vector<128x384xf32>
    %dot_general3A = arith.constant dense<0.000000e+00> : vector<2504x384xf32>
    %dot_general3A_16 = tpu.matmul %select_n3A_12, %get3A_15, %dot_general3A {dimension_numbers = #tpu.dot_dimension_numbers<[1], [0], [0], [1], [0, 0, 1, 1], [], []>, transpose_lhs_hint = false} : vector<2504x128xf32>, vector<128x384xf32>, vector<2504x384xf32> -> vector<2504x384xf32>
    %slice3A = vector.extract_strided_slice %dot_general3A_16 {offsets = [0, 0], sizes = [2504, 96], strides = [1, 1]} : vector<2504x384xf32> to vector<2504x96xf32>
    %swap3A = arith.constant 0 : index
    %swap3A_17 = arith.constant 0 : index
    %swap3A_18 = arith.constant 0 : index
    %swap3A_19 = vector.load %arg6[%swap3A, %swap3A_17, %swap3A_18] : memref<4x2504x96xf32, #tpu.memory_space<vmem>>, vector<1x2504x96xf32>
    %swap3A_20 = vector.shape_cast %swap3A_19 : vector<1x2504x96xf32> to vector<2504x96xf32>
    %swap3A_21 = vector.shape_cast %slice3A : vector<2504x96xf32> to vector<1x2504x96xf32>
    tpu.vector_store %arg6[%swap3A, %swap3A_17, %swap3A_18], %swap3A_21 {strides = array<i32>} : memref<4x2504x96xf32, #tpu.memory_space<vmem>>, vector<1x2504x96xf32>,
    %slice3A_22 = vector.extract_strided_slice %dot_general3A_16 {offsets = [0, 96], sizes = [2504, 96], strides = [1, 1]} : vector<2504x384xf32> to vector<2504x96xf32>
    %swap3A_23 = arith.constant 1 : index
    %swap3A_24 = arith.constant 0 : index
    %swap3A_25 = arith.constant 0 : index
    %swap3A_26 = vector.load %arg6[%swap3A_23, %swap3A_24, %swap3A_25] : memref<4x2504x96xf32, #tpu.memory_space<vmem>>, vector<1x2504x96xf32>
    %swap3A_27 = vector.shape_cast %swap3A_26 : vector<1x2504x96xf32> to vector<2504x96xf32>
    %swap3A_28 = vector.shape_cast %slice3A_22 : vector<2504x96xf32> to vector<1x2504x96xf32>
    tpu.vector_store %arg6[%swap3A_23, %swap3A_24, %swap3A_25], %swap3A_28 {strides = array<i32>} : memref<4x2504x96xf32, #tpu.memory_space<vmem>>, vector<1x2504x96xf32>,
    %slice3A_29 = vector.extract_strided_slice %dot_general3A_16 {offsets = [0, 192], sizes = [2504, 96], strides = [1, 1]} : vector<2504x384xf32> to vector<2504x96xf32>
    %swap3A_30 = arith.constant 2 : index
    %swap3A_31 = arith.constant 0 : index
    %swap3A_32 = arith.constant 0 : index
    %swap3A_33 = vector.load %arg6[%swap3A_30, %swap3A_31, %swap3A_32] : memref<4x2504x96xf32, #tpu.memory_space<vmem>>, vector<1x2504x96xf32>
    %swap3A_34 = vector.shape_cast %swap3A_33 : vector<1x2504x96xf32> to vector<2504x96xf32>
    %swap3A_35 = vector.shape_cast %slice3A_29 : vector<2504x96xf32> to vector<1x2504x96xf32>
    tpu.vector_store %arg6[%swap3A_30, %swap3A_31, %swap3A_32], %swap3A_35 {strides = array<i32>} : memref<4x2504x96xf32, #tpu.memory_space<vmem>>, vector<1x2504x96xf32>,
    %slice3A_36 = vector.extract_strided_slice %dot_general3A_16 {offsets = [0, 288], sizes = [2504, 96], strides = [1, 1]} : vector<2504x384xf32> to vector<2504x96xf32>
    %swap3A_37 = arith.constant 3 : index
    %swap3A_38 = arith.constant 0 : index
    %swap3A_39 = arith.constant 0 : index
    %swap3A_40 = vector.load %arg6[%swap3A_37, %swap3A_38, %swap3A_39] : memref<4x2504x96xf32, #tpu.memory_space<vmem>>, vector<1x2504x96xf32>
    %swap3A_41 = vector.shape_cast %swap3A_40 : vector<1x2504x96xf32> to vector<2504x96xf32>
    %swap3A_42 = vector.shape_cast %slice3A_36 : vector<2504x96xf32> to vector<1x2504x96xf32>
    tpu.vector_store %arg6[%swap3A_37, %swap3A_38, %swap3A_39], %swap3A_42 {strides = array<i32>} : memref<4x2504x96xf32, #tpu.memory_space<vmem>>, vector<1x2504x96xf32>,
    %get3A_43 = arith.constant 0 : index
    %get3A_44 = arith.constant 0 : index
    %get3A_45 = vector.load %arg3[%get3A_43, %get3A_44] : memref<384x3xf32, #tpu.memory_space<vmem>>, vector<384x3xf32>
    %dot_general3A_46 = arith.constant dense<0.000000e+00> : vector<2504x3xf32>
    %dot_general3A_47 = tpu.matmul %dot_general3A_16, %get3A_45, %dot_general3A_46 {dimension_numbers = #tpu.dot_dimension_numbers<[1], [0], [0], [1], [0, 0, 1, 1], [], []>, transpose_lhs_hint = false} : vector<2504x384xf32>, vector<384x3xf32>, vector<2504x3xf32> -> vector<2504x3xf32>
    %get3A_48 = arith.constant 0 : index
    %get3A_49 = arith.constant 0 : index
    %get3A_50 = vector.load %arg4[%get3A_48, %get3A_49] : memref<384x3xf32, #tpu.memory_space<vmem>>, vector<384x3xf32>
    %dot_general3A_51 = arith.constant dense<0.000000e+00> : vector<2504x3xf32>
    %dot_general3A_52 = tpu.matmul %dot_general3A_16, %get3A_50, %dot_general3A_51 {dimension_numbers = #tpu.dot_dimension_numbers<[1], [0], [0], [1], [0, 0, 1, 1], [], []>, transpose_lhs_hint = false} : vector<2504x384xf32>, vector<384x3xf32>, vector<2504x3xf32> -> vector<2504x3xf32>
    %add3A = arith.addf %dot_general3A_47, %dot_general3A_52 : vector<2504x3xf32>
    %get3A_53 = arith.constant 0 : index
    %get3A_54 = arith.constant 0 : index
    %get3A_55 = vector.load %arg5[%get3A_53, %get3A_54] : memref<1x3xf32, #tpu.memory_space<vmem>>, vector<1x3xf32>
    %add3A_56 = vector.broadcast %get3A_55 : vector<1x3xf32> to vector<2504x3xf32>
    %add3A_57 = arith.addf %add3A, %add3A_56 : vector<2504x3xf32>
    %mul3A = arith.constant 2.000000e-01 : f32
    %mul3A_58 = vector.broadcast %mul3A : f32 to vector<2504x3xf32>
    %mul3A_59 = arith.mulf %mul3A_58, %add3A_57 : vector<2504x3xf32>
    %max3A = arith.maximumf %add3A_57, %mul3A_59 : vector<2504x3xf32>
    %broadcast_in_dim3A_60 = arith.constant 0.000000e+00 : f32
    %broadcast_in_dim3A_61 = vector.broadcast %broadcast_in_dim3A_60 : f32 to vector<2504x7xf32>
    %concatenate3A = tpu.concatenate %dot_general3A_47, %dot_general3A_52, %max3A, %broadcast_in_dim3A_61 in 1 : vector<2504x3xf32>, vector<2504x3xf32>, vector<2504x3xf32>, vector<2504x7xf32> -> vector<2504x16xf32>
    %swap3A_62 = arith.constant 0 : index
    %swap3A_63 = arith.constant 0 : index
    %swap3A_64 = vector.load %arg7[%swap3A_62, %swap3A_63] : memref<2504x16xf32, #tpu.memory_space<vmem>>, vector<2504x16xf32>
    tpu.vector_store %arg7[%swap3A_62, %swap3A_63], %concatenate3A {strides = array<i32>} : memref<2504x16xf32, #tpu.memory_space<vmem>>, vector<2504x16xf32>,
    return
  }
  func.func @transform_0(%arg0: i32) -> (i32, i32) {
    %c0_i32 = arith.constant 0 : i32
    %c0_i32_0 = arith.constant 0 : i32
    return %arg0, %c0_i32 : i32, i32
  }
  func.func @transform_1(%arg0: i32) -> (i32, i32) {
    %c0_i32 = arith.constant 0 : i32
    %c0_i32_0 = arith.constant 0 : i32
    %c0_i32_1 = arith.constant 0 : i32
    return %c0_i32, %c0_i32_0 : i32, i32
  }
  func.func @transform_2(%arg0: i32) -> (i32, i32) {
    %c0_i32 = arith.constant 0 : i32
    %c0_i32_0 = arith.constant 0 : i32
    %c0_i32_1 = arith.constant 0 : i32
    return %c0_i32, %c0_i32_0 : i32, i32
  }
  func.func @transform_3(%arg0: i32) -> (i32, i32) {
    %c0_i32 = arith.constant 0 : i32
    %c0_i32_0 = arith.constant 0 : i32
    %c0_i32_1 = arith.constant 0 : i32
    return %c0_i32, %c0_i32_0 : i32, i32
  }
  func.func @transform_4(%arg0: i32) -> (i32, i32) {
    %c0_i32 = arith.constant 0 : i32
    %c0_i32_0 = arith.constant 0 : i32
    %c0_i32_1 = arith.constant 0 : i32
    return %c0_i32, %c0_i32_0 : i32, i32
  }
  func.func @transform_5(%arg0: i32) -> (i32, i32, i32) {
    %c0_i32 = arith.constant 0 : i32
    %c0_i32_0 = arith.constant 0 : i32
    %c0_i32_1 = arith.constant 0 : i32
    return %c0_i32, %arg0, %c0_i32_0 : i32, i32, i32
  }
  func.func @transform_6(%arg0: i32) -> (i32, i32) {
    %c0_i32 = arith.constant 0 : i32
    %c0_i32_0 = arith.constant 0 : i32
    return %arg0, %c0_i32 : i32, i32
  }
}

module attributes {stable_mosaic.version = 14 : i64} {
  func.func @_tce_body(%arg0: i32, %arg1: memref<5184x4xf32, #tpu.memory_space<vmem>>, %arg2: memref<4x6xf32, #tpu.memory_space<vmem>>, %arg3: memref<5184x3xf32, #tpu.memory_space<vmem>>, %arg4: memref<5184x3xf32, #tpu.memory_space<vmem>>) attributes {dimension_semantics = [#tpu.dimension_semantics<arbitrary>], iteration_bounds = array<i64: 64>, scalar_prefetch = 0 : i64, scratch_operands = 0 : i64, tpu.core_type = #tpu.core_type<tc>, window_params = [{transform_indices = @transform_0, window_bounds = array<i64: 5184, 4>}, {pipeline_mode = #tpu.pipeline_mode<synchronous>, transform_indices = @transform_1, window_bounds = array<i64: 4, 6>}, {transform_indices = @transform_2, window_bounds = array<i64: 5184, 3>}, {transform_indices = @transform_3, window_bounds = array<i64: 5184, 3>}]} {
    %get3A = arith.constant 0 : index
    %get3A_0 = arith.constant 0 : index
    %get3A_1 = vector.load %arg1[%get3A, %get3A_0] : memref<5184x4xf32, #tpu.memory_space<vmem>>, vector<5184x4xf32>
    %get3A_2 = arith.constant 0 : index
    %get3A_3 = arith.constant 0 : index
    %get3A_4 = vector.load %arg2[%get3A_2, %get3A_3] : memref<4x6xf32, #tpu.memory_space<vmem>>, vector<4x6xf32>
    %dot_general3A = arith.constant dense<0.000000e+00> : vector<5184x6xf32>
    %dot_general3A_5 = tpu.matmul %get3A_1, %get3A_4, %dot_general3A {dimension_numbers = #tpu.dot_dimension_numbers<[1], [0], [0], [1], [0, 0, 1, 1], [], []>, transpose_lhs_hint = false} : vector<5184x4xf32>, vector<4x6xf32>, vector<5184x6xf32> -> vector<5184x6xf32>
    %slice3A = vector.extract_strided_slice %dot_general3A_5 {offsets = [0, 0], sizes = [5184, 3], strides = [1, 1]} : vector<5184x6xf32> to vector<5184x3xf32>
    %swap3A = arith.constant 0 : index
    %swap3A_6 = arith.constant 0 : index
    %swap3A_7 = vector.load %arg3[%swap3A, %swap3A_6] : memref<5184x3xf32, #tpu.memory_space<vmem>>, vector<5184x3xf32>
    tpu.vector_store %arg3[%swap3A, %swap3A_6], %slice3A {strides = array<i32>} : memref<5184x3xf32, #tpu.memory_space<vmem>>, vector<5184x3xf32>,
    %slice3A_8 = vector.extract_strided_slice %dot_general3A_5 {offsets = [0, 3], sizes = [5184, 3], strides = [1, 1]} : vector<5184x6xf32> to vector<5184x3xf32>
    %swap3A_9 = arith.constant 0 : index
    %swap3A_10 = arith.constant 0 : index
    %swap3A_11 = vector.load %arg4[%swap3A_9, %swap3A_10] : memref<5184x3xf32, #tpu.memory_space<vmem>>, vector<5184x3xf32>
    tpu.vector_store %arg4[%swap3A_9, %swap3A_10], %slice3A_8 {strides = array<i32>} : memref<5184x3xf32, #tpu.memory_space<vmem>>, vector<5184x3xf32>,
    return
  }
  func.func @transform_0(%arg0: i32) -> (i32, i32) {
    %c0_i32 = arith.constant 0 : i32
    %c0_i32_0 = arith.constant 0 : i32
    return %arg0, %c0_i32 : i32, i32
  }
  func.func @transform_1(%arg0: i32) -> (i32, i32) {
    %c0_i32 = arith.constant 0 : i32
    %c0_i32_0 = arith.constant 0 : i32
    %c0_i32_1 = arith.constant 0 : i32
    return %c0_i32, %c0_i32_0 : i32, i32
  }
  func.func @transform_2(%arg0: i32) -> (i32, i32) {
    %c0_i32 = arith.constant 0 : i32
    %c0_i32_0 = arith.constant 0 : i32
    return %arg0, %c0_i32 : i32, i32
  }
  func.func @transform_3(%arg0: i32) -> (i32, i32) {
    %c0_i32 = arith.constant 0 : i32
    %c0_i32_0 = arith.constant 0 : i32
    return %arg0, %c0_i32 : i32, i32
  }
}

module attributes {stable_mosaic.version = 14 : i64} {
  func.func @_tc2_body(%arg0: i32, %arg1: memref<4x2504x112xf32, #tpu.memory_space<vmem>>, %arg2: memref<1x384xf32, #tpu.memory_space<vmem>>, %arg3: memref<384x384xf32, #tpu.memory_space<vmem>>, %arg4: memref<384x3xf32, #tpu.memory_space<vmem>>, %arg5: memref<384x3xf32, #tpu.memory_space<vmem>>, %arg6: memref<1x3xf32, #tpu.memory_space<vmem>>, %arg7: memref<4x2504x96xf32, #tpu.memory_space<vmem>>, %arg8: memref<2504x16xf32, #tpu.memory_space<vmem>>) attributes {dimension_semantics = [#tpu.dimension_semantics<arbitrary>], iteration_bounds = array<i64: 4>, scalar_prefetch = 0 : i64, scratch_operands = 0 : i64, tpu.core_type = #tpu.core_type<tc>, window_params = [{transform_indices = @transform_0, window_bounds = array<i64: 4, 2504, 112>}, {pipeline_mode = #tpu.pipeline_mode<synchronous>, transform_indices = @transform_1, window_bounds = array<i64: 1, 384>}, {pipeline_mode = #tpu.pipeline_mode<synchronous>, transform_indices = @transform_2, window_bounds = array<i64: 384, 384>}, {pipeline_mode = #tpu.pipeline_mode<synchronous>, transform_indices = @transform_3, window_bounds = array<i64: 384, 3>}, {pipeline_mode = #tpu.pipeline_mode<synchronous>, transform_indices = @transform_4, window_bounds = array<i64: 384, 3>}, {pipeline_mode = #tpu.pipeline_mode<synchronous>, transform_indices = @transform_5, window_bounds = array<i64: 1, 3>}, {transform_indices = @transform_6, window_bounds = array<i64: 4, 2504, 96>}, {transform_indices = @transform_7, window_bounds = array<i64: 2504, 16>}]} {
    %get3A = arith.constant 0 : index
    %get3A_0 = arith.constant 0 : index
    %get3A_1 = arith.constant 96 : index
    %get3A_2 = vector.load %arg1[%get3A, %get3A_0, %get3A_1] : memref<4x2504x112xf32, #tpu.memory_space<vmem>>, vector<1x2504x3xf32>
    %get3A_3 = vector.shape_cast %get3A_2 : vector<1x2504x3xf32> to vector<2504x3xf32>
    %add3A = arith.constant 1.000000e-16 : f32
    %add3A_4 = vector.broadcast %add3A : f32 to vector<2504x3xf32>
    %add3A_5 = arith.addf %get3A_3, %add3A_4 : vector<2504x3xf32>
    %get3A_6 = arith.constant 0 : index
    %get3A_7 = arith.constant 0 : index
    %get3A_8 = arith.constant 0 : index
    %get3A_9 = vector.load %arg1[%get3A_6, %get3A_7, %get3A_8] : memref<4x2504x112xf32, #tpu.memory_space<vmem>>, vector<1x2504x96xf32>
    %get3A_10 = vector.shape_cast %get3A_9 : vector<1x2504x96xf32> to vector<2504x96xf32>
    %get3A_11 = arith.constant 1 : index
    %get3A_12 = arith.constant 0 : index
    %get3A_13 = arith.constant 0 : index
    %get3A_14 = vector.load %arg1[%get3A_11, %get3A_12, %get3A_13] : memref<4x2504x112xf32, #tpu.memory_space<vmem>>, vector<1x2504x96xf32>
    %get3A_15 = vector.shape_cast %get3A_14 : vector<1x2504x96xf32> to vector<2504x96xf32>
    %get3A_16 = arith.constant 2 : index
    %get3A_17 = arith.constant 0 : index
    %get3A_18 = arith.constant 0 : index
    %get3A_19 = vector.load %arg1[%get3A_16, %get3A_17, %get3A_18] : memref<4x2504x112xf32, #tpu.memory_space<vmem>>, vector<1x2504x96xf32>
    %get3A_20 = vector.shape_cast %get3A_19 : vector<1x2504x96xf32> to vector<2504x96xf32>
    %get3A_21 = arith.constant 3 : index
    %get3A_22 = arith.constant 0 : index
    %get3A_23 = arith.constant 0 : index
    %get3A_24 = vector.load %arg1[%get3A_21, %get3A_22, %get3A_23] : memref<4x2504x112xf32, #tpu.memory_space<vmem>>, vector<1x2504x96xf32>
    %get3A_25 = vector.shape_cast %get3A_24 : vector<1x2504x96xf32> to vector<2504x96xf32>
    %concatenate3A = tpu.concatenate %get3A_10, %get3A_15, %get3A_20, %get3A_25 in 1 : vector<2504x96xf32>, vector<2504x96xf32>, vector<2504x96xf32>, vector<2504x96xf32> -> vector<2504x384xf32>
    %slice3A = vector.extract_strided_slice %add3A_5 {offsets = [0, 0], sizes = [2504, 1], strides = [1, 1]} : vector<2504x3xf32> to vector<2504x1xf32>
    %broadcast_in_dim3A = vector.shape_cast %slice3A : vector<2504x1xf32> to vector<2504x1xf32>
    %broadcast_in_dim3A_26 = vector.broadcast %broadcast_in_dim3A : vector<2504x1xf32> to vector<2504x128xf32>
    %slice3A_27 = vector.extract_strided_slice %add3A_5 {offsets = [0, 1], sizes = [2504, 1], strides = [1, 1]} : vector<2504x3xf32> to vector<2504x1xf32>
    %broadcast_in_dim3A_28 = vector.shape_cast %slice3A_27 : vector<2504x1xf32> to vector<2504x1xf32>
    %broadcast_in_dim3A_29 = vector.broadcast %broadcast_in_dim3A_28 : vector<2504x1xf32> to vector<2504x128xf32>
    %slice3A_30 = vector.extract_strided_slice %add3A_5 {offsets = [0, 2], sizes = [2504, 1], strides = [1, 1]} : vector<2504x3xf32> to vector<2504x1xf32>
    %broadcast_in_dim3A_31 = vector.shape_cast %slice3A_30 : vector<2504x1xf32> to vector<2504x1xf32>
    %broadcast_in_dim3A_32 = vector.broadcast %broadcast_in_dim3A_31 : vector<2504x1xf32> to vector<2504x128xf32>
    %concatenate3A_33 = tpu.concatenate %broadcast_in_dim3A_26, %broadcast_in_dim3A_29, %broadcast_in_dim3A_32 in 1 : vector<2504x128xf32>, vector<2504x128xf32>, vector<2504x128xf32> -> vector<2504x384xf32>
    %div3A = arith.divf %concatenate3A, %concatenate3A_33 : vector<2504x384xf32>
    %get3A_34 = arith.constant 0 : index
    %get3A_35 = arith.constant 0 : index
    %get3A_36 = vector.load %arg2[%get3A_34, %get3A_35] : memref<1x384xf32, #tpu.memory_space<vmem>>, vector<1x384xf32>
    %add3A_37 = vector.broadcast %get3A_36 : vector<1x384xf32> to vector<2504x384xf32>
    %add3A_38 = arith.addf %div3A, %add3A_37 : vector<2504x384xf32>
    %gt3A = arith.constant 0.000000e+00 : f32
    %gt3A_39 = vector.broadcast %gt3A : f32 to vector<2504x384xf32>
    %gt3A_40 = arith.cmpf ogt, %add3A_38, %gt3A_39 : vector<2504x384xf32>
    %min3A = arith.constant 0.000000e+00 : f32
    %min3A_41 = vector.broadcast %min3A : f32 to vector<2504x384xf32>
    %min3A_42 = arith.minimumf %add3A_38, %min3A_41 : vector<2504x384xf32>
    %exp3A = math.exp %min3A_42 : vector<2504x384xf32>
    %sub3A = arith.constant 1.000000e+00 : f32
    %sub3A_43 = vector.broadcast %sub3A : f32 to vector<2504x384xf32>
    %sub3A_44 = arith.subf %exp3A, %sub3A_43 : vector<2504x384xf32>
    %select_n3A = arith.select %gt3A_40, %add3A_38, %sub3A_44 : vector<2504x384xi1>, vector<2504x384xf32>
    %get3A_45 = arith.constant 0 : index
    %get3A_46 = arith.constant 0 : index
    %get3A_47 = vector.load %arg3[%get3A_45, %get3A_46] : memref<384x384xf32, #tpu.memory_space<vmem>>, vector<384x384xf32>
    %dot_general3A = arith.constant dense<0.000000e+00> : vector<2504x384xf32>
    %dot_general3A_48 = tpu.matmul %select_n3A, %get3A_47, %dot_general3A {dimension_numbers = #tpu.dot_dimension_numbers<[1], [0], [0], [1], [0, 0, 1, 1], [], []>, transpose_lhs_hint = false} : vector<2504x384xf32>, vector<384x384xf32>, vector<2504x384xf32> -> vector<2504x384xf32>
    %slice3A_49 = vector.extract_strided_slice %dot_general3A_48 {offsets = [0, 0], sizes = [2504, 96], strides = [1, 1]} : vector<2504x384xf32> to vector<2504x96xf32>
    %swap3A = arith.constant 0 : index
    %swap3A_50 = arith.constant 0 : index
    %swap3A_51 = arith.constant 0 : index
    %swap3A_52 = vector.load %arg7[%swap3A, %swap3A_50, %swap3A_51] : memref<4x2504x96xf32, #tpu.memory_space<vmem>>, vector<1x2504x96xf32>
    %swap3A_53 = vector.shape_cast %swap3A_52 : vector<1x2504x96xf32> to vector<2504x96xf32>
    %swap3A_54 = vector.shape_cast %slice3A_49 : vector<2504x96xf32> to vector<1x2504x96xf32>
    tpu.vector_store %arg7[%swap3A, %swap3A_50, %swap3A_51], %swap3A_54 {strides = array<i32>} : memref<4x2504x96xf32, #tpu.memory_space<vmem>>, vector<1x2504x96xf32>,
    %slice3A_55 = vector.extract_strided_slice %dot_general3A_48 {offsets = [0, 96], sizes = [2504, 96], strides = [1, 1]} : vector<2504x384xf32> to vector<2504x96xf32>
    %swap3A_56 = arith.constant 1 : index
    %swap3A_57 = arith.constant 0 : index
    %swap3A_58 = arith.constant 0 : index
    %swap3A_59 = vector.load %arg7[%swap3A_56, %swap3A_57, %swap3A_58] : memref<4x2504x96xf32, #tpu.memory_space<vmem>>, vector<1x2504x96xf32>
    %swap3A_60 = vector.shape_cast %swap3A_59 : vector<1x2504x96xf32> to vector<2504x96xf32>
    %swap3A_61 = vector.shape_cast %slice3A_55 : vector<2504x96xf32> to vector<1x2504x96xf32>
    tpu.vector_store %arg7[%swap3A_56, %swap3A_57, %swap3A_58], %swap3A_61 {strides = array<i32>} : memref<4x2504x96xf32, #tpu.memory_space<vmem>>, vector<1x2504x96xf32>,
    %slice3A_62 = vector.extract_strided_slice %dot_general3A_48 {offsets = [0, 192], sizes = [2504, 96], strides = [1, 1]} : vector<2504x384xf32> to vector<2504x96xf32>
    %swap3A_63 = arith.constant 2 : index
    %swap3A_64 = arith.constant 0 : index
    %swap3A_65 = arith.constant 0 : index
    %swap3A_66 = vector.load %arg7[%swap3A_63, %swap3A_64, %swap3A_65] : memref<4x2504x96xf32, #tpu.memory_space<vmem>>, vector<1x2504x96xf32>
    %swap3A_67 = vector.shape_cast %swap3A_66 : vector<1x2504x96xf32> to vector<2504x96xf32>
    %swap3A_68 = vector.shape_cast %slice3A_62 : vector<2504x96xf32> to vector<1x2504x96xf32>
    tpu.vector_store %arg7[%swap3A_63, %swap3A_64, %swap3A_65], %swap3A_68 {strides = array<i32>} : memref<4x2504x96xf32, #tpu.memory_space<vmem>>, vector<1x2504x96xf32>,
    %slice3A_69 = vector.extract_strided_slice %dot_general3A_48 {offsets = [0, 288], sizes = [2504, 96], strides = [1, 1]} : vector<2504x384xf32> to vector<2504x96xf32>
    %swap3A_70 = arith.constant 3 : index
    %swap3A_71 = arith.constant 0 : index
    %swap3A_72 = arith.constant 0 : index
    %swap3A_73 = vector.load %arg7[%swap3A_70, %swap3A_71, %swap3A_72] : memref<4x2504x96xf32, #tpu.memory_space<vmem>>, vector<1x2504x96xf32>
    %swap3A_74 = vector.shape_cast %swap3A_73 : vector<1x2504x96xf32> to vector<2504x96xf32>
    %swap3A_75 = vector.shape_cast %slice3A_69 : vector<2504x96xf32> to vector<1x2504x96xf32>
    tpu.vector_store %arg7[%swap3A_70, %swap3A_71, %swap3A_72], %swap3A_75 {strides = array<i32>} : memref<4x2504x96xf32, #tpu.memory_space<vmem>>, vector<1x2504x96xf32>,
    %get3A_76 = arith.constant 0 : index
    %get3A_77 = arith.constant 0 : index
    %get3A_78 = vector.load %arg4[%get3A_76, %get3A_77] : memref<384x3xf32, #tpu.memory_space<vmem>>, vector<384x3xf32>
    %dot_general3A_79 = arith.constant dense<0.000000e+00> : vector<2504x3xf32>
    %dot_general3A_80 = tpu.matmul %dot_general3A_48, %get3A_78, %dot_general3A_79 {dimension_numbers = #tpu.dot_dimension_numbers<[1], [0], [0], [1], [0, 0, 1, 1], [], []>, transpose_lhs_hint = false} : vector<2504x384xf32>, vector<384x3xf32>, vector<2504x3xf32> -> vector<2504x3xf32>
    %get3A_81 = arith.constant 0 : index
    %get3A_82 = arith.constant 0 : index
    %get3A_83 = vector.load %arg5[%get3A_81, %get3A_82] : memref<384x3xf32, #tpu.memory_space<vmem>>, vector<384x3xf32>
    %dot_general3A_84 = arith.constant dense<0.000000e+00> : vector<2504x3xf32>
    %dot_general3A_85 = tpu.matmul %dot_general3A_48, %get3A_83, %dot_general3A_84 {dimension_numbers = #tpu.dot_dimension_numbers<[1], [0], [0], [1], [0, 0, 1, 1], [], []>, transpose_lhs_hint = false} : vector<2504x384xf32>, vector<384x3xf32>, vector<2504x3xf32> -> vector<2504x3xf32>
    %add3A_86 = arith.addf %dot_general3A_80, %dot_general3A_85 : vector<2504x3xf32>
    %get3A_87 = arith.constant 0 : index
    %get3A_88 = arith.constant 0 : index
    %get3A_89 = vector.load %arg6[%get3A_87, %get3A_88] : memref<1x3xf32, #tpu.memory_space<vmem>>, vector<1x3xf32>
    %add3A_90 = vector.broadcast %get3A_89 : vector<1x3xf32> to vector<2504x3xf32>
    %add3A_91 = arith.addf %add3A_86, %add3A_90 : vector<2504x3xf32>
    %mul3A = arith.constant 2.000000e-01 : f32
    %mul3A_92 = vector.broadcast %mul3A : f32 to vector<2504x3xf32>
    %mul3A_93 = arith.mulf %mul3A_92, %add3A_91 : vector<2504x3xf32>
    %max3A = arith.maximumf %add3A_91, %mul3A_93 : vector<2504x3xf32>
    %broadcast_in_dim3A_94 = arith.constant 0.000000e+00 : f32
    %broadcast_in_dim3A_95 = vector.broadcast %broadcast_in_dim3A_94 : f32 to vector<2504x7xf32>
    %concatenate3A_96 = tpu.concatenate %dot_general3A_80, %dot_general3A_85, %max3A, %broadcast_in_dim3A_95 in 1 : vector<2504x3xf32>, vector<2504x3xf32>, vector<2504x3xf32>, vector<2504x7xf32> -> vector<2504x16xf32>
    %swap3A_97 = arith.constant 0 : index
    %swap3A_98 = arith.constant 0 : index
    %swap3A_99 = vector.load %arg8[%swap3A_97, %swap3A_98] : memref<2504x16xf32, #tpu.memory_space<vmem>>, vector<2504x16xf32>
    tpu.vector_store %arg8[%swap3A_97, %swap3A_98], %concatenate3A_96 {strides = array<i32>} : memref<2504x16xf32, #tpu.memory_space<vmem>>, vector<2504x16xf32>,
    return
  }
  func.func @transform_0(%arg0: i32) -> (i32, i32, i32) {
    %c0_i32 = arith.constant 0 : i32
    %c0_i32_0 = arith.constant 0 : i32
    %c0_i32_1 = arith.constant 0 : i32
    return %c0_i32, %arg0, %c0_i32_0 : i32, i32, i32
  }
  func.func @transform_1(%arg0: i32) -> (i32, i32) {
    %c0_i32 = arith.constant 0 : i32
    %c0_i32_0 = arith.constant 0 : i32
    %c0_i32_1 = arith.constant 0 : i32
    return %c0_i32, %c0_i32_0 : i32, i32
  }
  func.func @transform_2(%arg0: i32) -> (i32, i32) {
    %c0_i32 = arith.constant 0 : i32
    %c0_i32_0 = arith.constant 0 : i32
    %c0_i32_1 = arith.constant 0 : i32
    return %c0_i32, %c0_i32_0 : i32, i32
  }
  func.func @transform_3(%arg0: i32) -> (i32, i32) {
    %c0_i32 = arith.constant 0 : i32
    %c0_i32_0 = arith.constant 0 : i32
    %c0_i32_1 = arith.constant 0 : i32
    return %c0_i32, %c0_i32_0 : i32, i32
  }
  func.func @transform_4(%arg0: i32) -> (i32, i32) {
    %c0_i32 = arith.constant 0 : i32
    %c0_i32_0 = arith.constant 0 : i32
    %c0_i32_1 = arith.constant 0 : i32
    return %c0_i32, %c0_i32_0 : i32, i32
  }
  func.func @transform_5(%arg0: i32) -> (i32, i32) {
    %c0_i32 = arith.constant 0 : i32
    %c0_i32_0 = arith.constant 0 : i32
    %c0_i32_1 = arith.constant 0 : i32
    return %c0_i32, %c0_i32_0 : i32, i32
  }
  func.func @transform_6(%arg0: i32) -> (i32, i32, i32) {
    %c0_i32 = arith.constant 0 : i32
    %c0_i32_0 = arith.constant 0 : i32
    %c0_i32_1 = arith.constant 0 : i32
    return %c0_i32, %arg0, %c0_i32_0 : i32, i32, i32
  }
  func.func @transform_7(%arg0: i32) -> (i32, i32) {
    %c0_i32 = arith.constant 0 : i32
    %c0_i32_0 = arith.constant 0 : i32
    return %arg0, %c0_i32 : i32, i32
  }
}

module attributes {stable_mosaic.version = 14 : i64} {
  func.func @_tc3_body(%arg0: i32, %arg1: memref<4x2504x112xf32, #tpu.memory_space<vmem>>, %arg2: memref<1x384xf32, #tpu.memory_space<vmem>>, %arg3: memref<2504x384xf32, #tpu.memory_space<vmem>>) attributes {dimension_semantics = [#tpu.dimension_semantics<arbitrary>], iteration_bounds = array<i64: 4>, scalar_prefetch = 0 : i64, scratch_operands = 0 : i64, tpu.core_type = #tpu.core_type<tc>, window_params = [{transform_indices = @transform_0, window_bounds = array<i64: 4, 2504, 112>}, {pipeline_mode = #tpu.pipeline_mode<synchronous>, transform_indices = @transform_1, window_bounds = array<i64: 1, 384>}, {transform_indices = @transform_2, window_bounds = array<i64: 2504, 384>}]} {
    %get3A = arith.constant 0 : index
    %get3A_0 = arith.constant 0 : index
    %get3A_1 = arith.constant 96 : index
    %get3A_2 = vector.load %arg1[%get3A, %get3A_0, %get3A_1] : memref<4x2504x112xf32, #tpu.memory_space<vmem>>, vector<1x2504x3xf32>
    %get3A_3 = vector.shape_cast %get3A_2 : vector<1x2504x3xf32> to vector<2504x3xf32>
    %add3A = arith.constant 1.000000e-16 : f32
    %add3A_4 = vector.broadcast %add3A : f32 to vector<2504x3xf32>
    %add3A_5 = arith.addf %get3A_3, %add3A_4 : vector<2504x3xf32>
    %get3A_6 = arith.constant 0 : index
    %get3A_7 = arith.constant 0 : index
    %get3A_8 = arith.constant 0 : index
    %get3A_9 = vector.load %arg1[%get3A_6, %get3A_7, %get3A_8] : memref<4x2504x112xf32, #tpu.memory_space<vmem>>, vector<1x2504x96xf32>
    %get3A_10 = vector.shape_cast %get3A_9 : vector<1x2504x96xf32> to vector<2504x96xf32>
    %get3A_11 = arith.constant 1 : index
    %get3A_12 = arith.constant 0 : index
    %get3A_13 = arith.constant 0 : index
    %get3A_14 = vector.load %arg1[%get3A_11, %get3A_12, %get3A_13] : memref<4x2504x112xf32, #tpu.memory_space<vmem>>, vector<1x2504x96xf32>
    %get3A_15 = vector.shape_cast %get3A_14 : vector<1x2504x96xf32> to vector<2504x96xf32>
    %get3A_16 = arith.constant 2 : index
    %get3A_17 = arith.constant 0 : index
    %get3A_18 = arith.constant 0 : index
    %get3A_19 = vector.load %arg1[%get3A_16, %get3A_17, %get3A_18] : memref<4x2504x112xf32, #tpu.memory_space<vmem>>, vector<1x2504x96xf32>
    %get3A_20 = vector.shape_cast %get3A_19 : vector<1x2504x96xf32> to vector<2504x96xf32>
    %get3A_21 = arith.constant 3 : index
    %get3A_22 = arith.constant 0 : index
    %get3A_23 = arith.constant 0 : index
    %get3A_24 = vector.load %arg1[%get3A_21, %get3A_22, %get3A_23] : memref<4x2504x112xf32, #tpu.memory_space<vmem>>, vector<1x2504x96xf32>
    %get3A_25 = vector.shape_cast %get3A_24 : vector<1x2504x96xf32> to vector<2504x96xf32>
    %concatenate3A = tpu.concatenate %get3A_10, %get3A_15, %get3A_20, %get3A_25 in 1 : vector<2504x96xf32>, vector<2504x96xf32>, vector<2504x96xf32>, vector<2504x96xf32> -> vector<2504x384xf32>
    %slice3A = vector.extract_strided_slice %add3A_5 {offsets = [0, 0], sizes = [2504, 1], strides = [1, 1]} : vector<2504x3xf32> to vector<2504x1xf32>
    %broadcast_in_dim3A = vector.shape_cast %slice3A : vector<2504x1xf32> to vector<2504x1xf32>
    %broadcast_in_dim3A_26 = vector.broadcast %broadcast_in_dim3A : vector<2504x1xf32> to vector<2504x128xf32>
    %slice3A_27 = vector.extract_strided_slice %add3A_5 {offsets = [0, 1], sizes = [2504, 1], strides = [1, 1]} : vector<2504x3xf32> to vector<2504x1xf32>
    %broadcast_in_dim3A_28 = vector.shape_cast %slice3A_27 : vector<2504x1xf32> to vector<2504x1xf32>
    %broadcast_in_dim3A_29 = vector.broadcast %broadcast_in_dim3A_28 : vector<2504x1xf32> to vector<2504x128xf32>
    %slice3A_30 = vector.extract_strided_slice %add3A_5 {offsets = [0, 2], sizes = [2504, 1], strides = [1, 1]} : vector<2504x3xf32> to vector<2504x1xf32>
    %broadcast_in_dim3A_31 = vector.shape_cast %slice3A_30 : vector<2504x1xf32> to vector<2504x1xf32>
    %broadcast_in_dim3A_32 = vector.broadcast %broadcast_in_dim3A_31 : vector<2504x1xf32> to vector<2504x128xf32>
    %concatenate3A_33 = tpu.concatenate %broadcast_in_dim3A_26, %broadcast_in_dim3A_29, %broadcast_in_dim3A_32 in 1 : vector<2504x128xf32>, vector<2504x128xf32>, vector<2504x128xf32> -> vector<2504x384xf32>
    %div3A = arith.divf %concatenate3A, %concatenate3A_33 : vector<2504x384xf32>
    %get3A_34 = arith.constant 0 : index
    %get3A_35 = arith.constant 0 : index
    %get3A_36 = vector.load %arg2[%get3A_34, %get3A_35] : memref<1x384xf32, #tpu.memory_space<vmem>>, vector<1x384xf32>
    %add3A_37 = vector.broadcast %get3A_36 : vector<1x384xf32> to vector<2504x384xf32>
    %add3A_38 = arith.addf %div3A, %add3A_37 : vector<2504x384xf32>
    %swap3A = arith.constant 0 : index
    %swap3A_39 = arith.constant 0 : index
    %swap3A_40 = vector.load %arg3[%swap3A, %swap3A_39] : memref<2504x384xf32, #tpu.memory_space<vmem>>, vector<2504x384xf32>
    tpu.vector_store %arg3[%swap3A, %swap3A_39], %add3A_38 {strides = array<i32>} : memref<2504x384xf32, #tpu.memory_space<vmem>>, vector<2504x384xf32>,
    return
  }
  func.func @transform_0(%arg0: i32) -> (i32, i32, i32) {
    %c0_i32 = arith.constant 0 : i32
    %c0_i32_0 = arith.constant 0 : i32
    %c0_i32_1 = arith.constant 0 : i32
    return %c0_i32, %arg0, %c0_i32_0 : i32, i32, i32
  }
  func.func @transform_1(%arg0: i32) -> (i32, i32) {
    %c0_i32 = arith.constant 0 : i32
    %c0_i32_0 = arith.constant 0 : i32
    %c0_i32_1 = arith.constant 0 : i32
    return %c0_i32, %c0_i32_0 : i32, i32
  }
  func.func @transform_2(%arg0: i32) -> (i32, i32) {
    %c0_i32 = arith.constant 0 : i32
    %c0_i32_0 = arith.constant 0 : i32
    return %arg0, %c0_i32 : i32, i32
  }
}

</mosaic_0001>

<sc_bundles>
// kernel: kernel.11.cloned.1.call-start
scs
__scs_entry_jumppad:
0x0: {  	(pc) =	sbr.rel $0x88, $3  }
0x1: {  	(tag) =	ssettag $0x0;
	lr =	simm.s32 $0x1  }
0x2: {  	[smem:$0x3F92] =	sst lr;
	_ =	strace $0xD0000000  }
0x3: {  	_ = 	snop  }
0x4: {  	_ = 	snop  }
0x5: {  	_ = 	snop  }
0x6: {  	_ = 	snop  }
0x7: {  	_ = 	snop  }
__scs_overlays_trampoline_lowered:
0x8: {  	[smem:$0x3FA1] =	sst s0  }
0x9: {  	[smem:$0x3FA2] =	sst s1  }
0xa: {  	[smem:$0x3FA3] =	sst s2  }
0xb: {  	[smem:$0x3FA4] =	sst s3  }
0xc: {  	[smem:$0x3FA5] =	sst s4  }
0xd: {  	[smem:$0x3FA6] =	sst s5  }
0xe: {  	[smem:$0x3FA7] =	sst s6  }
0xf: {  	[smem:$0x3FA8] =	sst s7  }
0x10: {  	[smem:$0x3FA9] =	sst s8  }
0x11: {  	[smem:$0x3FAA] =	sst s9;
	s0 =	simm.s32 @!p0 $0x0  }
0x12: {  	s1 =	sld [smem:$0x3F90];
	s0 =	simm.s32 @p0 $0x1  }
0x13: {  	[smem:$0x3FAB] =	sst s0;
	s0 =	simm.s32 @!p1 $0x0  }
0x14: {  	s2 =	sld [smem:$0x3F8F];
	s0 =	simm.s32 @p1 $0x1  }
0x15: {  	[smem:$0x3FAC] =	sst s0;
	s0 =	simm.s32 @!p2 $0x0  }
0x16: {  	s3 =	sld [smem:$0x3FDB];
	s0 =	simm.s32 @p2 $0x1  }
0x17: {  	s4 =	simm.s32 $0x1BF5;
	[smem:$0x3FAE] =	sst s0  }
0x18: {  	s0 =	sld [smem:$0x3F91];
	_ =	swait.ge [sflag:s4], $0x0  }
0x19: {  	s7 =	sld [smem:$0x3F92]  }
0x1a: {  	s8 =	sadd.s32 $0xFFFFE003, lr  }
0x1b: {  	s9 =	sadd.s32 $0xFFFFFEF7, lr;
	s5 =	simm.s32 $0xFFFFFFFF;
	p2 =	slt.u32 s8, $0xFFFFF086  }
0x1c: {  	p1 =	slt.u32 s9, $0xF7A;
	s5 =	simm.s32 @!p2 $0x0  }
0x1d: {  	s5 =	simm.s32 @p1 $0x1;
	p0 =	seq.s32 s7, s2  }
0x1e: {  	s7 =	smul.u32 @!p0 $0xF7A, s2;
	p2 =	seq.s32 @!p0 s5, $0x0  }
0x1f: {  	s9 =	smul.u32 $0xF7A, s1;
	s8 =	simm.s32 @!p0 $0x1BF5;
	p2 =	por !p2, p0  }
0x20: {  	[sflag:s8] =	ssyncset.s32 @!p0 $0xFFFFF086;
	s6 =	sadd.s32 @!p0 s3, s7;
	s7 =	simm.s32 @!p0 $0x108  }
0x21: {  	s3 =	sadd.s32 s3, s9;
	s6 =	sadd.s32 @!p0 $0x88, s6;
	s7 =	simm.s32 @p2 $0x1082  }
0x22: {  	[simem:s7], [sflag:s8] =	dma.local @!p0 [hbm:s6], $0xF7A  }
0x23: {  	s9 =	sor.u32 $0xD0000000, s2;
	s6 =	simm.s32 $0x108;
	_ =	swait.ge @!p0 [sflag:s8], $0x0  }
0x24: {  	s3 =	sadd.s32 $0x88, s3;
	s6 =	simm.s32 @!p1 $0x1082;
	[sflag:s4] =	ssyncset.s32 $0xFFFFF086  }
0x25: {  	[simem:s6], [sflag:s4] =	dma.local [hbm:s3], $0xF7A  }
0x26: {  	[smem:$0x3F92] =	sst s1;
	(tag) =	ssettag s2;
	_ =	strace s9  }
0x27: {  	s1 =	sld [smem:$0x3FA2]  }
0x28: {  	s2 =	sld [smem:$0x3FA3]  }
0x29: {  	s4 =	sld [smem:$0x3FA5]  }
0x2a: {  	p0 =	seq.s32 s5, $0x0;
	s5 =	sld [smem:$0x3FA6]  }
0x2b: {  	s6 =	sld [smem:$0x3FA7]  }
0x2c: {  	s7 =	sld [smem:$0x3FA8]  }
0x2d: {  	s3 =	simm.s32 $0x108;
	s8 =	sld [smem:$0x3FA9]  }
0x2e: {  	s3 =	simm.s32 @!p0 $0x1082;
	s9 =	sld [smem:$0x3FAA]  }
0x2f: {  	lr =	sadd.s32 s0, s3;
	s0 =	sld [smem:$0x3FA1]  }
0x30: {  	s3 =	sld [smem:$0x3FA4]  }
0x31: {  	[smem:$0x3FAD] =	sst s10  }
0x32: {  	s10 =	sld [smem:$0x3FAB];
	_ =	sdelay $0x3  }
0x33: {  	p0 =	seq.s32 s10, $0x1;
	s10 =	sld [smem:$0x3FAD];
	_ =	sdelay $0x3  }
0x34: {  	[smem:$0x3FAD] =	sst s10  }
0x35: {  	s10 =	sld [smem:$0x3FAC];
	_ =	sdelay $0x3  }
0x36: {  	p1 =	seq.s32 s10, $0x1;
	s10 =	sld [smem:$0x3FAD];
	_ =	sdelay $0x3  }
0x37: {  	[smem:$0x3FAD] =	sst s10  }
0x38: {  	s10 =	sld [smem:$0x3FAE]  }
0x39: {  	_ = 	snop;
	(pc) =	sbr.ind lr, $3  }
0x3a: {  	_ = 	snop  }
0x3b: {  	_ = 	snop  }
0x3c: {  	p2 =	seq.s32 s10, $0x1;
	s10 =	sld [smem:$0x3FAD]  }
0x3d: {  	_ =	shalt  }
0x3e: {  	_ =	shalt  }
0x3f: {  	_ =	shalt  }
0x40: {  	_ =	shalt  }
0x41: {  	_ =	shalt  }
0x42: {  	_ =	shalt  }
0x43: {  	_ =	shalt  }
0x44: {  	_ =	shalt  }
0x45: {  	_ =	shalt  }
0x46: {  	_ =	shalt  }
0x47: {  	_ =	shalt  }
0x48: {  	_ =	shalt  }
0x49: {  	_ =	shalt  }
0x4a: {  	_ =	shalt  }
0x4b: {  	_ =	shalt  }
0x4c: {  	_ =	shalt  }
0x4d: {  	_ =	shalt  }
0x4e: {  	_ =	shalt  }
0x4f: {  	_ =	shalt  }
0x50: {  	_ =	shalt  }
0x51: {  	_ =	shalt  }
0x52: {  	_ =	shalt  }
0x53: {  	_ =	shalt  }
0x54: {  	_ =	shalt  }
0x55: {  	_ =	shalt  }
0x56: {  	_ =	shalt  }
0x57: {  	_ =	shalt  }
0x58: {  	_ =	shalt  }
0x59: {  	_ =	shalt  }
0x5a: {  	_ =	shalt  }
0x5b: {  	_ =	shalt  }
0x5c: {  	_ =	shalt  }
0x5d: {  	_ =	shalt  }
0x5e: {  	_ =	shalt  }
0x5f: {  	_ =	shalt  }
0x60: {  	_ =	shalt  }
0x61: {  	_ =	shalt  }
0x62: {  	_ =	shalt  }
0x63: {  	_ =	shalt  }
0x64: {  	_ =	shalt  }
0x65: {  	_ =	shalt  }
0x66: {  	_ =	shalt  }
0x67: {  	_ =	shalt  }
0x68: {  	_ =	shalt  }
0x69: {  	_ =	shalt  }
0x6a: {  	_ =	shalt  }
0x6b: {  	_ =	shalt  }
0x6c: {  	_ =	shalt  }
0x6d: {  	_ =	shalt  }
0x6e: {  	_ =	shalt  }
0x6f: {  	_ =	shalt  }
0x70: {  	_ =	shalt  }
0x71: {  	_ =	shalt  }
0x72: {  	_ =	shalt  }
0x73: {  	_ =	shalt  }
0x74: {  	_ =	shalt  }
0x75: {  	_ =	shalt  }
0x76: {  	_ =	shalt  }
0x77: {  	_ =	shalt  }
0x78: {  	_ =	shalt  }
0x79: {  	_ =	shalt  }
0x7a: {  	_ =	shalt  }
0x7b: {  	_ =	shalt  }
0x7c: {  	_ =	shalt  }
0x7d: {  	_ =	shalt  }
0x7e: {  	_ =	shalt  }
0x7f: {  	_ =	shalt  }
0x80: {  	_ =	shalt  }
0x81: {  	_ =	shalt  }
0x82: {  	_ =	shalt  }
0x83: {  	_ =	shalt  }
0x84: {  	_ =	shalt  }
0x85: {  	_ =	shalt  }
0x86: {  	_ =	shalt  }
0x87: {  	_ =	shalt  }
.Lfunc_end0:
.L_simem_size_0:
called_computation.1_lowered:
.L_overlay_start_0:
0x88: {  	s2 =	sld [smem:$0x3FD9]  }
0x89: {  	s3 =	sld [smem:$0x3FFE];
	_ =	sdelay $0x1  }
0x8a: {  	s1 =	srdreg.scid  }
0x8b: {  	s0 =	sand.u32 $0x1, s1  }
0x8c: {  	s17 =	sshll.u32 s0, $0xA;
	s2 =	sadd.s32 s3, s2  }
0x8d: {  	s2 =	sadd.s32 s2, s17  }
0x8e: {  	[smem:$0x3FB9] =	sst s2  }
0x8f: {  	_ = 	snop  }
0x90: {  	s2 =	sld [smem:$0x3FD0];
	(tm) =	ssettm $0x1  }
0x91: {  	s18 =	sld [smem:$0x3FFB];
	_ =	sdelay $0x3  }
0x92: {  	_ =	strace s18  }
0x93: {  	s3 =	sld [smem:$0x3FFC];
	_ =	sdelay $0x3  }
0x94: {  	_ =	strace s3  }
0x95: {  	s3 =	sld [smem:$0x3FFD];
	_ =	sdelay $0x3  }
0x96: {  	_ =	strace s3  }
0x97: {  	_ =	strace $0x8FFFFFFF  }
0x98: {  	s19 =	sld [smem:$0x3FDB];
	_ =	sdelay $0x1  }
0x99: {  	s4 =	simm.s32 $_scs_section_size  }
0x9a: {  	s5 =	simm.s32 $_size__tile_overlayer_lowered;
	s6 =	simm.s32 $_tile_overlayer_lowered  }
0x9b: {  	s22 =	simm.s32 $0x1BFF;
	s21 =	sshll.u32 s6, $0x1;
	s3 =	sadd.s32 s4, s19  }
0x9c: {  	s7 =	simm.s32 $0x0;
	s20 =	sshll.u32 s5, $0x1;
	s5 =	sadd.s32 s21, s3  }
0x9d: {  	[timem:s7], [sflag:s22] =	dma.local [hbm:s5], s20  }
0x9e: {  	_ =	swait.ge [sflag:s22], s20  }
0x9f: {  	s4 =	ssub.s32 $0x0, s20;
	[sflag:s22] =	ssyncset.done $0x0  }
0xa0: {  	[sflag:s22] =	ssyncadd.s32 s4;
	_ =	sdelay $0x1  }
0xa1: {  	s23 =	simm.s32 $0x1B8B  }
0xa2: {  	_ =	swait.ge [sflag:s23], $0x1  }
0xa3: {  	[sflag:s23] =	ssyncset.done $0x0  }
0xa4: {  	s25 =	simm.s32 $0x1B8E;
	s24 =	sld [smem:$0x3FFE];
	[sflag:s23] =	ssyncadd.s32 $0xFFFFFFFF  }
0xa5: {  	s26 =	simm.s32 $execute0_lowered;
	[smem:$0x3FD2] =	sst s25  }
0xa6: {  	s5 =	sshll.u32 s26, $0x1;
	_ =	strace $0x80000049;
	[dreg:$0x1] =	wrdreg $0xFFFFFFFF  }
0xa7: {  	s28 =	simm.s32 $_size_execute0_lowered;
	s3 =	sadd.s32 s3, s5;
	[dreg:$0x0] =	wrdreg $0x0  }
0xa8: {  	s5 =	sshll.u32 s28, $0x1;
	[dreg:$0x2] =	wrdreg s3  }
0xa9: {  	[dreg:$0x3] =	wrdreg s5  }
0xaa: {  	[dreg:$0x4] =	wrdreg $0xC0  }
0xab: {  	_ =	task [dreg:s7], $0x5FFFF  }
0xac: {  	[dreg:$0x1] =	wrdreg $0xFFFFFFFF  }
0xad: {  	[dreg:$0x0] =	wrdreg $0x60  }
0xae: {  	[dreg:$0x2] =	wrdreg s24  }
0xaf: {  	[dreg:$0x3] =	wrdreg s2  }
0xb0: {  	[dreg:$0x4] =	wrdreg $0x7F000  }
0xb1: {  	[dreg:$0x5] =	wrdreg $0x9  }
0xb2: {  	_ =	task.clear_ibuf [dreg:s7], $0x6FFFF;
	_ =	strace $0x90000049  }
0xb3: {  	s29 =	simm.s32 $0x9;
	_ =	strace $0x8000004B  }
0xb4: {  	_ =	swait.ge [sflag:s29], $0x1  }
0xb5: {  	[sflag:s29] =	ssyncadd.s32 $0xFFFFFFFF  }
0xb6: {  	_ =	strace $0x9000004B  }
0xb7: {  	_ =	sfence  }
0xb8: {  	s30 =	sld [smem:$0x0];
	_ =	sdelay $0x2  }
0xb9: {  	s31 =	sshll.u32 s1, $0xD;
	s1 =	sshrl.u32 s1, $0x2  }
0xba: {  	s3 =	sand.u32 $0x4000, s31;
	s1 =	sadd.s32 s1, s30  }
0xbb: {  	s0 =	sor.u32 s3, s0;
	s1 =	sshll.u32 s1, $0x11  }
0xbc: {  	s0 =	sor.u32 s1, s0  }
0xbd: {  	s0 =	sadd.s32 $0x8F2B, s0  }
0xbe: {  	[sflag:s0] =	ssyncadd.remote.s32 $0x1  }
0xbf: {  	_ =	sfence.sel $0xFFFF  }
0xc0: {  	[dreg:$0x0] =	wrdreg $0xFFFFFFFF;
	(pc) =	sbr.abs _section_cstart, $3  }
0xc1: {  	[dreg:$0x1] =	wrdreg $0xFFFFFFFF  }
0xc2: {  	_ =	task.clear_ibuf [dreg:s7], $0x2FFFF;
	_ =	strace $0x9FFFFFFF  }
0xc3: {  	(tm) =	ssettm $0x7FFFFFFF  }
tec
execute0_lowered:
.L_overlay_start_1:
0x0: {  	(tag) =	ssettag $0x1  }
0x1: {  	s0 =	rddreg [dreg:$0x0]  }
0x2: {  	s1 =	rddreg [dreg:$0x1]  }
0x3: {  	s2 =	rddreg [dreg:$0x2]  }
0x4: {  	s3 =	simm.s32 $0x0;
	s4 =	srdreg.scid;
	s15 =	stileid.u32  }
0x5: {  	s18 =	simm.s32 $0x4580;
	s19 =	simm.s32 $0x3;
	s20 =	simm.s32 $0x80  }
0x6: {  	s23 =	simm.s32 $0x180;
	s24 =	simm.s32 $0x980;
	s28 =	simm.s32 $0x1  }
0x7: {  	s29 =	simm.s32 $0x7D80;
	s30 =	simm.s32 $0x7E00;
	s31 =	simm.s32 $0x7E80  }
0x8: {  	[smem:$0x7FF] =	sst s3;
	s5 =	sadd.s32 $0x77E00, s0;
	s6 =	sadd.s32 $0x9000, s0  }
0x9: {  	s4 =	sand.u32 $0x1, s4;
	s9 =	smul.u32 $0x111E0, s15;
	s7 =	sadd.s32 $0x1CC00, s0  }
0xa: {  	s11 =	smul.u32 $0x44780, s15;
	s8 =	sadd.s32 $0x26E00, s0;
	s0 =	sadd.s32 $0xED400, s0  }
0xb: {  	_ =	strace $0x8000004A;
	s10 =	ssub.s32 $0x2, s4;
	s25 =	smul.u32 $0x223C00, s4  }
0xc: {  	s13 =	sshllo.u32 s4, $0x1;
	p0 =	seq.s32 s4, $0x0;
	s12 =	sshrl.u32 s10, $0x1  }
0xd: {  	s21 =	sadd.s32 s9, s2;
	s11 =	sshrl.u32 s11, $0x2;
	s26 =	smul.u32 $0x111E00, s13  }
0xe: {  	s17 =	smul.u32 $0x2720, s13;
	s10 =	ssub.s32 s10, s12;
	s11 =	sadd.s32 s11, s2  }
0xf: {  	s12 =	sadd.s32 s9, s25;
	[dreg:$0x4] =	wrdreg s21;
	s14 =	sadd.s32 $0x7000, s11  }
0x10: {  	s25 =	simm.s32 $0x1180;
	s16 =	sadd.s32 $0xA800, s11;
	[dreg:$0x6] =	wrdreg s14  }
0x11: {  	s22 =	sadd.s32 $0x3800, s11;
	s11 =	sadd.s32 $0xE000, s11;
	[dreg:$0x7] =	wrdreg s16  }
0x12: {  	s9 =	sadd.s32 s9, s26;
	s26 =	smax.u32 s10, $0x1;
	[dreg:$0x8] =	wrdreg s11  }
0x13: {  	s16 =	smul.u32 $0x4E40, s4;
	s11 =	sshrl.u32 s12, $0x3;
	[dreg:$0xb] =	wrdreg s26  }
0x14: {  	v2 =	vimm.f32 $0.0e+00;
	s9 =	sshrl.u32 s9, $0x3;
	[dreg:$0x5] =	wrdreg s22;
	s11 =	sadd.s32 s0, s11  }
0x15: {  	v3 =	vlaneseq.u32;
	vm0 =	vcmask $0x3F0C;
	vm1 =	vcmask $0x3F08;
	s14 =	smul.u32 $0x5100, s15;
	s0 =	sadd.s32 s0, s9;
	[dreg:$0x9] =	wrdreg s11  }
0x16: {  	vm2 =	vmmov $0x1;
	v1 =	vmov s17;
	s26 =	simm.s32 $0x2;
	s4 =	simm.s32 $0x0;
	[dreg:$0xa] =	wrdreg s0;
	v0 =	vmov s16  }
.LBB2_1:
0x17: {  	[dreg:$0xc] =	wrdreg s4;
	s4 =	simm.s32 $0x0;
	s9 =	simm.s32 $0x1C0  }
.LBB2_2:
0x18: {  	p1 =	sne.s32 s9, $0xDE40;
	[tilespmem:s4+$0x45E0] =	vst v2  }
0x19: {  	[tilespmem:s4+$0x4580] =	vst v2  }
.Ltmp0:
0x1a: {  	[tilespmem:s4+$0x4590] =	vst v2;
	(pc) =	sbr.rel @p1 .LBB2_2-.Ltmp0, $4  }
0x1b: {  	[tilespmem:s4+$0x45A0] =	vst v2  }
0x1c: {  	[tilespmem:s4+$0x45B0] =	vst v2  }
0x1d: {  	[tilespmem:s4+$0x45C0] =	vst v2  }
0x1e: {  	[tilespmem:s4+$0x45D0] =	vst v2;
	s4 =	sshra.s32 s9, $0x2;
	s9 =	sadd.s32 $0x1C0, s9  }
0x1f: {  	[tilespmem:s4+$0x45E0] =	vst v2  }
0x20: {  	[tilespmem:s4+$0x4580] =	vst v2  }
0x21: {  	[tilespmem:s4+$0x4590] =	vst v2  }
0x22: {  	[tilespmem:s4+$0x45A0] =	vst v2  }
0x23: {  	[tilespmem:s4+$0x45B0] =	vst v2  }
0x24: {  	[tilespmem:s4+$0x45C0] =	vst v2  }
0x25: {  	[tilespmem:s4+$0x45D0] =	vst v2  }
0x26: {  	[spmem:s21] =	stream.linear.scatter [tilespmem:s18], [sflag:$0x3], $0x3800, $0x38;
	[tilespmem:$0x190E0] =	vst v63  }
0x27: {  	_ =	swait.ge [sflag:s19], $0x3800  }
0x28: {  	[sflag:s19] =	ssyncset.done $0x0  }
0x29: {  	[sflag:s19] =	ssyncadd.s32 $0xFFFFC800  }
0x2a: {  	[spmem:s22] =	stream.linear.scatter [tilespmem:s18], [sflag:$0x3], $0x3800, $0x38;
	[tilespmem:$0x190E0] =	vst v63  }
0x2b: {  	_ =	swait.ge [sflag:s19], $0x3800  }
0x2c: {  	[sflag:s19] =	ssyncset.done $0x0  }
0x2d: {  	s0 =	rddreg [dreg:$0x6];
	[sflag:s19] =	ssyncadd.s32 $0xFFFFC800  }
0x2e: {  	[spmem:s0] =	stream.linear.scatter [tilespmem:s18], [sflag:$0x3], $0x3800, $0x38;
	[tilespmem:$0x190E0] =	vst v63  }
0x2f: {  	_ =	swait.ge [sflag:s19], $0x3800  }
0x30: {  	[sflag:s19] =	ssyncset.done $0x0  }
0x31: {  	s16 =	rddreg [dreg:$0x7];
	[sflag:s19] =	ssyncadd.s32 $0xFFFFC800  }
0x32: {  	[spmem:s16] =	stream.linear.scatter [tilespmem:s18], [sflag:$0x3], $0x3800, $0x38;
	[tilespmem:$0x190E0] =	vst v63  }
0x33: {  	_ =	swait.ge [sflag:s19], $0x3800  }
0x34: {  	[sflag:s19] =	ssyncset.done $0x0  }
0x35: {  	s17 =	rddreg [dreg:$0x8];
	[sflag:s19] =	ssyncadd.s32 $0xFFFFC800  }
0x36: {  	[spmem:s17] =	stream.linear.scatter [tilespmem:s18], [sflag:$0x3], $0x31E0, $0x38;
	[tilespmem:$0x190E0] =	vst v63  }
0x37: {  	_ =	swait.ge [sflag:s19], $0x31E0  }
0x38: {  	[sflag:s19] =	ssyncset.done $0x0  }
0x39: {  	[sflag:s19] =	ssyncadd.s32 $0xFFFFCE20  }
0x3a: {  	s4 =	simm.s32 $0x0;
	[bflag:$0x0] =	sbarrier.arrive $0xFFFF  }
.LBB2_4:
0x3b: {  	s9 =	sshll.u32 s4, $0x7  }
0x3c: {  	s9 =	sadd.s32 s14, s9  }
0x3d: {  	s10 =	sshrl.u32 s9, $0x3  }
0x3e: {  	s11 =	sadd.s32 s6, s10  }
0x3f: {  	[tilespmem:s3], [sflag:$0x3] =	stream.linear.gather [hbm4b:s11+s3], $0x80, $0x38;
	[tilespmem:$0x190E0] =	vst v63  }
0x40: {  	_ =	swait.ge [sflag:s19], $0x80  }
0x41: {  	[sflag:s19] =	ssyncset.done $0x0  }
0x42: {  	s10 =	sadd.s32 s7, s10;
	[sflag:s19] =	ssyncadd.s32 $0xFFFFFF80  }
0x43: {  	[tilespmem:s20], [sflag:$0x3] =	stream.linear.gather [hbm4b:s10+s3], $0x80, $0x38;
	[tilespmem:$0x190E0] =	vst v63  }
0x44: {  	_ =	swait.ge [sflag:s19], $0x80  }
0x45: {  	[sflag:s19] =	ssyncset.done $0x0  }
0x46: {  	[sflag:s19] =	ssyncadd.s32 $0xFFFFFF80  }
0x47: {  	v4 =	vld [tilespmem:$0x0]  }
0x48: {  	v5 =	vld [tilespmem:$0x10]  }
0x49: {  	v6 =	vld [tilespmem:$0x20]  }
0x4a: {  	v7 =	vld [tilespmem:$0x30]  }
0x4b: {  	v8 =	vld [tilespmem:$0x40]  }
0x4c: {  	v9 =	vld [tilespmem:$0x50];
	v4 =	vadd.s32 v0, v4  }
0x4d: {  	[tilespmem:$0x100] =	vst v4;
	v4 =	vadd.s32 v0, v5;
	v5 =	vld [tilespmem:$0x60]  }
0x4e: {  	[tilespmem:$0x110] =	vst v4;
	v4 =	vadd.s32 v0, v6;
	v6 =	vld [tilespmem:$0x70]  }
0x4f: {  	[tilespmem:$0x120] =	vst v4;
	v4 =	vadd.s32 v0, v7  }
0x50: {  	[tilespmem:$0x130] =	vst v4;
	v4 =	vadd.s32 v0, v8  }
0x51: {  	[tilespmem:$0x140] =	vst v4;
	v4 =	vadd.s32 v0, v9  }
0x52: {  	[tilespmem:$0x150] =	vst v4;
	v4 =	vadd.s32 v0, v5  }
0x53: {  	[tilespmem:$0x160] =	vst v4;
	v4 =	vadd.s32 v0, v6  }
0x54: {  	s0 =	simm.s32 $0x100;
	s17 =	simm.s32 $0x1580;
	[tilespmem:$0x170] =	vst v4  }
0x55: {  	[tilespmem:s17], [sflag:$0x1] =	stream.indirect.gather [hbm4b:s5+s20], $0x60, s0, s20, $0xb8;
	[tilespmem:$0x190E0] =	vst v63  }
0x56: {  	_ = 	snop  }
0x57: {  	[tilespmem:s23], [sflag:$0x2] =	stream.indirect.gather [hbm4b:s1+s20], $0x10, s3, s20, $0xb8;
	[tilespmem:$0x190E0] =	vst v63  }
0x58: {  	_ = 	snop  }
0x59: {  	[tilespmem:s24], [sflag:$0x2] =	stream.indirect.gather [hbm4b:s1+s20], $0x10, s20, s20, $0xb8;
	[tilespmem:$0x190E0] =	vst v63  }
0x5a: {  	s9 =	sadd.s32 s8, s9  }
0x5b: {  	[tilespmem:s25], [sflag:$0x3] =	stream.linear.gather [hbm4b:s9+s3], $0x400, $0x38;
	[tilespmem:$0x190E0] =	vst v63  }
0x5c: {  	_ =	swait.ge [sflag:s19], $0x400  }
0x5d: {  	[sflag:s19] =	ssyncset.done $0x0  }
0x5e: {  	s11 =	simm.s32 $0x10;
	[sflag:s19] =	ssyncadd.s32 $0xFFFFFC00  }
0x5f: {  	v4 =	vor.u32 s11, v3;
	_ =	swait.ge [sflag:s26], $0x800  }
0x60: {  	v13 =	vshll.u32 v4, $0x4;
	[sflag:s26] =	ssyncset.done $0x0  }
0x61: {  	v5 =	vor.u32 $0x3, v13;
	[sflag:s26] =	ssyncadd.s32 $0xFFFFF800  }
0x62: {  	_ =	swait.ge [sflag:s26], $0x800  }
0x63: {  	v15 =	vshll.u32 v4, $0x3;
	[sflag:s26] =	ssyncset.done $0x0  }
0x64: {  	s12 =	simm.s32 $0x0;
	[sflag:s26] =	ssyncadd.s32 $0xFFFFF800  }
0x65: {  	v6 =	vor.u32 s12, v3;
	v4 =	vld.idx.msk [tilespmem:v13+s23+$0x0], $0xffff  }
0x66: {  	v9 =	vshll.u32 v6, $0x4;
	v7 =	vor.u32 $0x6, v13;
	v5 =	vld.idx.msk [tilespmem:v5+s24+$0x0], $0xffff  }
0x67: {  	v10 =	vor.u32 $0x3, v9  }
0x68: {  	v8 =	vld.idx.msk [tilespmem:v15+s25+$0x0], $0xffff;
	_ =	sdelay $0x1  }
0x69: {  	v14 =	vshll.u32 v6, $0x3  }
0x6a: {  	v6 =	vld.idx.msk [tilespmem:v7+s24+$0x0], $0xffff;
	v4 =	vadd.f32 v5, v4  }
0x6b: {  	v7 =	vld.idx.msk [tilespmem:v10+s24+$0x0], $0xffff  }
0x6c: {  	v5 =	vld.idx.msk [tilespmem:v9+s23+$0x0], $0xffff;
	v4 =	vadd.f32 v8, v4;
	_ =	sdelay $0x1  }
0x6d: {  	v10 =	vor.u32 $0x6, v9;
	v11 =	vld.idx.msk [tilespmem:v14+s25+$0x0], $0xffff;
	v8 =	vmul.f32 $2.000000030e-01, v4;
	_ =	sdelay $0x1  }
0x6e: {  	s13 =	simm.s32 $0x30;
	v4 =	vmax.f32 v4, v8  }
0x6f: {  	v5 =	vadd.f32 v7, v5;
	v8 =	vor.u32 s13, v3;
	v4 =	vsub.f32 v4, v6  }
0x70: {  	v6 =	vshll.u32 v8, $0x4  }
0x71: {  	v10 =	vld.idx.msk [tilespmem:v10+s24+$0x0], $0xffff;
	v5 =	vadd.f32 v11, v5;
	v7 =	vor.u32 $0x3, v6;
	v4 =	vmul.f32 $1.442695020e+00, v4;
	_ =	sdelay $0x1  }
0x72: {  	v12 =	vshll.u32 v8, $0x3;
	(erf) = vpow2.f32 v4;
	v4 =	vmul.f32 $2.000000030e-01, v5;
	_ =	sdelay $0x1  }
0x73: {  	v8 =	vld.idx.msk [tilespmem:v6+s23+$0x0], $0xffff;
	v4 =	vmax.f32 v5, v4  }
0x74: {  	v5 =	vld.idx.msk [tilespmem:v7+s24+$0x0], $0xffff;
	v4 =	vsub.f32 v4, v10  }
0x75: {  	s15 =	simm.s32 $0x20  }
0x76: {  	v17 =	vor.u32 s15, v3;
	v7 =	vor.u32 $0x6, v6;
	v10 =	vld.idx.msk [tilespmem:v12+s25+$0x0], $0xffff;
	v11 =	vmul.f32 $1.442695020e+00, v4  }
0x77: {  	v4 =	vshll.u32 v17, $0x4  }
0x78: {  	v16 =	vor.u32 $0x4, v13  }
0x79: {  	v18 =	vor.u32 $0x3, v4;
	(erf) = vpow2.f32 v11;
	v8 =	vadd.f32 v5, v8  }
0x7a: {  	s16 =	simm.s32 $0x7D90;
	v5 =	vshll.u32 v17, $0x3;
	v11 =	vpop (erf)  }
0x7b: {  	v7 =	vld.idx.msk [tilespmem:v7+s24+$0x0], $0xffff;
	v8 =	vadd.f32 v10, v8;
	[tilespmem:s16+$0x0] =	vst v11;
	v11 =	vor.u32 $0x1, v13  }
0x7c: {  	v17 =	vld.idx.msk [tilespmem:v4+s23+$0x0], $0xffff  }
0x7d: {  	v10 =	vld.idx.msk [tilespmem:v16+s24+$0x0], $0xffff;
	v16 =	vor.u32 $0x1, v15;
	v19 =	vmul.f32 $2.000000030e-01, v8  }
0x7e: {  	v18 =	vld.idx.msk [tilespmem:v18+s24+$0x0], $0xffff  }
0x7f: {  	v21 =	vor.u32 $0x4, v9;
	v20 =	vld.idx.msk [tilespmem:v5+s25+$0x0], $0xffff;
	v8 =	vmax.f32 v8, v19  }
0x80: {  	v19 =	vor.u32 $0x1, v9;
	v7 =	vsub.f32 v8, v7;
	v11 =	vld.idx.msk [tilespmem:v11+s23+$0x0], $0xffff  }
0x81: {  	v8 =	vor.u32 $0x6, v4  }
0x82: {  	v23 =	vor.u32 $0x1, v14;
	v16 =	vld.idx.msk [tilespmem:v16+s25+$0x0], $0xffff;
	v22 =	vpop (erf);
	v7 =	vmul.f32 $1.442695020e+00, v7  }
0x83: {  	v24 =	vor.u32 $0x7, v13;
	v17 =	vadd.f32 v18, v17;
	[tilespmem:s16+$0xFFFFFFF0] =	vst v22  }
0x84: {  	v18 =	vld.idx.msk [tilespmem:v21+s24+$0x0], $0xffff;
	(erf) = vpow2.f32 v7  }
0x85: {  	v7 =	vadd.f32 v20, v17;
	v17 =	vld.idx.msk [tilespmem:v19+s23+$0x0], $0xffff;
	v10 =	vadd.f32 v10, v11  }
0x86: {  	v8 =	vld.idx.msk [tilespmem:v8+s24+$0x0], $0xffff  }
0x87: {  	v19 =	vor.u32 $0x7, v9;
	v20 =	vld.idx.msk [tilespmem:v23+s25+$0x0], $0xffff;
	v11 =	vmul.f32 $2.000000030e-01, v7;
	v10 =	vadd.f32 v16, v10  }
0x88: {  	v16 =	vld.idx.msk [tilespmem:v24+s24+$0x0], $0xffff  }
0x89: {  	s17 =	simm.s32 $0x40;
	v7 =	vmax.f32 v7, v11;
	v11 =	vmul.f32 $2.000000030e-01, v10  }
0x8a: {  	s12 =	simm.s32 $0x50;
	v21 =	vor.u32 s17, v3;
	v17 =	vadd.f32 v18, v17;
	v18 =	vor.u32 $0x1, v12  }
0x8b: {  	v23 =	vor.u32 s12, v3;
	v22 =	vsub.f32 v7, v8;
	v8 =	vshll.u32 v21, $0x4  }
0x8c: {  	v19 =	vld.idx.msk [tilespmem:v19+s24+$0x0], $0xffff;
	v7 =	vshll.u32 v23, $0x4;
	v17 =	vadd.f32 v20, v17;
	v10 =	vmax.f32 v10, v11  }
0x8d: {  	s11 =	simm.s32 $0x7DB0;
	v10 =	vsub.f32 v10, v16;
	v16 =	vor.u32 $0x3, v7;
	v11 =	vpop (erf)  }
0x8e: {  	v20 =	vmul.f32 $1.442695020e+00, v22;
	v22 =	vor.u32 $0x3, v8;
	v24 =	vmul.f32 $2.000000030e-01, v17;
	[tilespmem:s11+$0x0] =	vst v11  }
0x8f: {  	v11 =	vshll.u32 v23, $0x3;
	v26 =	vld.idx.msk [tilespmem:v18+s25+$0x0], $0xffff;
	v18 =	vmul.f32 $1.442695020e+00, v10  }
0x90: {  	(erf) = vpow2.f32 v20;
	v17 =	vmax.f32 v17, v24;
	v10 =	vshll.u32 v21, $0x3;
	v21 =	vld.idx.msk [tilespmem:v8+s23+$0x0], $0xffff  }
0x91: {  	v27 =	vor.u32 $0x1, v6;
	v17 =	vsub.f32 v17, v19;
	v19 =	vld.idx.msk [tilespmem:v7+s23+$0x0], $0xffff;
	(erf) = vpow2.f32 v18  }
0x92: {  	v16 =	vld.idx.msk [tilespmem:v16+s24+$0x0], $0xffff;
	v18 =	vor.u32 $0x6, v8  }
0x93: {  	v20 =	vor.u32 $0x4, v6;
	v22 =	vld.idx.msk [tilespmem:v22+s24+$0x0], $0xffff;
	v17 =	vmul.f32 $1.442695020e+00, v17  }
0x94: {  	v23 =	vor.u32 $0x6, v7;
	v24 =	vld.idx.msk [tilespmem:v11+s25+$0x0], $0xffff  }
0x95: {  	v25 =	vor.u32 $0x7, v6;
	(erf) = vpow2.f32 v17;
	v17 =	vld.idx.msk [tilespmem:v10+s25+$0x0], $0xffff  }
0x96: {  	v28 =	vor.u32 $0x4, v4;
	v27 =	vld.idx.msk [tilespmem:v27+s23+$0x0], $0xffff  }
0x97: {  	v29 =	vld.idx.msk [tilespmem:v18+s24+$0x0], $0xffff;
	v16 =	vadd.f32 v16, v19;
	v18 =	vor.u32 $0x2, v15  }
0x98: {  	v20 =	vld.idx.msk [tilespmem:v20+s24+$0x0], $0xffff;
	v15 =	vadd.f32 v22, v21;
	v21 =	vor.u32 $0x5, v13  }
0x99: {  	v19 =	vld.idx.msk [tilespmem:v23+s24+$0x0], $0xffff;
	v23 =	vpop (erf);
	v22 =	vadd.f32 v24, v16;
	v24 =	vor.u32 $0x2, v13  }
0x9a: {  	s13 =	simm.s32 $0x7E10;
	[tilespmem:s11+$0xFFFFFFF0] =	vst v23;
	v23 =	vor.u32 $0x1, v4;
	v16 =	vld.idx.msk [tilespmem:v25+s24+$0x0], $0xffff;
	v25 =	vadd.f32 v17, v15;
	v17 =	vpop (erf)  }
0x9b: {  	v62 =	vor.u32 $0x2, v9;
	v15 =	vld.idx.msk [tilespmem:v28+s24+$0x0], $0xffff;
	v30 =	vmul.f32 $2.000000030e-01, v22;
	[tilespmem:s13+$0x0] =	vst v17  }
0x9c: {  	v32 =	vor.u32 $0x5, v9;
	v31 =	vmul.f32 $2.000000030e-01, v25;
	v17 =	vld.idx.msk [tilespmem:v18+s25+$0x0], $0xffff  }
0x9d: {  	v63 =	vor.u32 $0x1, v5;
	v22 =	vmax.f32 v22, v30;
	v18 =	vld.idx.msk [tilespmem:v21+s24+$0x0], $0xffff  }
0x9e: {  	v33 =	vpop (erf);
	v25 =	vmax.f32 v25, v31;
	v22 =	vsub.f32 v22, v19;
	v21 =	vld.idx.msk [tilespmem:v24+s23+$0x0], $0xffff  }
0x9f: {  	[tilespmem:s13+$0xFFFFFFF0] =	vst v33;
	v19 =	vld.idx.msk [tilespmem:v23+s23+$0x0], $0xffff;
	v23 =	vor.u32 $0x2, v14;
	v25 =	vsub.f32 v25, v29  }
0xa0: {  	v27 =	vadd.f32 v20, v27;
	v24 =	vor.u32 $0x8, v13;
	v20 =	vld.idx.msk [tilespmem:v62+s23+$0x0], $0xffff;
	v22 =	vmul.f32 $1.442695020e+00, v22  }
0xa1: {  	v14 =	vld.idx.msk [tilespmem:v32+s24+$0x0], $0xffff;
	v13 =	vmul.f32 $1.442695020e+00, v25;
	v25 =	vor.u32 $0x7, v4  }
0xa2: {  	s15 =	simm.s32 $0x4;
	s10 =	simm.s32 $0x7E90;
	s9 =	simm.s32 $0x7E90;
	v26 =	vadd.f32 v26, v27;
	(erf) = vpow2.f32 v22;
	v22 =	vld.idx.msk [tilespmem:v63+s25+$0x0], $0xffff  }
.LBB2_5:
0xa3: {  	s15 =	sadd.s32 $0x2, s15;
	s13 =	sadd.s32 $0x20, s13;
	s9 =	sadd.s32 $0x20, s9  }
0xa4: {  	v28 =	vor.u32 $0x8, v9;
	v18 =	vadd.f32 v18, v21;
	v9 =	vmovc v4;
	v4 =	vmovc v8;
	p1 =	slt.u32 s15, $0x6;
	v27 =	vmul.f32 $2.000000030e-01, v26;
	v23 =	vld.idx.msk [tilespmem:v23+s25+$0x0], $0xffff  }
0xa5: {  	v21 =	vld.idx.msk [tilespmem:v24+s24+$0x0], $0xffff  }
0xa6: {  	v17 =	vadd.f32 v17, v18;
	v24 =	vld.idx.msk [tilespmem:v25+s24+$0x0], $0xffff;
	v8 =	vmax.f32 v26, v27  }
0xa7: {  	s12 =	sadd.s32 $0x20, s12;
	v15 =	vadd.f32 v15, v19;
	v18 =	vor.u32 $0x4, v7;
	v16 =	vsub.f32 v8, v16  }
0xa8: {  	s16 =	sadd.s32 $0xFFFFFFF0, s12;
	v19 =	vor.u32 $0x1, v11;
	v14 =	vadd.f32 v14, v20;
	v20 =	vmul.f32 $2.000000030e-01, v17  }
0xa9: {  	v25 =	vor.u32 s16, v3;
	v26 =	vor.u32 s12, v3;
	v15 =	vadd.f32 v22, v15;
	v22 =	vld.idx.msk [tilespmem:v28+s24+$0x0], $0xffff  }
0xaa: {  	s11 =	sadd.s32 $0x20, s11;
	v8 =	vshll.u32 v25, $0x4;
	v25 =	vshll.u32 v25, $0x3;
	v14 =	vadd.f32 v23, v14  }
0xab: {  	v27 =	vshll.u32 v26, $0x4;
	v23 =	vor.u32 $0x3, v8;
	v17 =	vmax.f32 v17, v20;
	v28 =	vpop (erf)  }
0xac: {  	v29 =	vor.u32 $0x6, v27;
	v20 =	vor.u32 $0x3, v27;
	[tilespmem:s11+$0x0] =	vst v28;
	v28 =	vmul.f32 $2.000000030e-01, v15  }
0xad: {  	v26 =	vshll.u32 v26, $0x3;
	v16 =	vmul.f32 $1.442695020e+00, v16;
	v30 =	vld.idx.msk [tilespmem:v19+s25+$0x0], $0xffff;
	v19 =	vmul.f32 $2.000000030e-01, v14  }
0xae: {  	v17 =	vsub.f32 v17, v21;
	v31 =	vld.idx.msk [tilespmem:v18+s24+$0x0], $0xffff;
	v15 =	vmax.f32 v15, v28  }
0xaf: {  	v18 =	vld.idx.msk [tilespmem:v8+s23+$0x0], $0xffff;
	v15 =	vsub.f32 v15, v24;
	v14 =	vmax.f32 v14, v19  }
0xb0: {  	v19 =	vld.idx.msk [tilespmem:v27+s23+$0x0], $0xffff;
	(erf) = vpow2.f32 v13;
	v13 =	vsub.f32 v14, v22;
	v14 =	vmul.f32 $1.442695020e+00, v17  }
0xb1: {  	v17 =	vld.idx.msk [tilespmem:v20+s24+$0x0], $0xffff;
	v15 =	vmul.f32 $1.442695020e+00, v15;
	(erf) = vpow2.f32 v16  }
0xb2: {  	v20 =	vor.u32 $0x6, v8;
	v16 =	vld.idx.msk [tilespmem:v23+s24+$0x0], $0xffff;
	v13 =	vmul.f32 $1.442695020e+00, v13;
	(erf) = vpow2.f32 v14  }
0xb3: {  	v14 =	vld.idx.msk [tilespmem:v26+s25+$0x0], $0xffff;
	(erf) = vpow2.f32 v15  }
0xb4: {  	v21 =	vor.u32 $0x7, v7;
	v15 =	vld.idx.msk [tilespmem:v25+s25+$0x0], $0xffff;
	(erf) = vpow2.f32 v13  }
0xb5: {  	v13 =	vor.u32 $0x1, v7  }
0xb6: {  	v22 =	vor.u32 $0x4, v4  }
0xb7: {  	v28 =	vadd.f32 v17, v19;
	v19 =	vor.u32 $0x2, v12;
	v12 =	vmovc v11;
	v11 =	vmov v26;
	v20 =	vld.idx.msk [tilespmem:v20+s24+$0x0], $0xffff  }
0xb8: {  	v24 =	vor.u32 $0x5, v6;
	v18 =	vadd.f32 v16, v18;
	v23 =	vld.idx.msk [tilespmem:v29+s24+$0x0], $0xffff  }
0xb9: {  	v14 =	vadd.f32 v14, v28;
	v16 =	vld.idx.msk [tilespmem:v21+s24+$0x0], $0xffff;
	v17 =	vpop (erf);
	v21 =	vor.u32 $0x2, v6  }
0xba: {  	v28 =	vor.u32 $0x1, v4;
	v26 =	vadd.f32 v15, v18;
	[tilespmem:s11+$0xFFFFFFF0] =	vst v17;
	v13 =	vld.idx.msk [tilespmem:v13+s23+$0x0], $0xffff;
	v17 =	vpop (erf)  }
0xbb: {  	v18 =	vmul.f32 $2.000000030e-01, v14;
	v15 =	vld.idx.msk [tilespmem:v22+s24+$0x0], $0xffff;
	v22 =	vor.u32 $0x2, v9;
	[tilespmem:s13+$0x0] =	vst v17;
	v29 =	vpop (erf)  }
0xbc: {  	v33 =	vor.u32 $0x5, v9;
	v32 =	vmul.f32 $2.000000030e-01, v26;
	v17 =	vld.idx.msk [tilespmem:v19+s25+$0x0], $0xffff;
	v19 =	vpop (erf);
	[tilespmem:s10+$0x0] =	vst v29  }
0xbd: {  	v14 =	vmax.f32 v14, v18;
	v29 =	vor.u32 $0x1, v10;
	[tilespmem:s13+$0xFFFFFFF0] =	vst v19;
	v18 =	vld.idx.msk [tilespmem:v24+s24+$0x0], $0xffff;
	v19 =	vpop (erf)  }
.Ltmp1:
0xbe: {  	v24 =	vmax.f32 v26, v32;
	v14 =	vsub.f32 v14, v23;
	v21 =	vld.idx.msk [tilespmem:v21+s23+$0x0], $0xffff;
	[tilespmem:s10+$0xFFFFFFF0] =	vst v19;
	s10 =	smov.u32 s9;
	(pc) =	sbr.rel @p1 .LBB2_5-.Ltmp1, $4  }
0xbf: {  	v23 =	vor.u32 $0x2, v5;
	v5 =	vmovc v10;
	v10 =	vmov v25;
	v26 =	vsub.f32 v24, v20;
	v19 =	vld.idx.msk [tilespmem:v28+s23+$0x0], $0xffff  }
0xc0: {  	v24 =	vor.u32 $0x8, v6;
	v6 =	vmovc v7;
	v7 =	vmovc v27;
	v28 =	vmul.f32 $1.442695020e+00, v14;
	v31 =	vadd.f32 v31, v13;
	v20 =	vld.idx.msk [tilespmem:v22+s23+$0x0], $0xffff  }
0xc1: {  	v25 =	vor.u32 $0x7, v4;
	v13 =	vmul.f32 $1.442695020e+00, v26;
	v14 =	vld.idx.msk [tilespmem:v33+s24+$0x0], $0xffff  }
0xc2: {  	v26 =	vadd.f32 v30, v31;
	(erf) = vpow2.f32 v28;
	v22 =	vld.idx.msk [tilespmem:v29+s25+$0x0], $0xffff  }
0xc3: {  	_ = 	snop  }
0xc4: {  	v27 =	vmul.f32 $2.000000030e-01, v26;
	_ =	sdelay $0x1  }
0xc5: {  	v26 =	vmax.f32 v26, v27  }
0xc6: {  	v16 =	vsub.f32 v26, v16;
	_ =	sdelay $0x1  }
0xc7: {  	(erf) = vpow2.f32 v13;
	v16 =	vmul.f32 $1.442695020e+00, v16;
	_ =	sdelay $0x1  }
0xc8: {  	(erf) = vpow2.f32 v16  }
0xc9: {  	v9 =	vor.u32 $0x8, v9  }
0xca: {  	v13 =	vor.u32 $0x1, v11  }
0xcb: {  	v24 =	vld.idx.msk [tilespmem:v24+s24+$0x0], $0xffff;
	v26 =	vor.u32 $0x1, v7  }
0xcc: {  	v25 =	vld.idx.msk [tilespmem:v25+s24+$0x0], $0xffff;
	v28 =	vor.u32 $0x4, v8  }
0xcd: {  	s12 =	sadd.s32 $0x20, s11;
	v16 =	vld.idx.msk [tilespmem:v23+s25+$0x0], $0xffff;
	v23 =	vor.u32 $0x4, v7;
	v27 =	vpop (erf)  }
0xce: {  	v9 =	vld.idx.msk [tilespmem:v9+s24+$0x0], $0xffff;
	[tilespmem:s12+$0x0] =	vst v27;
	v27 =	vor.u32 $0x5, v6  }
0xcf: {  	v29 =	vor.u32 $0x2, v6;
	v30 =	vpop (erf);
	v13 =	vld.idx.msk [tilespmem:v13+s25+$0x0], $0xffff  }
0xd0: {  	v31 =	vor.u32 $0x1, v8;
	v18 =	vadd.f32 v18, v21;
	[tilespmem:s12+$0xFFFFFFF0] =	vst v30;
	v21 =	vld.idx.msk [tilespmem:v26+s23+$0x0], $0xffff  }
0xd1: {  	s15 =	sadd.s32 $0x20, s13;
	v12 =	vor.u32 $0x2, v12;
	v15 =	vadd.f32 v15, v19;
	v19 =	vld.idx.msk [tilespmem:v28+s24+$0x0], $0xffff;
	v26 =	vpop (erf)  }
0xd2: {  	v17 =	vadd.f32 v17, v18;
	v23 =	vld.idx.msk [tilespmem:v23+s24+$0x0], $0xffff;
	[tilespmem:s15+$0x0] =	vst v26;
	v26 =	vor.u32 $0x1, v10  }
0xd3: {  	v14 =	vadd.f32 v14, v20;
	v18 =	vld.idx.msk [tilespmem:v27+s24+$0x0], $0xffff  }
0xd4: {  	v15 =	vadd.f32 v22, v15;
	v22 =	vmul.f32 $2.000000030e-01, v17;
	v20 =	vld.idx.msk [tilespmem:v29+s23+$0x0], $0xffff  }
0xd5: {  	v14 =	vadd.f32 v16, v14;
	v16 =	vor.u32 $0x7, v7;
	v27 =	vld.idx.msk [tilespmem:v31+s23+$0x0], $0xffff  }
0xd6: {  	v17 =	vmax.f32 v17, v22;
	v6 =	vor.u32 $0x8, v6;
	v28 =	vmul.f32 $2.000000030e-01, v15;
	v12 =	vld.idx.msk [tilespmem:v12+s25+$0x0], $0xffff  }
0xd7: {  	v17 =	vsub.f32 v17, v24;
	v29 =	vor.u32 $0x7, v8;
	v26 =	vld.idx.msk [tilespmem:v26+s25+$0x0], $0xffff  }
0xd8: {  	v15 =	vmax.f32 v15, v28;
	v22 =	vmul.f32 $2.000000030e-01, v14;
	v21 =	vadd.f32 v23, v21  }
0xd9: {  	v15 =	vsub.f32 v15, v25;
	v18 =	vadd.f32 v18, v20  }
0xda: {  	v14 =	vmax.f32 v14, v22;
	v16 =	vld.idx.msk [tilespmem:v16+s24+$0x0], $0xffff;
	v13 =	vadd.f32 v13, v21;
	v19 =	vadd.f32 v19, v27  }
0xdb: {  	v9 =	vsub.f32 v14, v9;
	v6 =	vld.idx.msk [tilespmem:v6+s24+$0x0], $0xffff;
	v12 =	vadd.f32 v12, v18  }
0xdc: {  	v14 =	vmul.f32 $1.442695020e+00, v17;
	v17 =	vmul.f32 $2.000000030e-01, v13;
	v18 =	vld.idx.msk [tilespmem:v29+s24+$0x0], $0xffff;
	v19 =	vadd.f32 v26, v19  }
0xdd: {  	v15 =	vmul.f32 $1.442695020e+00, v15;
	v20 =	vmul.f32 $2.000000030e-01, v12  }
0xde: {  	v9 =	vmul.f32 $1.442695020e+00, v9;
	v13 =	vmax.f32 v13, v17;
	v17 =	vmul.f32 $2.000000030e-01, v19  }
0xdf: {  	(erf) = vpow2.f32 v14;
	v13 =	vsub.f32 v13, v16;
	v12 =	vmax.f32 v12, v20  }
0xe0: {  	(erf) = vpow2.f32 v15;
	v6 =	vsub.f32 v12, v6;
	v14 =	vmax.f32 v19, v17  }
0xe1: {  	v12 =	vmul.f32 $1.442695020e+00, v13;
	v13 =	vsub.f32 v14, v18  }
0xe2: {  	(erf) = vpow2.f32 v9;
	v6 =	vmul.f32 $1.442695020e+00, v6  }
0xe3: {  	(erf) = vpow2.f32 v12;
	v9 =	vmul.f32 $1.442695020e+00, v13  }
0xe4: {  	(erf) = vpow2.f32 v6  }
0xe5: {  	(erf) = vpow2.f32 v9  }
0xe6: {  	v5 =	vor.u32 $0x2, v5  }
0xe7: {  	v6 =	vor.u32 $0x2, v4  }
0xe8: {  	v12 =	vpop (erf);
	v9 =	vor.u32 $0x5, v4  }
0xe9: {  	v14 =	vor.u32 $0x5, v7;
	v13 =	vpop (erf)  }
0xea: {  	[tilespmem:s15+$0xFFFFFFF0] =	vst v13;
	v13 =	vor.u32 $0x2, v7  }
0xeb: {  	v16 =	vor.u32 $0x2, v8;
	v15 =	vpop (erf);
	v5 =	vld.idx.msk [tilespmem:v5+s25+$0x0], $0xffff  }
0xec: {  	s11 =	sadd.s32 $0x20, s15;
	v18 =	vor.u32 $0x5, v8;
	v6 =	vld.idx.msk [tilespmem:v6+s23+$0x0], $0xffff;
	v17 =	vpop (erf)  }
0xed: {  	v11 =	vor.u32 $0x2, v11;
	v9 =	vld.idx.msk [tilespmem:v9+s24+$0x0], $0xffff;
	[tilespmem:s11+$0x0] =	vst v17;
	v17 =	vpop (erf)  }
0xee: {  	v10 =	vor.u32 $0x2, v10;
	v14 =	vld.idx.msk [tilespmem:v14+s24+$0x0], $0xffff;
	v19 =	vpop (erf)  }
0xef: {  	v13 =	vld.idx.msk [tilespmem:v13+s23+$0x0], $0xffff;
	[tilespmem:s11+$0xFFFFFFF0] =	vst v19  }
0xf0: {  	v16 =	vld.idx.msk [tilespmem:v16+s23+$0x0], $0xffff  }
0xf1: {  	v4 =	vor.u32 $0x8, v4;
	v18 =	vld.idx.msk [tilespmem:v18+s24+$0x0], $0xffff  }
0xf2: {  	v7 =	vor.u32 $0x8, v7;
	v11 =	vld.idx.msk [tilespmem:v11+s25+$0x0], $0xffff  }
0xf3: {  	v8 =	vor.u32 $0x8, v8;
	v10 =	vld.idx.msk [tilespmem:v10+s25+$0x0], $0xffff  }
0xf4: {  	v6 =	vadd.f32 v9, v6  }
0xf5: {  	v9 =	vadd.f32 v14, v13  }
0xf6: {  	v4 =	vld.idx.msk [tilespmem:v4+s24+$0x0], $0xffff;
	v5 =	vadd.f32 v5, v6;
	v6 =	vadd.f32 v18, v16  }
0xf7: {  	v7 =	vld.idx.msk [tilespmem:v7+s24+$0x0], $0xffff;
	v9 =	vadd.f32 v11, v9  }
0xf8: {  	v8 =	vld.idx.msk [tilespmem:v8+s24+$0x0], $0xffff;
	v11 =	vmul.f32 $2.000000030e-01, v5;
	v6 =	vadd.f32 v10, v6  }
0xf9: {  	v10 =	vmul.f32 $2.000000030e-01, v9  }
0xfa: {  	v5 =	vmax.f32 v5, v11;
	v11 =	vmul.f32 $2.000000030e-01, v6  }
0xfb: {  	v4 =	vsub.f32 v5, v4;
	v5 =	vmax.f32 v9, v10  }
0xfc: {  	v5 =	vsub.f32 v5, v7;
	v6 =	vmax.f32 v6, v11  }
0xfd: {  	v4 =	vmul.f32 $1.442695020e+00, v4;
	v6 =	vsub.f32 v6, v8  }
0xfe: {  	v5 =	vmul.f32 $1.442695020e+00, v5  }
0xff: {  	(erf) = vpow2.f32 v4;
	v4 =	vmul.f32 $1.442695020e+00, v6  }
0x100: {  	(erf) = vpow2.f32 v5  }
0x101: {  	(erf) = vpow2.f32 v4;
	_ =	sdelay $0x4  }
0x102: {  	s16 =	simm.s32 $0x0;
	[tilespmem:s10+$0x0] =	vst v12  }
0x103: {  	s9 =	sadd.s32 $0x20, s9;
	[tilespmem:s10+$0xFFFFFFF0] =	vst v15;
	v4 =	vmov s16  }
0x104: {  	[tilespmem:s9+$0x0] =	vst v17;
	v4 =	vand.u32 $0xFFFFFFFC, v4;
	v5 =	vpop (erf)  }
0x105: {  	s17 =	sadd.s32 $0x20, s9;
	s11 =	simm.s32 $0x1;
	v4 =	vbroadcast v4, $0x0;
	[tilespmem:s9+$0xFFFFFFF0] =	vst v5;
	v5 =	vpop (erf)  }
0x106: {  	v6 =	vmov s11;
	[tilespmem:s17+$0x0] =	vst v5;
	v5 =	vpop (erf)  }
0x107: {  	s12 =	simm.s32 $0x2;
	v6 =	vand.u32 $0xFFFFFFFD, v6;
	[tilespmem:s17+$0xFFFFFFF0] =	vst v5  }
0x108: {  	v7 =	vmov s12;
	v6 =	vbroadcast v6, $0x0;
	_ =	swait.ge [sflag:s28], $0x3000  }
0x109: {  	v7 =	vand.u32 $0xFFFFFFFE, v7;
	[sflag:s28] =	ssyncset.done $0x0  }
0x10a: {  	v7 =	vbroadcast v7, $0x0;
	[sflag:s28] =	ssyncadd.s32 $0xFFFFD000  }
0x10b: {  	s0 =	simm.s32 $0x3;
	v8 =	vld.idx.msk [tilespmem:v4+s31+$0x0], $0xffff  }
0x10c: {  	v5 =	vmov s0;
	v10 =	vld.idx.msk [tilespmem:v4+s30+$0x0], $0xffff  }
0x10d: {  	v14 =	vld.idx.msk [tilespmem:v4+s29+$0x0], $0xffff  }
0x10e: {  	v4 =	vld.idx.msk [tilespmem:v6+s29+$0x0], $0xffff  }
0x10f: {  	v11 =	vld.idx.msk [tilespmem:v6+s30+$0x0], $0xffff  }
0x110: {  	v13 =	vld.idx.msk [tilespmem:v7+s30+$0x0], $0xffff  }
0x111: {  	v19 =	vld.idx.msk [tilespmem:v5+s31+$0x0], $0xffff  }
0x112: {  	v9 =	vld.idx.msk [tilespmem:v5+s30+$0x0], $0xffff  }
0x113: {  	v18 =	vld.idx.msk [tilespmem:v5+s29+$0x0], $0xffff  }
0x114: {  	v17 =	vld.idx.msk [tilespmem:v7+s31+$0x0], $0xffff  }
0x115: {  	v5 =	vld.idx.msk [tilespmem:v6+s31+$0x0], $0xffff;
	v12 =	vsel vm0, $0x0, v8  }
0x116: {  	v20 =	vld.idx.msk [tilespmem:v7+s29+$0x0], $0xffff;
	v6 =	vsel vm0, $0x0, v19;
	v12 =	vsel vm1, v12, v10  }
0x117: {  	s10 =	simm.s32 $0x4660;
	v6 =	vsel vm1, v6, v9;
	v12 =	vsel vm2, v14, v12  }
0x118: {  	s11 =	simm.s32 $0x1640;
	v6 =	vsel vm2, v18, v6;
	[tilespmem:s10+$0xFFFFFF80] =	vst v12  }
0x119: {  	v15 =	vsel vm0, $0x0, v17;
	[tilespmem:s10+$0xD0] =	vst v6;
	v6 =	vld [tilespmem:s11+$0xFFFFFF40]  }
0x11a: {  	v15 =	vsel vm1, v15, v13;
	v12 =	vsel vm0, $0x0, v5  }
0x11b: {  	s13 =	simm.s32 $0x4;
	v21 =	vpsel p0, v14, v10;
	v10 =	vsel vm2, v20, v15;
	v12 =	vsel vm1, v12, v11;
	v7 =	vld [tilespmem:s11+$0x60]  }
0x11c: {  	v15 =	vpsel p0, v4, v11;
	[tilespmem:s10+$0x60] =	vst v10;
	v11 =	vmov s13;
	v12 =	vsel vm2, v4, v12  }
0x11d: {  	v10 =	vld [tilespmem:s11+$0x0];
	v11 =	vand.u32 $0xFFFFFFFC, v11;
	[tilespmem:s10+$0xFFFFFFF0] =	vst v12  }
0x11e: {  	v23 =	vpsel p0, v18, v9;
	v11 =	vbroadcast v11, $0x0;
	v9 =	vld [tilespmem:s11+$0xFFFFFFA0];
	v6 =	vmul.f32 v6, v21;
	_ =	sdelay $0x1  }
0x11f: {  	v7 =	vmul.f32 v7, v23;
	[tilespmem:s10+$0xFFFFFF20] =	vst v6  }
0x120: {  	v12 =	vpsel p0, v20, v13;
	v6 =	vld [tilespmem:s11+$0xFFFFFF50]  }
0x121: {  	v10 =	vmul.f32 v10, v12;
	[tilespmem:s10+$0x70] =	vst v7  }
0x122: {  	s15 =	simm.s32 $0x7;
	v9 =	vmul.f32 v9, v15;
	v7 =	vld [tilespmem:s11+$0x70]  }
0x123: {  	[tilespmem:s10+$0x0] =	vst v10;
	v10 =	vmov s15;
	v26 =	vld.idx.msk [tilespmem:v11+s31+$0x0], $0xffff  }
0x124: {  	[tilespmem:s10+$0xFFFFFF90] =	vst v9;
	v9 =	vld [tilespmem:s11+$0x10]  }
0x125: {  	v28 =	vld.idx.msk [tilespmem:v11+s29+$0x0], $0xffff;
	v6 =	vmul.f32 v6, v21  }
0x126: {  	s16 =	simm.s32 $0x5;
	v13 =	vld [tilespmem:s11+$0xFFFFFFB0]  }
0x127: {  	v11 =	vld.idx.msk [tilespmem:v11+s30+$0x0], $0xffff;
	v7 =	vmul.f32 v7, v23;
	[tilespmem:s10+$0xFFFFFF30] =	vst v6;
	v6 =	vmov s16  }
0x128: {  	s17 =	simm.s32 $0x6;
	v25 =	vld.idx.msk [tilespmem:v10+s30+$0x0], $0xffff;
	v6 =	vand.u32 $0xFFFFFFFD, v6  }
0x129: {  	v16 =	vmov s17;
	v22 =	vld [tilespmem:s11+$0xFFFFFF60];
	[tilespmem:s10+$0x80] =	vst v7;
	v7 =	vmul.f32 v9, v12;
	v6 =	vbroadcast v6, $0x0  }
0x12a: {  	v16 =	vand.u32 $0xFFFFFFFE, v16;
	v9 =	vld.idx.msk [tilespmem:v10+s29+$0x0], $0xffff  }
0x12b: {  	v10 =	vld.idx.msk [tilespmem:v10+s31+$0x0], $0xffff;
	[tilespmem:s10+$0x10] =	vst v7;
	v7 =	vbroadcast v16, $0x0;
	v16 =	vmul.f32 v13, v15  }
0x12c: {  	v27 =	vld [tilespmem:s11+$0x20]  }
0x12d: {  	v24 =	vld [tilespmem:s11+$0x80];
	[tilespmem:s10+$0xFFFFFFA0] =	vst v16  }
0x12e: {  	v30 =	vld [tilespmem:s11+$0xFFFFFFC0]  }
0x12f: {  	v13 =	vld.idx.msk [tilespmem:v6+s29+$0x0], $0xffff  }
0x130: {  	v29 =	vld.idx.msk [tilespmem:v6+s30+$0x0], $0xffff  }
0x131: {  	v16 =	vld.idx.msk [tilespmem:v6+s31+$0x0], $0xffff;
	v27 =	vmul.f32 v27, v12  }
0x132: {  	v31 =	vld.idx.msk [tilespmem:v7+s30+$0x0], $0xffff  }
0x133: {  	v32 =	vsel vm0, $0x0, v26;
	v22 =	vmul.f32 v22, v21;
	v6 =	vld.idx.msk [tilespmem:v7+s31+$0x0], $0xffff;
	[tilespmem:s10+$0x20] =	vst v27  }
0x134: {  	v27 =	vsel vm1, v32, v11;
	v62 =	vld [tilespmem:s11+$0x30]  }
0x135: {  	s9 =	simm.s32 $0x4820;
	[tilespmem:s10+$0xFFFFFF40] =	vst v22;
	v22 =	vsel vm0, $0x0, v10;
	v7 =	vld.idx.msk [tilespmem:v7+s29+$0x0], $0xffff;
	v30 =	vmul.f32 v30, v15;
	v27 =	vsel vm2, v28, v27  }
0x136: {  	s12 =	simm.s32 $0x17C0;
	v22 =	vsel vm1, v22, v25;
	[tilespmem:s9+$0xFFFFFF80] =	vst v27;
	v27 =	vld [tilespmem:s11+$0xFFFFFF70]  }
0x137: {  	v24 =	vmul.f32 v24, v23;
	v22 =	vsel vm2, v9, v22;
	[tilespmem:s10+$0xFFFFFFB0] =	vst v30;
	v30 =	vsel vm0, $0x0, v16;
	v33 =	vld [tilespmem:s12+$0xFFFFFF40]  }
0x138: {  	[tilespmem:s9+$0xD0] =	vst v22;
	v22 =	vsel vm1, v30, v29;
	v30 =	vld [tilespmem:s11+$0xFFFFFFD0]  }
0x139: {  	[tilespmem:s10+$0x90] =	vst v24;
	v63 =	vld [tilespmem:s12+$0x60];
	v24 =	vsel vm0, $0x0, v6;
	v22 =	vsel vm2, v13, v22;
	v12 =	vmul.f32 v62, v12  }
0x13a: {  	[tilespmem:s9+$0xFFFFFFF0] =	vst v22;
	v22 =	vsel vm1, v24, v31;
	v24 =	vld [tilespmem:s11+$0x90]  }
0x13b: {  	v11 =	vpsel p0, v28, v11;
	v34 =	vld [tilespmem:s12+$0xFFFFFFA0];
	v22 =	vsel vm2, v7, v22;
	v21 =	vmul.f32 v27, v21;
	[tilespmem:s10+$0x30] =	vst v12  }
0x13c: {  	[tilespmem:s9+$0x60] =	vst v22;
	v33 =	vmul.f32 v33, v11;
	v35 =	vld [tilespmem:s11+$0x40]  }
0x13d: {  	v27 =	vld [tilespmem:s12+$0x0];
	v12 =	vpsel p0, v9, v25;
	[tilespmem:s10+$0xFFFFFF50] =	vst v21;
	v21 =	vmul.f32 v30, v15  }
0x13e: {  	v30 =	vmul.f32 v63, v12;
	[tilespmem:s9+$0xFFFFFF20] =	vst v33;
	v22 =	vld [tilespmem:s11+$0xFFFFFF80]  }
0x13f: {  	v8 =	vpsel p0, v14, v8;
	v15 =	vpsel p0, v13, v29;
	v29 =	vmul.f32 v24, v23;
	v25 =	vld [tilespmem:s12+$0xFFFFFF50];
	[tilespmem:s10+$0xFFFFFFC0] =	vst v21  }
0x140: {  	v19 =	vpsel p0, v18, v19;
	v14 =	vpsel p0, v28, v26;
	[tilespmem:s9+$0x70] =	vst v30;
	v21 =	vpsel p0, v20, v17;
	v23 =	vld [tilespmem:s11+$0xFFFFFFE0]  }
0x141: {  	s15 =	simm.s32 $0x8;
	v28 =	vmul.f32 v34, v15;
	v17 =	vpsel p0, v7, v31;
	v26 =	vld [tilespmem:s12+$0x70];
	[tilespmem:s10+$0xA0] =	vst v29;
	v24 =	vmul.f32 v35, v21  }
.LBB2_7:
0x142: {  	v29 =	vmov s15;
	s16 =	sadd.s32 $0x1, s15;
	v27 =	vmul.f32 v27, v17  }
0x143: {  	s17 =	sadd.s32 $0x3, s15;
	[tilespmem:s9+$0xFFFFFF90] =	vst v28;
	v28 =	vpsel p0, v4, v5;
	v30 =	vld [tilespmem:s11+$0xA0];
	v18 =	vmovc v9;
	v20 =	vmovc v10;
	v4 =	vmov v13;
	v5 =	vmov v16;
	s0 =	smov.u32 s15;
	s13 =	sadd.s32 $0x4, s15  }
0x144: {  	p1 =	slt.u32 s15, $0x7C;
	v9 =	vand.u32 $0xFFFFFFFC, v29;
	v10 =	vmov s16;
	s0 =	sadd.s32 $0x2, s0;
	v13 =	vld [tilespmem:s12+$0xFFFFFFB0];
	v16 =	vmul.f32 v22, v8;
	[tilespmem:s10+$0x40] =	vst v24  }
0x145: {  	v22 =	vbroadcast v9, $0x0;
	v9 =	vand.u32 $0xFFFFFFFD, v10;
	v10 =	vmul.f32 v25, v11;
	[tilespmem:s9+$0x0] =	vst v27;
	v24 =	vld [tilespmem:s11+$0x50]  }
0x146: {  	v25 =	vbroadcast v9, $0x0;
	v9 =	vmov s0;
	v27 =	vld [tilespmem:s12+$0x10];
	[tilespmem:s10+$0xFFFFFF60] =	vst v16;
	v16 =	vmul.f32 v23, v28  }
0x147: {  	v29 =	vmov s17;
	v23 =	vand.u32 $0xFFFFFFFE, v9;
	[tilespmem:s9+$0xFFFFFF30] =	vst v10;
	v9 =	vmul.f32 v26, v12;
	v10 =	vld [tilespmem:s11+$0xFFFFFF90]  }
0x148: {  	v26 =	vld [tilespmem:s12+$0xFFFFFF60];
	[tilespmem:s10+$0xFFFFFFD0] =	vst v16;
	v16 =	vmul.f32 v30, v19  }
0x149: {  	v13 =	vmul.f32 v13, v15;
	[tilespmem:s9+$0x80] =	vst v9;
	v30 =	vld [tilespmem:s11+$0xFFFFFFF0]  }
0x14a: {  	v31 =	vld [tilespmem:s12+$0x80];
	v9 =	vmul.f32 v24, v21;
	[tilespmem:s10+$0xB0] =	vst v16  }
0x14b: {  	v16 =	vld.idx.msk [tilespmem:v22+s31+$0x0], $0xffff;
	[tilespmem:s9+$0xFFFFFFA0] =	vst v13;
	v13 =	vmul.f32 v27, v17  }
0x14c: {  	v10 =	vmul.f32 v10, v8;
	[tilespmem:s10+$0x50] =	vst v9;
	v21 =	vld [tilespmem:s11+$0xB0];
	v8 =	vmov v14;
	s11 =	smov.u32 s12  }
0x14d: {  	v24 =	vld.idx.msk [tilespmem:v29+s30+$0x0], $0xffff;
	v14 =	vmul.f32 v26, v11;
	[tilespmem:s9+$0x10] =	vst v13  }
0x14e: {  	v9 =	vld.idx.msk [tilespmem:v29+s29+$0x0], $0xffff;
	[tilespmem:s10+$0xFFFFFF70] =	vst v10;
	v13 =	vmul.f32 v30, v28  }
0x14f: {  	v23 =	vbroadcast v23, $0x0;
	v10 =	vld.idx.msk [tilespmem:v29+s31+$0x0], $0xffff;
	[tilespmem:s9+$0xFFFFFF40] =	vst v14;
	v14 =	vmul.f32 v31, v12  }
0x150: {  	v26 =	vld.idx.msk [tilespmem:v22+s29+$0x0], $0xffff;
	[tilespmem:s10+$0xFFFFFFE0] =	vst v13  }
0x151: {  	v27 =	vsel vm0, $0x0, v16;
	v28 =	vld [tilespmem:s12+$0x20];
	[tilespmem:s9+$0x90] =	vst v14;
	v14 =	vmul.f32 v21, v19  }
0x152: {  	v13 =	vld.idx.msk [tilespmem:v25+s29+$0x0], $0xffff  }
0x153: {  	v19 =	vld.idx.msk [tilespmem:v22+s30+$0x0], $0xffff;
	[tilespmem:s10+$0xC0] =	vst v14;
	s10 =	smov.u32 s9;
	s9 =	sadd.s32 $0x1C0, s9  }
0x154: {  	s12 =	sadd.s32 $0x180, s12;
	v21 =	vld.idx.msk [tilespmem:v25+s30+$0x0], $0xffff  }
0x155: {  	v22 =	vsel vm0, $0x0, v10;
	v29 =	vld [tilespmem:s11+$0xFFFFFFC0]  }
0x156: {  	v14 =	vpsel p0, v26, v16;
	v22 =	vsel vm1, v22, v24;
	v16 =	vld.idx.msk [tilespmem:v25+s31+$0x0], $0xffff;
	v25 =	vmul.f32 v28, v17  }
0x157: {  	v22 =	vsel vm2, v9, v22;
	v30 =	vld.idx.msk [tilespmem:v23+s30+$0x0], $0xffff  }
0x158: {  	v31 =	vld.idx.msk [tilespmem:v23+s31+$0x0], $0xffff;
	[tilespmem:s10+$0x20] =	vst v25  }
0x159: {  	v25 =	vsel vm1, v27, v19;
	[tilespmem:s9+$0xD0] =	vst v22;
	v22 =	vld [tilespmem:s11+$0x30]  }
0x15a: {  	v25 =	vsel vm2, v26, v25;
	v32 =	vld.idx.msk [tilespmem:v23+s29+$0x0], $0xffff;
	v23 =	vmul.f32 v29, v15  }
0x15b: {  	[tilespmem:s9+$0xFFFFFF80] =	vst v25;
	v25 =	vld [tilespmem:s11+$0xFFFFFF70]  }
0x15c: {  	v28 =	vsel vm0, $0x0, v16;
	v27 =	vld [tilespmem:s12+$0xFFFFFF40];
	[tilespmem:s10+$0xFFFFFFB0] =	vst v23  }
0x15d: {  	v23 =	vsel vm1, v28, v21;
	v28 =	vld [tilespmem:s11+$0xFFFFFFD0]  }
0x15e: {  	v23 =	vsel vm2, v13, v23;
	v29 =	vsel vm0, $0x0, v31;
	v33 =	vld [tilespmem:s12+$0x60];
	v17 =	vmul.f32 v22, v17  }
0x15f: {  	v22 =	vsel vm1, v29, v30;
	[tilespmem:s9+$0xFFFFFFF0] =	vst v23;
	v23 =	vld [tilespmem:s11+$0x90]  }
0x160: {  	v22 =	vsel vm2, v32, v22;
	v29 =	vld [tilespmem:s12+$0xFFFFFFA0];
	v25 =	vmul.f32 v25, v11;
	v11 =	vpsel p0, v26, v19;
	[tilespmem:s10+$0x30] =	vst v17  }
0x161: {  	v17 =	vmul.f32 v27, v11;
	[tilespmem:s9+$0x60] =	vst v22;
	v19 =	vld [tilespmem:s11+$0x40]  }
.Ltmp2:
0x162: {  	v24 =	vpsel p0, v9, v24;
	v27 =	vld [tilespmem:s12+$0x0];
	[tilespmem:s10+$0xFFFFFF50] =	vst v25;
	v26 =	vmul.f32 v28, v15;
	(pc) =	sbr.rel @p1 .LBB2_7-.Ltmp2, $4  }
0x163: {  	v15 =	vpsel p0, v13, v21;
	[tilespmem:s9+$0xFFFFFF20] =	vst v17;
	v17 =	vmul.f32 v33, v24;
	v22 =	vld [tilespmem:s11+$0xFFFFFF80]  }
0x164: {  	v25 =	vld [tilespmem:s12+$0xFFFFFF50];
	[tilespmem:s10+$0xFFFFFFC0] =	vst v26;
	v33 =	vmul.f32 v23, v12;
	v12 =	vmov v24  }
0x165: {  	v21 =	vpsel p0, v7, v6;
	v6 =	vmovc v31;
	v7 =	vmov v32;
	v28 =	vmul.f32 v29, v15;
	[tilespmem:s9+$0x70] =	vst v17;
	v23 =	vld [tilespmem:s11+$0xFFFFFFE0]  }
0x166: {  	s15 =	smov.u32 s13;
	v17 =	vpsel p0, v7, v30;
	v26 =	vld [tilespmem:s12+$0x70];
	v24 =	vmul.f32 v19, v21;
	[tilespmem:s10+$0xA0] =	vst v33;
	v19 =	vpsel p0, v18, v20  }
0x167: {  	v18 =	vmul.f32 v27, v17;
	_ =	sdelay $0x1  }
0x168: {  	[tilespmem:s9+$0x0] =	vst v18  }
0x169: {  	v18 =	vld [tilespmem:s12+$0x10]  }
0x16a: {  	[tilespmem:s9+$0xFFFFFF90] =	vst v28  }
0x16b: {  	v20 =	vld [tilespmem:s12+$0xFFFFFFB0];
	_ =	sdelay $0x2  }
0x16c: {  	v18 =	vmul.f32 v18, v17  }
0x16d: {  	v25 =	vmul.f32 v25, v11  }
0x16e: {  	v20 =	vmul.f32 v20, v15;
	[tilespmem:s9+$0x10] =	vst v18  }
0x16f: {  	[tilespmem:s9+$0xFFFFFF30] =	vst v25;
	v38 =	vmul.f32 v26, v12;
	v39 =	vld [tilespmem:s12+$0x20]  }
0x170: {  	v40 =	vld [tilespmem:s12+$0xFFFFFF60];
	[tilespmem:s9+$0xFFFFFFA0] =	vst v20  }
0x171: {  	[tilespmem:s9+$0x80] =	vst v38;
	v41 =	vld [tilespmem:s12+$0xFFFFFFC0]  }
0x172: {  	v42 =	vld [tilespmem:s12+$0x80];
	_ =	sdelay $0x1  }
0x173: {  	v25 =	vmul.f32 v39, v17  }
0x174: {  	v26 =	vmul.f32 v40, v11  }
0x175: {  	v18 =	vmul.f32 v41, v15;
	[tilespmem:s9+$0x20] =	vst v25  }
0x176: {  	[tilespmem:s9+$0xFFFFFF40] =	vst v26;
	v20 =	vmul.f32 v42, v12;
	v25 =	vld [tilespmem:s12+$0x30]  }
0x177: {  	v26 =	vld [tilespmem:s12+$0xFFFFFF70];
	[tilespmem:s9+$0xFFFFFFB0] =	vst v18  }
0x178: {  	[tilespmem:s9+$0x90] =	vst v20;
	v18 =	vld [tilespmem:s12+$0xFFFFFFD0]  }
0x179: {  	v20 =	vld [tilespmem:s12+$0x90];
	_ =	sdelay $0x1  }
0x17a: {  	v43 =	vmul.f32 v25, v17  }
0x17b: {  	v44 =	vmul.f32 v26, v11  }
0x17c: {  	v45 =	vld [tilespmem:s11+$0xA0];
	v46 =	vmul.f32 v18, v15;
	[tilespmem:s9+$0x30] =	vst v43  }
0x17d: {  	[tilespmem:s9+$0xFFFFFF50] =	vst v44;
	v47 =	vmul.f32 v20, v12;
	v17 =	vld [tilespmem:s12+$0x40]  }
0x17e: {  	v48 =	vld [tilespmem:s12+$0xFFFFFF80];
	[tilespmem:s9+$0xFFFFFFC0] =	vst v46  }
0x17f: {  	v4 =	vpsel p0, v4, v5;
	v5 =	vmul.f32 v22, v8;
	[tilespmem:s9+$0xA0] =	vst v47;
	v15 =	vld [tilespmem:s12+$0xFFFFFFE0]  }
0x180: {  	[tilespmem:s10+$0x40] =	vst v24;
	v49 =	vmul.f32 v23, v4;
	v50 =	vld [tilespmem:s12+$0xA0]  }
0x181: {  	v6 =	vpsel p0, v7, v6;
	v51 =	vld [tilespmem:s11+$0x50];
	[tilespmem:s10+$0xFFFFFF60] =	vst v5;
	v5 =	vmul.f32 v45, v19  }
0x182: {  	v52 =	vld [tilespmem:s11+$0xFFFFFF90];
	[tilespmem:s10+$0xFFFFFFD0] =	vst v49;
	v53 =	vmul.f32 v17, v6  }
0x183: {  	v54 =	vld [tilespmem:s11+$0xFFFFFFF0];
	[tilespmem:s10+$0xB0] =	vst v5;
	v5 =	vpsel p0, v13, v16;
	v12 =	vmul.f32 v48, v14  }
0x184: {  	v9 =	vpsel p0, v9, v10;
	v55 =	vld [tilespmem:s11+$0xB0];
	v56 =	vmul.f32 v15, v5;
	[tilespmem:s9+$0x40] =	vst v53  }
0x185: {  	[tilespmem:s9+$0xFFFFFF60] =	vst v12;
	v57 =	vmul.f32 v50, v9;
	v11 =	vld [tilespmem:s12+$0x50]  }
0x186: {  	v58 =	vmul.f32 v51, v21;
	v59 =	vld [tilespmem:s12+$0xFFFFFF90];
	[tilespmem:s9+$0xFFFFFFD0] =	vst v56  }
0x187: {  	v7 =	vmul.f32 v52, v8;
	[tilespmem:s9+$0xB0] =	vst v57;
	v60 =	vld [tilespmem:s12+$0xFFFFFFF0]  }
0x188: {  	[tilespmem:s10+$0x50] =	vst v58;
	v4 =	vmul.f32 v54, v4;
	v61 =	vld [tilespmem:s12+$0xB0]  }
0x189: {  	[tilespmem:s10+$0xFFFFFF70] =	vst v7;
	v62 =	vmul.f32 v55, v19  }
0x18a: {  	[tilespmem:s10+$0xFFFFFFE0] =	vst v4;
	v4 =	vmul.f32 v11, v6  }
0x18b: {  	[tilespmem:s10+$0xC0] =	vst v62;
	v63 =	vmul.f32 v59, v14  }
0x18c: {  	[tilespmem:s9+$0x50] =	vst v4;
	v4 =	vmul.f32 v60, v5  }
0x18d: {  	s4 =	sadd.s32 $0x1, s4;
	[tilespmem:s9+$0xFFFFFF70] =	vst v63;
	v5 =	vmul.f32 v61, v9  }
0x18e: {  	p1 =	sne.s32 s4, $0xA2;
	[tilespmem:s9+$0xFFFFFFE0] =	vst v4  }
.Ltmp3:
0x18f: {  	[tilespmem:s9+$0xC0] =	vst v5;
	(pc) =	sbr.rel @p1 .LBB2_4-.Ltmp3, $4  }
0x190: {  	[spmem:s2] =	stream.indirect.scatter.add.f32 [tilespmem:s18], [sflag:$0x3], $0x70, s20, s20, $0xb8;
	[tilespmem:$0x190E0] =	vst v63  }
0x191: {  	_ =	swait.ge [sflag:s19], $0x3800  }
0x192: {  	[sflag:s19] =	ssyncset.done $0x0  }
0x193: {  	[sflag:s19] =	ssyncadd.s32 $0xFFFFC800  }
0x194: {  	s0 =	stileid.u32;
	[bflag:$0x0] =	sbarrier.arrive $0xFFFF  }
0x195: {  	s9 =	sshrl.u32 s21, $0x3;
	s0 =	sshll.u32 s0, $0x6;
	s17 =	rddreg [dreg:$0x9]  }
0x196: {  	[dreg:$0xe] =	wrdreg s9;
	s4 =	sor.u32 $0x1C03, s0  }
0x197: {  	[dreg:$0xd] =	wrdreg s4  }
0x198: {  	[hbm:s17], [sflag:s4] =	dma.local [spmem:s9], $0x223C  }
0x199: {  	_ =	swait.ge [sflag:s19], $0x223C  }
0x19a: {  	[sflag:s19] =	ssyncset.done $0x0  }
0x19b: {  	[sflag:s19] =	ssyncadd.s32 $0xFFFFDDC4  }
0x19c: {  	s4 =	simm.s32 $0x0;
	s9 =	simm.s32 $0x1C0;
	[bflag:$0x0] =	sbarrier.arrive $0xFFFF  }
.LBB2_10:
0x19d: {  	p1 =	sne.s32 s9, $0xDE40;
	[tilespmem:s4+$0x45E0] =	vst v2  }
0x19e: {  	[tilespmem:s4+$0x4580] =	vst v2  }
.Ltmp4:
0x19f: {  	[tilespmem:s4+$0x4590] =	vst v2;
	(pc) =	sbr.rel @p1 .LBB2_10-.Ltmp4, $4  }
0x1a0: {  	[tilespmem:s4+$0x45A0] =	vst v2  }
0x1a1: {  	[tilespmem:s4+$0x45B0] =	vst v2  }
0x1a2: {  	[tilespmem:s4+$0x45C0] =	vst v2  }
0x1a3: {  	[tilespmem:s4+$0x45D0] =	vst v2;
	s4 =	sshra.s32 s9, $0x2;
	s9 =	sadd.s32 $0x1C0, s9  }
0x1a4: {  	[tilespmem:s4+$0x45E0] =	vst v2  }
0x1a5: {  	[tilespmem:s4+$0x4580] =	vst v2  }
0x1a6: {  	[tilespmem:s4+$0x4590] =	vst v2  }
0x1a7: {  	[tilespmem:s4+$0x45A0] =	vst v2  }
0x1a8: {  	[tilespmem:s4+$0x45B0] =	vst v2  }
0x1a9: {  	[tilespmem:s4+$0x45C0] =	vst v2  }
0x1aa: {  	[tilespmem:s4+$0x45D0] =	vst v2  }
0x1ab: {  	[spmem:s21] =	stream.linear.scatter [tilespmem:s18], [sflag:$0x3], $0x3800, $0x38;
	[tilespmem:$0x190E0] =	vst v63  }
0x1ac: {  	_ =	swait.ge [sflag:s19], $0x3800  }
0x1ad: {  	[sflag:s19] =	ssyncset.done $0x0  }
0x1ae: {  	[sflag:s19] =	ssyncadd.s32 $0xFFFFC800  }
0x1af: {  	[spmem:s22] =	stream.linear.scatter [tilespmem:s18], [sflag:$0x3], $0x3800, $0x38;
	[tilespmem:$0x190E0] =	vst v63  }
0x1b0: {  	_ =	swait.ge [sflag:s19], $0x3800  }
0x1b1: {  	[sflag:s19] =	ssyncset.done $0x0  }
0x1b2: {  	s0 =	rddreg [dreg:$0x6];
	[sflag:s19] =	ssyncadd.s32 $0xFFFFC800  }
0x1b3: {  	[spmem:s0] =	stream.linear.scatter [tilespmem:s18], [sflag:$0x3], $0x3800, $0x38;
	[tilespmem:$0x190E0] =	vst v63  }
0x1b4: {  	_ =	swait.ge [sflag:s19], $0x3800  }
0x1b5: {  	[sflag:s19] =	ssyncset.done $0x0  }
0x1b6: {  	s21 =	rddreg [dreg:$0x7];
	[sflag:s19] =	ssyncadd.s32 $0xFFFFC800  }
0x1b7: {  	[spmem:s21] =	stream.linear.scatter [tilespmem:s18], [sflag:$0x3], $0x3800, $0x38;
	[tilespmem:$0x190E0] =	vst v63  }
0x1b8: {  	_ =	swait.ge [sflag:s19], $0x3800  }
0x1b9: {  	[sflag:s19] =	ssyncset.done $0x0  }
0x1ba: {  	s22 =	rddreg [dreg:$0x8];
	[sflag:s19] =	ssyncadd.s32 $0xFFFFC800  }
0x1bb: {  	[spmem:s22] =	stream.linear.scatter [tilespmem:s18], [sflag:$0x3], $0x31E0, $0x38;
	[tilespmem:$0x190E0] =	vst v63  }
0x1bc: {  	_ =	swait.ge [sflag:s19], $0x31E0  }
0x1bd: {  	[sflag:s19] =	ssyncset.done $0x0  }
0x1be: {  	[sflag:s19] =	ssyncadd.s32 $0xFFFFCE20  }
0x1bf: {  	s16 =	simm.s32 $0x0;
	[bflag:$0x0] =	sbarrier.arrive $0xFFFF  }
.LBB2_12:
0x1c0: {  	s0 =	sshll.u32 s16, $0x7  }
0x1c1: {  	s0 =	sadd.s32 s14, s0  }
0x1c2: {  	s4 =	sshrl.u32 s0, $0x3  }
0x1c3: {  	s9 =	sadd.s32 s6, s4  }
0x1c4: {  	[tilespmem:s3], [sflag:$0x3] =	stream.linear.gather [hbm4b:s9+s3], $0x80, $0x38;
	[tilespmem:$0x190E0] =	vst v63  }
0x1c5: {  	_ =	swait.ge [sflag:s19], $0x80  }
0x1c6: {  	[sflag:s19] =	ssyncset.done $0x0  }
0x1c7: {  	s4 =	sadd.s32 s7, s4;
	[sflag:s19] =	ssyncadd.s32 $0xFFFFFF80  }
0x1c8: {  	[tilespmem:s20], [sflag:$0x3] =	stream.linear.gather [hbm4b:s4+s3], $0x80, $0x38;
	[tilespmem:$0x190E0] =	vst v63  }
0x1c9: {  	_ =	swait.ge [sflag:s19], $0x80  }
0x1ca: {  	[sflag:s19] =	ssyncset.done $0x0  }
0x1cb: {  	[sflag:s19] =	ssyncadd.s32 $0xFFFFFF80  }
0x1cc: {  	v4 =	vld [tilespmem:$0x0]  }
0x1cd: {  	v5 =	vld [tilespmem:$0x10]  }
0x1ce: {  	v6 =	vld [tilespmem:$0x20]  }
0x1cf: {  	v7 =	vld [tilespmem:$0x30]  }
0x1d0: {  	v8 =	vld [tilespmem:$0x40]  }
0x1d1: {  	v9 =	vld [tilespmem:$0x50];
	v4 =	vadd.s32 v1, v4  }
0x1d2: {  	[tilespmem:$0x100] =	vst v4;
	v4 =	vadd.s32 v1, v5;
	v5 =	vld [tilespmem:$0x60]  }
0x1d3: {  	[tilespmem:$0x110] =	vst v4;
	v4 =	vadd.s32 v1, v6;
	v6 =	vld [tilespmem:$0x70]  }
0x1d4: {  	[tilespmem:$0x120] =	vst v4;
	v4 =	vadd.s32 v1, v7  }
0x1d5: {  	[tilespmem:$0x130] =	vst v4;
	v4 =	vadd.s32 v1, v8  }
0x1d6: {  	[tilespmem:$0x140] =	vst v4;
	v4 =	vadd.s32 v1, v9  }
0x1d7: {  	[tilespmem:$0x150] =	vst v4;
	v4 =	vadd.s32 v1, v5  }
0x1d8: {  	[tilespmem:$0x160] =	vst v4;
	v4 =	vadd.s32 v1, v6  }
0x1d9: {  	s10 =	simm.s32 $0x1580;
	s9 =	simm.s32 $0x100;
	[tilespmem:$0x170] =	vst v4  }
0x1da: {  	[tilespmem:s10], [sflag:$0x1] =	stream.indirect.gather [hbm4b:s5+s20], $0x60, s9, s20, $0xb8;
	[tilespmem:$0x190E0] =	vst v63  }
0x1db: {  	_ = 	snop  }
0x1dc: {  	[tilespmem:s23], [sflag:$0x2] =	stream.indirect.gather [hbm4b:s1+s20], $0x10, s3, s20, $0xb8;
	[tilespmem:$0x190E0] =	vst v63  }
0x1dd: {  	_ = 	snop  }
0x1de: {  	[tilespmem:s24], [sflag:$0x2] =	stream.indirect.gather [hbm4b:s1+s20], $0x10, s20, s20, $0xb8;
	[tilespmem:$0x190E0] =	vst v63  }
0x1df: {  	s0 =	sadd.s32 s8, s0  }
0x1e0: {  	[tilespmem:s25], [sflag:$0x3] =	stream.linear.gather [hbm4b:s0+s3], $0x400, $0x38;
	[tilespmem:$0x190E0] =	vst v63  }
0x1e1: {  	_ =	swait.ge [sflag:s19], $0x400  }
0x1e2: {  	[sflag:s19] =	ssyncset.done $0x0  }
0x1e3: {  	s11 =	simm.s32 $0x10;
	[sflag:s19] =	ssyncadd.s32 $0xFFFFFC00  }
0x1e4: {  	v4 =	vor.u32 s11, v3;
	_ =	swait.ge [sflag:s26], $0x800  }
0x1e5: {  	v13 =	vshll.u32 v4, $0x4;
	[sflag:s26] =	ssyncset.done $0x0  }
0x1e6: {  	v5 =	vor.u32 $0x3, v13;
	[sflag:s26] =	ssyncadd.s32 $0xFFFFF800  }
0x1e7: {  	_ =	swait.ge [sflag:s26], $0x800  }
0x1e8: {  	v15 =	vshll.u32 v4, $0x3;
	[sflag:s26] =	ssyncset.done $0x0  }
0x1e9: {  	s12 =	simm.s32 $0x0;
	[sflag:s26] =	ssyncadd.s32 $0xFFFFF800  }
0x1ea: {  	v6 =	vor.u32 s12, v3;
	v4 =	vld.idx.msk [tilespmem:v13+s23+$0x0], $0xffff  }
0x1eb: {  	v9 =	vshll.u32 v6, $0x4;
	v7 =	vor.u32 $0x6, v13;
	v5 =	vld.idx.msk [tilespmem:v5+s24+$0x0], $0xffff  }
0x1ec: {  	v10 =	vor.u32 $0x3, v9  }
0x1ed: {  	v8 =	vld.idx.msk [tilespmem:v15+s25+$0x0], $0xffff;
	_ =	sdelay $0x1  }
0x1ee: {  	v14 =	vshll.u32 v6, $0x3  }
0x1ef: {  	v6 =	vld.idx.msk [tilespmem:v7+s24+$0x0], $0xffff;
	v4 =	vadd.f32 v5, v4  }
0x1f0: {  	v7 =	vld.idx.msk [tilespmem:v10+s24+$0x0], $0xffff  }
0x1f1: {  	v5 =	vld.idx.msk [tilespmem:v9+s23+$0x0], $0xffff;
	v4 =	vadd.f32 v8, v4;
	_ =	sdelay $0x1  }
0x1f2: {  	v10 =	vor.u32 $0x6, v9;
	v11 =	vld.idx.msk [tilespmem:v14+s25+$0x0], $0xffff;
	v8 =	vmul.f32 $2.000000030e-01, v4;
	_ =	sdelay $0x1  }
0x1f3: {  	s13 =	simm.s32 $0x30;
	v4 =	vmax.f32 v4, v8  }
0x1f4: {  	v5 =	vadd.f32 v7, v5;
	v8 =	vor.u32 s13, v3;
	v4 =	vsub.f32 v4, v6  }
0x1f5: {  	v6 =	vshll.u32 v8, $0x4  }
0x1f6: {  	v10 =	vld.idx.msk [tilespmem:v10+s24+$0x0], $0xffff;
	v5 =	vadd.f32 v11, v5;
	v7 =	vor.u32 $0x3, v6;
	v4 =	vmul.f32 $1.442695020e+00, v4;
	_ =	sdelay $0x1  }
0x1f7: {  	v12 =	vshll.u32 v8, $0x3;
	(erf) = vpow2.f32 v4;
	v4 =	vmul.f32 $2.000000030e-01, v5;
	_ =	sdelay $0x1  }
0x1f8: {  	v8 =	vld.idx.msk [tilespmem:v6+s23+$0x0], $0xffff;
	v4 =	vmax.f32 v5, v4  }
0x1f9: {  	v5 =	vld.idx.msk [tilespmem:v7+s24+$0x0], $0xffff;
	v4 =	vsub.f32 v4, v10  }
0x1fa: {  	s15 =	simm.s32 $0x20  }
0x1fb: {  	v17 =	vor.u32 s15, v3;
	v7 =	vor.u32 $0x6, v6;
	v10 =	vld.idx.msk [tilespmem:v12+s25+$0x0], $0xffff;
	v11 =	vmul.f32 $1.442695020e+00, v4  }
0x1fc: {  	v4 =	vshll.u32 v17, $0x4  }
0x1fd: {  	v16 =	vor.u32 $0x4, v13  }
0x1fe: {  	v18 =	vor.u32 $0x3, v4;
	(erf) = vpow2.f32 v11;
	v8 =	vadd.f32 v5, v8  }
0x1ff: {  	s17 =	simm.s32 $0x7D90;
	v5 =	vshll.u32 v17, $0x3;
	v11 =	vpop (erf)  }
0x200: {  	v7 =	vld.idx.msk [tilespmem:v7+s24+$0x0], $0xffff;
	v8 =	vadd.f32 v10, v8;
	[tilespmem:s17+$0x0] =	vst v11;
	v11 =	vor.u32 $0x1, v13  }
0x201: {  	v17 =	vld.idx.msk [tilespmem:v4+s23+$0x0], $0xffff  }
0x202: {  	v10 =	vld.idx.msk [tilespmem:v16+s24+$0x0], $0xffff;
	v16 =	vor.u32 $0x1, v15;
	v19 =	vmul.f32 $2.000000030e-01, v8  }
0x203: {  	v18 =	vld.idx.msk [tilespmem:v18+s24+$0x0], $0xffff  }
0x204: {  	v21 =	vor.u32 $0x4, v9;
	v20 =	vld.idx.msk [tilespmem:v5+s25+$0x0], $0xffff;
	v8 =	vmax.f32 v8, v19  }
0x205: {  	v19 =	vor.u32 $0x1, v9;
	v7 =	vsub.f32 v8, v7;
	v11 =	vld.idx.msk [tilespmem:v11+s23+$0x0], $0xffff  }
0x206: {  	v8 =	vor.u32 $0x6, v4  }
0x207: {  	v23 =	vor.u32 $0x1, v14;
	v16 =	vld.idx.msk [tilespmem:v16+s25+$0x0], $0xffff;
	v22 =	vpop (erf);
	v7 =	vmul.f32 $1.442695020e+00, v7  }
0x208: {  	v24 =	vor.u32 $0x7, v13;
	v17 =	vadd.f32 v18, v17;
	[tilespmem:s17+$0xFFFFFFF0] =	vst v22  }
0x209: {  	v18 =	vld.idx.msk [tilespmem:v21+s24+$0x0], $0xffff;
	(erf) = vpow2.f32 v7  }
0x20a: {  	v7 =	vadd.f32 v20, v17;
	v17 =	vld.idx.msk [tilespmem:v19+s23+$0x0], $0xffff;
	v10 =	vadd.f32 v10, v11  }
0x20b: {  	v8 =	vld.idx.msk [tilespmem:v8+s24+$0x0], $0xffff  }
0x20c: {  	v19 =	vor.u32 $0x7, v9;
	v20 =	vld.idx.msk [tilespmem:v23+s25+$0x0], $0xffff;
	v11 =	vmul.f32 $2.000000030e-01, v7;
	v10 =	vadd.f32 v16, v10  }
0x20d: {  	v16 =	vld.idx.msk [tilespmem:v24+s24+$0x0], $0xffff  }
0x20e: {  	s21 =	simm.s32 $0x40;
	v7 =	vmax.f32 v7, v11;
	v11 =	vmul.f32 $2.000000030e-01, v10  }
0x20f: {  	s12 =	simm.s32 $0x50;
	v21 =	vor.u32 s21, v3;
	v17 =	vadd.f32 v18, v17;
	v18 =	vor.u32 $0x1, v12  }
0x210: {  	v23 =	vor.u32 s12, v3;
	v22 =	vsub.f32 v7, v8;
	v8 =	vshll.u32 v21, $0x4  }
0x211: {  	v19 =	vld.idx.msk [tilespmem:v19+s24+$0x0], $0xffff;
	v7 =	vshll.u32 v23, $0x4;
	v17 =	vadd.f32 v20, v17;
	v10 =	vmax.f32 v10, v11  }
0x212: {  	s11 =	simm.s32 $0x7DB0;
	v10 =	vsub.f32 v10, v16;
	v16 =	vor.u32 $0x3, v7;
	v11 =	vpop (erf)  }
0x213: {  	v20 =	vmul.f32 $1.442695020e+00, v22;
	v22 =	vor.u32 $0x3, v8;
	v24 =	vmul.f32 $2.000000030e-01, v17;
	[tilespmem:s11+$0x0] =	vst v11  }
0x214: {  	v11 =	vshll.u32 v23, $0x3;
	v26 =	vld.idx.msk [tilespmem:v18+s25+$0x0], $0xffff;
	v18 =	vmul.f32 $1.442695020e+00, v10  }
0x215: {  	(erf) = vpow2.f32 v20;
	v17 =	vmax.f32 v17, v24;
	v10 =	vshll.u32 v21, $0x3;
	v21 =	vld.idx.msk [tilespmem:v8+s23+$0x0], $0xffff  }
0x216: {  	v27 =	vor.u32 $0x1, v6;
	v17 =	vsub.f32 v17, v19;
	v19 =	vld.idx.msk [tilespmem:v7+s23+$0x0], $0xffff;
	(erf) = vpow2.f32 v18  }
0x217: {  	v16 =	vld.idx.msk [tilespmem:v16+s24+$0x0], $0xffff;
	v18 =	vor.u32 $0x6, v8  }
0x218: {  	v20 =	vor.u32 $0x4, v6;
	v22 =	vld.idx.msk [tilespmem:v22+s24+$0x0], $0xffff;
	v17 =	vmul.f32 $1.442695020e+00, v17  }
0x219: {  	v23 =	vor.u32 $0x6, v7;
	v24 =	vld.idx.msk [tilespmem:v11+s25+$0x0], $0xffff  }
0x21a: {  	v25 =	vor.u32 $0x7, v6;
	(erf) = vpow2.f32 v17;
	v17 =	vld.idx.msk [tilespmem:v10+s25+$0x0], $0xffff  }
0x21b: {  	v28 =	vor.u32 $0x4, v4;
	v27 =	vld.idx.msk [tilespmem:v27+s23+$0x0], $0xffff  }
0x21c: {  	v29 =	vld.idx.msk [tilespmem:v18+s24+$0x0], $0xffff;
	v16 =	vadd.f32 v16, v19;
	v18 =	vor.u32 $0x2, v15  }
0x21d: {  	v20 =	vld.idx.msk [tilespmem:v20+s24+$0x0], $0xffff;
	v15 =	vadd.f32 v22, v21;
	v21 =	vor.u32 $0x5, v13  }
0x21e: {  	v19 =	vld.idx.msk [tilespmem:v23+s24+$0x0], $0xffff;
	v23 =	vpop (erf);
	v22 =	vadd.f32 v24, v16;
	v24 =	vor.u32 $0x2, v13  }
0x21f: {  	s13 =	simm.s32 $0x7E10;
	[tilespmem:s11+$0xFFFFFFF0] =	vst v23;
	v23 =	vor.u32 $0x1, v4;
	v16 =	vld.idx.msk [tilespmem:v25+s24+$0x0], $0xffff;
	v25 =	vadd.f32 v17, v15;
	v17 =	vpop (erf)  }
0x220: {  	v62 =	vor.u32 $0x2, v9;
	v15 =	vld.idx.msk [tilespmem:v28+s24+$0x0], $0xffff;
	v30 =	vmul.f32 $2.000000030e-01, v22;
	[tilespmem:s13+$0x0] =	vst v17  }
0x221: {  	v32 =	vor.u32 $0x5, v9;
	v31 =	vmul.f32 $2.000000030e-01, v25;
	v17 =	vld.idx.msk [tilespmem:v18+s25+$0x0], $0xffff  }
0x222: {  	v63 =	vor.u32 $0x1, v5;
	v22 =	vmax.f32 v22, v30;
	v18 =	vld.idx.msk [tilespmem:v21+s24+$0x0], $0xffff  }
0x223: {  	v33 =	vpop (erf);
	v25 =	vmax.f32 v25, v31;
	v22 =	vsub.f32 v22, v19;
	v21 =	vld.idx.msk [tilespmem:v24+s23+$0x0], $0xffff  }
0x224: {  	[tilespmem:s13+$0xFFFFFFF0] =	vst v33;
	v19 =	vld.idx.msk [tilespmem:v23+s23+$0x0], $0xffff;
	v23 =	vor.u32 $0x2, v14;
	v25 =	vsub.f32 v25, v29  }
0x225: {  	v27 =	vadd.f32 v20, v27;
	v24 =	vor.u32 $0x8, v13;
	v20 =	vld.idx.msk [tilespmem:v62+s23+$0x0], $0xffff;
	v22 =	vmul.f32 $1.442695020e+00, v22  }
0x226: {  	s22 =	smov.u32 s2;
	v14 =	vld.idx.msk [tilespmem:v32+s24+$0x0], $0xffff;
	v13 =	vmul.f32 $1.442695020e+00, v25;
	v25 =	vor.u32 $0x7, v4  }
0x227: {  	s4 =	simm.s32 $0x4;
	s9 =	simm.s32 $0x7E90;
	s10 =	simm.s32 $0x7E90;
	v26 =	vadd.f32 v26, v27;
	(erf) = vpow2.f32 v22;
	v22 =	vld.idx.msk [tilespmem:v63+s25+$0x0], $0xffff  }
.LBB2_13:
0x228: {  	s4 =	sadd.s32 $0x2, s4;
	s13 =	sadd.s32 $0x20, s13;
	s9 =	sadd.s32 $0x20, s9  }
0x229: {  	v28 =	vor.u32 $0x8, v9;
	v18 =	vadd.f32 v18, v21;
	v9 =	vmovc v4;
	v4 =	vmovc v8;
	p1 =	slt.u32 s4, $0x6;
	v27 =	vmul.f32 $2.000000030e-01, v26;
	v23 =	vld.idx.msk [tilespmem:v23+s25+$0x0], $0xffff  }
0x22a: {  	v21 =	vld.idx.msk [tilespmem:v24+s24+$0x0], $0xffff  }
0x22b: {  	v17 =	vadd.f32 v17, v18;
	v24 =	vld.idx.msk [tilespmem:v25+s24+$0x0], $0xffff;
	v8 =	vmax.f32 v26, v27  }
0x22c: {  	s12 =	sadd.s32 $0x20, s12;
	v15 =	vadd.f32 v15, v19;
	v18 =	vor.u32 $0x4, v7;
	v16 =	vsub.f32 v8, v16  }
0x22d: {  	s0 =	sadd.s32 $0xFFFFFFF0, s12;
	v19 =	vor.u32 $0x1, v11;
	v14 =	vadd.f32 v14, v20;
	v20 =	vmul.f32 $2.000000030e-01, v17  }
0x22e: {  	v25 =	vor.u32 s0, v3;
	v26 =	vor.u32 s12, v3;
	v15 =	vadd.f32 v22, v15;
	v22 =	vld.idx.msk [tilespmem:v28+s24+$0x0], $0xffff  }
0x22f: {  	s11 =	sadd.s32 $0x20, s11;
	v8 =	vshll.u32 v25, $0x4;
	v25 =	vshll.u32 v25, $0x3;
	v14 =	vadd.f32 v23, v14  }
0x230: {  	v27 =	vshll.u32 v26, $0x4;
	v23 =	vor.u32 $0x3, v8;
	v17 =	vmax.f32 v17, v20;
	v28 =	vpop (erf)  }
0x231: {  	v29 =	vor.u32 $0x6, v27;
	v20 =	vor.u32 $0x3, v27;
	[tilespmem:s11+$0x0] =	vst v28;
	v28 =	vmul.f32 $2.000000030e-01, v15  }
0x232: {  	v26 =	vshll.u32 v26, $0x3;
	v16 =	vmul.f32 $1.442695020e+00, v16;
	v30 =	vld.idx.msk [tilespmem:v19+s25+$0x0], $0xffff;
	v19 =	vmul.f32 $2.000000030e-01, v14  }
0x233: {  	v17 =	vsub.f32 v17, v21;
	v31 =	vld.idx.msk [tilespmem:v18+s24+$0x0], $0xffff;
	v15 =	vmax.f32 v15, v28  }
0x234: {  	v18 =	vld.idx.msk [tilespmem:v8+s23+$0x0], $0xffff;
	v15 =	vsub.f32 v15, v24;
	v14 =	vmax.f32 v14, v19  }
0x235: {  	v19 =	vld.idx.msk [tilespmem:v27+s23+$0x0], $0xffff;
	(erf) = vpow2.f32 v13;
	v13 =	vsub.f32 v14, v22;
	v14 =	vmul.f32 $1.442695020e+00, v17  }
0x236: {  	v17 =	vld.idx.msk [tilespmem:v20+s24+$0x0], $0xffff;
	v15 =	vmul.f32 $1.442695020e+00, v15;
	(erf) = vpow2.f32 v16  }
0x237: {  	v20 =	vor.u32 $0x6, v8;
	v16 =	vld.idx.msk [tilespmem:v23+s24+$0x0], $0xffff;
	v13 =	vmul.f32 $1.442695020e+00, v13;
	(erf) = vpow2.f32 v14  }
0x238: {  	v14 =	vld.idx.msk [tilespmem:v26+s25+$0x0], $0xffff;
	(erf) = vpow2.f32 v15  }
0x239: {  	v21 =	vor.u32 $0x7, v7;
	v15 =	vld.idx.msk [tilespmem:v25+s25+$0x0], $0xffff;
	(erf) = vpow2.f32 v13  }
0x23a: {  	v13 =	vor.u32 $0x1, v7  }
0x23b: {  	v22 =	vor.u32 $0x4, v4  }
0x23c: {  	v28 =	vadd.f32 v17, v19;
	v19 =	vor.u32 $0x2, v12;
	v12 =	vmovc v11;
	v11 =	vmov v26;
	v20 =	vld.idx.msk [tilespmem:v20+s24+$0x0], $0xffff  }
0x23d: {  	v24 =	vor.u32 $0x5, v6;
	v18 =	vadd.f32 v16, v18;
	v23 =	vld.idx.msk [tilespmem:v29+s24+$0x0], $0xffff  }
0x23e: {  	v14 =	vadd.f32 v14, v28;
	v16 =	vld.idx.msk [tilespmem:v21+s24+$0x0], $0xffff;
	v17 =	vpop (erf);
	v21 =	vor.u32 $0x2, v6  }
0x23f: {  	v28 =	vor.u32 $0x1, v4;
	v26 =	vadd.f32 v15, v18;
	[tilespmem:s11+$0xFFFFFFF0] =	vst v17;
	v13 =	vld.idx.msk [tilespmem:v13+s23+$0x0], $0xffff;
	v17 =	vpop (erf)  }
0x240: {  	v18 =	vmul.f32 $2.000000030e-01, v14;
	v15 =	vld.idx.msk [tilespmem:v22+s24+$0x0], $0xffff;
	v22 =	vor.u32 $0x2, v9;
	[tilespmem:s13+$0x0] =	vst v17;
	v29 =	vpop (erf)  }
0x241: {  	v33 =	vor.u32 $0x5, v9;
	v32 =	vmul.f32 $2.000000030e-01, v26;
	v17 =	vld.idx.msk [tilespmem:v19+s25+$0x0], $0xffff;
	v19 =	vpop (erf);
	[tilespmem:s10+$0x0] =	vst v29  }
0x242: {  	v14 =	vmax.f32 v14, v18;
	v29 =	vor.u32 $0x1, v10;
	[tilespmem:s13+$0xFFFFFFF0] =	vst v19;
	v18 =	vld.idx.msk [tilespmem:v24+s24+$0x0], $0xffff;
	v19 =	vpop (erf)  }
.Ltmp5:
0x243: {  	v24 =	vmax.f32 v26, v32;
	v14 =	vsub.f32 v14, v23;
	v21 =	vld.idx.msk [tilespmem:v21+s23+$0x0], $0xffff;
	[tilespmem:s10+$0xFFFFFFF0] =	vst v19;
	s10 =	smov.u32 s9;
	(pc) =	sbr.rel @p1 .LBB2_13-.Ltmp5, $4  }
0x244: {  	v23 =	vor.u32 $0x2, v5;
	v5 =	vmovc v10;
	v10 =	vmov v25;
	v26 =	vsub.f32 v24, v20;
	v19 =	vld.idx.msk [tilespmem:v28+s23+$0x0], $0xffff  }
0x245: {  	v24 =	vor.u32 $0x8, v6;
	v6 =	vmovc v7;
	v7 =	vmovc v27;
	v28 =	vmul.f32 $1.442695020e+00, v14;
	v31 =	vadd.f32 v31, v13;
	v20 =	vld.idx.msk [tilespmem:v22+s23+$0x0], $0xffff  }
0x246: {  	v25 =	vor.u32 $0x7, v4;
	v13 =	vmul.f32 $1.442695020e+00, v26;
	v14 =	vld.idx.msk [tilespmem:v33+s24+$0x0], $0xffff  }
0x247: {  	v26 =	vadd.f32 v30, v31;
	(erf) = vpow2.f32 v28;
	v22 =	vld.idx.msk [tilespmem:v29+s25+$0x0], $0xffff  }
0x248: {  	_ = 	snop  }
0x249: {  	v27 =	vmul.f32 $2.000000030e-01, v26;
	_ =	sdelay $0x1  }
0x24a: {  	v26 =	vmax.f32 v26, v27  }
0x24b: {  	v16 =	vsub.f32 v26, v16;
	_ =	sdelay $0x1  }
0x24c: {  	(erf) = vpow2.f32 v13;
	v16 =	vmul.f32 $1.442695020e+00, v16;
	_ =	sdelay $0x1  }
0x24d: {  	(erf) = vpow2.f32 v16  }
0x24e: {  	v9 =	vor.u32 $0x8, v9  }
0x24f: {  	v13 =	vor.u32 $0x1, v11  }
0x250: {  	v24 =	vld.idx.msk [tilespmem:v24+s24+$0x0], $0xffff;
	v26 =	vor.u32 $0x1, v7  }
0x251: {  	v25 =	vld.idx.msk [tilespmem:v25+s24+$0x0], $0xffff;
	v28 =	vor.u32 $0x4, v8  }
0x252: {  	s0 =	sadd.s32 $0x20, s11;
	v16 =	vld.idx.msk [tilespmem:v23+s25+$0x0], $0xffff;
	v23 =	vor.u32 $0x4, v7;
	v27 =	vpop (erf)  }
0x253: {  	v9 =	vld.idx.msk [tilespmem:v9+s24+$0x0], $0xffff;
	[tilespmem:s0+$0x0] =	vst v27;
	v27 =	vor.u32 $0x5, v6  }
0x254: {  	v29 =	vor.u32 $0x2, v6;
	v30 =	vpop (erf);
	v13 =	vld.idx.msk [tilespmem:v13+s25+$0x0], $0xffff  }
0x255: {  	v31 =	vor.u32 $0x1, v8;
	v18 =	vadd.f32 v18, v21;
	[tilespmem:s0+$0xFFFFFFF0] =	vst v30;
	v21 =	vld.idx.msk [tilespmem:v26+s23+$0x0], $0xffff  }
0x256: {  	s4 =	sadd.s32 $0x20, s13;
	v12 =	vor.u32 $0x2, v12;
	v15 =	vadd.f32 v15, v19;
	v19 =	vld.idx.msk [tilespmem:v28+s24+$0x0], $0xffff;
	v26 =	vpop (erf)  }
0x257: {  	v17 =	vadd.f32 v17, v18;
	v23 =	vld.idx.msk [tilespmem:v23+s24+$0x0], $0xffff;
	[tilespmem:s4+$0x0] =	vst v26;
	v26 =	vor.u32 $0x1, v10  }
0x258: {  	v14 =	vadd.f32 v14, v20;
	v18 =	vld.idx.msk [tilespmem:v27+s24+$0x0], $0xffff  }
0x259: {  	v15 =	vadd.f32 v22, v15;
	v22 =	vmul.f32 $2.000000030e-01, v17;
	v20 =	vld.idx.msk [tilespmem:v29+s23+$0x0], $0xffff  }
0x25a: {  	v14 =	vadd.f32 v16, v14;
	v16 =	vor.u32 $0x7, v7;
	v27 =	vld.idx.msk [tilespmem:v31+s23+$0x0], $0xffff  }
0x25b: {  	v17 =	vmax.f32 v17, v22;
	v6 =	vor.u32 $0x8, v6;
	v28 =	vmul.f32 $2.000000030e-01, v15;
	v12 =	vld.idx.msk [tilespmem:v12+s25+$0x0], $0xffff  }
0x25c: {  	v17 =	vsub.f32 v17, v24;
	v29 =	vor.u32 $0x7, v8;
	v26 =	vld.idx.msk [tilespmem:v26+s25+$0x0], $0xffff  }
0x25d: {  	v15 =	vmax.f32 v15, v28;
	v22 =	vmul.f32 $2.000000030e-01, v14;
	v21 =	vadd.f32 v23, v21  }
0x25e: {  	v15 =	vsub.f32 v15, v25;
	v18 =	vadd.f32 v18, v20  }
0x25f: {  	v14 =	vmax.f32 v14, v22;
	v16 =	vld.idx.msk [tilespmem:v16+s24+$0x0], $0xffff;
	v13 =	vadd.f32 v13, v21;
	v19 =	vadd.f32 v19, v27  }
0x260: {  	v9 =	vsub.f32 v14, v9;
	v6 =	vld.idx.msk [tilespmem:v6+s24+$0x0], $0xffff;
	v12 =	vadd.f32 v12, v18  }
0x261: {  	v14 =	vmul.f32 $1.442695020e+00, v17;
	v17 =	vmul.f32 $2.000000030e-01, v13;
	v18 =	vld.idx.msk [tilespmem:v29+s24+$0x0], $0xffff;
	v19 =	vadd.f32 v26, v19  }
0x262: {  	v15 =	vmul.f32 $1.442695020e+00, v15;
	v20 =	vmul.f32 $2.000000030e-01, v12  }
0x263: {  	v9 =	vmul.f32 $1.442695020e+00, v9;
	v13 =	vmax.f32 v13, v17;
	v17 =	vmul.f32 $2.000000030e-01, v19  }
0x264: {  	(erf) = vpow2.f32 v14;
	v13 =	vsub.f32 v13, v16;
	v12 =	vmax.f32 v12, v20  }
0x265: {  	(erf) = vpow2.f32 v15;
	v6 =	vsub.f32 v12, v6;
	v14 =	vmax.f32 v19, v17  }
0x266: {  	v12 =	vmul.f32 $1.442695020e+00, v13;
	v13 =	vsub.f32 v14, v18  }
0x267: {  	(erf) = vpow2.f32 v9;
	v6 =	vmul.f32 $1.442695020e+00, v6  }
0x268: {  	(erf) = vpow2.f32 v12;
	v9 =	vmul.f32 $1.442695020e+00, v13  }
0x269: {  	(erf) = vpow2.f32 v6  }
0x26a: {  	(erf) = vpow2.f32 v9  }
0x26b: {  	v5 =	vor.u32 $0x2, v5  }
0x26c: {  	v6 =	vor.u32 $0x2, v4  }
0x26d: {  	v12 =	vpop (erf);
	v9 =	vor.u32 $0x5, v4  }
0x26e: {  	v14 =	vor.u32 $0x5, v7;
	v13 =	vpop (erf)  }
0x26f: {  	[tilespmem:s4+$0xFFFFFFF0] =	vst v13;
	v13 =	vor.u32 $0x2, v7  }
0x270: {  	v16 =	vor.u32 $0x2, v8;
	v15 =	vpop (erf);
	v5 =	vld.idx.msk [tilespmem:v5+s25+$0x0], $0xffff  }
0x271: {  	v18 =	vor.u32 $0x5, v8;
	s4 =	sadd.s32 $0x20, s4;
	v6 =	vld.idx.msk [tilespmem:v6+s23+$0x0], $0xffff;
	v17 =	vpop (erf)  }
0x272: {  	v11 =	vor.u32 $0x2, v11;
	v9 =	vld.idx.msk [tilespmem:v9+s24+$0x0], $0xffff;
	[tilespmem:s4+$0x0] =	vst v17;
	v17 =	vpop (erf)  }
0x273: {  	v10 =	vor.u32 $0x2, v10;
	v14 =	vld.idx.msk [tilespmem:v14+s24+$0x0], $0xffff;
	v19 =	vpop (erf)  }
0x274: {  	v13 =	vld.idx.msk [tilespmem:v13+s23+$0x0], $0xffff;
	[tilespmem:s4+$0xFFFFFFF0] =	vst v19  }
0x275: {  	v16 =	vld.idx.msk [tilespmem:v16+s23+$0x0], $0xffff  }
0x276: {  	v4 =	vor.u32 $0x8, v4;
	v18 =	vld.idx.msk [tilespmem:v18+s24+$0x0], $0xffff  }
0x277: {  	v7 =	vor.u32 $0x8, v7;
	v11 =	vld.idx.msk [tilespmem:v11+s25+$0x0], $0xffff  }
0x278: {  	v8 =	vor.u32 $0x8, v8;
	v10 =	vld.idx.msk [tilespmem:v10+s25+$0x0], $0xffff  }
0x279: {  	v6 =	vadd.f32 v9, v6  }
0x27a: {  	v9 =	vadd.f32 v14, v13  }
0x27b: {  	v4 =	vld.idx.msk [tilespmem:v4+s24+$0x0], $0xffff;
	v5 =	vadd.f32 v5, v6;
	v6 =	vadd.f32 v18, v16  }
0x27c: {  	v7 =	vld.idx.msk [tilespmem:v7+s24+$0x0], $0xffff;
	v9 =	vadd.f32 v11, v9  }
0x27d: {  	v8 =	vld.idx.msk [tilespmem:v8+s24+$0x0], $0xffff;
	v11 =	vmul.f32 $2.000000030e-01, v5;
	v6 =	vadd.f32 v10, v6  }
0x27e: {  	v10 =	vmul.f32 $2.000000030e-01, v9  }
0x27f: {  	v5 =	vmax.f32 v5, v11;
	v11 =	vmul.f32 $2.000000030e-01, v6  }
0x280: {  	v4 =	vsub.f32 v5, v4;
	v5 =	vmax.f32 v9, v10  }
0x281: {  	v5 =	vsub.f32 v5, v7;
	v6 =	vmax.f32 v6, v11  }
0x282: {  	v4 =	vmul.f32 $1.442695020e+00, v4;
	v6 =	vsub.f32 v6, v8  }
0x283: {  	v5 =	vmul.f32 $1.442695020e+00, v5  }
0x284: {  	(erf) = vpow2.f32 v4;
	v4 =	vmul.f32 $1.442695020e+00, v6  }
0x285: {  	(erf) = vpow2.f32 v5  }
0x286: {  	(erf) = vpow2.f32 v4;
	_ =	sdelay $0x4  }
0x287: {  	s11 =	simm.s32 $0x0;
	[tilespmem:s10+$0x0] =	vst v12  }
0x288: {  	s12 =	sadd.s32 $0x20, s9;
	s13 =	simm.s32 $0x1;
	[tilespmem:s10+$0xFFFFFFF0] =	vst v15;
	v4 =	vmov s11  }
0x289: {  	[tilespmem:s12+$0x0] =	vst v17;
	v6 =	vmov s13;
	v4 =	vand.u32 $0xFFFFFFFC, v4;
	v5 =	vpop (erf)  }
0x28a: {  	s15 =	sadd.s32 $0x20, s12;
	v6 =	vand.u32 $0xFFFFFFFD, v6;
	v4 =	vbroadcast v4, $0x0;
	[tilespmem:s12+$0xFFFFFFF0] =	vst v5;
	v5 =	vpop (erf)  }
0x28b: {  	v6 =	vbroadcast v6, $0x0;
	[tilespmem:s15+$0x0] =	vst v5;
	v5 =	vpop (erf)  }
0x28c: {  	[tilespmem:s15+$0xFFFFFFF0] =	vst v5  }
0x28d: {  	s17 =	simm.s32 $0x2;
	_ =	swait.ge [sflag:s28], $0x3000  }
0x28e: {  	v5 =	vmov s17;
	[sflag:s28] =	ssyncset.done $0x0  }
0x28f: {  	v5 =	vand.u32 $0xFFFFFFFE, v5;
	[sflag:s28] =	ssyncadd.s32 $0xFFFFD000  }
0x290: {  	v5 =	vbroadcast v5, $0x0;
	v7 =	vld.idx.msk [tilespmem:v4+s29+$0x0], $0xffff  }
0x291: {  	v8 =	vld.idx.msk [tilespmem:v6+s31+$0x0], $0xffff  }
0x292: {  	v9 =	vld.idx.msk [tilespmem:v4+s31+$0x0], $0xffff  }
0x293: {  	s21 =	simm.s32 $0x3;
	v10 =	vld.idx.msk [tilespmem:v6+s29+$0x0], $0xffff  }
0x294: {  	v11 =	vmov s21;
	v6 =	vld.idx.msk [tilespmem:v6+s30+$0x0], $0xffff  }
0x295: {  	v16 =	vld.idx.msk [tilespmem:v4+s30+$0x0], $0xffff  }
0x296: {  	v14 =	vld.idx.msk [tilespmem:v5+s31+$0x0], $0xffff  }
0x297: {  	s2 =	simm.s32 $0x4;
	v15 =	vld.idx.msk [tilespmem:v5+s30+$0x0], $0xffff  }
0x298: {  	v12 =	vmov s2;
	v5 =	vld.idx.msk [tilespmem:v5+s29+$0x0], $0xffff;
	v4 =	vsel vm0, $0x0, v8  }
0x299: {  	s4 =	simm.s32 $0x5;
	v13 =	vand.u32 $0xFFFFFFFC, v12;
	v17 =	vld.idx.msk [tilespmem:v11+s29+$0x0], $0xffff;
	v4 =	vsel vm1, v4, v6  }
0x29a: {  	v20 =	vbroadcast v13, $0x0;
	v18 =	vmov s4;
	s17 =	simm.s32 $0x4660;
	v12 =	vld.idx.msk [tilespmem:v11+s31+$0x0], $0xffff;
	v4 =	vsel vm2, v10, v4  }
0x29b: {  	v18 =	vand.u32 $0xFFFFFFFD, v18;
	s11 =	simm.s32 $0x1640;
	v13 =	vld.idx.msk [tilespmem:v11+s30+$0x0], $0xffff;
	[tilespmem:s17+$0xFFFFFFF0] =	vst v4;
	v19 =	vsel vm0, $0x0, v14  }
0x29c: {  	v18 =	vbroadcast v18, $0x0;
	v11 =	vsel vm0, $0x0, v9;
	v4 =	vsel vm1, v19, v15;
	v19 =	vld [tilespmem:s11+$0xFFFFFFA0]  }
0x29d: {  	v11 =	vsel vm1, v11, v16;
	v4 =	vsel vm2, v5, v4  }
0x29e: {  	[tilespmem:s17+$0x60] =	vst v4;
	v4 =	vsel vm2, v7, v11  }
0x29f: {  	s9 =	simm.s32 $0x7;
	v11 =	vld [tilespmem:s11+$0x0];
	[tilespmem:s17+$0xFFFFFF80] =	vst v4;
	v4 =	vsel vm0, $0x0, v12  }
0x2a0: {  	v25 =	vmov s9;
	v23 =	vld.idx.msk [tilespmem:v20+s29+$0x0], $0xffff;
	v10 =	vpsel p0, v10, v8;
	v4 =	vsel vm1, v4, v13  }
0x2a1: {  	v22 =	vld [tilespmem:s11+$0xFFFFFF40];
	v19 =	vmul.f32 v19, v10;
	v4 =	vsel vm2, v17, v4  }
0x2a2: {  	v21 =	vld.idx.msk [tilespmem:v18+s31+$0x0], $0xffff;
	[tilespmem:s17+$0xD0] =	vst v4  }
0x2a3: {  	v5 =	vpsel p0, v5, v14;
	[tilespmem:s17+$0xFFFFFF90] =	vst v19;
	v19 =	vld [tilespmem:s11+$0x60]  }
0x2a4: {  	s10 =	simm.s32 $0x6;
	v26 =	vpsel p0, v7, v9;
	v11 =	vmul.f32 v11, v5;
	v7 =	vld [tilespmem:s11+$0xFFFFFFB0]  }
0x2a5: {  	v24 =	vmov s10;
	v27 =	vld.idx.msk [tilespmem:v25+s29+$0x0], $0xffff  }
0x2a6: {  	v28 =	vld.idx.msk [tilespmem:v18+s29+$0x0], $0xffff;
	v4 =	vand.u32 $0xFFFFFFFE, v24;
	v22 =	vmul.f32 v22, v26;
	[tilespmem:s17+$0x0] =	vst v11  }
0x2a7: {  	v17 =	vpsel p0, v17, v12;
	v24 =	vbroadcast v4, $0x0;
	v11 =	vld [tilespmem:s11+$0x10]  }
0x2a8: {  	v30 =	vld.idx.msk [tilespmem:v18+s30+$0x0], $0xffff;
	[tilespmem:s17+$0xFFFFFF20] =	vst v22;
	v19 =	vmul.f32 v19, v17  }
0x2a9: {  	v22 =	vld [tilespmem:s11+$0xFFFFFF50];
	v7 =	vmul.f32 v7, v10  }
0x2aa: {  	v4 =	vld.idx.msk [tilespmem:v20+s31+$0x0], $0xffff;
	[tilespmem:s17+$0x70] =	vst v19  }
0x2ab: {  	[tilespmem:s17+$0xFFFFFFA0] =	vst v7;
	v10 =	vld [tilespmem:s11+$0x70]  }
0x2ac: {  	v5 =	vmul.f32 v11, v5;
	v11 =	vld [tilespmem:s11+$0xFFFFFFC0]  }
0x2ad: {  	v8 =	vpsel p0, v6, v8;
	v29 =	vld.idx.msk [tilespmem:v24+s30+$0x0], $0xffff  }
0x2ae: {  	v6 =	vpsel p0, v15, v14;
	v14 =	vld.idx.msk [tilespmem:v24+s29+$0x0], $0xffff;
	[tilespmem:s17+$0x10] =	vst v5;
	v5 =	vmul.f32 v22, v26  }
0x2af: {  	v19 =	vld [tilespmem:s11+$0x20]  }
0x2b0: {  	v26 =	vld.idx.msk [tilespmem:v24+s31+$0x0], $0xffff;
	[tilespmem:s17+$0xFFFFFF30] =	vst v5;
	v5 =	vmul.f32 v10, v17  }
0x2b1: {  	s13 =	simm.s32 $0x9;
	v10 =	vld [tilespmem:s11+$0xFFFFFF60];
	v11 =	vmul.f32 v11, v8  }
0x2b2: {  	v18 =	vmov s13;
	v7 =	vld.idx.msk [tilespmem:v20+s30+$0x0], $0xffff;
	[tilespmem:s17+$0x80] =	vst v5;
	v5 =	vsel vm0, $0x0, v21  }
0x2b3: {  	s12 =	simm.s32 $0x8;
	v18 =	vand.u32 $0xFFFFFFFD, v18;
	[tilespmem:s17+$0xFFFFFFB0] =	vst v11;
	v11 =	vsel vm1, v5, v30;
	v5 =	vpsel p0, v16, v9;
	v9 =	vld.idx.msk [tilespmem:v25+s30+$0x0], $0xffff  }
0x2b4: {  	v24 =	vbroadcast v18, $0x0;
	v17 =	vmov s12;
	v15 =	vmul.f32 v19, v6;
	v19 =	vld [tilespmem:s11+$0x80]  }
0x2b5: {  	s10 =	simm.s32 $0x4820;
	v16 =	vand.u32 $0xFFFFFFFC, v17;
	v22 =	vsel vm0, $0x0, v26;
	v17 =	vld [tilespmem:s11+$0xFFFFFFD0];
	v11 =	vsel vm2, v28, v11  }
0x2b6: {  	s12 =	simm.s32 $0x17C0;
	v16 =	vbroadcast v16, $0x0;
	v18 =	vsel vm1, v22, v29;
	[tilespmem:s10+$0xFFFFFFF0] =	vst v11;
	v20 =	vmul.f32 v10, v5;
	v10 =	vld.idx.msk [tilespmem:v25+s31+$0x0], $0xffff  }
0x2b7: {  	v11 =	vsel vm0, $0x0, v4;
	v22 =	vld [tilespmem:s12+$0xFFFFFFA0];
	[tilespmem:s17+$0x20] =	vst v15;
	v15 =	vsel vm2, v14, v18  }
0x2b8: {  	v11 =	vsel vm1, v11, v7;
	[tilespmem:s10+$0x60] =	vst v15;
	v31 =	vld [tilespmem:s11+$0x30]  }
0x2b9: {  	v11 =	vsel vm2, v23, v11;
	[tilespmem:s17+$0xFFFFFF40] =	vst v20;
	v20 =	vld [tilespmem:s12+$0x0]  }
0x2ba: {  	[tilespmem:s10+$0xFFFFFF80] =	vst v11;
	v25 =	vld [tilespmem:s11+$0xFFFFFF70]  }
0x2bb: {  	v12 =	vpsel p0, v13, v12;
	v11 =	vmul.f32 v17, v8;
	v32 =	vld [tilespmem:s12+$0xFFFFFF40]  }
0x2bc: {  	s15 =	simm.s32 $0xB;
	v19 =	vmul.f32 v19, v12;
	v15 =	vld.idx.msk [tilespmem:v16+s29+$0x0], $0xffff  }
0x2bd: {  	s21 =	simm.s32 $0xA;
	v28 =	vpsel p0, v28, v21;
	v18 =	vmov s15;
	[tilespmem:s17+$0xFFFFFFC0] =	vst v11;
	v11 =	vld.idx.msk [tilespmem:v24+s31+$0x0], $0xffff  }
0x2be: {  	v17 =	vmul.f32 v22, v28;
	v22 =	vmov s21;
	[tilespmem:s17+$0x90] =	vst v19;
	v33 =	vld [tilespmem:s11+$0xFFFFFFE0]  }
0x2bf: {  	v14 =	vpsel p0, v14, v26;
	v22 =	vand.u32 $0xFFFFFFFE, v22;
	v58 =	vld [tilespmem:s11+$0x90];
	v31 =	vmul.f32 v31, v6  }
0x2c0: {  	[tilespmem:s10+$0xFFFFFF90] =	vst v17;
	v34 =	vbroadcast v22, $0x0;
	v17 =	vsel vm0, $0x0, v10;
	v22 =	vmul.f32 v20, v14;
	v20 =	vld.idx.msk [tilespmem:v16+s31+$0x0], $0xffff  }
0x2c1: {  	v35 =	vld [tilespmem:s12+$0xFFFFFFB0];
	v17 =	vsel vm1, v17, v9  }
0x2c2: {  	[tilespmem:s17+$0x30] =	vst v31;
	v36 =	vsel vm2, v27, v17;
	v17 =	vld.idx.msk [tilespmem:v18+s29+$0x0], $0xffff  }
0x2c3: {  	v56 =	vpsel p0, v23, v4;
	[tilespmem:s10+$0x0] =	vst v22;
	v22 =	vld.idx.msk [tilespmem:v24+s29+$0x0], $0xffff  }
0x2c4: {  	v23 =	vmul.f32 v32, v56;
	v31 =	vld [tilespmem:s11+$0x40]  }
0x2c5: {  	v37 =	vld [tilespmem:s12+$0x10];
	[tilespmem:s10+$0xD0] =	vst v36  }
0x2c6: {  	v25 =	vmul.f32 v25, v5;
	[tilespmem:s10+$0xFFFFFF20] =	vst v23;
	v23 =	vld.idx.msk [tilespmem:v16+s30+$0x0], $0xffff  }
0x2c7: {  	v38 =	vld [tilespmem:s12+$0x60]  }
0x2c8: {  	[tilespmem:s17+$0xFFFFFF50] =	vst v25;
	v16 =	vld [tilespmem:s12+$0xFFFFFF50];
	v25 =	vmul.f32 v33, v8  }
0x2c9: {  	v19 =	vld [tilespmem:s11+$0xFFFFFF80]  }
0x2ca: {  	v13 =	vld.idx.msk [tilespmem:v34+s30+$0x0], $0xffff;
	[tilespmem:s17+$0xFFFFFFD0] =	vst v25;
	v57 =	vmul.f32 v37, v14  }
0x2cb: {  	v59 =	vpsel p0, v27, v10;
	v27 =	vmul.f32 v35, v28;
	v25 =	vld [tilespmem:s11+$0xFFFFFFF0]  }
0x2cc: {  	v14 =	vld.idx.msk [tilespmem:v24+s30+$0x0], $0xffff;
	v24 =	vmul.f32 v38, v59;
	[tilespmem:s10+$0x10] =	vst v57  }
0x2cd: {  	[tilespmem:s10+$0xFFFFFFA0] =	vst v27;
	v28 =	vld [tilespmem:s12+$0x20]  }
0x2ce: {  	v27 =	vmul.f32 v58, v12;
	v61 =	vld [tilespmem:s12+$0xFFFFFFC0];
	[tilespmem:s10+$0x70] =	vst v24  }
0x2cf: {  	v19 =	vmul.f32 v19, v5;
	v60 =	vld [tilespmem:s12+$0x70]  }
0x2d0: {  	v63 =	vmul.f32 v31, v6;
	v62 =	vmul.f32 v16, v56;
	v16 =	vld.idx.msk [tilespmem:v34+s31+$0x0], $0xffff;
	[tilespmem:s17+$0xA0] =	vst v27  }
0x2d1: {  	[tilespmem:s17+$0xFFFFFF60] =	vst v19;
	v19 =	vpsel p0, v29, v26;
	v26 =	vsel vm0, $0x0, v20;
	v27 =	vld [tilespmem:s11+$0xA0]  }
0x2d2: {  	[tilespmem:s17+$0x40] =	vst v63;
	v24 =	vld [tilespmem:s11+$0xFFFFFF90];
	v26 =	vsel vm1, v26, v23;
	v28 =	vmul.f32 v28, v19  }
0x2d3: {  	v21 =	vpsel p0, v30, v21;
	[tilespmem:s10+$0xFFFFFF30] =	vst v62;
	v29 =	vsel vm2, v15, v26;
	v26 =	vld.idx.msk [tilespmem:v34+s29+$0x0], $0xffff  }
0x2d4: {  	s9 =	simm.s32 $0x1940;
	s4 =	simm.s32 $0xC;
	s13 =	simm.s32 $0x49E0;
	v32 =	vsel vm0, $0x0, v11;
	v30 =	vmul.f32 v61, v21;
	v31 =	vmul.f32 v60, v59;
	[tilespmem:s10+$0x20] =	vst v28;
	v28 =	vld [tilespmem:s12+$0xFFFFFF60]  }
.LBB2_15:
0x2d5: {  	s0 =	sadd.s32 $0x1, s4  }
0x2d6: {  	v33 =	vmov s4;
	s2 =	sadd.s32 $0x3, s4;
	v32 =	vsel vm1, v32, v14;
	v34 =	vpsel p0, v7, v4;
	[tilespmem:s10+$0x80] =	vst v31;
	v31 =	vld [tilespmem:s11+$0x50];
	v4 =	vmovc v20;
	v7 =	vmovc v23;
	s21 =	smov.u32 s4;
	s15 =	sadd.s32 $0x4, s4  }
0x2d7: {  	p1 =	slt.u32 s4, $0x7C;
	v20 =	vand.u32 $0xFFFFFFFC, v33;
	v23 =	vmov s0;
	s0 =	sadd.s32 $0x2, s21;
	[tilespmem:s10+$0xFFFFFFB0] =	vst v30;
	v30 =	vpsel p0, v9, v10;
	v33 =	vld [tilespmem:s12+$0x80]  }
0x2d8: {  	v35 =	vbroadcast v20, $0x0;
	v9 =	vand.u32 $0xFFFFFFFD, v23;
	v20 =	vld [tilespmem:s12+$0xFFFFFFD0];
	v23 =	vmul.f32 v27, v12  }
0x2d9: {  	v10 =	vmov s0;
	v27 =	vbroadcast v9, $0x0;
	[tilespmem:s13+$0xFFFFFF80] =	vst v29;
	v29 =	vsel vm0, $0x0, v16;
	v9 =	vld.idx.msk [tilespmem:v18+s30+$0x0], $0xffff  }
0x2da: {  	v32 =	vsel vm2, v22, v32;
	v36 =	vand.u32 $0xFFFFFFFE, v10;
	v10 =	vld.idx.msk [tilespmem:v18+s31+$0x0], $0xffff;
	v18 =	vmul.f32 v28, v34;
	[tilespmem:s17+$0xB0] =	vst v23  }
0x2db: {  	v23 =	vsel vm1, v29, v13;
	v28 =	vpsel p0, v26, v16;
	[tilespmem:s13+$0xFFFFFFF0] =	vst v32;
	v29 =	vmul.f32 v31, v6;
	v31 =	vld [tilespmem:s11+$0xB0];
	s11 =	smov.u32 s12;
	s12 =	smov.u32 s9  }
0x2dc: {  	v25 =	vmul.f32 v25, v8;
	v37 =	vsel vm2, v26, v23;
	v32 =	vld [tilespmem:s9+$0xFFFFFFA0];
	[tilespmem:s10+$0xFFFFFF40] =	vst v18;
	v23 =	vmul.f32 v33, v30  }
0x2dd: {  	v8 =	vmovc v21;
	v6 =	vmov v19;
	v18 =	vmov s2;
	[tilespmem:s13+$0x60] =	vst v37;
	v26 =	vld [tilespmem:s11+$0xFFFFFF70];
	v20 =	vmul.f32 v20, v21  }
0x2de: {  	v19 =	vpsel p0, v22, v11;
	v21 =	vld [tilespmem:s11+$0x30];
	[tilespmem:s17+$0xFFFFFFE0] =	vst v25  }
0x2df: {  	v22 =	vld [tilespmem:s9+$0x0];
	[tilespmem:s10+$0xFFFFFFC0] =	vst v20;
	v20 =	vmul.f32 v24, v5;
	v5 =	vmov v34  }
0x2e0: {  	v33 =	vbroadcast v36, $0x0;
	v24 =	vld [tilespmem:s9+$0xFFFFFF40];
	[tilespmem:s17+$0x50] =	vst v29;
	v25 =	vmul.f32 v31, v12;
	v12 =	vmov v30  }
0x2e1: {  	v29 =	vld.idx.msk [tilespmem:v35+s29+$0x0], $0xffff;
	v30 =	vmul.f32 v32, v19;
	[tilespmem:s17+$0xFFFFFF70] =	vst v20  }
0x2e2: {  	v20 =	vsel vm0, $0x0, v10;
	v32 =	vld.idx.msk [tilespmem:v27+s31+$0x0], $0xffff;
	v26 =	vmul.f32 v26, v5;
	[tilespmem:s17+$0xC0] =	vst v25;
	s17 =	smov.u32 s10;
	s10 =	smov.u32 s13  }
0x2e3: {  	v20 =	vsel vm1, v20, v9;
	[tilespmem:s13+$0xFFFFFF90] =	vst v30;
	v25 =	vld [tilespmem:s11+$0xFFFFFFE0];
	v21 =	vmul.f32 v21, v6  }
0x2e4: {  	v30 =	vpsel p0, v15, v4;
	v31 =	vld [tilespmem:s9+$0xFFFFFFB0];
	v34 =	vmul.f32 v22, v28;
	v22 =	vsel vm2, v17, v20;
	[tilespmem:s17+$0xFFFFFF50] =	vst v26  }
0x2e5: {  	v20 =	vld.idx.msk [tilespmem:v35+s31+$0x0], $0xffff;
	v24 =	vmul.f32 v24, v30;
	[tilespmem:s17+$0x30] =	vst v21  }
0x2e6: {  	s13 =	sadd.s32 $0x1C0, s13;
	v21 =	vld.idx.msk [tilespmem:v18+s29+$0x0], $0xffff;
	[tilespmem:s10+$0x0] =	vst v34  }
0x2e7: {  	s9 =	sadd.s32 $0x180, s9;
	v15 =	vmov v29;
	v26 =	vld [tilespmem:s12+$0x10];
	[tilespmem:s10+$0xD0] =	vst v22  }
0x2e8: {  	v29 =	vld [tilespmem:s12+$0x60];
	v25 =	vmul.f32 v25, v8;
	[tilespmem:s17+$0x90] =	vst v23  }
0x2e9: {  	v22 =	vld.idx.msk [tilespmem:v27+s29+$0x0], $0xffff;
	v19 =	vmul.f32 v31, v19  }
0x2ea: {  	v34 =	vpsel p0, v17, v10;
	v31 =	vld.idx.msk [tilespmem:v33+s30+$0x0], $0xffff;
	[tilespmem:s10+$0xFFFFFF20] =	vst v24  }
0x2eb: {  	v23 =	vld.idx.msk [tilespmem:v35+s30+$0x0], $0xffff;
	[tilespmem:s10+$0xFFFFFFA0] =	vst v19  }
0x2ec: {  	v17 =	vmov v21;
	v19 =	vld [tilespmem:s12+$0xFFFFFF50];
	v24 =	vmul.f32 v26, v28;
	[tilespmem:s17+$0xFFFFFFD0] =	vst v25  }
0x2ed: {  	v21 =	vmul.f32 v29, v34;
	v26 =	vld [tilespmem:s11+$0xFFFFFF80]  }
0x2ee: {  	[tilespmem:s10+$0x10] =	vst v24;
	v24 =	vld [tilespmem:s11+$0x90]  }
0x2ef: {  	v35 =	vld.idx.msk [tilespmem:v27+s30+$0x0], $0xffff;
	[tilespmem:s10+$0x70] =	vst v21  }
0x2f0: {  	v25 =	vld [tilespmem:s11+$0xFFFFFFF0]  }
0x2f1: {  	v21 =	vld [tilespmem:s12+$0x20]  }
0x2f2: {  	v26 =	vmul.f32 v26, v5;
	v27 =	vld [tilespmem:s11+$0x40]  }
0x2f3: {  	v28 =	vld [tilespmem:s12+$0x70];
	v29 =	vmul.f32 v24, v12  }
0x2f4: {  	v30 =	vmul.f32 v19, v30;
	v36 =	vld [tilespmem:s12+$0xFFFFFFC0];
	[tilespmem:s17+$0xFFFFFF60] =	vst v26  }
.Ltmp6:
0x2f5: {  	v19 =	vpsel p0, v13, v16;
	v13 =	vmov v31;
	v26 =	vsel vm0, $0x0, v20;
	v24 =	vld [tilespmem:s11+$0xFFFFFF90];
	[tilespmem:s17+$0xA0] =	vst v29;
	(pc) =	sbr.rel @p1 .LBB2_15-.Ltmp6, $4  }
0x2f6: {  	v26 =	vsel vm1, v26, v23;
	v16 =	vld.idx.msk [tilespmem:v33+s31+$0x0], $0xffff;
	[tilespmem:s10+$0xFFFFFF30] =	vst v30;
	v30 =	vmul.f32 v21, v19  }
0x2f7: {  	v29 =	vsel vm2, v15, v26;
	v37 =	vmul.f32 v27, v6;
	v27 =	vld [tilespmem:s11+$0xA0]  }
0x2f8: {  	v21 =	vpsel p0, v14, v11;
	v11 =	vmov v32;
	v26 =	vld.idx.msk [tilespmem:v33+s29+$0x0], $0xffff;
	[tilespmem:s10+$0x20] =	vst v30;
	v31 =	vmul.f32 v28, v34  }
0x2f9: {  	s4 =	smov.u32 s15;
	v14 =	vmov v35;
	v32 =	vsel vm0, $0x0, v11;
	v28 =	vld [tilespmem:s12+$0xFFFFFF60];
	v30 =	vmul.f32 v36, v21;
	[tilespmem:s17+$0x40] =	vst v37  }
0x2fa: {  	_ =	sdelay $0x3  }
0x2fb: {  	v33 =	vld.idx.msk [tilespmem:v18+s31+$0x0], $0xffff  }
0x2fc: {  	v43 =	vld.idx.msk [tilespmem:v18+s30+$0x0], $0xffff;
	_ =	sdelay $0x1  }
0x2fd: {  	v32 =	vsel vm1, v32, v14;
	v34 =	vsel vm0, $0x0, v16  }
0x2fe: {  	v32 =	vsel vm2, v22, v32;
	v34 =	vsel vm1, v34, v13  }
0x2ff: {  	[tilespmem:s13+$0xFFFFFFF0] =	vst v32;
	v44 =	vsel vm2, v26, v34;
	v45 =	vsel vm0, $0x0, v33  }
0x300: {  	v35 =	vld [tilespmem:s9+$0xFFFFFFA0];
	[tilespmem:s13+$0x60] =	vst v44;
	v46 =	vsel vm1, v45, v43  }
0x301: {  	[tilespmem:s13+$0xFFFFFF80] =	vst v29;
	v47 =	vld [tilespmem:s9+$0x0];
	v32 =	vsel vm2, v17, v46  }
0x302: {  	v48 =	vld [tilespmem:s9+$0xFFFFFF40];
	[tilespmem:s13+$0xD0] =	vst v32  }
0x303: {  	v32 =	vld [tilespmem:s9+$0x60]  }
0x304: {  	v49 =	vpsel p0, v22, v11  }
0x305: {  	v50 =	vpsel p0, v26, v16;
	v35 =	vmul.f32 v35, v49  }
0x306: {  	[tilespmem:s10+$0x80] =	vst v31;
	v15 =	vpsel p0, v15, v20;
	v29 =	vmul.f32 v47, v50  }
0x307: {  	v52 =	vpsel p0, v17, v33;
	v51 =	vmul.f32 v48, v15;
	[tilespmem:s13+$0xFFFFFF90] =	vst v35  }
0x308: {  	v53 =	vld [tilespmem:s9+$0xFFFFFFB0];
	[tilespmem:s13+$0x0] =	vst v29;
	v32 =	vmul.f32 v32, v52  }
0x309: {  	[tilespmem:s13+$0xFFFFFF20] =	vst v51;
	v54 =	vld [tilespmem:s9+$0x10]  }
0x30a: {  	v8 =	vmul.f32 v25, v8;
	v56 =	vld [tilespmem:s9+$0xFFFFFF50];
	[tilespmem:s13+$0x70] =	vst v32  }
0x30b: {  	v5 =	vmul.f32 v24, v5;
	[tilespmem:s10+$0xFFFFFFB0] =	vst v30;
	v57 =	vld [tilespmem:s9+$0x70]  }
0x30c: {  	v55 =	vmul.f32 v27, v12;
	[tilespmem:s17+$0xFFFFFFE0] =	vst v8  }
0x30d: {  	v59 =	vld [tilespmem:s11+$0x50];
	[tilespmem:s17+$0xFFFFFF70] =	vst v5;
	v22 =	vmul.f32 v53, v49  }
0x30e: {  	v61 =	vld [tilespmem:s12+$0x80];
	[tilespmem:s17+$0xB0] =	vst v55;
	v60 =	vmul.f32 v54, v50  }
0x30f: {  	v58 =	vld [tilespmem:s12+$0xFFFFFFD0];
	v15 =	vmul.f32 v56, v15;
	[tilespmem:s13+$0xFFFFFFA0] =	vst v22  }
0x310: {  	v4 =	vpsel p0, v7, v4;
	v62 =	vld [tilespmem:s9+$0xFFFFFFC0];
	[tilespmem:s13+$0x10] =	vst v60;
	v17 =	vmul.f32 v57, v52  }
0x311: {  	v28 =	vmul.f32 v28, v4;
	[tilespmem:s13+$0xFFFFFF30] =	vst v15;
	v63 =	vld [tilespmem:s9+$0x20]  }
0x312: {  	v9 =	vpsel p0, v9, v10;
	v6 =	vmul.f32 v59, v6;
	v15 =	vld [tilespmem:s9+$0xFFFFFF60];
	[tilespmem:s13+$0x80] =	vst v17  }
0x313: {  	[tilespmem:s10+$0xFFFFFF40] =	vst v28;
	v27 =	vmul.f32 v61, v9;
	v24 =	vld [tilespmem:s9+$0x80]  }
0x314: {  	v25 =	vld [tilespmem:s11+$0xB0];
	v28 =	vpsel p0, v14, v11;
	v7 =	vmul.f32 v58, v21;
	[tilespmem:s17+$0x50] =	vst v6  }
0x315: {  	v5 =	vpsel p0, v13, v16;
	v30 =	vld [tilespmem:s12+$0xFFFFFF70];
	[tilespmem:s10+$0x90] =	vst v27;
	v8 =	vmul.f32 v62, v28  }
0x316: {  	[tilespmem:s10+$0xFFFFFFC0] =	vst v7;
	v29 =	vld [tilespmem:s12+$0x30];
	v32 =	vpsel p0, v23, v20;
	v31 =	vmul.f32 v63, v5  }
0x317: {  	v34 =	vpsel p0, v43, v33;
	v15 =	vmul.f32 v15, v32;
	v17 =	vld [tilespmem:s12+$0x90];
	[tilespmem:s13+$0xFFFFFFB0] =	vst v8  }
0x318: {  	v35 =	vld [tilespmem:s9+$0xFFFFFFD0];
	[tilespmem:s13+$0x20] =	vst v31;
	v7 =	vmul.f32 v24, v34  }
0x319: {  	v10 =	vmul.f32 v25, v12;
	[tilespmem:s13+$0xFFFFFF40] =	vst v15;
	v36 =	vld [tilespmem:s9+$0x30]  }
0x31a: {  	v37 =	vmul.f32 v30, v4;
	v15 =	vld [tilespmem:s9+$0xFFFFFF70];
	[tilespmem:s13+$0x90] =	vst v7  }
0x31b: {  	[tilespmem:s17+$0xC0] =	vst v10;
	v11 =	vmul.f32 v29, v19;
	v38 =	vld [tilespmem:s9+$0x90]  }
0x31c: {  	v39 =	vld [tilespmem:s12+$0xFFFFFFE0];
	[tilespmem:s10+$0xFFFFFF50] =	vst v37;
	v40 =	vmul.f32 v17, v9  }
0x31d: {  	v42 =	vld [tilespmem:s12+$0xFFFFFF80];
	[tilespmem:s10+$0x30] =	vst v11;
	v14 =	vmul.f32 v35, v28  }
0x31e: {  	v41 =	vld [tilespmem:s12+$0x40];
	[tilespmem:s10+$0xA0] =	vst v40;
	v43 =	vmul.f32 v36, v5  }
0x31f: {  	v45 =	vmul.f32 v15, v32;
	v44 =	vld [tilespmem:s12+$0xA0];
	[tilespmem:s13+$0xFFFFFFC0] =	vst v14  }
0x320: {  	v46 =	vld [tilespmem:s9+$0xFFFFFFE0];
	[tilespmem:s13+$0x30] =	vst v43;
	v10 =	vmul.f32 v38, v34  }
0x321: {  	v47 =	vmul.f32 v39, v21;
	[tilespmem:s13+$0xFFFFFF50] =	vst v45;
	v48 =	vld [tilespmem:s9+$0x40]  }
0x322: {  	v49 =	vmul.f32 v42, v4;
	v14 =	vld [tilespmem:s9+$0xFFFFFF80];
	[tilespmem:s13+$0xA0] =	vst v10  }
0x323: {  	[tilespmem:s10+$0xFFFFFFD0] =	vst v47;
	v7 =	vmul.f32 v41, v19;
	v50 =	vld [tilespmem:s9+$0xA0]  }
0x324: {  	v51 =	vld [tilespmem:s12+$0xFFFFFFF0];
	[tilespmem:s10+$0xFFFFFF60] =	vst v49;
	v52 =	vmul.f32 v44, v9  }
0x325: {  	v55 =	vld [tilespmem:s12+$0xFFFFFF90];
	[tilespmem:s10+$0x40] =	vst v7;
	v54 =	vmul.f32 v46, v28  }
0x326: {  	v53 =	vld [tilespmem:s12+$0x50];
	[tilespmem:s10+$0xB0] =	vst v52;
	v56 =	vmul.f32 v48, v5  }
0x327: {  	v58 =	vmul.f32 v14, v32;
	v57 =	vld [tilespmem:s12+$0xB0];
	[tilespmem:s13+$0xFFFFFFD0] =	vst v54  }
0x328: {  	v59 =	vld [tilespmem:s9+$0xFFFFFFF0];
	[tilespmem:s13+$0x40] =	vst v56;
	v60 =	vmul.f32 v50, v34  }
0x329: {  	v61 =	vmul.f32 v51, v21;
	[tilespmem:s13+$0xFFFFFF60] =	vst v58;
	v62 =	vld [tilespmem:s9+$0x50]  }
0x32a: {  	v4 =	vmul.f32 v55, v4;
	v63 =	vld [tilespmem:s9+$0xFFFFFF90];
	[tilespmem:s13+$0xB0] =	vst v60  }
0x32b: {  	[tilespmem:s10+$0xFFFFFFE0] =	vst v61;
	v10 =	vmul.f32 v53, v19;
	v7 =	vld [tilespmem:s9+$0xB0]  }
0x32c: {  	[tilespmem:s10+$0xFFFFFF70] =	vst v4;
	v9 =	vmul.f32 v57, v9  }
0x32d: {  	[tilespmem:s10+$0x50] =	vst v10;
	v4 =	vmul.f32 v59, v28  }
0x32e: {  	[tilespmem:s10+$0xC0] =	vst v9;
	v5 =	vmul.f32 v62, v5  }
0x32f: {  	[tilespmem:s13+$0xFFFFFFE0] =	vst v4;
	v4 =	vmul.f32 v63, v32  }
0x330: {  	s16 =	sadd.s32 $0x1, s16;
	[tilespmem:s13+$0x50] =	vst v5;
	v5 =	vmul.f32 v7, v34  }
0x331: {  	p1 =	sne.s32 s16, $0xA2;
	[tilespmem:s13+$0xFFFFFF70] =	vst v4  }
.Ltmp7:
0x332: {  	[tilespmem:s13+$0xC0] =	vst v5;
	(pc) =	sbr.rel @p1 .LBB2_12-.Ltmp7, $4  }
0x333: {  	[spmem:s22] =	stream.indirect.scatter.add.f32 [tilespmem:s18], [sflag:$0x3], $0x70, s20, s20, $0xb8;
	[tilespmem:$0x190E0] =	vst v63  }
0x334: {  	_ =	swait.ge [sflag:s19], $0x3800  }
0x335: {  	[sflag:s19] =	ssyncset.done $0x0  }
0x336: {  	s2 =	smov.u32 s22;
	[sflag:s19] =	ssyncadd.s32 $0xFFFFC800  }
0x337: {  	[bflag:$0x0] =	sbarrier.arrive $0xFFFF  }
0x338: {  	s0 =	rddreg [dreg:$0xa]  }
0x339: {  	s4 =	rddreg [dreg:$0xd]  }
0x33a: {  	s9 =	rddreg [dreg:$0xe]  }
0x33b: {  	[hbm:s0], [sflag:s4] =	dma.local [spmem:s9], $0x223C  }
0x33c: {  	_ =	swait.ge [sflag:s19], $0x223C  }
0x33d: {  	s21 =	rddreg [dreg:$0xc]  }
0x33e: {  	s22 =	rddreg [dreg:$0xb];
	s4 =	sadd.s32 $0x1, s21  }
0x33f: {  	p1 =	sne.s32 s4, s22  }
.Ltmp8:
0x340: {  	[sflag:s19] =	ssyncset.done $0x0;
	(pc) =	sbr.rel @p1 .LBB2_1-.Ltmp8, $4  }
0x341: {  	[sflag:s19] =	ssyncadd.s32 $0xFFFFDDC4  }
0x342: {  	[bflag:$0x0] =	sbarrier.arrive $0xFFFF  }
0x343: {  	s21 =	rddreg [dreg:$0x4]  }
0x344: {  	s22 =	rddreg [dreg:$0x5]  }
0x345: {  	_ =	sfence.sel $0x180000  }
0x346: {  	[bflag:$0x0] =	sbarrier.arrive $0xFFFF  }
0x347: {  	_ =	strace $0x9000004A  }
0x348: {  	s0 =	stileid.u32;
	[bflag:$0x2] =	sbarrier.arrive $0xFFFF  }
0x349: {  	p0 =	sne.s32 s0, $0x0;
	s0 =	rddreg [dreg:$0x3]  }
0x34a: {  	s0 =	sadd.s32 @!p0 $0x100000, s0  }
0x34b: {  	[sflag:s0] =	ssyncadd.tile.s32 @!p0 $0x1;
	_ =	shalt  }
.Lfunc_end2:
_tile_overlayer_lowered:
.L_overlay_start_2:
0x34c: {  	(tag) =	ssettag $0x2  }
0x34d: {  	s0 =	rddreg [dreg:$0x0];
	s2 =	stileid.u32  }
0x34e: {  	s1 =	rddreg [dreg:$0x1];
	p0 =	sne.s32 s2, $0x0  }
0x34f: {  	s3 =	rddreg [dreg:$0x2];
	[bflag:$0x3] =	sbarrier.arrive $0xFFFF;
	s2 =	simm.s32 @!p0 $0x1C03  }
0x350: {  	[timem:s3], [sflag:s2] =	dma.local @!p0 [hbm:s0], s1  }
0x351: {  	s0 =	simm.s32 @!p0 $0x3  }
0x352: {  	_ =	swait.ge @!p0 [sflag:s0], s1  }
0x353: {  	s1 =	ssub.s32 @!p0 $0x0, s1;
	[sflag:s0] =	ssyncset.done @!p0 $0x0  }
0x354: {  	[sflag:s0] =	ssyncadd.s32 @!p0 s1  }
0x355: {  	[bflag:$0x3] =	sbarrier.arrive $0xFFFF  }
0x356: {  	_ =	shalt  }

// kernel: kernel.8.cloned.1.call-start
scs
__scs_entry_jumppad:
0x0: {  	(pc) =	sbr.rel $0x88, $3  }
0x1: {  	(tag) =	ssettag $0x0;
	lr =	simm.s32 $0x1  }
0x2: {  	[smem:$0x3F92] =	sst lr;
	_ =	strace $0xD0000000  }
0x3: {  	_ = 	snop  }
0x4: {  	_ = 	snop  }
0x5: {  	_ = 	snop  }
0x6: {  	_ = 	snop  }
0x7: {  	_ = 	snop  }
__scs_overlays_trampoline_lowered:
0x8: {  	[smem:$0x3FA1] =	sst s0  }
0x9: {  	[smem:$0x3FA2] =	sst s1  }
0xa: {  	[smem:$0x3FA3] =	sst s2  }
0xb: {  	[smem:$0x3FA4] =	sst s3  }
0xc: {  	[smem:$0x3FA5] =	sst s4  }
0xd: {  	[smem:$0x3FA6] =	sst s5  }
0xe: {  	[smem:$0x3FA7] =	sst s6  }
0xf: {  	[smem:$0x3FA8] =	sst s7  }
0x10: {  	[smem:$0x3FA9] =	sst s8  }
0x11: {  	[smem:$0x3FAA] =	sst s9;
	s0 =	simm.s32 @!p0 $0x0  }
0x12: {  	s1 =	sld [smem:$0x3F90];
	s0 =	simm.s32 @p0 $0x1  }
0x13: {  	[smem:$0x3FAB] =	sst s0;
	s0 =	simm.s32 @!p1 $0x0  }
0x14: {  	s2 =	sld [smem:$0x3F8F];
	s0 =	simm.s32 @p1 $0x1  }
0x15: {  	[smem:$0x3FAC] =	sst s0;
	s0 =	simm.s32 @!p2 $0x0  }
0x16: {  	s3 =	sld [smem:$0x3FDB];
	s0 =	simm.s32 @p2 $0x1  }
0x17: {  	s4 =	simm.s32 $0x1BF5;
	[smem:$0x3FAE] =	sst s0  }
0x18: {  	s0 =	sld [smem:$0x3F91];
	_ =	swait.ge [sflag:s4], $0x0  }
0x19: {  	s7 =	sld [smem:$0x3F92]  }
0x1a: {  	s8 =	sadd.s32 $0xFFFFE003, lr  }
0x1b: {  	s9 =	sadd.s32 $0xFFFFFEF7, lr;
	s5 =	simm.s32 $0xFFFFFFFF;
	p2 =	slt.u32 s8, $0xFFFFF086  }
0x1c: {  	p1 =	slt.u32 s9, $0xF7A;
	s5 =	simm.s32 @!p2 $0x0  }
0x1d: {  	s5 =	simm.s32 @p1 $0x1;
	p0 =	seq.s32 s7, s2  }
0x1e: {  	s7 =	smul.u32 @!p0 $0xF7A, s2;
	p2 =	seq.s32 @!p0 s5, $0x0  }
0x1f: {  	s9 =	smul.u32 $0xF7A, s1;
	s8 =	simm.s32 @!p0 $0x1BF5;
	p2 =	por !p2, p0  }
0x20: {  	[sflag:s8] =	ssyncset.s32 @!p0 $0xFFFFF086;
	s6 =	sadd.s32 @!p0 s3, s7;
	s7 =	simm.s32 @!p0 $0x108  }
0x21: {  	s3 =	sadd.s32 s3, s9;
	s6 =	sadd.s32 @!p0 $0x88, s6;
	s7 =	simm.s32 @p2 $0x1082  }
0x22: {  	[simem:s7], [sflag:s8] =	dma.local @!p0 [hbm:s6], $0xF7A  }
0x23: {  	s9 =	sor.u32 $0xD0000000, s2;
	s6 =	simm.s32 $0x108;
	_ =	swait.ge @!p0 [sflag:s8], $0x0  }
0x24: {  	s3 =	sadd.s32 $0x88, s3;
	s6 =	simm.s32 @!p1 $0x1082;
	[sflag:s4] =	ssyncset.s32 $0xFFFFF086  }
0x25: {  	[simem:s6], [sflag:s4] =	dma.local [hbm:s3], $0xF7A  }
0x26: {  	[smem:$0x3F92] =	sst s1;
	(tag) =	ssettag s2;
	_ =	strace s9  }
0x27: {  	s1 =	sld [smem:$0x3FA2]  }
0x28: {  	s2 =	sld [smem:$0x3FA3]  }
0x29: {  	s4 =	sld [smem:$0x3FA5]  }
0x2a: {  	p0 =	seq.s32 s5, $0x0;
	s5 =	sld [smem:$0x3FA6]  }
0x2b: {  	s6 =	sld [smem:$0x3FA7]  }
0x2c: {  	s7 =	sld [smem:$0x3FA8]  }
0x2d: {  	s3 =	simm.s32 $0x108;
	s8 =	sld [smem:$0x3FA9]  }
0x2e: {  	s3 =	simm.s32 @!p0 $0x1082;
	s9 =	sld [smem:$0x3FAA]  }
0x2f: {  	lr =	sadd.s32 s0, s3;
	s0 =	sld [smem:$0x3FA1]  }
0x30: {  	s3 =	sld [smem:$0x3FA4]  }
0x31: {  	[smem:$0x3FAD] =	sst s10  }
0x32: {  	s10 =	sld [smem:$0x3FAB];
	_ =	sdelay $0x3  }
0x33: {  	p0 =	seq.s32 s10, $0x1;
	s10 =	sld [smem:$0x3FAD];
	_ =	sdelay $0x3  }
0x34: {  	[smem:$0x3FAD] =	sst s10  }
0x35: {  	s10 =	sld [smem:$0x3FAC];
	_ =	sdelay $0x3  }
0x36: {  	p1 =	seq.s32 s10, $0x1;
	s10 =	sld [smem:$0x3FAD];
	_ =	sdelay $0x3  }
0x37: {  	[smem:$0x3FAD] =	sst s10  }
0x38: {  	s10 =	sld [smem:$0x3FAE]  }
0x39: {  	_ = 	snop;
	(pc) =	sbr.ind lr, $3  }
0x3a: {  	_ = 	snop  }
0x3b: {  	_ = 	snop  }
0x3c: {  	p2 =	seq.s32 s10, $0x1;
	s10 =	sld [smem:$0x3FAD]  }
0x3d: {  	_ =	shalt  }
0x3e: {  	_ =	shalt  }
0x3f: {  	_ =	shalt  }
0x40: {  	_ =	shalt  }
0x41: {  	_ =	shalt  }
0x42: {  	_ =	shalt  }
0x43: {  	_ =	shalt  }
0x44: {  	_ =	shalt  }
0x45: {  	_ =	shalt  }
0x46: {  	_ =	shalt  }
0x47: {  	_ =	shalt  }
0x48: {  	_ =	shalt  }
0x49: {  	_ =	shalt  }
0x4a: {  	_ =	shalt  }
0x4b: {  	_ =	shalt  }
0x4c: {  	_ =	shalt  }
0x4d: {  	_ =	shalt  }
0x4e: {  	_ =	shalt  }
0x4f: {  	_ =	shalt  }
0x50: {  	_ =	shalt  }
0x51: {  	_ =	shalt  }
0x52: {  	_ =	shalt  }
0x53: {  	_ =	shalt  }
0x54: {  	_ =	shalt  }
0x55: {  	_ =	shalt  }
0x56: {  	_ =	shalt  }
0x57: {  	_ =	shalt  }
0x58: {  	_ =	shalt  }
0x59: {  	_ =	shalt  }
0x5a: {  	_ =	shalt  }
0x5b: {  	_ =	shalt  }
0x5c: {  	_ =	shalt  }
0x5d: {  	_ =	shalt  }
0x5e: {  	_ =	shalt  }
0x5f: {  	_ =	shalt  }
0x60: {  	_ =	shalt  }
0x61: {  	_ =	shalt  }
0x62: {  	_ =	shalt  }
0x63: {  	_ =	shalt  }
0x64: {  	_ =	shalt  }
0x65: {  	_ =	shalt  }
0x66: {  	_ =	shalt  }
0x67: {  	_ =	shalt  }
0x68: {  	_ =	shalt  }
0x69: {  	_ =	shalt  }
0x6a: {  	_ =	shalt  }
0x6b: {  	_ =	shalt  }
0x6c: {  	_ =	shalt  }
0x6d: {  	_ =	shalt  }
0x6e: {  	_ =	shalt  }
0x6f: {  	_ =	shalt  }
0x70: {  	_ =	shalt  }
0x71: {  	_ =	shalt  }
0x72: {  	_ =	shalt  }
0x73: {  	_ =	shalt  }
0x74: {  	_ =	shalt  }
0x75: {  	_ =	shalt  }
0x76: {  	_ =	shalt  }
0x77: {  	_ =	shalt  }
0x78: {  	_ =	shalt  }
0x79: {  	_ =	shalt  }
0x7a: {  	_ =	shalt  }
0x7b: {  	_ =	shalt  }
0x7c: {  	_ =	shalt  }
0x7d: {  	_ =	shalt  }
0x7e: {  	_ =	shalt  }
0x7f: {  	_ =	shalt  }
0x80: {  	_ =	shalt  }
0x81: {  	_ =	shalt  }
0x82: {  	_ =	shalt  }
0x83: {  	_ =	shalt  }
0x84: {  	_ =	shalt  }
0x85: {  	_ =	shalt  }
0x86: {  	_ =	shalt  }
0x87: {  	_ =	shalt  }
.Lfunc_end0:
.L_simem_size_0:
called_computation_lowered:
.L_overlay_start_0:
0x88: {  	s2 =	sld [smem:$0x3FD9]  }
0x89: {  	s3 =	sld [smem:$0x3FFE];
	_ =	sdelay $0x1  }
0x8a: {  	s1 =	srdreg.scid  }
0x8b: {  	s0 =	sand.u32 $0x1, s1  }
0x8c: {  	s17 =	sshll.u32 s0, $0xA;
	s2 =	sadd.s32 s3, s2  }
0x8d: {  	s2 =	sadd.s32 s2, s17  }
0x8e: {  	[smem:$0x3FB9] =	sst s2  }
0x8f: {  	_ = 	snop  }
0x90: {  	s2 =	sld [smem:$0x3FD0];
	(tm) =	ssettm $0x1  }
0x91: {  	s18 =	sld [smem:$0x3FFB];
	_ =	sdelay $0x3  }
0x92: {  	_ =	strace s18  }
0x93: {  	s3 =	sld [smem:$0x3FFC];
	_ =	sdelay $0x3  }
0x94: {  	_ =	strace s3  }
0x95: {  	s3 =	sld [smem:$0x3FFD];
	_ =	sdelay $0x3  }
0x96: {  	_ =	strace s3  }
0x97: {  	_ =	strace $0x8FFFFFFF  }
0x98: {  	s19 =	sld [smem:$0x3FDB];
	_ =	sdelay $0x1  }
0x99: {  	s4 =	simm.s32 $_scs_section_size  }
0x9a: {  	s5 =	simm.s32 $_size__tile_overlayer_lowered;
	s6 =	simm.s32 $_tile_overlayer_lowered  }
0x9b: {  	s22 =	simm.s32 $0x1BFF;
	s21 =	sshll.u32 s6, $0x1;
	s3 =	sadd.s32 s4, s19  }
0x9c: {  	s7 =	simm.s32 $0x0;
	s20 =	sshll.u32 s5, $0x1;
	s5 =	sadd.s32 s21, s3  }
0x9d: {  	[timem:s7], [sflag:s22] =	dma.local [hbm:s5], s20  }
0x9e: {  	_ =	swait.ge [sflag:s22], s20  }
0x9f: {  	s4 =	ssub.s32 $0x0, s20;
	[sflag:s22] =	ssyncset.done $0x0  }
0xa0: {  	[sflag:s22] =	ssyncadd.s32 s4;
	_ =	sdelay $0x1  }
0xa1: {  	s23 =	simm.s32 $0x1B8B  }
0xa2: {  	_ =	swait.ge [sflag:s23], $0x1  }
0xa3: {  	[sflag:s23] =	ssyncset.done $0x0  }
0xa4: {  	s25 =	simm.s32 $0x1B8E;
	s24 =	sld [smem:$0x3FFE];
	[sflag:s23] =	ssyncadd.s32 $0xFFFFFFFF  }
0xa5: {  	s26 =	simm.s32 $execute0_lowered;
	[smem:$0x3FD2] =	sst s25  }
0xa6: {  	s5 =	sshll.u32 s26, $0x1;
	_ =	strace $0x80000046;
	[dreg:$0x1] =	wrdreg $0xFFFFFFFF  }
0xa7: {  	s28 =	simm.s32 $_size_execute0_lowered;
	s3 =	sadd.s32 s3, s5;
	[dreg:$0x0] =	wrdreg $0x0  }
0xa8: {  	s5 =	sshll.u32 s28, $0x1;
	[dreg:$0x2] =	wrdreg s3  }
0xa9: {  	[dreg:$0x3] =	wrdreg s5  }
0xaa: {  	[dreg:$0x4] =	wrdreg $0xC0  }
0xab: {  	_ =	task [dreg:s7], $0x5FFFF  }
0xac: {  	[dreg:$0x1] =	wrdreg $0xFFFFFFFF  }
0xad: {  	[dreg:$0x0] =	wrdreg $0x60  }
0xae: {  	[dreg:$0x2] =	wrdreg s24  }
0xaf: {  	[dreg:$0x3] =	wrdreg s2  }
0xb0: {  	[dreg:$0x4] =	wrdreg $0x7F000  }
0xb1: {  	[dreg:$0x5] =	wrdreg $0x9  }
0xb2: {  	_ =	task.clear_ibuf [dreg:s7], $0x6FFFF;
	_ =	strace $0x90000046  }
0xb3: {  	s29 =	simm.s32 $0x9;
	_ =	strace $0x80000048  }
0xb4: {  	_ =	swait.ge [sflag:s29], $0x1  }
0xb5: {  	[sflag:s29] =	ssyncadd.s32 $0xFFFFFFFF  }
0xb6: {  	_ =	strace $0x90000048  }
0xb7: {  	_ =	sfence  }
0xb8: {  	s30 =	sld [smem:$0x0];
	_ =	sdelay $0x2  }
0xb9: {  	s31 =	sshll.u32 s1, $0xD;
	s1 =	sshrl.u32 s1, $0x2  }
0xba: {  	s3 =	sand.u32 $0x4000, s31;
	s1 =	sadd.s32 s1, s30  }
0xbb: {  	s0 =	sor.u32 s3, s0;
	s1 =	sshll.u32 s1, $0x11  }
0xbc: {  	s0 =	sor.u32 s1, s0  }
0xbd: {  	s0 =	sadd.s32 $0x8F2B, s0  }
0xbe: {  	[sflag:s0] =	ssyncadd.remote.s32 $0x1  }
0xbf: {  	_ =	sfence.sel $0xFFFF  }
0xc0: {  	[dreg:$0x0] =	wrdreg $0xFFFFFFFF;
	(pc) =	sbr.abs _section_cstart, $3  }
0xc1: {  	[dreg:$0x1] =	wrdreg $0xFFFFFFFF  }
0xc2: {  	_ =	task.clear_ibuf [dreg:s7], $0x2FFFF;
	_ =	strace $0x9FFFFFFF  }
0xc3: {  	(tm) =	ssettm $0x7FFFFFFF  }
tec
execute0_lowered:
.L_overlay_start_1:
0x0: {  	(tag) =	ssettag $0x1  }
0x1: {  	s0 =	rddreg [dreg:$0x0]  }
0x2: {  	s1 =	rddreg [dreg:$0x1]  }
0x3: {  	s2 =	rddreg [dreg:$0x2]  }
0x4: {  	s3 =	simm.s32 $0x0;
	s4 =	srdreg.scid;
	s15 =	stileid.u32  }
0x5: {  	s18 =	simm.s32 $0x4580;
	s19 =	simm.s32 $0x3;
	s20 =	simm.s32 $0x80  }
0x6: {  	s23 =	simm.s32 $0x180;
	s24 =	simm.s32 $0x980;
	s28 =	simm.s32 $0x1  }
0x7: {  	s29 =	simm.s32 $0x7D80;
	s30 =	simm.s32 $0x7E00;
	s31 =	simm.s32 $0x7E80  }
0x8: {  	[smem:$0x7FF] =	sst s3;
	s5 =	sadd.s32 $0xA0800, s0;
	s6 =	sadd.s32 $0x4000, s0  }
0x9: {  	s4 =	sand.u32 $0x1, s4;
	s9 =	smul.u32 $0x111E0, s15;
	s7 =	sadd.s32 $0x9000, s0  }
0xa: {  	s11 =	smul.u32 $0x44780, s15;
	s8 =	sadd.s32 $0x1CC00, s0;
	s0 =	sadd.s32 $0x115E00, s0  }
0xb: {  	_ =	strace $0x80000047;
	s10 =	ssub.s32 $0x2, s4;
	s25 =	smul.u32 $0x223C00, s4  }
0xc: {  	s13 =	sshllo.u32 s4, $0x1;
	p0 =	seq.s32 s4, $0x0;
	s12 =	sshrl.u32 s10, $0x1  }
0xd: {  	s21 =	sadd.s32 s9, s2;
	s11 =	sshrl.u32 s11, $0x2;
	s26 =	smul.u32 $0x111E00, s13  }
0xe: {  	s17 =	smul.u32 $0x2720, s13;
	s10 =	ssub.s32 s10, s12;
	s11 =	sadd.s32 s11, s2  }
0xf: {  	s12 =	sadd.s32 s9, s25;
	[dreg:$0x4] =	wrdreg s21;
	s14 =	sadd.s32 $0x7000, s11  }
0x10: {  	s25 =	simm.s32 $0x1180;
	s16 =	sadd.s32 $0xA800, s11;
	[dreg:$0x6] =	wrdreg s14  }
0x11: {  	s22 =	sadd.s32 $0x3800, s11;
	s11 =	sadd.s32 $0xE000, s11;
	[dreg:$0x7] =	wrdreg s16  }
0x12: {  	s9 =	sadd.s32 s9, s26;
	s26 =	smax.u32 s10, $0x1;
	[dreg:$0x8] =	wrdreg s11  }
0x13: {  	s16 =	smul.u32 $0x4E40, s4;
	s11 =	sshrl.u32 s12, $0x3;
	[dreg:$0xb] =	wrdreg s26  }
0x14: {  	v2 =	vimm.f32 $0.0e+00;
	s9 =	sshrl.u32 s9, $0x3;
	[dreg:$0x5] =	wrdreg s22;
	s11 =	sadd.s32 s0, s11  }
0x15: {  	v3 =	vlaneseq.u32;
	vm0 =	vcmask $0x3F0C;
	vm1 =	vcmask $0x3F08;
	s14 =	smul.u32 $0x5100, s15;
	s0 =	sadd.s32 s0, s9;
	[dreg:$0x9] =	wrdreg s11  }
0x16: {  	vm2 =	vmmov $0x1;
	v1 =	vmov s17;
	s26 =	simm.s32 $0x2;
	s4 =	simm.s32 $0x0;
	[dreg:$0xa] =	wrdreg s0;
	v0 =	vmov s16  }
.LBB2_1:
0x17: {  	[dreg:$0xc] =	wrdreg s4;
	s4 =	simm.s32 $0x0;
	s9 =	simm.s32 $0x1C0  }
.LBB2_2:
0x18: {  	p1 =	sne.s32 s9, $0xDE40;
	[tilespmem:s4+$0x45E0] =	vst v2  }
0x19: {  	[tilespmem:s4+$0x4580] =	vst v2  }
.Ltmp0:
0x1a: {  	[tilespmem:s4+$0x4590] =	vst v2;
	(pc) =	sbr.rel @p1 .LBB2_2-.Ltmp0, $4  }
0x1b: {  	[tilespmem:s4+$0x45A0] =	vst v2  }
0x1c: {  	[tilespmem:s4+$0x45B0] =	vst v2  }
0x1d: {  	[tilespmem:s4+$0x45C0] =	vst v2  }
0x1e: {  	[tilespmem:s4+$0x45D0] =	vst v2;
	s4 =	sshra.s32 s9, $0x2;
	s9 =	sadd.s32 $0x1C0, s9  }
0x1f: {  	[tilespmem:s4+$0x45E0] =	vst v2  }
0x20: {  	[tilespmem:s4+$0x4580] =	vst v2  }
0x21: {  	[tilespmem:s4+$0x4590] =	vst v2  }
0x22: {  	[tilespmem:s4+$0x45A0] =	vst v2  }
0x23: {  	[tilespmem:s4+$0x45B0] =	vst v2  }
0x24: {  	[tilespmem:s4+$0x45C0] =	vst v2  }
0x25: {  	[tilespmem:s4+$0x45D0] =	vst v2  }
0x26: {  	[spmem:s21] =	stream.linear.scatter [tilespmem:s18], [sflag:$0x3], $0x3800, $0x38;
	[tilespmem:$0x190E0] =	vst v63  }
0x27: {  	_ =	swait.ge [sflag:s19], $0x3800  }
0x28: {  	[sflag:s19] =	ssyncset.done $0x0  }
0x29: {  	[sflag:s19] =	ssyncadd.s32 $0xFFFFC800  }
0x2a: {  	[spmem:s22] =	stream.linear.scatter [tilespmem:s18], [sflag:$0x3], $0x3800, $0x38;
	[tilespmem:$0x190E0] =	vst v63  }
0x2b: {  	_ =	swait.ge [sflag:s19], $0x3800  }
0x2c: {  	[sflag:s19] =	ssyncset.done $0x0  }
0x2d: {  	s0 =	rddreg [dreg:$0x6];
	[sflag:s19] =	ssyncadd.s32 $0xFFFFC800  }
0x2e: {  	[spmem:s0] =	stream.linear.scatter [tilespmem:s18], [sflag:$0x3], $0x3800, $0x38;
	[tilespmem:$0x190E0] =	vst v63  }
0x2f: {  	_ =	swait.ge [sflag:s19], $0x3800  }
0x30: {  	[sflag:s19] =	ssyncset.done $0x0  }
0x31: {  	s16 =	rddreg [dreg:$0x7];
	[sflag:s19] =	ssyncadd.s32 $0xFFFFC800  }
0x32: {  	[spmem:s16] =	stream.linear.scatter [tilespmem:s18], [sflag:$0x3], $0x3800, $0x38;
	[tilespmem:$0x190E0] =	vst v63  }
0x33: {  	_ =	swait.ge [sflag:s19], $0x3800  }
0x34: {  	[sflag:s19] =	ssyncset.done $0x0  }
0x35: {  	s17 =	rddreg [dreg:$0x8];
	[sflag:s19] =	ssyncadd.s32 $0xFFFFC800  }
0x36: {  	[spmem:s17] =	stream.linear.scatter [tilespmem:s18], [sflag:$0x3], $0x31E0, $0x38;
	[tilespmem:$0x190E0] =	vst v63  }
0x37: {  	_ =	swait.ge [sflag:s19], $0x31E0  }
0x38: {  	[sflag:s19] =	ssyncset.done $0x0  }
0x39: {  	[sflag:s19] =	ssyncadd.s32 $0xFFFFCE20  }
0x3a: {  	s4 =	simm.s32 $0x0;
	[bflag:$0x0] =	sbarrier.arrive $0xFFFF  }
.LBB2_4:
0x3b: {  	s9 =	sshll.u32 s4, $0x7  }
0x3c: {  	s9 =	sadd.s32 s14, s9  }
0x3d: {  	s10 =	sshrl.u32 s9, $0x3  }
0x3e: {  	s11 =	sadd.s32 s7, s10  }
0x3f: {  	[tilespmem:s3], [sflag:$0x3] =	stream.linear.gather [hbm4b:s11+s3], $0x80, $0x38;
	[tilespmem:$0x190E0] =	vst v63  }
0x40: {  	_ =	swait.ge [sflag:s19], $0x80  }
0x41: {  	[sflag:s19] =	ssyncset.done $0x0  }
0x42: {  	s10 =	sadd.s32 s8, s10;
	[sflag:s19] =	ssyncadd.s32 $0xFFFFFF80  }
0x43: {  	[tilespmem:s20], [sflag:$0x3] =	stream.linear.gather [hbm4b:s10+s3], $0x80, $0x38;
	[tilespmem:$0x190E0] =	vst v63  }
0x44: {  	_ =	swait.ge [sflag:s19], $0x80  }
0x45: {  	[sflag:s19] =	ssyncset.done $0x0  }
0x46: {  	[sflag:s19] =	ssyncadd.s32 $0xFFFFFF80  }
0x47: {  	v4 =	vld [tilespmem:$0x0]  }
0x48: {  	v5 =	vld [tilespmem:$0x10]  }
0x49: {  	v6 =	vld [tilespmem:$0x20]  }
0x4a: {  	v7 =	vld [tilespmem:$0x30]  }
0x4b: {  	v8 =	vld [tilespmem:$0x40]  }
0x4c: {  	v9 =	vld [tilespmem:$0x50];
	v4 =	vadd.s32 v0, v4  }
0x4d: {  	[tilespmem:$0x100] =	vst v4;
	v4 =	vadd.s32 v0, v5;
	v5 =	vld [tilespmem:$0x60]  }
0x4e: {  	[tilespmem:$0x110] =	vst v4;
	v4 =	vadd.s32 v0, v6;
	v6 =	vld [tilespmem:$0x70]  }
0x4f: {  	[tilespmem:$0x120] =	vst v4;
	v4 =	vadd.s32 v0, v7  }
0x50: {  	[tilespmem:$0x130] =	vst v4;
	v4 =	vadd.s32 v0, v8  }
0x51: {  	[tilespmem:$0x140] =	vst v4;
	v4 =	vadd.s32 v0, v9  }
0x52: {  	[tilespmem:$0x150] =	vst v4;
	v4 =	vadd.s32 v0, v5  }
0x53: {  	[tilespmem:$0x160] =	vst v4;
	v4 =	vadd.s32 v0, v6  }
0x54: {  	s0 =	simm.s32 $0x100;
	s17 =	simm.s32 $0x1580;
	[tilespmem:$0x170] =	vst v4  }
0x55: {  	[tilespmem:s17], [sflag:$0x1] =	stream.indirect.gather [hbm4b:s5+s20], $0x60, s0, s20, $0xb8;
	[tilespmem:$0x190E0] =	vst v63  }
0x56: {  	_ = 	snop  }
0x57: {  	[tilespmem:s23], [sflag:$0x2] =	stream.indirect.gather [hbm4b:s6+s20], $0x10, s3, s20, $0xb8;
	[tilespmem:$0x190E0] =	vst v63  }
0x58: {  	_ = 	snop  }
0x59: {  	[tilespmem:s24], [sflag:$0x2] =	stream.indirect.gather [hbm4b:s6+s20], $0x10, s20, s20, $0xb8;
	[tilespmem:$0x190E0] =	vst v63  }
0x5a: {  	s9 =	sadd.s32 s1, s9  }
0x5b: {  	[tilespmem:s25], [sflag:$0x3] =	stream.linear.gather [hbm4b:s9+s3], $0x400, $0x38;
	[tilespmem:$0x190E0] =	vst v63  }
0x5c: {  	_ =	swait.ge [sflag:s19], $0x400  }
0x5d: {  	[sflag:s19] =	ssyncset.done $0x0  }
0x5e: {  	s11 =	simm.s32 $0x10;
	[sflag:s19] =	ssyncadd.s32 $0xFFFFFC00  }
0x5f: {  	v4 =	vor.u32 s11, v3;
	_ =	swait.ge [sflag:s26], $0x800  }
0x60: {  	v13 =	vshll.u32 v4, $0x4;
	[sflag:s26] =	ssyncset.done $0x0  }
0x61: {  	v5 =	vor.u32 $0x3, v13;
	[sflag:s26] =	ssyncadd.s32 $0xFFFFF800  }
0x62: {  	_ =	swait.ge [sflag:s26], $0x800  }
0x63: {  	v15 =	vshll.u32 v4, $0x3;
	[sflag:s26] =	ssyncset.done $0x0  }
0x64: {  	s12 =	simm.s32 $0x0;
	[sflag:s26] =	ssyncadd.s32 $0xFFFFF800  }
0x65: {  	v6 =	vor.u32 s12, v3;
	v4 =	vld.idx.msk [tilespmem:v13+s23+$0x0], $0xffff  }
0x66: {  	v9 =	vshll.u32 v6, $0x4;
	v7 =	vor.u32 $0x6, v13;
	v5 =	vld.idx.msk [tilespmem:v5+s24+$0x0], $0xffff  }
0x67: {  	v10 =	vor.u32 $0x3, v9  }
0x68: {  	v8 =	vld.idx.msk [tilespmem:v15+s25+$0x0], $0xffff;
	_ =	sdelay $0x1  }
0x69: {  	v14 =	vshll.u32 v6, $0x3  }
0x6a: {  	v6 =	vld.idx.msk [tilespmem:v7+s24+$0x0], $0xffff;
	v4 =	vadd.f32 v5, v4  }
0x6b: {  	v7 =	vld.idx.msk [tilespmem:v10+s24+$0x0], $0xffff  }
0x6c: {  	v5 =	vld.idx.msk [tilespmem:v9+s23+$0x0], $0xffff;
	v4 =	vadd.f32 v8, v4;
	_ =	sdelay $0x1  }
0x6d: {  	v10 =	vor.u32 $0x6, v9;
	v11 =	vld.idx.msk [tilespmem:v14+s25+$0x0], $0xffff;
	v8 =	vmul.f32 $2.000000030e-01, v4;
	_ =	sdelay $0x1  }
0x6e: {  	s13 =	simm.s32 $0x30;
	v4 =	vmax.f32 v4, v8  }
0x6f: {  	v5 =	vadd.f32 v7, v5;
	v8 =	vor.u32 s13, v3;
	v4 =	vsub.f32 v4, v6  }
0x70: {  	v6 =	vshll.u32 v8, $0x4  }
0x71: {  	v10 =	vld.idx.msk [tilespmem:v10+s24+$0x0], $0xffff;
	v5 =	vadd.f32 v11, v5;
	v7 =	vor.u32 $0x3, v6;
	v4 =	vmul.f32 $1.442695020e+00, v4;
	_ =	sdelay $0x1  }
0x72: {  	v12 =	vshll.u32 v8, $0x3;
	(erf) = vpow2.f32 v4;
	v4 =	vmul.f32 $2.000000030e-01, v5;
	_ =	sdelay $0x1  }
0x73: {  	v8 =	vld.idx.msk [tilespmem:v6+s23+$0x0], $0xffff;
	v4 =	vmax.f32 v5, v4  }
0x74: {  	v5 =	vld.idx.msk [tilespmem:v7+s24+$0x0], $0xffff;
	v4 =	vsub.f32 v4, v10  }
0x75: {  	s15 =	simm.s32 $0x20  }
0x76: {  	v17 =	vor.u32 s15, v3;
	v7 =	vor.u32 $0x6, v6;
	v10 =	vld.idx.msk [tilespmem:v12+s25+$0x0], $0xffff;
	v11 =	vmul.f32 $1.442695020e+00, v4  }
0x77: {  	v4 =	vshll.u32 v17, $0x4  }
0x78: {  	v16 =	vor.u32 $0x4, v13  }
0x79: {  	v18 =	vor.u32 $0x3, v4;
	(erf) = vpow2.f32 v11;
	v8 =	vadd.f32 v5, v8  }
0x7a: {  	s16 =	simm.s32 $0x7D90;
	v5 =	vshll.u32 v17, $0x3;
	v11 =	vpop (erf)  }
0x7b: {  	v7 =	vld.idx.msk [tilespmem:v7+s24+$0x0], $0xffff;
	v8 =	vadd.f32 v10, v8;
	[tilespmem:s16+$0x0] =	vst v11;
	v11 =	vor.u32 $0x1, v13  }
0x7c: {  	v17 =	vld.idx.msk [tilespmem:v4+s23+$0x0], $0xffff  }
0x7d: {  	v10 =	vld.idx.msk [tilespmem:v16+s24+$0x0], $0xffff;
	v16 =	vor.u32 $0x1, v15;
	v19 =	vmul.f32 $2.000000030e-01, v8  }
0x7e: {  	v18 =	vld.idx.msk [tilespmem:v18+s24+$0x0], $0xffff  }
0x7f: {  	v21 =	vor.u32 $0x4, v9;
	v20 =	vld.idx.msk [tilespmem:v5+s25+$0x0], $0xffff;
	v8 =	vmax.f32 v8, v19  }
0x80: {  	v19 =	vor.u32 $0x1, v9;
	v7 =	vsub.f32 v8, v7;
	v11 =	vld.idx.msk [tilespmem:v11+s23+$0x0], $0xffff  }
0x81: {  	v8 =	vor.u32 $0x6, v4  }
0x82: {  	v23 =	vor.u32 $0x1, v14;
	v16 =	vld.idx.msk [tilespmem:v16+s25+$0x0], $0xffff;
	v22 =	vpop (erf);
	v7 =	vmul.f32 $1.442695020e+00, v7  }
0x83: {  	v24 =	vor.u32 $0x7, v13;
	v17 =	vadd.f32 v18, v17;
	[tilespmem:s16+$0xFFFFFFF0] =	vst v22  }
0x84: {  	v18 =	vld.idx.msk [tilespmem:v21+s24+$0x0], $0xffff;
	(erf) = vpow2.f32 v7  }
0x85: {  	v7 =	vadd.f32 v20, v17;
	v17 =	vld.idx.msk [tilespmem:v19+s23+$0x0], $0xffff;
	v10 =	vadd.f32 v10, v11  }
0x86: {  	v8 =	vld.idx.msk [tilespmem:v8+s24+$0x0], $0xffff  }
0x87: {  	v19 =	vor.u32 $0x7, v9;
	v20 =	vld.idx.msk [tilespmem:v23+s25+$0x0], $0xffff;
	v11 =	vmul.f32 $2.000000030e-01, v7;
	v10 =	vadd.f32 v16, v10  }
0x88: {  	v16 =	vld.idx.msk [tilespmem:v24+s24+$0x0], $0xffff  }
0x89: {  	s17 =	simm.s32 $0x40;
	v7 =	vmax.f32 v7, v11;
	v11 =	vmul.f32 $2.000000030e-01, v10  }
0x8a: {  	s12 =	simm.s32 $0x50;
	v21 =	vor.u32 s17, v3;
	v17 =	vadd.f32 v18, v17;
	v18 =	vor.u32 $0x1, v12  }
0x8b: {  	v23 =	vor.u32 s12, v3;
	v22 =	vsub.f32 v7, v8;
	v8 =	vshll.u32 v21, $0x4  }
0x8c: {  	v19 =	vld.idx.msk [tilespmem:v19+s24+$0x0], $0xffff;
	v7 =	vshll.u32 v23, $0x4;
	v17 =	vadd.f32 v20, v17;
	v10 =	vmax.f32 v10, v11  }
0x8d: {  	s11 =	simm.s32 $0x7DB0;
	v10 =	vsub.f32 v10, v16;
	v16 =	vor.u32 $0x3, v7;
	v11 =	vpop (erf)  }
0x8e: {  	v20 =	vmul.f32 $1.442695020e+00, v22;
	v22 =	vor.u32 $0x3, v8;
	v24 =	vmul.f32 $2.000000030e-01, v17;
	[tilespmem:s11+$0x0] =	vst v11  }
0x8f: {  	v11 =	vshll.u32 v23, $0x3;
	v26 =	vld.idx.msk [tilespmem:v18+s25+$0x0], $0xffff;
	v18 =	vmul.f32 $1.442695020e+00, v10  }
0x90: {  	(erf) = vpow2.f32 v20;
	v17 =	vmax.f32 v17, v24;
	v10 =	vshll.u32 v21, $0x3;
	v21 =	vld.idx.msk [tilespmem:v8+s23+$0x0], $0xffff  }
0x91: {  	v27 =	vor.u32 $0x1, v6;
	v17 =	vsub.f32 v17, v19;
	v19 =	vld.idx.msk [tilespmem:v7+s23+$0x0], $0xffff;
	(erf) = vpow2.f32 v18  }
0x92: {  	v16 =	vld.idx.msk [tilespmem:v16+s24+$0x0], $0xffff;
	v18 =	vor.u32 $0x6, v8  }
0x93: {  	v20 =	vor.u32 $0x4, v6;
	v22 =	vld.idx.msk [tilespmem:v22+s24+$0x0], $0xffff;
	v17 =	vmul.f32 $1.442695020e+00, v17  }
0x94: {  	v23 =	vor.u32 $0x6, v7;
	v24 =	vld.idx.msk [tilespmem:v11+s25+$0x0], $0xffff  }
0x95: {  	v25 =	vor.u32 $0x7, v6;
	(erf) = vpow2.f32 v17;
	v17 =	vld.idx.msk [tilespmem:v10+s25+$0x0], $0xffff  }
0x96: {  	v28 =	vor.u32 $0x4, v4;
	v27 =	vld.idx.msk [tilespmem:v27+s23+$0x0], $0xffff  }
0x97: {  	v29 =	vld.idx.msk [tilespmem:v18+s24+$0x0], $0xffff;
	v16 =	vadd.f32 v16, v19;
	v18 =	vor.u32 $0x2, v15  }
0x98: {  	v20 =	vld.idx.msk [tilespmem:v20+s24+$0x0], $0xffff;
	v15 =	vadd.f32 v22, v21;
	v21 =	vor.u32 $0x5, v13  }
0x99: {  	v19 =	vld.idx.msk [tilespmem:v23+s24+$0x0], $0xffff;
	v23 =	vpop (erf);
	v22 =	vadd.f32 v24, v16;
	v24 =	vor.u32 $0x2, v13  }
0x9a: {  	s13 =	simm.s32 $0x7E10;
	[tilespmem:s11+$0xFFFFFFF0] =	vst v23;
	v23 =	vor.u32 $0x1, v4;
	v16 =	vld.idx.msk [tilespmem:v25+s24+$0x0], $0xffff;
	v25 =	vadd.f32 v17, v15;
	v17 =	vpop (erf)  }
0x9b: {  	v62 =	vor.u32 $0x2, v9;
	v15 =	vld.idx.msk [tilespmem:v28+s24+$0x0], $0xffff;
	v30 =	vmul.f32 $2.000000030e-01, v22;
	[tilespmem:s13+$0x0] =	vst v17  }
0x9c: {  	v32 =	vor.u32 $0x5, v9;
	v31 =	vmul.f32 $2.000000030e-01, v25;
	v17 =	vld.idx.msk [tilespmem:v18+s25+$0x0], $0xffff  }
0x9d: {  	v63 =	vor.u32 $0x1, v5;
	v22 =	vmax.f32 v22, v30;
	v18 =	vld.idx.msk [tilespmem:v21+s24+$0x0], $0xffff  }
0x9e: {  	v33 =	vpop (erf);
	v25 =	vmax.f32 v25, v31;
	v22 =	vsub.f32 v22, v19;
	v21 =	vld.idx.msk [tilespmem:v24+s23+$0x0], $0xffff  }
0x9f: {  	[tilespmem:s13+$0xFFFFFFF0] =	vst v33;
	v19 =	vld.idx.msk [tilespmem:v23+s23+$0x0], $0xffff;
	v23 =	vor.u32 $0x2, v14;
	v25 =	vsub.f32 v25, v29  }
0xa0: {  	v27 =	vadd.f32 v20, v27;
	v24 =	vor.u32 $0x8, v13;
	v20 =	vld.idx.msk [tilespmem:v62+s23+$0x0], $0xffff;
	v22 =	vmul.f32 $1.442695020e+00, v22  }
0xa1: {  	v14 =	vld.idx.msk [tilespmem:v32+s24+$0x0], $0xffff;
	v13 =	vmul.f32 $1.442695020e+00, v25;
	v25 =	vor.u32 $0x7, v4  }
0xa2: {  	s15 =	simm.s32 $0x4;
	s10 =	simm.s32 $0x7E90;
	s9 =	simm.s32 $0x7E90;
	v26 =	vadd.f32 v26, v27;
	(erf) = vpow2.f32 v22;
	v22 =	vld.idx.msk [tilespmem:v63+s25+$0x0], $0xffff  }
.LBB2_5:
0xa3: {  	s15 =	sadd.s32 $0x2, s15;
	s13 =	sadd.s32 $0x20, s13;
	s9 =	sadd.s32 $0x20, s9  }
0xa4: {  	v28 =	vor.u32 $0x8, v9;
	v18 =	vadd.f32 v18, v21;
	v9 =	vmovc v4;
	v4 =	vmovc v8;
	p1 =	slt.u32 s15, $0x6;
	v27 =	vmul.f32 $2.000000030e-01, v26;
	v23 =	vld.idx.msk [tilespmem:v23+s25+$0x0], $0xffff  }
0xa5: {  	v21 =	vld.idx.msk [tilespmem:v24+s24+$0x0], $0xffff  }
0xa6: {  	v17 =	vadd.f32 v17, v18;
	v24 =	vld.idx.msk [tilespmem:v25+s24+$0x0], $0xffff;
	v8 =	vmax.f32 v26, v27  }
0xa7: {  	s12 =	sadd.s32 $0x20, s12;
	v15 =	vadd.f32 v15, v19;
	v18 =	vor.u32 $0x4, v7;
	v16 =	vsub.f32 v8, v16  }
0xa8: {  	s16 =	sadd.s32 $0xFFFFFFF0, s12;
	v19 =	vor.u32 $0x1, v11;
	v14 =	vadd.f32 v14, v20;
	v20 =	vmul.f32 $2.000000030e-01, v17  }
0xa9: {  	v25 =	vor.u32 s16, v3;
	v26 =	vor.u32 s12, v3;
	v15 =	vadd.f32 v22, v15;
	v22 =	vld.idx.msk [tilespmem:v28+s24+$0x0], $0xffff  }
0xaa: {  	s11 =	sadd.s32 $0x20, s11;
	v8 =	vshll.u32 v25, $0x4;
	v25 =	vshll.u32 v25, $0x3;
	v14 =	vadd.f32 v23, v14  }
0xab: {  	v27 =	vshll.u32 v26, $0x4;
	v23 =	vor.u32 $0x3, v8;
	v17 =	vmax.f32 v17, v20;
	v28 =	vpop (erf)  }
0xac: {  	v29 =	vor.u32 $0x6, v27;
	v20 =	vor.u32 $0x3, v27;
	[tilespmem:s11+$0x0] =	vst v28;
	v28 =	vmul.f32 $2.000000030e-01, v15  }
0xad: {  	v26 =	vshll.u32 v26, $0x3;
	v16 =	vmul.f32 $1.442695020e+00, v16;
	v30 =	vld.idx.msk [tilespmem:v19+s25+$0x0], $0xffff;
	v19 =	vmul.f32 $2.000000030e-01, v14  }
0xae: {  	v17 =	vsub.f32 v17, v21;
	v31 =	vld.idx.msk [tilespmem:v18+s24+$0x0], $0xffff;
	v15 =	vmax.f32 v15, v28  }
0xaf: {  	v18 =	vld.idx.msk [tilespmem:v8+s23+$0x0], $0xffff;
	v15 =	vsub.f32 v15, v24;
	v14 =	vmax.f32 v14, v19  }
0xb0: {  	v19 =	vld.idx.msk [tilespmem:v27+s23+$0x0], $0xffff;
	(erf) = vpow2.f32 v13;
	v13 =	vsub.f32 v14, v22;
	v14 =	vmul.f32 $1.442695020e+00, v17  }
0xb1: {  	v17 =	vld.idx.msk [tilespmem:v20+s24+$0x0], $0xffff;
	v15 =	vmul.f32 $1.442695020e+00, v15;
	(erf) = vpow2.f32 v16  }
0xb2: {  	v20 =	vor.u32 $0x6, v8;
	v16 =	vld.idx.msk [tilespmem:v23+s24+$0x0], $0xffff;
	v13 =	vmul.f32 $1.442695020e+00, v13;
	(erf) = vpow2.f32 v14  }
0xb3: {  	v14 =	vld.idx.msk [tilespmem:v26+s25+$0x0], $0xffff;
	(erf) = vpow2.f32 v15  }
0xb4: {  	v21 =	vor.u32 $0x7, v7;
	v15 =	vld.idx.msk [tilespmem:v25+s25+$0x0], $0xffff;
	(erf) = vpow2.f32 v13  }
0xb5: {  	v13 =	vor.u32 $0x1, v7  }
0xb6: {  	v22 =	vor.u32 $0x4, v4  }
0xb7: {  	v28 =	vadd.f32 v17, v19;
	v19 =	vor.u32 $0x2, v12;
	v12 =	vmovc v11;
	v11 =	vmov v26;
	v20 =	vld.idx.msk [tilespmem:v20+s24+$0x0], $0xffff  }
0xb8: {  	v24 =	vor.u32 $0x5, v6;
	v18 =	vadd.f32 v16, v18;
	v23 =	vld.idx.msk [tilespmem:v29+s24+$0x0], $0xffff  }
0xb9: {  	v14 =	vadd.f32 v14, v28;
	v16 =	vld.idx.msk [tilespmem:v21+s24+$0x0], $0xffff;
	v17 =	vpop (erf);
	v21 =	vor.u32 $0x2, v6  }
0xba: {  	v28 =	vor.u32 $0x1, v4;
	v26 =	vadd.f32 v15, v18;
	[tilespmem:s11+$0xFFFFFFF0] =	vst v17;
	v13 =	vld.idx.msk [tilespmem:v13+s23+$0x0], $0xffff;
	v17 =	vpop (erf)  }
0xbb: {  	v18 =	vmul.f32 $2.000000030e-01, v14;
	v15 =	vld.idx.msk [tilespmem:v22+s24+$0x0], $0xffff;
	v22 =	vor.u32 $0x2, v9;
	[tilespmem:s13+$0x0] =	vst v17;
	v29 =	vpop (erf)  }
0xbc: {  	v33 =	vor.u32 $0x5, v9;
	v32 =	vmul.f32 $2.000000030e-01, v26;
	v17 =	vld.idx.msk [tilespmem:v19+s25+$0x0], $0xffff;
	v19 =	vpop (erf);
	[tilespmem:s10+$0x0] =	vst v29  }
0xbd: {  	v14 =	vmax.f32 v14, v18;
	v29 =	vor.u32 $0x1, v10;
	[tilespmem:s13+$0xFFFFFFF0] =	vst v19;
	v18 =	vld.idx.msk [tilespmem:v24+s24+$0x0], $0xffff;
	v19 =	vpop (erf)  }
.Ltmp1:
0xbe: {  	v24 =	vmax.f32 v26, v32;
	v14 =	vsub.f32 v14, v23;
	v21 =	vld.idx.msk [tilespmem:v21+s23+$0x0], $0xffff;
	[tilespmem:s10+$0xFFFFFFF0] =	vst v19;
	s10 =	smov.u32 s9;
	(pc) =	sbr.rel @p1 .LBB2_5-.Ltmp1, $4  }
0xbf: {  	v23 =	vor.u32 $0x2, v5;
	v5 =	vmovc v10;
	v10 =	vmov v25;
	v26 =	vsub.f32 v24, v20;
	v19 =	vld.idx.msk [tilespmem:v28+s23+$0x0], $0xffff  }
0xc0: {  	v24 =	vor.u32 $0x8, v6;
	v6 =	vmovc v7;
	v7 =	vmovc v27;
	v28 =	vmul.f32 $1.442695020e+00, v14;
	v31 =	vadd.f32 v31, v13;
	v20 =	vld.idx.msk [tilespmem:v22+s23+$0x0], $0xffff  }
0xc1: {  	v25 =	vor.u32 $0x7, v4;
	v13 =	vmul.f32 $1.442695020e+00, v26;
	v14 =	vld.idx.msk [tilespmem:v33+s24+$0x0], $0xffff  }
0xc2: {  	v26 =	vadd.f32 v30, v31;
	(erf) = vpow2.f32 v28;
	v22 =	vld.idx.msk [tilespmem:v29+s25+$0x0], $0xffff  }
0xc3: {  	_ = 	snop  }
0xc4: {  	v27 =	vmul.f32 $2.000000030e-01, v26;
	_ =	sdelay $0x1  }
0xc5: {  	v26 =	vmax.f32 v26, v27  }
0xc6: {  	v16 =	vsub.f32 v26, v16;
	_ =	sdelay $0x1  }
0xc7: {  	(erf) = vpow2.f32 v13;
	v16 =	vmul.f32 $1.442695020e+00, v16;
	_ =	sdelay $0x1  }
0xc8: {  	(erf) = vpow2.f32 v16  }
0xc9: {  	v9 =	vor.u32 $0x8, v9  }
0xca: {  	v13 =	vor.u32 $0x1, v11  }
0xcb: {  	v24 =	vld.idx.msk [tilespmem:v24+s24+$0x0], $0xffff;
	v26 =	vor.u32 $0x1, v7  }
0xcc: {  	v25 =	vld.idx.msk [tilespmem:v25+s24+$0x0], $0xffff;
	v28 =	vor.u32 $0x4, v8  }
0xcd: {  	s12 =	sadd.s32 $0x20, s11;
	v16 =	vld.idx.msk [tilespmem:v23+s25+$0x0], $0xffff;
	v23 =	vor.u32 $0x4, v7;
	v27 =	vpop (erf)  }
0xce: {  	v9 =	vld.idx.msk [tilespmem:v9+s24+$0x0], $0xffff;
	[tilespmem:s12+$0x0] =	vst v27;
	v27 =	vor.u32 $0x5, v6  }
0xcf: {  	v29 =	vor.u32 $0x2, v6;
	v30 =	vpop (erf);
	v13 =	vld.idx.msk [tilespmem:v13+s25+$0x0], $0xffff  }
0xd0: {  	v31 =	vor.u32 $0x1, v8;
	v18 =	vadd.f32 v18, v21;
	[tilespmem:s12+$0xFFFFFFF0] =	vst v30;
	v21 =	vld.idx.msk [tilespmem:v26+s23+$0x0], $0xffff  }
0xd1: {  	s15 =	sadd.s32 $0x20, s13;
	v12 =	vor.u32 $0x2, v12;
	v15 =	vadd.f32 v15, v19;
	v19 =	vld.idx.msk [tilespmem:v28+s24+$0x0], $0xffff;
	v26 =	vpop (erf)  }
0xd2: {  	v17 =	vadd.f32 v17, v18;
	v23 =	vld.idx.msk [tilespmem:v23+s24+$0x0], $0xffff;
	[tilespmem:s15+$0x0] =	vst v26;
	v26 =	vor.u32 $0x1, v10  }
0xd3: {  	v14 =	vadd.f32 v14, v20;
	v18 =	vld.idx.msk [tilespmem:v27+s24+$0x0], $0xffff  }
0xd4: {  	v15 =	vadd.f32 v22, v15;
	v22 =	vmul.f32 $2.000000030e-01, v17;
	v20 =	vld.idx.msk [tilespmem:v29+s23+$0x0], $0xffff  }
0xd5: {  	v14 =	vadd.f32 v16, v14;
	v16 =	vor.u32 $0x7, v7;
	v27 =	vld.idx.msk [tilespmem:v31+s23+$0x0], $0xffff  }
0xd6: {  	v17 =	vmax.f32 v17, v22;
	v6 =	vor.u32 $0x8, v6;
	v28 =	vmul.f32 $2.000000030e-01, v15;
	v12 =	vld.idx.msk [tilespmem:v12+s25+$0x0], $0xffff  }
0xd7: {  	v17 =	vsub.f32 v17, v24;
	v29 =	vor.u32 $0x7, v8;
	v26 =	vld.idx.msk [tilespmem:v26+s25+$0x0], $0xffff  }
0xd8: {  	v15 =	vmax.f32 v15, v28;
	v22 =	vmul.f32 $2.000000030e-01, v14;
	v21 =	vadd.f32 v23, v21  }
0xd9: {  	v15 =	vsub.f32 v15, v25;
	v18 =	vadd.f32 v18, v20  }
0xda: {  	v14 =	vmax.f32 v14, v22;
	v16 =	vld.idx.msk [tilespmem:v16+s24+$0x0], $0xffff;
	v13 =	vadd.f32 v13, v21;
	v19 =	vadd.f32 v19, v27  }
0xdb: {  	v9 =	vsub.f32 v14, v9;
	v6 =	vld.idx.msk [tilespmem:v6+s24+$0x0], $0xffff;
	v12 =	vadd.f32 v12, v18  }
0xdc: {  	v14 =	vmul.f32 $1.442695020e+00, v17;
	v17 =	vmul.f32 $2.000000030e-01, v13;
	v18 =	vld.idx.msk [tilespmem:v29+s24+$0x0], $0xffff;
	v19 =	vadd.f32 v26, v19  }
0xdd: {  	v15 =	vmul.f32 $1.442695020e+00, v15;
	v20 =	vmul.f32 $2.000000030e-01, v12  }
0xde: {  	v9 =	vmul.f32 $1.442695020e+00, v9;
	v13 =	vmax.f32 v13, v17;
	v17 =	vmul.f32 $2.000000030e-01, v19  }
0xdf: {  	(erf) = vpow2.f32 v14;
	v13 =	vsub.f32 v13, v16;
	v12 =	vmax.f32 v12, v20  }
0xe0: {  	(erf) = vpow2.f32 v15;
	v6 =	vsub.f32 v12, v6;
	v14 =	vmax.f32 v19, v17  }
0xe1: {  	v12 =	vmul.f32 $1.442695020e+00, v13;
	v13 =	vsub.f32 v14, v18  }
0xe2: {  	(erf) = vpow2.f32 v9;
	v6 =	vmul.f32 $1.442695020e+00, v6  }
0xe3: {  	(erf) = vpow2.f32 v12;
	v9 =	vmul.f32 $1.442695020e+00, v13  }
0xe4: {  	(erf) = vpow2.f32 v6  }
0xe5: {  	(erf) = vpow2.f32 v9  }
0xe6: {  	v5 =	vor.u32 $0x2, v5  }
0xe7: {  	v6 =	vor.u32 $0x2, v4  }
0xe8: {  	v12 =	vpop (erf);
	v9 =	vor.u32 $0x5, v4  }
0xe9: {  	v14 =	vor.u32 $0x5, v7;
	v13 =	vpop (erf)  }
0xea: {  	[tilespmem:s15+$0xFFFFFFF0] =	vst v13;
	v13 =	vor.u32 $0x2, v7  }
0xeb: {  	v16 =	vor.u32 $0x2, v8;
	v15 =	vpop (erf);
	v5 =	vld.idx.msk [tilespmem:v5+s25+$0x0], $0xffff  }
0xec: {  	s11 =	sadd.s32 $0x20, s15;
	v18 =	vor.u32 $0x5, v8;
	v6 =	vld.idx.msk [tilespmem:v6+s23+$0x0], $0xffff;
	v17 =	vpop (erf)  }
0xed: {  	v11 =	vor.u32 $0x2, v11;
	v9 =	vld.idx.msk [tilespmem:v9+s24+$0x0], $0xffff;
	[tilespmem:s11+$0x0] =	vst v17;
	v17 =	vpop (erf)  }
0xee: {  	v10 =	vor.u32 $0x2, v10;
	v14 =	vld.idx.msk [tilespmem:v14+s24+$0x0], $0xffff;
	v19 =	vpop (erf)  }
0xef: {  	v13 =	vld.idx.msk [tilespmem:v13+s23+$0x0], $0xffff;
	[tilespmem:s11+$0xFFFFFFF0] =	vst v19  }
0xf0: {  	v16 =	vld.idx.msk [tilespmem:v16+s23+$0x0], $0xffff  }
0xf1: {  	v4 =	vor.u32 $0x8, v4;
	v18 =	vld.idx.msk [tilespmem:v18+s24+$0x0], $0xffff  }
0xf2: {  	v7 =	vor.u32 $0x8, v7;
	v11 =	vld.idx.msk [tilespmem:v11+s25+$0x0], $0xffff  }
0xf3: {  	v8 =	vor.u32 $0x8, v8;
	v10 =	vld.idx.msk [tilespmem:v10+s25+$0x0], $0xffff  }
0xf4: {  	v6 =	vadd.f32 v9, v6  }
0xf5: {  	v9 =	vadd.f32 v14, v13  }
0xf6: {  	v4 =	vld.idx.msk [tilespmem:v4+s24+$0x0], $0xffff;
	v5 =	vadd.f32 v5, v6;
	v6 =	vadd.f32 v18, v16  }
0xf7: {  	v7 =	vld.idx.msk [tilespmem:v7+s24+$0x0], $0xffff;
	v9 =	vadd.f32 v11, v9  }
0xf8: {  	v8 =	vld.idx.msk [tilespmem:v8+s24+$0x0], $0xffff;
	v11 =	vmul.f32 $2.000000030e-01, v5;
	v6 =	vadd.f32 v10, v6  }
0xf9: {  	v10 =	vmul.f32 $2.000000030e-01, v9  }
0xfa: {  	v5 =	vmax.f32 v5, v11;
	v11 =	vmul.f32 $2.000000030e-01, v6  }
0xfb: {  	v4 =	vsub.f32 v5, v4;
	v5 =	vmax.f32 v9, v10  }
0xfc: {  	v5 =	vsub.f32 v5, v7;
	v6 =	vmax.f32 v6, v11  }
0xfd: {  	v4 =	vmul.f32 $1.442695020e+00, v4;
	v6 =	vsub.f32 v6, v8  }
0xfe: {  	v5 =	vmul.f32 $1.442695020e+00, v5  }
0xff: {  	(erf) = vpow2.f32 v4;
	v4 =	vmul.f32 $1.442695020e+00, v6  }
0x100: {  	(erf) = vpow2.f32 v5  }
0x101: {  	(erf) = vpow2.f32 v4;
	_ =	sdelay $0x4  }
0x102: {  	s16 =	simm.s32 $0x0;
	[tilespmem:s10+$0x0] =	vst v12  }
0x103: {  	s9 =	sadd.s32 $0x20, s9;
	[tilespmem:s10+$0xFFFFFFF0] =	vst v15;
	v4 =	vmov s16  }
0x104: {  	[tilespmem:s9+$0x0] =	vst v17;
	v4 =	vand.u32 $0xFFFFFFFC, v4;
	v5 =	vpop (erf)  }
0x105: {  	s17 =	sadd.s32 $0x20, s9;
	s11 =	simm.s32 $0x1;
	v4 =	vbroadcast v4, $0x0;
	[tilespmem:s9+$0xFFFFFFF0] =	vst v5;
	v5 =	vpop (erf)  }
0x106: {  	v6 =	vmov s11;
	[tilespmem:s17+$0x0] =	vst v5;
	v5 =	vpop (erf)  }
0x107: {  	s12 =	simm.s32 $0x2;
	v6 =	vand.u32 $0xFFFFFFFD, v6;
	[tilespmem:s17+$0xFFFFFFF0] =	vst v5  }
0x108: {  	v7 =	vmov s12;
	v6 =	vbroadcast v6, $0x0;
	_ =	swait.ge [sflag:s28], $0x3000  }
0x109: {  	v7 =	vand.u32 $0xFFFFFFFE, v7;
	[sflag:s28] =	ssyncset.done $0x0  }
0x10a: {  	v7 =	vbroadcast v7, $0x0;
	[sflag:s28] =	ssyncadd.s32 $0xFFFFD000  }
0x10b: {  	s0 =	simm.s32 $0x3;
	v8 =	vld.idx.msk [tilespmem:v4+s31+$0x0], $0xffff  }
0x10c: {  	v5 =	vmov s0;
	v10 =	vld.idx.msk [tilespmem:v4+s30+$0x0], $0xffff  }
0x10d: {  	v14 =	vld.idx.msk [tilespmem:v4+s29+$0x0], $0xffff  }
0x10e: {  	v4 =	vld.idx.msk [tilespmem:v6+s29+$0x0], $0xffff  }
0x10f: {  	v11 =	vld.idx.msk [tilespmem:v6+s30+$0x0], $0xffff  }
0x110: {  	v13 =	vld.idx.msk [tilespmem:v7+s30+$0x0], $0xffff  }
0x111: {  	v19 =	vld.idx.msk [tilespmem:v5+s31+$0x0], $0xffff  }
0x112: {  	v9 =	vld.idx.msk [tilespmem:v5+s30+$0x0], $0xffff  }
0x113: {  	v18 =	vld.idx.msk [tilespmem:v5+s29+$0x0], $0xffff  }
0x114: {  	v17 =	vld.idx.msk [tilespmem:v7+s31+$0x0], $0xffff  }
0x115: {  	v5 =	vld.idx.msk [tilespmem:v6+s31+$0x0], $0xffff;
	v12 =	vsel vm0, $0x0, v8  }
0x116: {  	v20 =	vld.idx.msk [tilespmem:v7+s29+$0x0], $0xffff;
	v6 =	vsel vm0, $0x0, v19;
	v12 =	vsel vm1, v12, v10  }
0x117: {  	s10 =	simm.s32 $0x4660;
	v6 =	vsel vm1, v6, v9;
	v12 =	vsel vm2, v14, v12  }
0x118: {  	s11 =	simm.s32 $0x1640;
	v6 =	vsel vm2, v18, v6;
	[tilespmem:s10+$0xFFFFFF80] =	vst v12  }
0x119: {  	v15 =	vsel vm0, $0x0, v17;
	[tilespmem:s10+$0xD0] =	vst v6;
	v6 =	vld [tilespmem:s11+$0xFFFFFF40]  }
0x11a: {  	v15 =	vsel vm1, v15, v13;
	v12 =	vsel vm0, $0x0, v5  }
0x11b: {  	s13 =	simm.s32 $0x4;
	v21 =	vpsel p0, v14, v10;
	v10 =	vsel vm2, v20, v15;
	v12 =	vsel vm1, v12, v11;
	v7 =	vld [tilespmem:s11+$0x60]  }
0x11c: {  	v15 =	vpsel p0, v4, v11;
	[tilespmem:s10+$0x60] =	vst v10;
	v11 =	vmov s13;
	v12 =	vsel vm2, v4, v12  }
0x11d: {  	v10 =	vld [tilespmem:s11+$0x0];
	v11 =	vand.u32 $0xFFFFFFFC, v11;
	[tilespmem:s10+$0xFFFFFFF0] =	vst v12  }
0x11e: {  	v23 =	vpsel p0, v18, v9;
	v11 =	vbroadcast v11, $0x0;
	v9 =	vld [tilespmem:s11+$0xFFFFFFA0];
	v6 =	vmul.f32 v6, v21;
	_ =	sdelay $0x1  }
0x11f: {  	v7 =	vmul.f32 v7, v23;
	[tilespmem:s10+$0xFFFFFF20] =	vst v6  }
0x120: {  	v12 =	vpsel p0, v20, v13;
	v6 =	vld [tilespmem:s11+$0xFFFFFF50]  }
0x121: {  	v10 =	vmul.f32 v10, v12;
	[tilespmem:s10+$0x70] =	vst v7  }
0x122: {  	s15 =	simm.s32 $0x7;
	v9 =	vmul.f32 v9, v15;
	v7 =	vld [tilespmem:s11+$0x70]  }
0x123: {  	[tilespmem:s10+$0x0] =	vst v10;
	v10 =	vmov s15;
	v26 =	vld.idx.msk [tilespmem:v11+s31+$0x0], $0xffff  }
0x124: {  	[tilespmem:s10+$0xFFFFFF90] =	vst v9;
	v9 =	vld [tilespmem:s11+$0x10]  }
0x125: {  	v28 =	vld.idx.msk [tilespmem:v11+s29+$0x0], $0xffff;
	v6 =	vmul.f32 v6, v21  }
0x126: {  	s16 =	simm.s32 $0x5;
	v13 =	vld [tilespmem:s11+$0xFFFFFFB0]  }
0x127: {  	v11 =	vld.idx.msk [tilespmem:v11+s30+$0x0], $0xffff;
	v7 =	vmul.f32 v7, v23;
	[tilespmem:s10+$0xFFFFFF30] =	vst v6;
	v6 =	vmov s16  }
0x128: {  	s17 =	simm.s32 $0x6;
	v25 =	vld.idx.msk [tilespmem:v10+s30+$0x0], $0xffff;
	v6 =	vand.u32 $0xFFFFFFFD, v6  }
0x129: {  	v16 =	vmov s17;
	v22 =	vld [tilespmem:s11+$0xFFFFFF60];
	[tilespmem:s10+$0x80] =	vst v7;
	v7 =	vmul.f32 v9, v12;
	v6 =	vbroadcast v6, $0x0  }
0x12a: {  	v16 =	vand.u32 $0xFFFFFFFE, v16;
	v9 =	vld.idx.msk [tilespmem:v10+s29+$0x0], $0xffff  }
0x12b: {  	v10 =	vld.idx.msk [tilespmem:v10+s31+$0x0], $0xffff;
	[tilespmem:s10+$0x10] =	vst v7;
	v7 =	vbroadcast v16, $0x0;
	v16 =	vmul.f32 v13, v15  }
0x12c: {  	v27 =	vld [tilespmem:s11+$0x20]  }
0x12d: {  	v24 =	vld [tilespmem:s11+$0x80];
	[tilespmem:s10+$0xFFFFFFA0] =	vst v16  }
0x12e: {  	v30 =	vld [tilespmem:s11+$0xFFFFFFC0]  }
0x12f: {  	v13 =	vld.idx.msk [tilespmem:v6+s29+$0x0], $0xffff  }
0x130: {  	v29 =	vld.idx.msk [tilespmem:v6+s30+$0x0], $0xffff  }
0x131: {  	v16 =	vld.idx.msk [tilespmem:v6+s31+$0x0], $0xffff;
	v27 =	vmul.f32 v27, v12  }
0x132: {  	v31 =	vld.idx.msk [tilespmem:v7+s30+$0x0], $0xffff  }
0x133: {  	v32 =	vsel vm0, $0x0, v26;
	v22 =	vmul.f32 v22, v21;
	v6 =	vld.idx.msk [tilespmem:v7+s31+$0x0], $0xffff;
	[tilespmem:s10+$0x20] =	vst v27  }
0x134: {  	v27 =	vsel vm1, v32, v11;
	v62 =	vld [tilespmem:s11+$0x30]  }
0x135: {  	s9 =	simm.s32 $0x4820;
	[tilespmem:s10+$0xFFFFFF40] =	vst v22;
	v22 =	vsel vm0, $0x0, v10;
	v7 =	vld.idx.msk [tilespmem:v7+s29+$0x0], $0xffff;
	v30 =	vmul.f32 v30, v15;
	v27 =	vsel vm2, v28, v27  }
0x136: {  	s12 =	simm.s32 $0x17C0;
	v22 =	vsel vm1, v22, v25;
	[tilespmem:s9+$0xFFFFFF80] =	vst v27;
	v27 =	vld [tilespmem:s11+$0xFFFFFF70]  }
0x137: {  	v24 =	vmul.f32 v24, v23;
	v22 =	vsel vm2, v9, v22;
	[tilespmem:s10+$0xFFFFFFB0] =	vst v30;
	v30 =	vsel vm0, $0x0, v16;
	v33 =	vld [tilespmem:s12+$0xFFFFFF40]  }
0x138: {  	[tilespmem:s9+$0xD0] =	vst v22;
	v22 =	vsel vm1, v30, v29;
	v30 =	vld [tilespmem:s11+$0xFFFFFFD0]  }
0x139: {  	[tilespmem:s10+$0x90] =	vst v24;
	v63 =	vld [tilespmem:s12+$0x60];
	v24 =	vsel vm0, $0x0, v6;
	v22 =	vsel vm2, v13, v22;
	v12 =	vmul.f32 v62, v12  }
0x13a: {  	[tilespmem:s9+$0xFFFFFFF0] =	vst v22;
	v22 =	vsel vm1, v24, v31;
	v24 =	vld [tilespmem:s11+$0x90]  }
0x13b: {  	v11 =	vpsel p0, v28, v11;
	v34 =	vld [tilespmem:s12+$0xFFFFFFA0];
	v22 =	vsel vm2, v7, v22;
	v21 =	vmul.f32 v27, v21;
	[tilespmem:s10+$0x30] =	vst v12  }
0x13c: {  	[tilespmem:s9+$0x60] =	vst v22;
	v33 =	vmul.f32 v33, v11;
	v35 =	vld [tilespmem:s11+$0x40]  }
0x13d: {  	v27 =	vld [tilespmem:s12+$0x0];
	v12 =	vpsel p0, v9, v25;
	[tilespmem:s10+$0xFFFFFF50] =	vst v21;
	v21 =	vmul.f32 v30, v15  }
0x13e: {  	v30 =	vmul.f32 v63, v12;
	[tilespmem:s9+$0xFFFFFF20] =	vst v33;
	v22 =	vld [tilespmem:s11+$0xFFFFFF80]  }
0x13f: {  	v8 =	vpsel p0, v14, v8;
	v15 =	vpsel p0, v13, v29;
	v29 =	vmul.f32 v24, v23;
	v25 =	vld [tilespmem:s12+$0xFFFFFF50];
	[tilespmem:s10+$0xFFFFFFC0] =	vst v21  }
0x140: {  	v19 =	vpsel p0, v18, v19;
	v14 =	vpsel p0, v28, v26;
	[tilespmem:s9+$0x70] =	vst v30;
	v21 =	vpsel p0, v20, v17;
	v23 =	vld [tilespmem:s11+$0xFFFFFFE0]  }
0x141: {  	s15 =	simm.s32 $0x8;
	v28 =	vmul.f32 v34, v15;
	v17 =	vpsel p0, v7, v31;
	v26 =	vld [tilespmem:s12+$0x70];
	[tilespmem:s10+$0xA0] =	vst v29;
	v24 =	vmul.f32 v35, v21  }
.LBB2_7:
0x142: {  	v29 =	vmov s15;
	s16 =	sadd.s32 $0x1, s15;
	v27 =	vmul.f32 v27, v17  }
0x143: {  	s17 =	sadd.s32 $0x3, s15;
	[tilespmem:s9+$0xFFFFFF90] =	vst v28;
	v28 =	vpsel p0, v4, v5;
	v30 =	vld [tilespmem:s11+$0xA0];
	v18 =	vmovc v9;
	v20 =	vmovc v10;
	v4 =	vmov v13;
	v5 =	vmov v16;
	s0 =	smov.u32 s15;
	s13 =	sadd.s32 $0x4, s15  }
0x144: {  	p1 =	slt.u32 s15, $0x7C;
	v9 =	vand.u32 $0xFFFFFFFC, v29;
	v10 =	vmov s16;
	s0 =	sadd.s32 $0x2, s0;
	v13 =	vld [tilespmem:s12+$0xFFFFFFB0];
	v16 =	vmul.f32 v22, v8;
	[tilespmem:s10+$0x40] =	vst v24  }
0x145: {  	v22 =	vbroadcast v9, $0x0;
	v9 =	vand.u32 $0xFFFFFFFD, v10;
	v10 =	vmul.f32 v25, v11;
	[tilespmem:s9+$0x0] =	vst v27;
	v24 =	vld [tilespmem:s11+$0x50]  }
0x146: {  	v25 =	vbroadcast v9, $0x0;
	v9 =	vmov s0;
	v27 =	vld [tilespmem:s12+$0x10];
	[tilespmem:s10+$0xFFFFFF60] =	vst v16;
	v16 =	vmul.f32 v23, v28  }
0x147: {  	v29 =	vmov s17;
	v23 =	vand.u32 $0xFFFFFFFE, v9;
	[tilespmem:s9+$0xFFFFFF30] =	vst v10;
	v9 =	vmul.f32 v26, v12;
	v10 =	vld [tilespmem:s11+$0xFFFFFF90]  }
0x148: {  	v26 =	vld [tilespmem:s12+$0xFFFFFF60];
	[tilespmem:s10+$0xFFFFFFD0] =	vst v16;
	v16 =	vmul.f32 v30, v19  }
0x149: {  	v13 =	vmul.f32 v13, v15;
	[tilespmem:s9+$0x80] =	vst v9;
	v30 =	vld [tilespmem:s11+$0xFFFFFFF0]  }
0x14a: {  	v31 =	vld [tilespmem:s12+$0x80];
	v9 =	vmul.f32 v24, v21;
	[tilespmem:s10+$0xB0] =	vst v16  }
0x14b: {  	v16 =	vld.idx.msk [tilespmem:v22+s31+$0x0], $0xffff;
	[tilespmem:s9+$0xFFFFFFA0] =	vst v13;
	v13 =	vmul.f32 v27, v17  }
0x14c: {  	v10 =	vmul.f32 v10, v8;
	[tilespmem:s10+$0x50] =	vst v9;
	v21 =	vld [tilespmem:s11+$0xB0];
	v8 =	vmov v14;
	s11 =	smov.u32 s12  }
0x14d: {  	v24 =	vld.idx.msk [tilespmem:v29+s30+$0x0], $0xffff;
	v14 =	vmul.f32 v26, v11;
	[tilespmem:s9+$0x10] =	vst v13  }
0x14e: {  	v9 =	vld.idx.msk [tilespmem:v29+s29+$0x0], $0xffff;
	[tilespmem:s10+$0xFFFFFF70] =	vst v10;
	v13 =	vmul.f32 v30, v28  }
0x14f: {  	v23 =	vbroadcast v23, $0x0;
	v10 =	vld.idx.msk [tilespmem:v29+s31+$0x0], $0xffff;
	[tilespmem:s9+$0xFFFFFF40] =	vst v14;
	v14 =	vmul.f32 v31, v12  }
0x150: {  	v26 =	vld.idx.msk [tilespmem:v22+s29+$0x0], $0xffff;
	[tilespmem:s10+$0xFFFFFFE0] =	vst v13  }
0x151: {  	v27 =	vsel vm0, $0x0, v16;
	v28 =	vld [tilespmem:s12+$0x20];
	[tilespmem:s9+$0x90] =	vst v14;
	v14 =	vmul.f32 v21, v19  }
0x152: {  	v13 =	vld.idx.msk [tilespmem:v25+s29+$0x0], $0xffff  }
0x153: {  	v19 =	vld.idx.msk [tilespmem:v22+s30+$0x0], $0xffff;
	[tilespmem:s10+$0xC0] =	vst v14;
	s10 =	smov.u32 s9;
	s9 =	sadd.s32 $0x1C0, s9  }
0x154: {  	s12 =	sadd.s32 $0x180, s12;
	v21 =	vld.idx.msk [tilespmem:v25+s30+$0x0], $0xffff  }
0x155: {  	v22 =	vsel vm0, $0x0, v10;
	v29 =	vld [tilespmem:s11+$0xFFFFFFC0]  }
0x156: {  	v14 =	vpsel p0, v26, v16;
	v22 =	vsel vm1, v22, v24;
	v16 =	vld.idx.msk [tilespmem:v25+s31+$0x0], $0xffff;
	v25 =	vmul.f32 v28, v17  }
0x157: {  	v22 =	vsel vm2, v9, v22;
	v30 =	vld.idx.msk [tilespmem:v23+s30+$0x0], $0xffff  }
0x158: {  	v31 =	vld.idx.msk [tilespmem:v23+s31+$0x0], $0xffff;
	[tilespmem:s10+$0x20] =	vst v25  }
0x159: {  	v25 =	vsel vm1, v27, v19;
	[tilespmem:s9+$0xD0] =	vst v22;
	v22 =	vld [tilespmem:s11+$0x30]  }
0x15a: {  	v25 =	vsel vm2, v26, v25;
	v32 =	vld.idx.msk [tilespmem:v23+s29+$0x0], $0xffff;
	v23 =	vmul.f32 v29, v15  }
0x15b: {  	[tilespmem:s9+$0xFFFFFF80] =	vst v25;
	v25 =	vld [tilespmem:s11+$0xFFFFFF70]  }
0x15c: {  	v28 =	vsel vm0, $0x0, v16;
	v27 =	vld [tilespmem:s12+$0xFFFFFF40];
	[tilespmem:s10+$0xFFFFFFB0] =	vst v23  }
0x15d: {  	v23 =	vsel vm1, v28, v21;
	v28 =	vld [tilespmem:s11+$0xFFFFFFD0]  }
0x15e: {  	v23 =	vsel vm2, v13, v23;
	v29 =	vsel vm0, $0x0, v31;
	v33 =	vld [tilespmem:s12+$0x60];
	v17 =	vmul.f32 v22, v17  }
0x15f: {  	v22 =	vsel vm1, v29, v30;
	[tilespmem:s9+$0xFFFFFFF0] =	vst v23;
	v23 =	vld [tilespmem:s11+$0x90]  }
0x160: {  	v22 =	vsel vm2, v32, v22;
	v29 =	vld [tilespmem:s12+$0xFFFFFFA0];
	v25 =	vmul.f32 v25, v11;
	v11 =	vpsel p0, v26, v19;
	[tilespmem:s10+$0x30] =	vst v17  }
0x161: {  	v17 =	vmul.f32 v27, v11;
	[tilespmem:s9+$0x60] =	vst v22;
	v19 =	vld [tilespmem:s11+$0x40]  }
.Ltmp2:
0x162: {  	v24 =	vpsel p0, v9, v24;
	v27 =	vld [tilespmem:s12+$0x0];
	[tilespmem:s10+$0xFFFFFF50] =	vst v25;
	v26 =	vmul.f32 v28, v15;
	(pc) =	sbr.rel @p1 .LBB2_7-.Ltmp2, $4  }
0x163: {  	v15 =	vpsel p0, v13, v21;
	[tilespmem:s9+$0xFFFFFF20] =	vst v17;
	v17 =	vmul.f32 v33, v24;
	v22 =	vld [tilespmem:s11+$0xFFFFFF80]  }
0x164: {  	v25 =	vld [tilespmem:s12+$0xFFFFFF50];
	[tilespmem:s10+$0xFFFFFFC0] =	vst v26;
	v33 =	vmul.f32 v23, v12;
	v12 =	vmov v24  }
0x165: {  	v21 =	vpsel p0, v7, v6;
	v6 =	vmovc v31;
	v7 =	vmov v32;
	v28 =	vmul.f32 v29, v15;
	[tilespmem:s9+$0x70] =	vst v17;
	v23 =	vld [tilespmem:s11+$0xFFFFFFE0]  }
0x166: {  	s15 =	smov.u32 s13;
	v17 =	vpsel p0, v7, v30;
	v26 =	vld [tilespmem:s12+$0x70];
	v24 =	vmul.f32 v19, v21;
	[tilespmem:s10+$0xA0] =	vst v33;
	v19 =	vpsel p0, v18, v20  }
0x167: {  	v18 =	vmul.f32 v27, v17;
	_ =	sdelay $0x1  }
0x168: {  	[tilespmem:s9+$0x0] =	vst v18  }
0x169: {  	v18 =	vld [tilespmem:s12+$0x10]  }
0x16a: {  	[tilespmem:s9+$0xFFFFFF90] =	vst v28  }
0x16b: {  	v20 =	vld [tilespmem:s12+$0xFFFFFFB0];
	_ =	sdelay $0x2  }
0x16c: {  	v18 =	vmul.f32 v18, v17  }
0x16d: {  	v25 =	vmul.f32 v25, v11  }
0x16e: {  	v20 =	vmul.f32 v20, v15;
	[tilespmem:s9+$0x10] =	vst v18  }
0x16f: {  	[tilespmem:s9+$0xFFFFFF30] =	vst v25;
	v38 =	vmul.f32 v26, v12;
	v39 =	vld [tilespmem:s12+$0x20]  }
0x170: {  	v40 =	vld [tilespmem:s12+$0xFFFFFF60];
	[tilespmem:s9+$0xFFFFFFA0] =	vst v20  }
0x171: {  	[tilespmem:s9+$0x80] =	vst v38;
	v41 =	vld [tilespmem:s12+$0xFFFFFFC0]  }
0x172: {  	v42 =	vld [tilespmem:s12+$0x80];
	_ =	sdelay $0x1  }
0x173: {  	v25 =	vmul.f32 v39, v17  }
0x174: {  	v26 =	vmul.f32 v40, v11  }
0x175: {  	v18 =	vmul.f32 v41, v15;
	[tilespmem:s9+$0x20] =	vst v25  }
0x176: {  	[tilespmem:s9+$0xFFFFFF40] =	vst v26;
	v20 =	vmul.f32 v42, v12;
	v25 =	vld [tilespmem:s12+$0x30]  }
0x177: {  	v26 =	vld [tilespmem:s12+$0xFFFFFF70];
	[tilespmem:s9+$0xFFFFFFB0] =	vst v18  }
0x178: {  	[tilespmem:s9+$0x90] =	vst v20;
	v18 =	vld [tilespmem:s12+$0xFFFFFFD0]  }
0x179: {  	v20 =	vld [tilespmem:s12+$0x90];
	_ =	sdelay $0x1  }
0x17a: {  	v43 =	vmul.f32 v25, v17  }
0x17b: {  	v44 =	vmul.f32 v26, v11  }
0x17c: {  	v45 =	vld [tilespmem:s11+$0xA0];
	v46 =	vmul.f32 v18, v15;
	[tilespmem:s9+$0x30] =	vst v43  }
0x17d: {  	[tilespmem:s9+$0xFFFFFF50] =	vst v44;
	v47 =	vmul.f32 v20, v12;
	v17 =	vld [tilespmem:s12+$0x40]  }
0x17e: {  	v48 =	vld [tilespmem:s12+$0xFFFFFF80];
	[tilespmem:s9+$0xFFFFFFC0] =	vst v46  }
0x17f: {  	v4 =	vpsel p0, v4, v5;
	v5 =	vmul.f32 v22, v8;
	[tilespmem:s9+$0xA0] =	vst v47;
	v15 =	vld [tilespmem:s12+$0xFFFFFFE0]  }
0x180: {  	[tilespmem:s10+$0x40] =	vst v24;
	v49 =	vmul.f32 v23, v4;
	v50 =	vld [tilespmem:s12+$0xA0]  }
0x181: {  	v6 =	vpsel p0, v7, v6;
	v51 =	vld [tilespmem:s11+$0x50];
	[tilespmem:s10+$0xFFFFFF60] =	vst v5;
	v5 =	vmul.f32 v45, v19  }
0x182: {  	v52 =	vld [tilespmem:s11+$0xFFFFFF90];
	[tilespmem:s10+$0xFFFFFFD0] =	vst v49;
	v53 =	vmul.f32 v17, v6  }
0x183: {  	v54 =	vld [tilespmem:s11+$0xFFFFFFF0];
	[tilespmem:s10+$0xB0] =	vst v5;
	v5 =	vpsel p0, v13, v16;
	v12 =	vmul.f32 v48, v14  }
0x184: {  	v9 =	vpsel p0, v9, v10;
	v55 =	vld [tilespmem:s11+$0xB0];
	v56 =	vmul.f32 v15, v5;
	[tilespmem:s9+$0x40] =	vst v53  }
0x185: {  	[tilespmem:s9+$0xFFFFFF60] =	vst v12;
	v57 =	vmul.f32 v50, v9;
	v11 =	vld [tilespmem:s12+$0x50]  }
0x186: {  	v58 =	vmul.f32 v51, v21;
	v59 =	vld [tilespmem:s12+$0xFFFFFF90];
	[tilespmem:s9+$0xFFFFFFD0] =	vst v56  }
0x187: {  	v7 =	vmul.f32 v52, v8;
	[tilespmem:s9+$0xB0] =	vst v57;
	v60 =	vld [tilespmem:s12+$0xFFFFFFF0]  }
0x188: {  	[tilespmem:s10+$0x50] =	vst v58;
	v4 =	vmul.f32 v54, v4;
	v61 =	vld [tilespmem:s12+$0xB0]  }
0x189: {  	[tilespmem:s10+$0xFFFFFF70] =	vst v7;
	v62 =	vmul.f32 v55, v19  }
0x18a: {  	[tilespmem:s10+$0xFFFFFFE0] =	vst v4;
	v4 =	vmul.f32 v11, v6  }
0x18b: {  	[tilespmem:s10+$0xC0] =	vst v62;
	v63 =	vmul.f32 v59, v14  }
0x18c: {  	[tilespmem:s9+$0x50] =	vst v4;
	v4 =	vmul.f32 v60, v5  }
0x18d: {  	s4 =	sadd.s32 $0x1, s4;
	[tilespmem:s9+$0xFFFFFF70] =	vst v63;
	v5 =	vmul.f32 v61, v9  }
0x18e: {  	p1 =	sne.s32 s4, $0xA2;
	[tilespmem:s9+$0xFFFFFFE0] =	vst v4  }
.Ltmp3:
0x18f: {  	[tilespmem:s9+$0xC0] =	vst v5;
	(pc) =	sbr.rel @p1 .LBB2_4-.Ltmp3, $4  }
0x190: {  	[spmem:s2] =	stream.indirect.scatter.add.f32 [tilespmem:s18], [sflag:$0x3], $0x70, s20, s20, $0xb8;
	[tilespmem:$0x190E0] =	vst v63  }
0x191: {  	_ =	swait.ge [sflag:s19], $0x3800  }
0x192: {  	[sflag:s19] =	ssyncset.done $0x0  }
0x193: {  	[sflag:s19] =	ssyncadd.s32 $0xFFFFC800  }
0x194: {  	s0 =	stileid.u32;
	[bflag:$0x0] =	sbarrier.arrive $0xFFFF  }
0x195: {  	s9 =	sshrl.u32 s21, $0x3;
	s0 =	sshll.u32 s0, $0x6;
	s17 =	rddreg [dreg:$0x9]  }
0x196: {  	[dreg:$0xe] =	wrdreg s9;
	s4 =	sor.u32 $0x1C03, s0  }
0x197: {  	[dreg:$0xd] =	wrdreg s4  }
0x198: {  	[hbm:s17], [sflag:s4] =	dma.local [spmem:s9], $0x223C  }
0x199: {  	_ =	swait.ge [sflag:s19], $0x223C  }
0x19a: {  	[sflag:s19] =	ssyncset.done $0x0  }
0x19b: {  	[sflag:s19] =	ssyncadd.s32 $0xFFFFDDC4  }
0x19c: {  	s4 =	simm.s32 $0x0;
	s9 =	simm.s32 $0x1C0;
	[bflag:$0x0] =	sbarrier.arrive $0xFFFF  }
.LBB2_10:
0x19d: {  	p1 =	sne.s32 s9, $0xDE40;
	[tilespmem:s4+$0x45E0] =	vst v2  }
0x19e: {  	[tilespmem:s4+$0x4580] =	vst v2  }
.Ltmp4:
0x19f: {  	[tilespmem:s4+$0x4590] =	vst v2;
	(pc) =	sbr.rel @p1 .LBB2_10-.Ltmp4, $4  }
0x1a0: {  	[tilespmem:s4+$0x45A0] =	vst v2  }
0x1a1: {  	[tilespmem:s4+$0x45B0] =	vst v2  }
0x1a2: {  	[tilespmem:s4+$0x45C0] =	vst v2  }
0x1a3: {  	[tilespmem:s4+$0x45D0] =	vst v2;
	s4 =	sshra.s32 s9, $0x2;
	s9 =	sadd.s32 $0x1C0, s9  }
0x1a4: {  	[tilespmem:s4+$0x45E0] =	vst v2  }
0x1a5: {  	[tilespmem:s4+$0x4580] =	vst v2  }
0x1a6: {  	[tilespmem:s4+$0x4590] =	vst v2  }
0x1a7: {  	[tilespmem:s4+$0x45A0] =	vst v2  }
0x1a8: {  	[tilespmem:s4+$0x45B0] =	vst v2  }
0x1a9: {  	[tilespmem:s4+$0x45C0] =	vst v2  }
0x1aa: {  	[tilespmem:s4+$0x45D0] =	vst v2  }
0x1ab: {  	[spmem:s21] =	stream.linear.scatter [tilespmem:s18], [sflag:$0x3], $0x3800, $0x38;
	[tilespmem:$0x190E0] =	vst v63  }
0x1ac: {  	_ =	swait.ge [sflag:s19], $0x3800  }
0x1ad: {  	[sflag:s19] =	ssyncset.done $0x0  }
0x1ae: {  	[sflag:s19] =	ssyncadd.s32 $0xFFFFC800  }
0x1af: {  	[spmem:s22] =	stream.linear.scatter [tilespmem:s18], [sflag:$0x3], $0x3800, $0x38;
	[tilespmem:$0x190E0] =	vst v63  }
0x1b0: {  	_ =	swait.ge [sflag:s19], $0x3800  }
0x1b1: {  	[sflag:s19] =	ssyncset.done $0x0  }
0x1b2: {  	s0 =	rddreg [dreg:$0x6];
	[sflag:s19] =	ssyncadd.s32 $0xFFFFC800  }
0x1b3: {  	[spmem:s0] =	stream.linear.scatter [tilespmem:s18], [sflag:$0x3], $0x3800, $0x38;
	[tilespmem:$0x190E0] =	vst v63  }
0x1b4: {  	_ =	swait.ge [sflag:s19], $0x3800  }
0x1b5: {  	[sflag:s19] =	ssyncset.done $0x0  }
0x1b6: {  	s21 =	rddreg [dreg:$0x7];
	[sflag:s19] =	ssyncadd.s32 $0xFFFFC800  }
0x1b7: {  	[spmem:s21] =	stream.linear.scatter [tilespmem:s18], [sflag:$0x3], $0x3800, $0x38;
	[tilespmem:$0x190E0] =	vst v63  }
0x1b8: {  	_ =	swait.ge [sflag:s19], $0x3800  }
0x1b9: {  	[sflag:s19] =	ssyncset.done $0x0  }
0x1ba: {  	s22 =	rddreg [dreg:$0x8];
	[sflag:s19] =	ssyncadd.s32 $0xFFFFC800  }
0x1bb: {  	[spmem:s22] =	stream.linear.scatter [tilespmem:s18], [sflag:$0x3], $0x31E0, $0x38;
	[tilespmem:$0x190E0] =	vst v63  }
0x1bc: {  	_ =	swait.ge [sflag:s19], $0x31E0  }
0x1bd: {  	[sflag:s19] =	ssyncset.done $0x0  }
0x1be: {  	[sflag:s19] =	ssyncadd.s32 $0xFFFFCE20  }
0x1bf: {  	s16 =	simm.s32 $0x0;
	[bflag:$0x0] =	sbarrier.arrive $0xFFFF  }
.LBB2_12:
0x1c0: {  	s0 =	sshll.u32 s16, $0x7  }
0x1c1: {  	s0 =	sadd.s32 s14, s0  }
0x1c2: {  	s4 =	sshrl.u32 s0, $0x3  }
0x1c3: {  	s9 =	sadd.s32 s7, s4  }
0x1c4: {  	[tilespmem:s3], [sflag:$0x3] =	stream.linear.gather [hbm4b:s9+s3], $0x80, $0x38;
	[tilespmem:$0x190E0] =	vst v63  }
0x1c5: {  	_ =	swait.ge [sflag:s19], $0x80  }
0x1c6: {  	[sflag:s19] =	ssyncset.done $0x0  }
0x1c7: {  	s4 =	sadd.s32 s8, s4;
	[sflag:s19] =	ssyncadd.s32 $0xFFFFFF80  }
0x1c8: {  	[tilespmem:s20], [sflag:$0x3] =	stream.linear.gather [hbm4b:s4+s3], $0x80, $0x38;
	[tilespmem:$0x190E0] =	vst v63  }
0x1c9: {  	_ =	swait.ge [sflag:s19], $0x80  }
0x1ca: {  	[sflag:s19] =	ssyncset.done $0x0  }
0x1cb: {  	[sflag:s19] =	ssyncadd.s32 $0xFFFFFF80  }
0x1cc: {  	v4 =	vld [tilespmem:$0x0]  }
0x1cd: {  	v5 =	vld [tilespmem:$0x10]  }
0x1ce: {  	v6 =	vld [tilespmem:$0x20]  }
0x1cf: {  	v7 =	vld [tilespmem:$0x30]  }
0x1d0: {  	v8 =	vld [tilespmem:$0x40]  }
0x1d1: {  	v9 =	vld [tilespmem:$0x50];
	v4 =	vadd.s32 v1, v4  }
0x1d2: {  	[tilespmem:$0x100] =	vst v4;
	v4 =	vadd.s32 v1, v5;
	v5 =	vld [tilespmem:$0x60]  }
0x1d3: {  	[tilespmem:$0x110] =	vst v4;
	v4 =	vadd.s32 v1, v6;
	v6 =	vld [tilespmem:$0x70]  }
0x1d4: {  	[tilespmem:$0x120] =	vst v4;
	v4 =	vadd.s32 v1, v7  }
0x1d5: {  	[tilespmem:$0x130] =	vst v4;
	v4 =	vadd.s32 v1, v8  }
0x1d6: {  	[tilespmem:$0x140] =	vst v4;
	v4 =	vadd.s32 v1, v9  }
0x1d7: {  	[tilespmem:$0x150] =	vst v4;
	v4 =	vadd.s32 v1, v5  }
0x1d8: {  	[tilespmem:$0x160] =	vst v4;
	v4 =	vadd.s32 v1, v6  }
0x1d9: {  	s9 =	simm.s32 $0x1580;
	s4 =	simm.s32 $0x100;
	[tilespmem:$0x170] =	vst v4  }
0x1da: {  	[tilespmem:s9], [sflag:$0x1] =	stream.indirect.gather [hbm4b:s5+s20], $0x60, s4, s20, $0xb8;
	[tilespmem:$0x190E0] =	vst v63  }
0x1db: {  	_ = 	snop  }
0x1dc: {  	[tilespmem:s23], [sflag:$0x2] =	stream.indirect.gather [hbm4b:s6+s20], $0x10, s3, s20, $0xb8;
	[tilespmem:$0x190E0] =	vst v63  }
0x1dd: {  	_ = 	snop  }
0x1de: {  	[tilespmem:s24], [sflag:$0x2] =	stream.indirect.gather [hbm4b:s6+s20], $0x10, s20, s20, $0xb8;
	[tilespmem:$0x190E0] =	vst v63  }
0x1df: {  	s0 =	sadd.s32 s1, s0  }
0x1e0: {  	[tilespmem:s25], [sflag:$0x3] =	stream.linear.gather [hbm4b:s0+s3], $0x400, $0x38;
	[tilespmem:$0x190E0] =	vst v63  }
0x1e1: {  	_ =	swait.ge [sflag:s19], $0x400  }
0x1e2: {  	[sflag:s19] =	ssyncset.done $0x0  }
0x1e3: {  	s10 =	simm.s32 $0x10;
	[sflag:s19] =	ssyncadd.s32 $0xFFFFFC00  }
0x1e4: {  	v4 =	vor.u32 s10, v3;
	_ =	swait.ge [sflag:s26], $0x800  }
0x1e5: {  	v13 =	vshll.u32 v4, $0x4;
	[sflag:s26] =	ssyncset.done $0x0  }
0x1e6: {  	v5 =	vor.u32 $0x3, v13;
	[sflag:s26] =	ssyncadd.s32 $0xFFFFF800  }
0x1e7: {  	_ =	swait.ge [sflag:s26], $0x800  }
0x1e8: {  	v15 =	vshll.u32 v4, $0x3;
	[sflag:s26] =	ssyncset.done $0x0  }
0x1e9: {  	s11 =	simm.s32 $0x0;
	[sflag:s26] =	ssyncadd.s32 $0xFFFFF800  }
0x1ea: {  	v6 =	vor.u32 s11, v3;
	v4 =	vld.idx.msk [tilespmem:v13+s23+$0x0], $0xffff  }
0x1eb: {  	v9 =	vshll.u32 v6, $0x4;
	v7 =	vor.u32 $0x6, v13;
	v5 =	vld.idx.msk [tilespmem:v5+s24+$0x0], $0xffff  }
0x1ec: {  	v10 =	vor.u32 $0x3, v9  }
0x1ed: {  	v8 =	vld.idx.msk [tilespmem:v15+s25+$0x0], $0xffff;
	_ =	sdelay $0x1  }
0x1ee: {  	v14 =	vshll.u32 v6, $0x3  }
0x1ef: {  	v6 =	vld.idx.msk [tilespmem:v7+s24+$0x0], $0xffff;
	v4 =	vadd.f32 v5, v4  }
0x1f0: {  	v7 =	vld.idx.msk [tilespmem:v10+s24+$0x0], $0xffff  }
0x1f1: {  	v5 =	vld.idx.msk [tilespmem:v9+s23+$0x0], $0xffff;
	v4 =	vadd.f32 v8, v4;
	_ =	sdelay $0x1  }
0x1f2: {  	v10 =	vor.u32 $0x6, v9;
	v11 =	vld.idx.msk [tilespmem:v14+s25+$0x0], $0xffff;
	v8 =	vmul.f32 $2.000000030e-01, v4;
	_ =	sdelay $0x1  }
0x1f3: {  	s12 =	simm.s32 $0x30;
	v4 =	vmax.f32 v4, v8  }
0x1f4: {  	v5 =	vadd.f32 v7, v5;
	v8 =	vor.u32 s12, v3;
	v4 =	vsub.f32 v4, v6  }
0x1f5: {  	v6 =	vshll.u32 v8, $0x4  }
0x1f6: {  	v10 =	vld.idx.msk [tilespmem:v10+s24+$0x0], $0xffff;
	v5 =	vadd.f32 v11, v5;
	v7 =	vor.u32 $0x3, v6;
	v4 =	vmul.f32 $1.442695020e+00, v4;
	_ =	sdelay $0x1  }
0x1f7: {  	v12 =	vshll.u32 v8, $0x3;
	(erf) = vpow2.f32 v4;
	v4 =	vmul.f32 $2.000000030e-01, v5;
	_ =	sdelay $0x1  }
0x1f8: {  	v8 =	vld.idx.msk [tilespmem:v6+s23+$0x0], $0xffff;
	v4 =	vmax.f32 v5, v4  }
0x1f9: {  	v5 =	vld.idx.msk [tilespmem:v7+s24+$0x0], $0xffff;
	v4 =	vsub.f32 v4, v10  }
0x1fa: {  	s13 =	simm.s32 $0x20  }
0x1fb: {  	v17 =	vor.u32 s13, v3;
	v7 =	vor.u32 $0x6, v6;
	v10 =	vld.idx.msk [tilespmem:v12+s25+$0x0], $0xffff;
	v11 =	vmul.f32 $1.442695020e+00, v4  }
0x1fc: {  	v4 =	vshll.u32 v17, $0x4  }
0x1fd: {  	v16 =	vor.u32 $0x4, v13  }
0x1fe: {  	v18 =	vor.u32 $0x3, v4;
	(erf) = vpow2.f32 v11;
	v8 =	vadd.f32 v5, v8  }
0x1ff: {  	s15 =	simm.s32 $0x7D90;
	v5 =	vshll.u32 v17, $0x3;
	v11 =	vpop (erf)  }
0x200: {  	v7 =	vld.idx.msk [tilespmem:v7+s24+$0x0], $0xffff;
	v8 =	vadd.f32 v10, v8;
	[tilespmem:s15+$0x0] =	vst v11;
	v11 =	vor.u32 $0x1, v13  }
0x201: {  	v17 =	vld.idx.msk [tilespmem:v4+s23+$0x0], $0xffff  }
0x202: {  	v10 =	vld.idx.msk [tilespmem:v16+s24+$0x0], $0xffff;
	v16 =	vor.u32 $0x1, v15;
	v19 =	vmul.f32 $2.000000030e-01, v8  }
0x203: {  	v18 =	vld.idx.msk [tilespmem:v18+s24+$0x0], $0xffff  }
0x204: {  	v21 =	vor.u32 $0x4, v9;
	v20 =	vld.idx.msk [tilespmem:v5+s25+$0x0], $0xffff;
	v8 =	vmax.f32 v8, v19  }
0x205: {  	v19 =	vor.u32 $0x1, v9;
	v7 =	vsub.f32 v8, v7;
	v11 =	vld.idx.msk [tilespmem:v11+s23+$0x0], $0xffff  }
0x206: {  	v8 =	vor.u32 $0x6, v4  }
0x207: {  	v23 =	vor.u32 $0x1, v14;
	v16 =	vld.idx.msk [tilespmem:v16+s25+$0x0], $0xffff;
	v22 =	vpop (erf);
	v7 =	vmul.f32 $1.442695020e+00, v7  }
0x208: {  	v24 =	vor.u32 $0x7, v13;
	v17 =	vadd.f32 v18, v17;
	[tilespmem:s15+$0xFFFFFFF0] =	vst v22  }
0x209: {  	v18 =	vld.idx.msk [tilespmem:v21+s24+$0x0], $0xffff;
	(erf) = vpow2.f32 v7  }
0x20a: {  	v7 =	vadd.f32 v20, v17;
	v17 =	vld.idx.msk [tilespmem:v19+s23+$0x0], $0xffff;
	v10 =	vadd.f32 v10, v11  }
0x20b: {  	v8 =	vld.idx.msk [tilespmem:v8+s24+$0x0], $0xffff  }
0x20c: {  	v19 =	vor.u32 $0x7, v9;
	v20 =	vld.idx.msk [tilespmem:v23+s25+$0x0], $0xffff;
	v11 =	vmul.f32 $2.000000030e-01, v7;
	v10 =	vadd.f32 v16, v10  }
0x20d: {  	v16 =	vld.idx.msk [tilespmem:v24+s24+$0x0], $0xffff  }
0x20e: {  	s17 =	simm.s32 $0x40;
	v7 =	vmax.f32 v7, v11;
	v11 =	vmul.f32 $2.000000030e-01, v10  }
0x20f: {  	s12 =	simm.s32 $0x50;
	v21 =	vor.u32 s17, v3;
	v17 =	vadd.f32 v18, v17;
	v18 =	vor.u32 $0x1, v12  }
0x210: {  	v23 =	vor.u32 s12, v3;
	v22 =	vsub.f32 v7, v8;
	v8 =	vshll.u32 v21, $0x4  }
0x211: {  	v19 =	vld.idx.msk [tilespmem:v19+s24+$0x0], $0xffff;
	v7 =	vshll.u32 v23, $0x4;
	v17 =	vadd.f32 v20, v17;
	v10 =	vmax.f32 v10, v11  }
0x212: {  	s11 =	simm.s32 $0x7DB0;
	v10 =	vsub.f32 v10, v16;
	v16 =	vor.u32 $0x3, v7;
	v11 =	vpop (erf)  }
0x213: {  	v20 =	vmul.f32 $1.442695020e+00, v22;
	v22 =	vor.u32 $0x3, v8;
	v24 =	vmul.f32 $2.000000030e-01, v17;
	[tilespmem:s11+$0x0] =	vst v11  }
0x214: {  	v11 =	vshll.u32 v23, $0x3;
	v26 =	vld.idx.msk [tilespmem:v18+s25+$0x0], $0xffff;
	v18 =	vmul.f32 $1.442695020e+00, v10  }
0x215: {  	(erf) = vpow2.f32 v20;
	v17 =	vmax.f32 v17, v24;
	v10 =	vshll.u32 v21, $0x3;
	v21 =	vld.idx.msk [tilespmem:v8+s23+$0x0], $0xffff  }
0x216: {  	v27 =	vor.u32 $0x1, v6;
	v17 =	vsub.f32 v17, v19;
	v19 =	vld.idx.msk [tilespmem:v7+s23+$0x0], $0xffff;
	(erf) = vpow2.f32 v18  }
0x217: {  	v16 =	vld.idx.msk [tilespmem:v16+s24+$0x0], $0xffff;
	v18 =	vor.u32 $0x6, v8  }
0x218: {  	v20 =	vor.u32 $0x4, v6;
	v22 =	vld.idx.msk [tilespmem:v22+s24+$0x0], $0xffff;
	v17 =	vmul.f32 $1.442695020e+00, v17  }
0x219: {  	v23 =	vor.u32 $0x6, v7;
	v24 =	vld.idx.msk [tilespmem:v11+s25+$0x0], $0xffff  }
0x21a: {  	v25 =	vor.u32 $0x7, v6;
	(erf) = vpow2.f32 v17;
	v17 =	vld.idx.msk [tilespmem:v10+s25+$0x0], $0xffff  }
0x21b: {  	v28 =	vor.u32 $0x4, v4;
	v27 =	vld.idx.msk [tilespmem:v27+s23+$0x0], $0xffff  }
0x21c: {  	v29 =	vld.idx.msk [tilespmem:v18+s24+$0x0], $0xffff;
	v16 =	vadd.f32 v16, v19;
	v18 =	vor.u32 $0x2, v15  }
0x21d: {  	v20 =	vld.idx.msk [tilespmem:v20+s24+$0x0], $0xffff;
	v15 =	vadd.f32 v22, v21;
	v21 =	vor.u32 $0x5, v13  }
0x21e: {  	v19 =	vld.idx.msk [tilespmem:v23+s24+$0x0], $0xffff;
	v23 =	vpop (erf);
	v22 =	vadd.f32 v24, v16;
	v24 =	vor.u32 $0x2, v13  }
0x21f: {  	s13 =	simm.s32 $0x7E10;
	[tilespmem:s11+$0xFFFFFFF0] =	vst v23;
	v23 =	vor.u32 $0x1, v4;
	v16 =	vld.idx.msk [tilespmem:v25+s24+$0x0], $0xffff;
	v25 =	vadd.f32 v17, v15;
	v17 =	vpop (erf)  }
0x220: {  	v62 =	vor.u32 $0x2, v9;
	v15 =	vld.idx.msk [tilespmem:v28+s24+$0x0], $0xffff;
	v30 =	vmul.f32 $2.000000030e-01, v22;
	[tilespmem:s13+$0x0] =	vst v17  }
0x221: {  	v32 =	vor.u32 $0x5, v9;
	v31 =	vmul.f32 $2.000000030e-01, v25;
	v17 =	vld.idx.msk [tilespmem:v18+s25+$0x0], $0xffff  }
0x222: {  	v63 =	vor.u32 $0x1, v5;
	v22 =	vmax.f32 v22, v30;
	v18 =	vld.idx.msk [tilespmem:v21+s24+$0x0], $0xffff  }
0x223: {  	v33 =	vpop (erf);
	v25 =	vmax.f32 v25, v31;
	v22 =	vsub.f32 v22, v19;
	v21 =	vld.idx.msk [tilespmem:v24+s23+$0x0], $0xffff  }
0x224: {  	[tilespmem:s13+$0xFFFFFFF0] =	vst v33;
	v19 =	vld.idx.msk [tilespmem:v23+s23+$0x0], $0xffff;
	v23 =	vor.u32 $0x2, v14;
	v25 =	vsub.f32 v25, v29  }
0x225: {  	v27 =	vadd.f32 v20, v27;
	v24 =	vor.u32 $0x8, v13;
	v20 =	vld.idx.msk [tilespmem:v62+s23+$0x0], $0xffff;
	v22 =	vmul.f32 $1.442695020e+00, v22  }
0x226: {  	s22 =	smov.u32 s2;
	s21 =	smov.u32 s1;
	v14 =	vld.idx.msk [tilespmem:v32+s24+$0x0], $0xffff;
	v13 =	vmul.f32 $1.442695020e+00, v25;
	v25 =	vor.u32 $0x7, v4  }
0x227: {  	s10 =	simm.s32 $0x7E90;
	s9 =	simm.s32 $0x7E90;
	s4 =	simm.s32 $0x4;
	v26 =	vadd.f32 v26, v27;
	(erf) = vpow2.f32 v22;
	v22 =	vld.idx.msk [tilespmem:v63+s25+$0x0], $0xffff  }
.LBB2_13:
0x228: {  	s4 =	sadd.s32 $0x2, s4;
	s13 =	sadd.s32 $0x20, s13;
	s9 =	sadd.s32 $0x20, s9  }
0x229: {  	v28 =	vor.u32 $0x8, v9;
	v18 =	vadd.f32 v18, v21;
	v9 =	vmovc v4;
	v4 =	vmovc v8;
	p1 =	slt.u32 s4, $0x6;
	v27 =	vmul.f32 $2.000000030e-01, v26;
	v23 =	vld.idx.msk [tilespmem:v23+s25+$0x0], $0xffff  }
0x22a: {  	v21 =	vld.idx.msk [tilespmem:v24+s24+$0x0], $0xffff  }
0x22b: {  	v17 =	vadd.f32 v17, v18;
	v24 =	vld.idx.msk [tilespmem:v25+s24+$0x0], $0xffff;
	v8 =	vmax.f32 v26, v27  }
0x22c: {  	s12 =	sadd.s32 $0x20, s12;
	v15 =	vadd.f32 v15, v19;
	v18 =	vor.u32 $0x4, v7;
	v16 =	vsub.f32 v8, v16  }
0x22d: {  	s0 =	sadd.s32 $0xFFFFFFF0, s12;
	v19 =	vor.u32 $0x1, v11;
	v14 =	vadd.f32 v14, v20;
	v20 =	vmul.f32 $2.000000030e-01, v17  }
0x22e: {  	v25 =	vor.u32 s0, v3;
	v26 =	vor.u32 s12, v3;
	v15 =	vadd.f32 v22, v15;
	v22 =	vld.idx.msk [tilespmem:v28+s24+$0x0], $0xffff  }
0x22f: {  	s11 =	sadd.s32 $0x20, s11;
	v8 =	vshll.u32 v25, $0x4;
	v25 =	vshll.u32 v25, $0x3;
	v14 =	vadd.f32 v23, v14  }
0x230: {  	v27 =	vshll.u32 v26, $0x4;
	v23 =	vor.u32 $0x3, v8;
	v17 =	vmax.f32 v17, v20;
	v28 =	vpop (erf)  }
0x231: {  	v29 =	vor.u32 $0x6, v27;
	v20 =	vor.u32 $0x3, v27;
	[tilespmem:s11+$0x0] =	vst v28;
	v28 =	vmul.f32 $2.000000030e-01, v15  }
0x232: {  	v26 =	vshll.u32 v26, $0x3;
	v16 =	vmul.f32 $1.442695020e+00, v16;
	v30 =	vld.idx.msk [tilespmem:v19+s25+$0x0], $0xffff;
	v19 =	vmul.f32 $2.000000030e-01, v14  }
0x233: {  	v17 =	vsub.f32 v17, v21;
	v31 =	vld.idx.msk [tilespmem:v18+s24+$0x0], $0xffff;
	v15 =	vmax.f32 v15, v28  }
0x234: {  	v18 =	vld.idx.msk [tilespmem:v8+s23+$0x0], $0xffff;
	v15 =	vsub.f32 v15, v24;
	v14 =	vmax.f32 v14, v19  }
0x235: {  	v19 =	vld.idx.msk [tilespmem:v27+s23+$0x0], $0xffff;
	(erf) = vpow2.f32 v13;
	v13 =	vsub.f32 v14, v22;
	v14 =	vmul.f32 $1.442695020e+00, v17  }
0x236: {  	v17 =	vld.idx.msk [tilespmem:v20+s24+$0x0], $0xffff;
	v15 =	vmul.f32 $1.442695020e+00, v15;
	(erf) = vpow2.f32 v16  }
0x237: {  	v20 =	vor.u32 $0x6, v8;
	v16 =	vld.idx.msk [tilespmem:v23+s24+$0x0], $0xffff;
	v13 =	vmul.f32 $1.442695020e+00, v13;
	(erf) = vpow2.f32 v14  }
0x238: {  	v14 =	vld.idx.msk [tilespmem:v26+s25+$0x0], $0xffff;
	(erf) = vpow2.f32 v15  }
0x239: {  	v21 =	vor.u32 $0x7, v7;
	v15 =	vld.idx.msk [tilespmem:v25+s25+$0x0], $0xffff;
	(erf) = vpow2.f32 v13  }
0x23a: {  	v13 =	vor.u32 $0x1, v7  }
0x23b: {  	v22 =	vor.u32 $0x4, v4  }
0x23c: {  	v28 =	vadd.f32 v17, v19;
	v19 =	vor.u32 $0x2, v12;
	v12 =	vmovc v11;
	v11 =	vmov v26;
	v20 =	vld.idx.msk [tilespmem:v20+s24+$0x0], $0xffff  }
0x23d: {  	v24 =	vor.u32 $0x5, v6;
	v18 =	vadd.f32 v16, v18;
	v23 =	vld.idx.msk [tilespmem:v29+s24+$0x0], $0xffff  }
0x23e: {  	v14 =	vadd.f32 v14, v28;
	v16 =	vld.idx.msk [tilespmem:v21+s24+$0x0], $0xffff;
	v17 =	vpop (erf);
	v21 =	vor.u32 $0x2, v6  }
0x23f: {  	v28 =	vor.u32 $0x1, v4;
	v26 =	vadd.f32 v15, v18;
	[tilespmem:s11+$0xFFFFFFF0] =	vst v17;
	v13 =	vld.idx.msk [tilespmem:v13+s23+$0x0], $0xffff;
	v17 =	vpop (erf)  }
0x240: {  	v18 =	vmul.f32 $2.000000030e-01, v14;
	v15 =	vld.idx.msk [tilespmem:v22+s24+$0x0], $0xffff;
	v22 =	vor.u32 $0x2, v9;
	[tilespmem:s13+$0x0] =	vst v17;
	v29 =	vpop (erf)  }
0x241: {  	v33 =	vor.u32 $0x5, v9;
	v32 =	vmul.f32 $2.000000030e-01, v26;
	v17 =	vld.idx.msk [tilespmem:v19+s25+$0x0], $0xffff;
	v19 =	vpop (erf);
	[tilespmem:s10+$0x0] =	vst v29  }
0x242: {  	v14 =	vmax.f32 v14, v18;
	v29 =	vor.u32 $0x1, v10;
	[tilespmem:s13+$0xFFFFFFF0] =	vst v19;
	v18 =	vld.idx.msk [tilespmem:v24+s24+$0x0], $0xffff;
	v19 =	vpop (erf)  }
.Ltmp5:
0x243: {  	v24 =	vmax.f32 v26, v32;
	v14 =	vsub.f32 v14, v23;
	v21 =	vld.idx.msk [tilespmem:v21+s23+$0x0], $0xffff;
	[tilespmem:s10+$0xFFFFFFF0] =	vst v19;
	s10 =	smov.u32 s9;
	(pc) =	sbr.rel @p1 .LBB2_13-.Ltmp5, $4  }
0x244: {  	v23 =	vor.u32 $0x2, v5;
	v5 =	vmovc v10;
	v10 =	vmov v25;
	v26 =	vsub.f32 v24, v20;
	v19 =	vld.idx.msk [tilespmem:v28+s23+$0x0], $0xffff  }
0x245: {  	v24 =	vor.u32 $0x8, v6;
	v6 =	vmovc v7;
	v7 =	vmovc v27;
	v28 =	vmul.f32 $1.442695020e+00, v14;
	v31 =	vadd.f32 v31, v13;
	v20 =	vld.idx.msk [tilespmem:v22+s23+$0x0], $0xffff  }
0x246: {  	v25 =	vor.u32 $0x7, v4;
	v13 =	vmul.f32 $1.442695020e+00, v26;
	v14 =	vld.idx.msk [tilespmem:v33+s24+$0x0], $0xffff  }
0x247: {  	v26 =	vadd.f32 v30, v31;
	(erf) = vpow2.f32 v28;
	v22 =	vld.idx.msk [tilespmem:v29+s25+$0x0], $0xffff  }
0x248: {  	_ = 	snop  }
0x249: {  	v27 =	vmul.f32 $2.000000030e-01, v26;
	_ =	sdelay $0x1  }
0x24a: {  	v26 =	vmax.f32 v26, v27  }
0x24b: {  	v16 =	vsub.f32 v26, v16;
	_ =	sdelay $0x1  }
0x24c: {  	(erf) = vpow2.f32 v13;
	v16 =	vmul.f32 $1.442695020e+00, v16;
	_ =	sdelay $0x1  }
0x24d: {  	(erf) = vpow2.f32 v16  }
0x24e: {  	v9 =	vor.u32 $0x8, v9  }
0x24f: {  	v13 =	vor.u32 $0x1, v11  }
0x250: {  	v24 =	vld.idx.msk [tilespmem:v24+s24+$0x0], $0xffff;
	v26 =	vor.u32 $0x1, v7  }
0x251: {  	v25 =	vld.idx.msk [tilespmem:v25+s24+$0x0], $0xffff;
	v28 =	vor.u32 $0x4, v8  }
0x252: {  	s0 =	sadd.s32 $0x20, s11;
	v16 =	vld.idx.msk [tilespmem:v23+s25+$0x0], $0xffff;
	v23 =	vor.u32 $0x4, v7;
	v27 =	vpop (erf)  }
0x253: {  	v9 =	vld.idx.msk [tilespmem:v9+s24+$0x0], $0xffff;
	[tilespmem:s0+$0x0] =	vst v27;
	v27 =	vor.u32 $0x5, v6  }
0x254: {  	v29 =	vor.u32 $0x2, v6;
	v30 =	vpop (erf);
	v13 =	vld.idx.msk [tilespmem:v13+s25+$0x0], $0xffff  }
0x255: {  	v31 =	vor.u32 $0x1, v8;
	v18 =	vadd.f32 v18, v21;
	[tilespmem:s0+$0xFFFFFFF0] =	vst v30;
	v21 =	vld.idx.msk [tilespmem:v26+s23+$0x0], $0xffff  }
0x256: {  	s4 =	sadd.s32 $0x20, s13;
	v12 =	vor.u32 $0x2, v12;
	v15 =	vadd.f32 v15, v19;
	v19 =	vld.idx.msk [tilespmem:v28+s24+$0x0], $0xffff;
	v26 =	vpop (erf)  }
0x257: {  	v17 =	vadd.f32 v17, v18;
	v23 =	vld.idx.msk [tilespmem:v23+s24+$0x0], $0xffff;
	[tilespmem:s4+$0x0] =	vst v26;
	v26 =	vor.u32 $0x1, v10  }
0x258: {  	v14 =	vadd.f32 v14, v20;
	v18 =	vld.idx.msk [tilespmem:v27+s24+$0x0], $0xffff  }
0x259: {  	v15 =	vadd.f32 v22, v15;
	v22 =	vmul.f32 $2.000000030e-01, v17;
	v20 =	vld.idx.msk [tilespmem:v29+s23+$0x0], $0xffff  }
0x25a: {  	v14 =	vadd.f32 v16, v14;
	v16 =	vor.u32 $0x7, v7;
	v27 =	vld.idx.msk [tilespmem:v31+s23+$0x0], $0xffff  }
0x25b: {  	v17 =	vmax.f32 v17, v22;
	v6 =	vor.u32 $0x8, v6;
	v28 =	vmul.f32 $2.000000030e-01, v15;
	v12 =	vld.idx.msk [tilespmem:v12+s25+$0x0], $0xffff  }
0x25c: {  	v17 =	vsub.f32 v17, v24;
	v29 =	vor.u32 $0x7, v8;
	v26 =	vld.idx.msk [tilespmem:v26+s25+$0x0], $0xffff  }
0x25d: {  	v15 =	vmax.f32 v15, v28;
	v22 =	vmul.f32 $2.000000030e-01, v14;
	v21 =	vadd.f32 v23, v21  }
0x25e: {  	v15 =	vsub.f32 v15, v25;
	v18 =	vadd.f32 v18, v20  }
0x25f: {  	v14 =	vmax.f32 v14, v22;
	v16 =	vld.idx.msk [tilespmem:v16+s24+$0x0], $0xffff;
	v13 =	vadd.f32 v13, v21;
	v19 =	vadd.f32 v19, v27  }
0x260: {  	v9 =	vsub.f32 v14, v9;
	v6 =	vld.idx.msk [tilespmem:v6+s24+$0x0], $0xffff;
	v12 =	vadd.f32 v12, v18  }
0x261: {  	v14 =	vmul.f32 $1.442695020e+00, v17;
	v17 =	vmul.f32 $2.000000030e-01, v13;
	v18 =	vld.idx.msk [tilespmem:v29+s24+$0x0], $0xffff;
	v19 =	vadd.f32 v26, v19  }
0x262: {  	v15 =	vmul.f32 $1.442695020e+00, v15;
	v20 =	vmul.f32 $2.000000030e-01, v12  }
0x263: {  	v9 =	vmul.f32 $1.442695020e+00, v9;
	v13 =	vmax.f32 v13, v17;
	v17 =	vmul.f32 $2.000000030e-01, v19  }
0x264: {  	(erf) = vpow2.f32 v14;
	v13 =	vsub.f32 v13, v16;
	v12 =	vmax.f32 v12, v20  }
0x265: {  	(erf) = vpow2.f32 v15;
	v6 =	vsub.f32 v12, v6;
	v14 =	vmax.f32 v19, v17  }
0x266: {  	v12 =	vmul.f32 $1.442695020e+00, v13;
	v13 =	vsub.f32 v14, v18  }
0x267: {  	(erf) = vpow2.f32 v9;
	v6 =	vmul.f32 $1.442695020e+00, v6  }
0x268: {  	(erf) = vpow2.f32 v12;
	v9 =	vmul.f32 $1.442695020e+00, v13  }
0x269: {  	(erf) = vpow2.f32 v6  }
0x26a: {  	(erf) = vpow2.f32 v9  }
0x26b: {  	v5 =	vor.u32 $0x2, v5  }
0x26c: {  	v6 =	vor.u32 $0x2, v4  }
0x26d: {  	v12 =	vpop (erf);
	v9 =	vor.u32 $0x5, v4  }
0x26e: {  	v14 =	vor.u32 $0x5, v7;
	v13 =	vpop (erf)  }
0x26f: {  	[tilespmem:s4+$0xFFFFFFF0] =	vst v13;
	v13 =	vor.u32 $0x2, v7  }
0x270: {  	v16 =	vor.u32 $0x2, v8;
	v15 =	vpop (erf);
	v5 =	vld.idx.msk [tilespmem:v5+s25+$0x0], $0xffff  }
0x271: {  	s2 =	sadd.s32 $0x20, s4;
	v18 =	vor.u32 $0x5, v8;
	v6 =	vld.idx.msk [tilespmem:v6+s23+$0x0], $0xffff;
	v17 =	vpop (erf)  }
0x272: {  	v11 =	vor.u32 $0x2, v11;
	v9 =	vld.idx.msk [tilespmem:v9+s24+$0x0], $0xffff;
	[tilespmem:s2+$0x0] =	vst v17;
	v17 =	vpop (erf)  }
0x273: {  	v10 =	vor.u32 $0x2, v10;
	v14 =	vld.idx.msk [tilespmem:v14+s24+$0x0], $0xffff;
	v19 =	vpop (erf)  }
0x274: {  	v13 =	vld.idx.msk [tilespmem:v13+s23+$0x0], $0xffff;
	[tilespmem:s2+$0xFFFFFFF0] =	vst v19  }
0x275: {  	v16 =	vld.idx.msk [tilespmem:v16+s23+$0x0], $0xffff  }
0x276: {  	v4 =	vor.u32 $0x8, v4;
	v18 =	vld.idx.msk [tilespmem:v18+s24+$0x0], $0xffff  }
0x277: {  	v7 =	vor.u32 $0x8, v7;
	v11 =	vld.idx.msk [tilespmem:v11+s25+$0x0], $0xffff  }
0x278: {  	v8 =	vor.u32 $0x8, v8;
	v10 =	vld.idx.msk [tilespmem:v10+s25+$0x0], $0xffff  }
0x279: {  	v6 =	vadd.f32 v9, v6  }
0x27a: {  	v9 =	vadd.f32 v14, v13  }
0x27b: {  	v4 =	vld.idx.msk [tilespmem:v4+s24+$0x0], $0xffff;
	v5 =	vadd.f32 v5, v6;
	v6 =	vadd.f32 v18, v16  }
0x27c: {  	v7 =	vld.idx.msk [tilespmem:v7+s24+$0x0], $0xffff;
	v9 =	vadd.f32 v11, v9  }
0x27d: {  	v8 =	vld.idx.msk [tilespmem:v8+s24+$0x0], $0xffff;
	v11 =	vmul.f32 $2.000000030e-01, v5;
	v6 =	vadd.f32 v10, v6  }
0x27e: {  	v10 =	vmul.f32 $2.000000030e-01, v9  }
0x27f: {  	v5 =	vmax.f32 v5, v11;
	v11 =	vmul.f32 $2.000000030e-01, v6  }
0x280: {  	v4 =	vsub.f32 v5, v4;
	v5 =	vmax.f32 v9, v10  }
0x281: {  	v5 =	vsub.f32 v5, v7;
	v6 =	vmax.f32 v6, v11  }
0x282: {  	v4 =	vmul.f32 $1.442695020e+00, v4;
	v6 =	vsub.f32 v6, v8  }
0x283: {  	v5 =	vmul.f32 $1.442695020e+00, v5  }
0x284: {  	(erf) = vpow2.f32 v4;
	v4 =	vmul.f32 $1.442695020e+00, v6  }
0x285: {  	(erf) = vpow2.f32 v5  }
0x286: {  	(erf) = vpow2.f32 v4;
	_ =	sdelay $0x4  }
0x287: {  	[tilespmem:s10+$0x0] =	vst v12;
	s4 =	simm.s32 $0x0  }
0x288: {  	s9 =	sadd.s32 $0x20, s9;
	s11 =	simm.s32 $0x1;
	[tilespmem:s10+$0xFFFFFFF0] =	vst v15;
	v4 =	vmov s4  }
0x289: {  	[tilespmem:s9+$0x0] =	vst v17;
	v6 =	vmov s11;
	v4 =	vand.u32 $0xFFFFFFFC, v4;
	v5 =	vpop (erf)  }
0x28a: {  	s12 =	sadd.s32 $0x20, s9;
	v6 =	vand.u32 $0xFFFFFFFD, v6;
	v4 =	vbroadcast v4, $0x0;
	[tilespmem:s9+$0xFFFFFFF0] =	vst v5;
	v5 =	vpop (erf)  }
0x28b: {  	v6 =	vbroadcast v6, $0x0;
	[tilespmem:s12+$0x0] =	vst v5;
	v5 =	vpop (erf)  }
0x28c: {  	[tilespmem:s12+$0xFFFFFFF0] =	vst v5  }
0x28d: {  	s13 =	simm.s32 $0x2;
	_ =	swait.ge [sflag:s28], $0x3000  }
0x28e: {  	v5 =	vmov s13;
	[sflag:s28] =	ssyncset.done $0x0  }
0x28f: {  	v5 =	vand.u32 $0xFFFFFFFE, v5;
	[sflag:s28] =	ssyncadd.s32 $0xFFFFD000  }
0x290: {  	v5 =	vbroadcast v5, $0x0;
	v7 =	vld.idx.msk [tilespmem:v4+s29+$0x0], $0xffff  }
0x291: {  	v8 =	vld.idx.msk [tilespmem:v6+s31+$0x0], $0xffff  }
0x292: {  	v9 =	vld.idx.msk [tilespmem:v4+s31+$0x0], $0xffff  }
0x293: {  	s15 =	simm.s32 $0x3;
	v10 =	vld.idx.msk [tilespmem:v6+s29+$0x0], $0xffff  }
0x294: {  	v11 =	vmov s15;
	v6 =	vld.idx.msk [tilespmem:v6+s30+$0x0], $0xffff  }
0x295: {  	v16 =	vld.idx.msk [tilespmem:v4+s30+$0x0], $0xffff  }
0x296: {  	v14 =	vld.idx.msk [tilespmem:v5+s31+$0x0], $0xffff  }
0x297: {  	s17 =	simm.s32 $0x4;
	v15 =	vld.idx.msk [tilespmem:v5+s30+$0x0], $0xffff  }
0x298: {  	v12 =	vmov s17;
	v5 =	vld.idx.msk [tilespmem:v5+s29+$0x0], $0xffff;
	v4 =	vsel vm0, $0x0, v8  }
0x299: {  	s1 =	simm.s32 $0x5;
	v13 =	vand.u32 $0xFFFFFFFC, v12;
	v17 =	vld.idx.msk [tilespmem:v11+s29+$0x0], $0xffff;
	v4 =	vsel vm1, v4, v6  }
0x29a: {  	s17 =	simm.s32 $0x4660;
	v20 =	vbroadcast v13, $0x0;
	v18 =	vmov s1;
	v12 =	vld.idx.msk [tilespmem:v11+s31+$0x0], $0xffff;
	v4 =	vsel vm2, v10, v4  }
0x29b: {  	v18 =	vand.u32 $0xFFFFFFFD, v18;
	s11 =	simm.s32 $0x1640;
	v13 =	vld.idx.msk [tilespmem:v11+s30+$0x0], $0xffff;
	[tilespmem:s17+$0xFFFFFFF0] =	vst v4;
	v19 =	vsel vm0, $0x0, v14  }
0x29c: {  	v18 =	vbroadcast v18, $0x0;
	v11 =	vsel vm0, $0x0, v9;
	v4 =	vsel vm1, v19, v15;
	v19 =	vld [tilespmem:s11+$0xFFFFFFA0]  }
0x29d: {  	v11 =	vsel vm1, v11, v16;
	v4 =	vsel vm2, v5, v4  }
0x29e: {  	[tilespmem:s17+$0x60] =	vst v4;
	v4 =	vsel vm2, v7, v11  }
0x29f: {  	s2 =	simm.s32 $0x7;
	v11 =	vld [tilespmem:s11+$0x0];
	[tilespmem:s17+$0xFFFFFF80] =	vst v4;
	v4 =	vsel vm0, $0x0, v12  }
0x2a0: {  	v25 =	vmov s2;
	v23 =	vld.idx.msk [tilespmem:v20+s29+$0x0], $0xffff;
	v10 =	vpsel p0, v10, v8;
	v4 =	vsel vm1, v4, v13  }
0x2a1: {  	v22 =	vld [tilespmem:s11+$0xFFFFFF40];
	v19 =	vmul.f32 v19, v10;
	v4 =	vsel vm2, v17, v4  }
0x2a2: {  	v21 =	vld.idx.msk [tilespmem:v18+s31+$0x0], $0xffff;
	[tilespmem:s17+$0xD0] =	vst v4  }
0x2a3: {  	v5 =	vpsel p0, v5, v14;
	[tilespmem:s17+$0xFFFFFF90] =	vst v19;
	v19 =	vld [tilespmem:s11+$0x60]  }
0x2a4: {  	s9 =	simm.s32 $0x6;
	v26 =	vpsel p0, v7, v9;
	v11 =	vmul.f32 v11, v5;
	v7 =	vld [tilespmem:s11+$0xFFFFFFB0]  }
0x2a5: {  	v24 =	vmov s9;
	v27 =	vld.idx.msk [tilespmem:v25+s29+$0x0], $0xffff  }
0x2a6: {  	v28 =	vld.idx.msk [tilespmem:v18+s29+$0x0], $0xffff;
	v4 =	vand.u32 $0xFFFFFFFE, v24;
	v22 =	vmul.f32 v22, v26;
	[tilespmem:s17+$0x0] =	vst v11  }
0x2a7: {  	v17 =	vpsel p0, v17, v12;
	v24 =	vbroadcast v4, $0x0;
	v11 =	vld [tilespmem:s11+$0x10]  }
0x2a8: {  	v30 =	vld.idx.msk [tilespmem:v18+s30+$0x0], $0xffff;
	[tilespmem:s17+$0xFFFFFF20] =	vst v22;
	v19 =	vmul.f32 v19, v17  }
0x2a9: {  	v22 =	vld [tilespmem:s11+$0xFFFFFF50];
	v7 =	vmul.f32 v7, v10  }
0x2aa: {  	v4 =	vld.idx.msk [tilespmem:v20+s31+$0x0], $0xffff;
	[tilespmem:s17+$0x70] =	vst v19  }
0x2ab: {  	[tilespmem:s17+$0xFFFFFFA0] =	vst v7;
	v10 =	vld [tilespmem:s11+$0x70]  }
0x2ac: {  	v5 =	vmul.f32 v11, v5;
	v11 =	vld [tilespmem:s11+$0xFFFFFFC0]  }
0x2ad: {  	v8 =	vpsel p0, v6, v8;
	v29 =	vld.idx.msk [tilespmem:v24+s30+$0x0], $0xffff  }
0x2ae: {  	v6 =	vpsel p0, v15, v14;
	v14 =	vld.idx.msk [tilespmem:v24+s29+$0x0], $0xffff;
	[tilespmem:s17+$0x10] =	vst v5;
	v5 =	vmul.f32 v22, v26  }
0x2af: {  	v19 =	vld [tilespmem:s11+$0x20]  }
0x2b0: {  	v26 =	vld.idx.msk [tilespmem:v24+s31+$0x0], $0xffff;
	[tilespmem:s17+$0xFFFFFF30] =	vst v5;
	v5 =	vmul.f32 v10, v17  }
0x2b1: {  	s12 =	simm.s32 $0x9;
	v10 =	vld [tilespmem:s11+$0xFFFFFF60];
	v11 =	vmul.f32 v11, v8  }
0x2b2: {  	v18 =	vmov s12;
	v7 =	vld.idx.msk [tilespmem:v20+s30+$0x0], $0xffff;
	[tilespmem:s17+$0x80] =	vst v5;
	v5 =	vsel vm0, $0x0, v21  }
0x2b3: {  	s10 =	simm.s32 $0x8;
	v18 =	vand.u32 $0xFFFFFFFD, v18;
	[tilespmem:s17+$0xFFFFFFB0] =	vst v11;
	v11 =	vsel vm1, v5, v30;
	v5 =	vpsel p0, v16, v9;
	v9 =	vld.idx.msk [tilespmem:v25+s30+$0x0], $0xffff  }
0x2b4: {  	v24 =	vbroadcast v18, $0x0;
	v17 =	vmov s10;
	v15 =	vmul.f32 v19, v6;
	v19 =	vld [tilespmem:s11+$0x80]  }
0x2b5: {  	s10 =	simm.s32 $0x4820;
	v16 =	vand.u32 $0xFFFFFFFC, v17;
	v22 =	vsel vm0, $0x0, v26;
	v17 =	vld [tilespmem:s11+$0xFFFFFFD0];
	v11 =	vsel vm2, v28, v11  }
0x2b6: {  	s12 =	simm.s32 $0x17C0;
	v16 =	vbroadcast v16, $0x0;
	v18 =	vsel vm1, v22, v29;
	[tilespmem:s10+$0xFFFFFFF0] =	vst v11;
	v20 =	vmul.f32 v10, v5;
	v10 =	vld.idx.msk [tilespmem:v25+s31+$0x0], $0xffff  }
0x2b7: {  	v11 =	vsel vm0, $0x0, v4;
	v22 =	vld [tilespmem:s12+$0xFFFFFFA0];
	[tilespmem:s17+$0x20] =	vst v15;
	v15 =	vsel vm2, v14, v18  }
0x2b8: {  	v11 =	vsel vm1, v11, v7;
	[tilespmem:s10+$0x60] =	vst v15;
	v31 =	vld [tilespmem:s11+$0x30]  }
0x2b9: {  	v11 =	vsel vm2, v23, v11;
	[tilespmem:s17+$0xFFFFFF40] =	vst v20;
	v20 =	vld [tilespmem:s12+$0x0]  }
0x2ba: {  	[tilespmem:s10+$0xFFFFFF80] =	vst v11;
	v25 =	vld [tilespmem:s11+$0xFFFFFF70]  }
0x2bb: {  	v12 =	vpsel p0, v13, v12;
	v11 =	vmul.f32 v17, v8;
	v32 =	vld [tilespmem:s12+$0xFFFFFF40]  }
0x2bc: {  	s13 =	simm.s32 $0xB;
	v19 =	vmul.f32 v19, v12;
	v15 =	vld.idx.msk [tilespmem:v16+s29+$0x0], $0xffff  }
0x2bd: {  	s15 =	simm.s32 $0xA;
	v28 =	vpsel p0, v28, v21;
	v18 =	vmov s13;
	[tilespmem:s17+$0xFFFFFFC0] =	vst v11;
	v11 =	vld.idx.msk [tilespmem:v24+s31+$0x0], $0xffff  }
0x2be: {  	v17 =	vmul.f32 v22, v28;
	v22 =	vmov s15;
	[tilespmem:s17+$0x90] =	vst v19;
	v33 =	vld [tilespmem:s11+$0xFFFFFFE0]  }
0x2bf: {  	v14 =	vpsel p0, v14, v26;
	v22 =	vand.u32 $0xFFFFFFFE, v22;
	v58 =	vld [tilespmem:s11+$0x90];
	v31 =	vmul.f32 v31, v6  }
0x2c0: {  	[tilespmem:s10+$0xFFFFFF90] =	vst v17;
	v34 =	vbroadcast v22, $0x0;
	v17 =	vsel vm0, $0x0, v10;
	v22 =	vmul.f32 v20, v14;
	v20 =	vld.idx.msk [tilespmem:v16+s31+$0x0], $0xffff  }
0x2c1: {  	v35 =	vld [tilespmem:s12+$0xFFFFFFB0];
	v17 =	vsel vm1, v17, v9  }
0x2c2: {  	[tilespmem:s17+$0x30] =	vst v31;
	v36 =	vsel vm2, v27, v17;
	v17 =	vld.idx.msk [tilespmem:v18+s29+$0x0], $0xffff  }
0x2c3: {  	v56 =	vpsel p0, v23, v4;
	[tilespmem:s10+$0x0] =	vst v22;
	v22 =	vld.idx.msk [tilespmem:v24+s29+$0x0], $0xffff  }
0x2c4: {  	v23 =	vmul.f32 v32, v56;
	v31 =	vld [tilespmem:s11+$0x40]  }
0x2c5: {  	v37 =	vld [tilespmem:s12+$0x10];
	[tilespmem:s10+$0xD0] =	vst v36  }
0x2c6: {  	v25 =	vmul.f32 v25, v5;
	[tilespmem:s10+$0xFFFFFF20] =	vst v23;
	v23 =	vld.idx.msk [tilespmem:v16+s30+$0x0], $0xffff  }
0x2c7: {  	v38 =	vld [tilespmem:s12+$0x60]  }
0x2c8: {  	[tilespmem:s17+$0xFFFFFF50] =	vst v25;
	v16 =	vld [tilespmem:s12+$0xFFFFFF50];
	v25 =	vmul.f32 v33, v8  }
0x2c9: {  	v19 =	vld [tilespmem:s11+$0xFFFFFF80]  }
0x2ca: {  	v13 =	vld.idx.msk [tilespmem:v34+s30+$0x0], $0xffff;
	[tilespmem:s17+$0xFFFFFFD0] =	vst v25;
	v57 =	vmul.f32 v37, v14  }
0x2cb: {  	v59 =	vpsel p0, v27, v10;
	v27 =	vmul.f32 v35, v28;
	v25 =	vld [tilespmem:s11+$0xFFFFFFF0]  }
0x2cc: {  	v14 =	vld.idx.msk [tilespmem:v24+s30+$0x0], $0xffff;
	v24 =	vmul.f32 v38, v59;
	[tilespmem:s10+$0x10] =	vst v57  }
0x2cd: {  	[tilespmem:s10+$0xFFFFFFA0] =	vst v27;
	v28 =	vld [tilespmem:s12+$0x20]  }
0x2ce: {  	v27 =	vmul.f32 v58, v12;
	v61 =	vld [tilespmem:s12+$0xFFFFFFC0];
	[tilespmem:s10+$0x70] =	vst v24  }
0x2cf: {  	v19 =	vmul.f32 v19, v5;
	v60 =	vld [tilespmem:s12+$0x70]  }
0x2d0: {  	v63 =	vmul.f32 v31, v6;
	v62 =	vmul.f32 v16, v56;
	v16 =	vld.idx.msk [tilespmem:v34+s31+$0x0], $0xffff;
	[tilespmem:s17+$0xA0] =	vst v27  }
0x2d1: {  	[tilespmem:s17+$0xFFFFFF60] =	vst v19;
	v19 =	vpsel p0, v29, v26;
	v26 =	vsel vm0, $0x0, v20;
	v27 =	vld [tilespmem:s11+$0xA0]  }
0x2d2: {  	[tilespmem:s17+$0x40] =	vst v63;
	v24 =	vld [tilespmem:s11+$0xFFFFFF90];
	v26 =	vsel vm1, v26, v23;
	v28 =	vmul.f32 v28, v19  }
0x2d3: {  	v21 =	vpsel p0, v30, v21;
	[tilespmem:s10+$0xFFFFFF30] =	vst v62;
	v29 =	vsel vm2, v15, v26;
	v26 =	vld.idx.msk [tilespmem:v34+s29+$0x0], $0xffff  }
0x2d4: {  	s4 =	simm.s32 $0xC;
	s9 =	simm.s32 $0x1940;
	s13 =	simm.s32 $0x49E0;
	v32 =	vsel vm0, $0x0, v11;
	v30 =	vmul.f32 v61, v21;
	v31 =	vmul.f32 v60, v59;
	[tilespmem:s10+$0x20] =	vst v28;
	v28 =	vld [tilespmem:s12+$0xFFFFFF60]  }
.LBB2_15:
0x2d5: {  	s0 =	sadd.s32 $0x1, s4  }
0x2d6: {  	v33 =	vmov s4;
	s1 =	sadd.s32 $0x3, s4;
	v32 =	vsel vm1, v32, v14;
	v34 =	vpsel p0, v7, v4;
	[tilespmem:s10+$0x80] =	vst v31;
	v31 =	vld [tilespmem:s11+$0x50];
	v4 =	vmovc v20;
	v7 =	vmovc v23;
	s2 =	smov.u32 s4;
	s15 =	sadd.s32 $0x4, s4  }
0x2d7: {  	p1 =	slt.u32 s4, $0x7C;
	v20 =	vand.u32 $0xFFFFFFFC, v33;
	v23 =	vmov s0;
	s0 =	sadd.s32 $0x2, s2;
	[tilespmem:s10+$0xFFFFFFB0] =	vst v30;
	v30 =	vpsel p0, v9, v10;
	v33 =	vld [tilespmem:s12+$0x80]  }
0x2d8: {  	v35 =	vbroadcast v20, $0x0;
	v9 =	vand.u32 $0xFFFFFFFD, v23;
	v20 =	vld [tilespmem:s12+$0xFFFFFFD0];
	v23 =	vmul.f32 v27, v12  }
0x2d9: {  	v10 =	vmov s0;
	v27 =	vbroadcast v9, $0x0;
	[tilespmem:s13+$0xFFFFFF80] =	vst v29;
	v29 =	vsel vm0, $0x0, v16;
	v9 =	vld.idx.msk [tilespmem:v18+s30+$0x0], $0xffff  }
0x2da: {  	v32 =	vsel vm2, v22, v32;
	v36 =	vand.u32 $0xFFFFFFFE, v10;
	v10 =	vld.idx.msk [tilespmem:v18+s31+$0x0], $0xffff;
	v18 =	vmul.f32 v28, v34;
	[tilespmem:s17+$0xB0] =	vst v23  }
0x2db: {  	v23 =	vsel vm1, v29, v13;
	v28 =	vpsel p0, v26, v16;
	[tilespmem:s13+$0xFFFFFFF0] =	vst v32;
	v29 =	vmul.f32 v31, v6;
	v31 =	vld [tilespmem:s11+$0xB0];
	s11 =	smov.u32 s12;
	s12 =	smov.u32 s9  }
0x2dc: {  	v25 =	vmul.f32 v25, v8;
	v37 =	vsel vm2, v26, v23;
	v32 =	vld [tilespmem:s9+$0xFFFFFFA0];
	[tilespmem:s10+$0xFFFFFF40] =	vst v18;
	v23 =	vmul.f32 v33, v30  }
0x2dd: {  	v8 =	vmovc v21;
	v6 =	vmov v19;
	v18 =	vmov s1;
	[tilespmem:s13+$0x60] =	vst v37;
	v26 =	vld [tilespmem:s11+$0xFFFFFF70];
	v20 =	vmul.f32 v20, v21  }
0x2de: {  	v19 =	vpsel p0, v22, v11;
	v21 =	vld [tilespmem:s11+$0x30];
	[tilespmem:s17+$0xFFFFFFE0] =	vst v25  }
0x2df: {  	v22 =	vld [tilespmem:s9+$0x0];
	[tilespmem:s10+$0xFFFFFFC0] =	vst v20;
	v20 =	vmul.f32 v24, v5;
	v5 =	vmov v34  }
0x2e0: {  	v33 =	vbroadcast v36, $0x0;
	v24 =	vld [tilespmem:s9+$0xFFFFFF40];
	[tilespmem:s17+$0x50] =	vst v29;
	v25 =	vmul.f32 v31, v12;
	v12 =	vmov v30  }
0x2e1: {  	v29 =	vld.idx.msk [tilespmem:v35+s29+$0x0], $0xffff;
	v30 =	vmul.f32 v32, v19;
	[tilespmem:s17+$0xFFFFFF70] =	vst v20  }
0x2e2: {  	v20 =	vsel vm0, $0x0, v10;
	v32 =	vld.idx.msk [tilespmem:v27+s31+$0x0], $0xffff;
	v26 =	vmul.f32 v26, v5;
	[tilespmem:s17+$0xC0] =	vst v25;
	s17 =	smov.u32 s10;
	s10 =	smov.u32 s13  }
0x2e3: {  	v20 =	vsel vm1, v20, v9;
	[tilespmem:s13+$0xFFFFFF90] =	vst v30;
	v25 =	vld [tilespmem:s11+$0xFFFFFFE0];
	v21 =	vmul.f32 v21, v6  }
0x2e4: {  	v30 =	vpsel p0, v15, v4;
	v31 =	vld [tilespmem:s9+$0xFFFFFFB0];
	v34 =	vmul.f32 v22, v28;
	v22 =	vsel vm2, v17, v20;
	[tilespmem:s17+$0xFFFFFF50] =	vst v26  }
0x2e5: {  	v20 =	vld.idx.msk [tilespmem:v35+s31+$0x0], $0xffff;
	v24 =	vmul.f32 v24, v30;
	[tilespmem:s17+$0x30] =	vst v21  }
0x2e6: {  	s13 =	sadd.s32 $0x1C0, s13;
	v21 =	vld.idx.msk [tilespmem:v18+s29+$0x0], $0xffff;
	[tilespmem:s10+$0x0] =	vst v34  }
0x2e7: {  	s9 =	sadd.s32 $0x180, s9;
	v15 =	vmov v29;
	v26 =	vld [tilespmem:s12+$0x10];
	[tilespmem:s10+$0xD0] =	vst v22  }
0x2e8: {  	v29 =	vld [tilespmem:s12+$0x60];
	v25 =	vmul.f32 v25, v8;
	[tilespmem:s17+$0x90] =	vst v23  }
0x2e9: {  	v22 =	vld.idx.msk [tilespmem:v27+s29+$0x0], $0xffff;
	v19 =	vmul.f32 v31, v19  }
0x2ea: {  	v34 =	vpsel p0, v17, v10;
	v31 =	vld.idx.msk [tilespmem:v33+s30+$0x0], $0xffff;
	[tilespmem:s10+$0xFFFFFF20] =	vst v24  }
0x2eb: {  	v23 =	vld.idx.msk [tilespmem:v35+s30+$0x0], $0xffff;
	[tilespmem:s10+$0xFFFFFFA0] =	vst v19  }
0x2ec: {  	v17 =	vmov v21;
	v19 =	vld [tilespmem:s12+$0xFFFFFF50];
	v24 =	vmul.f32 v26, v28;
	[tilespmem:s17+$0xFFFFFFD0] =	vst v25  }
0x2ed: {  	v21 =	vmul.f32 v29, v34;
	v26 =	vld [tilespmem:s11+$0xFFFFFF80]  }
0x2ee: {  	[tilespmem:s10+$0x10] =	vst v24;
	v24 =	vld [tilespmem:s11+$0x90]  }
0x2ef: {  	v35 =	vld.idx.msk [tilespmem:v27+s30+$0x0], $0xffff;
	[tilespmem:s10+$0x70] =	vst v21  }
0x2f0: {  	v25 =	vld [tilespmem:s11+$0xFFFFFFF0]  }
0x2f1: {  	v21 =	vld [tilespmem:s12+$0x20]  }
0x2f2: {  	v26 =	vmul.f32 v26, v5;
	v27 =	vld [tilespmem:s11+$0x40]  }
0x2f3: {  	v28 =	vld [tilespmem:s12+$0x70];
	v29 =	vmul.f32 v24, v12  }
0x2f4: {  	v30 =	vmul.f32 v19, v30;
	v36 =	vld [tilespmem:s12+$0xFFFFFFC0];
	[tilespmem:s17+$0xFFFFFF60] =	vst v26  }
.Ltmp6:
0x2f5: {  	v19 =	vpsel p0, v13, v16;
	v13 =	vmov v31;
	v26 =	vsel vm0, $0x0, v20;
	v24 =	vld [tilespmem:s11+$0xFFFFFF90];
	[tilespmem:s17+$0xA0] =	vst v29;
	(pc) =	sbr.rel @p1 .LBB2_15-.Ltmp6, $4  }
0x2f6: {  	v26 =	vsel vm1, v26, v23;
	v16 =	vld.idx.msk [tilespmem:v33+s31+$0x0], $0xffff;
	[tilespmem:s10+$0xFFFFFF30] =	vst v30;
	v30 =	vmul.f32 v21, v19  }
0x2f7: {  	v29 =	vsel vm2, v15, v26;
	v37 =	vmul.f32 v27, v6;
	v27 =	vld [tilespmem:s11+$0xA0]  }
0x2f8: {  	v21 =	vpsel p0, v14, v11;
	v11 =	vmov v32;
	v26 =	vld.idx.msk [tilespmem:v33+s29+$0x0], $0xffff;
	[tilespmem:s10+$0x20] =	vst v30;
	v31 =	vmul.f32 v28, v34  }
0x2f9: {  	s4 =	smov.u32 s15;
	v14 =	vmov v35;
	v32 =	vsel vm0, $0x0, v11;
	v28 =	vld [tilespmem:s12+$0xFFFFFF60];
	v30 =	vmul.f32 v36, v21;
	[tilespmem:s17+$0x40] =	vst v37  }
0x2fa: {  	_ =	sdelay $0x3  }
0x2fb: {  	v33 =	vld.idx.msk [tilespmem:v18+s31+$0x0], $0xffff  }
0x2fc: {  	v43 =	vld.idx.msk [tilespmem:v18+s30+$0x0], $0xffff;
	_ =	sdelay $0x1  }
0x2fd: {  	v32 =	vsel vm1, v32, v14;
	v34 =	vsel vm0, $0x0, v16  }
0x2fe: {  	v32 =	vsel vm2, v22, v32;
	v34 =	vsel vm1, v34, v13  }
0x2ff: {  	[tilespmem:s13+$0xFFFFFFF0] =	vst v32;
	v44 =	vsel vm2, v26, v34;
	v45 =	vsel vm0, $0x0, v33  }
0x300: {  	v35 =	vld [tilespmem:s9+$0xFFFFFFA0];
	[tilespmem:s13+$0x60] =	vst v44;
	v46 =	vsel vm1, v45, v43  }
0x301: {  	[tilespmem:s13+$0xFFFFFF80] =	vst v29;
	v47 =	vld [tilespmem:s9+$0x0];
	v32 =	vsel vm2, v17, v46  }
0x302: {  	v48 =	vld [tilespmem:s9+$0xFFFFFF40];
	[tilespmem:s13+$0xD0] =	vst v32  }
0x303: {  	v32 =	vld [tilespmem:s9+$0x60]  }
0x304: {  	v49 =	vpsel p0, v22, v11  }
0x305: {  	v50 =	vpsel p0, v26, v16;
	v35 =	vmul.f32 v35, v49  }
0x306: {  	[tilespmem:s10+$0x80] =	vst v31;
	v15 =	vpsel p0, v15, v20;
	v29 =	vmul.f32 v47, v50  }
0x307: {  	v52 =	vpsel p0, v17, v33;
	v51 =	vmul.f32 v48, v15;
	[tilespmem:s13+$0xFFFFFF90] =	vst v35  }
0x308: {  	v53 =	vld [tilespmem:s9+$0xFFFFFFB0];
	[tilespmem:s13+$0x0] =	vst v29;
	v32 =	vmul.f32 v32, v52  }
0x309: {  	[tilespmem:s13+$0xFFFFFF20] =	vst v51;
	v54 =	vld [tilespmem:s9+$0x10]  }
0x30a: {  	v8 =	vmul.f32 v25, v8;
	v56 =	vld [tilespmem:s9+$0xFFFFFF50];
	[tilespmem:s13+$0x70] =	vst v32  }
0x30b: {  	v5 =	vmul.f32 v24, v5;
	[tilespmem:s10+$0xFFFFFFB0] =	vst v30;
	v57 =	vld [tilespmem:s9+$0x70]  }
0x30c: {  	v55 =	vmul.f32 v27, v12;
	[tilespmem:s17+$0xFFFFFFE0] =	vst v8  }
0x30d: {  	v59 =	vld [tilespmem:s11+$0x50];
	[tilespmem:s17+$0xFFFFFF70] =	vst v5;
	v22 =	vmul.f32 v53, v49  }
0x30e: {  	v61 =	vld [tilespmem:s12+$0x80];
	[tilespmem:s17+$0xB0] =	vst v55;
	v60 =	vmul.f32 v54, v50  }
0x30f: {  	v58 =	vld [tilespmem:s12+$0xFFFFFFD0];
	v15 =	vmul.f32 v56, v15;
	[tilespmem:s13+$0xFFFFFFA0] =	vst v22  }
0x310: {  	v4 =	vpsel p0, v7, v4;
	v62 =	vld [tilespmem:s9+$0xFFFFFFC0];
	[tilespmem:s13+$0x10] =	vst v60;
	v17 =	vmul.f32 v57, v52  }
0x311: {  	v28 =	vmul.f32 v28, v4;
	[tilespmem:s13+$0xFFFFFF30] =	vst v15;
	v63 =	vld [tilespmem:s9+$0x20]  }
0x312: {  	v9 =	vpsel p0, v9, v10;
	v6 =	vmul.f32 v59, v6;
	v15 =	vld [tilespmem:s9+$0xFFFFFF60];
	[tilespmem:s13+$0x80] =	vst v17  }
0x313: {  	[tilespmem:s10+$0xFFFFFF40] =	vst v28;
	v27 =	vmul.f32 v61, v9;
	v24 =	vld [tilespmem:s9+$0x80]  }
0x314: {  	v25 =	vld [tilespmem:s11+$0xB0];
	v28 =	vpsel p0, v14, v11;
	v7 =	vmul.f32 v58, v21;
	[tilespmem:s17+$0x50] =	vst v6  }
0x315: {  	v5 =	vpsel p0, v13, v16;
	v30 =	vld [tilespmem:s12+$0xFFFFFF70];
	[tilespmem:s10+$0x90] =	vst v27;
	v8 =	vmul.f32 v62, v28  }
0x316: {  	[tilespmem:s10+$0xFFFFFFC0] =	vst v7;
	v29 =	vld [tilespmem:s12+$0x30];
	v32 =	vpsel p0, v23, v20;
	v31 =	vmul.f32 v63, v5  }
0x317: {  	v34 =	vpsel p0, v43, v33;
	v15 =	vmul.f32 v15, v32;
	v17 =	vld [tilespmem:s12+$0x90];
	[tilespmem:s13+$0xFFFFFFB0] =	vst v8  }
0x318: {  	v35 =	vld [tilespmem:s9+$0xFFFFFFD0];
	[tilespmem:s13+$0x20] =	vst v31;
	v7 =	vmul.f32 v24, v34  }
0x319: {  	v10 =	vmul.f32 v25, v12;
	[tilespmem:s13+$0xFFFFFF40] =	vst v15;
	v36 =	vld [tilespmem:s9+$0x30]  }
0x31a: {  	v37 =	vmul.f32 v30, v4;
	v15 =	vld [tilespmem:s9+$0xFFFFFF70];
	[tilespmem:s13+$0x90] =	vst v7  }
0x31b: {  	[tilespmem:s17+$0xC0] =	vst v10;
	v11 =	vmul.f32 v29, v19;
	v38 =	vld [tilespmem:s9+$0x90]  }
0x31c: {  	v39 =	vld [tilespmem:s12+$0xFFFFFFE0];
	[tilespmem:s10+$0xFFFFFF50] =	vst v37;
	v40 =	vmul.f32 v17, v9  }
0x31d: {  	v42 =	vld [tilespmem:s12+$0xFFFFFF80];
	[tilespmem:s10+$0x30] =	vst v11;
	v14 =	vmul.f32 v35, v28  }
0x31e: {  	v41 =	vld [tilespmem:s12+$0x40];
	[tilespmem:s10+$0xA0] =	vst v40;
	v43 =	vmul.f32 v36, v5  }
0x31f: {  	v45 =	vmul.f32 v15, v32;
	v44 =	vld [tilespmem:s12+$0xA0];
	[tilespmem:s13+$0xFFFFFFC0] =	vst v14  }
0x320: {  	v46 =	vld [tilespmem:s9+$0xFFFFFFE0];
	[tilespmem:s13+$0x30] =	vst v43;
	v10 =	vmul.f32 v38, v34  }
0x321: {  	v47 =	vmul.f32 v39, v21;
	[tilespmem:s13+$0xFFFFFF50] =	vst v45;
	v48 =	vld [tilespmem:s9+$0x40]  }
0x322: {  	v49 =	vmul.f32 v42, v4;
	v14 =	vld [tilespmem:s9+$0xFFFFFF80];
	[tilespmem:s13+$0xA0] =	vst v10  }
0x323: {  	[tilespmem:s10+$0xFFFFFFD0] =	vst v47;
	v7 =	vmul.f32 v41, v19;
	v50 =	vld [tilespmem:s9+$0xA0]  }
0x324: {  	v51 =	vld [tilespmem:s12+$0xFFFFFFF0];
	[tilespmem:s10+$0xFFFFFF60] =	vst v49;
	v52 =	vmul.f32 v44, v9  }
0x325: {  	v55 =	vld [tilespmem:s12+$0xFFFFFF90];
	[tilespmem:s10+$0x40] =	vst v7;
	v54 =	vmul.f32 v46, v28  }
0x326: {  	v53 =	vld [tilespmem:s12+$0x50];
	[tilespmem:s10+$0xB0] =	vst v52;
	v56 =	vmul.f32 v48, v5  }
0x327: {  	v58 =	vmul.f32 v14, v32;
	v57 =	vld [tilespmem:s12+$0xB0];
	[tilespmem:s13+$0xFFFFFFD0] =	vst v54  }
0x328: {  	v59 =	vld [tilespmem:s9+$0xFFFFFFF0];
	[tilespmem:s13+$0x40] =	vst v56;
	v60 =	vmul.f32 v50, v34  }
0x329: {  	v61 =	vmul.f32 v51, v21;
	[tilespmem:s13+$0xFFFFFF60] =	vst v58;
	v62 =	vld [tilespmem:s9+$0x50]  }
0x32a: {  	v4 =	vmul.f32 v55, v4;
	v63 =	vld [tilespmem:s9+$0xFFFFFF90];
	[tilespmem:s13+$0xB0] =	vst v60  }
0x32b: {  	[tilespmem:s10+$0xFFFFFFE0] =	vst v61;
	v10 =	vmul.f32 v53, v19;
	v7 =	vld [tilespmem:s9+$0xB0]  }
0x32c: {  	[tilespmem:s10+$0xFFFFFF70] =	vst v4;
	v9 =	vmul.f32 v57, v9  }
0x32d: {  	[tilespmem:s10+$0x50] =	vst v10;
	v4 =	vmul.f32 v59, v28  }
0x32e: {  	[tilespmem:s10+$0xC0] =	vst v9;
	v5 =	vmul.f32 v62, v5  }
0x32f: {  	[tilespmem:s13+$0xFFFFFFE0] =	vst v4;
	v4 =	vmul.f32 v63, v32  }
0x330: {  	s16 =	sadd.s32 $0x1, s16;
	[tilespmem:s13+$0x50] =	vst v5;
	v5 =	vmul.f32 v7, v34  }
0x331: {  	p1 =	sne.s32 s16, $0xA2;
	[tilespmem:s13+$0xFFFFFF70] =	vst v4  }
.Ltmp7:
0x332: {  	[tilespmem:s13+$0xC0] =	vst v5;
	(pc) =	sbr.rel @p1 .LBB2_12-.Ltmp7, $4  }
0x333: {  	[spmem:s22] =	stream.indirect.scatter.add.f32 [tilespmem:s18], [sflag:$0x3], $0x70, s20, s20, $0xb8;
	[tilespmem:$0x190E0] =	vst v63  }
0x334: {  	_ =	swait.ge [sflag:s19], $0x3800  }
0x335: {  	[sflag:s19] =	ssyncset.done $0x0  }
0x336: {  	s2 =	smov.u32 s22;
	s1 =	smov.u32 s21;
	[sflag:s19] =	ssyncadd.s32 $0xFFFFC800  }
0x337: {  	[bflag:$0x0] =	sbarrier.arrive $0xFFFF  }
0x338: {  	s0 =	rddreg [dreg:$0xa]  }
0x339: {  	s4 =	rddreg [dreg:$0xd]  }
0x33a: {  	s9 =	rddreg [dreg:$0xe]  }
0x33b: {  	[hbm:s0], [sflag:s4] =	dma.local [spmem:s9], $0x223C  }
0x33c: {  	_ =	swait.ge [sflag:s19], $0x223C  }
0x33d: {  	s21 =	rddreg [dreg:$0xc]  }
0x33e: {  	s22 =	rddreg [dreg:$0xb];
	s4 =	sadd.s32 $0x1, s21  }
0x33f: {  	p1 =	sne.s32 s4, s22  }
.Ltmp8:
0x340: {  	[sflag:s19] =	ssyncset.done $0x0;
	(pc) =	sbr.rel @p1 .LBB2_1-.Ltmp8, $4  }
0x341: {  	[sflag:s19] =	ssyncadd.s32 $0xFFFFDDC4  }
0x342: {  	[bflag:$0x0] =	sbarrier.arrive $0xFFFF  }
0x343: {  	s21 =	rddreg [dreg:$0x4]  }
0x344: {  	s22 =	rddreg [dreg:$0x5]  }
0x345: {  	_ =	sfence.sel $0x180000  }
0x346: {  	[bflag:$0x0] =	sbarrier.arrive $0xFFFF  }
0x347: {  	_ =	strace $0x90000047  }
0x348: {  	s0 =	stileid.u32;
	[bflag:$0x2] =	sbarrier.arrive $0xFFFF  }
0x349: {  	p0 =	sne.s32 s0, $0x0;
	s0 =	rddreg [dreg:$0x3]  }
0x34a: {  	s0 =	sadd.s32 @!p0 $0x100000, s0  }
0x34b: {  	[sflag:s0] =	ssyncadd.tile.s32 @!p0 $0x1;
	_ =	shalt  }
.Lfunc_end2:
_tile_overlayer_lowered:
.L_overlay_start_2:
0x34c: {  	(tag) =	ssettag $0x2  }
0x34d: {  	s0 =	rddreg [dreg:$0x0];
	s2 =	stileid.u32  }
0x34e: {  	s1 =	rddreg [dreg:$0x1];
	p0 =	sne.s32 s2, $0x0  }
0x34f: {  	s3 =	rddreg [dreg:$0x2];
	[bflag:$0x3] =	sbarrier.arrive $0xFFFF;
	s2 =	simm.s32 @!p0 $0x1C03  }
0x350: {  	[timem:s3], [sflag:s2] =	dma.local @!p0 [hbm:s0], s1  }
0x351: {  	s0 =	simm.s32 @!p0 $0x3  }
0x352: {  	_ =	swait.ge @!p0 [sflag:s0], s1  }
0x353: {  	s1 =	ssub.s32 @!p0 $0x0, s1;
	[sflag:s0] =	ssyncset.done @!p0 $0x0  }
0x354: {  	[sflag:s0] =	ssyncadd.s32 @!p0 s1  }
0x355: {  	[bflag:$0x3] =	sbarrier.arrive $0xFFFF  }
0x356: {  	_ =	shalt  }

</sc_bundles>
